<compile_context>
chip_gen: v7x
topology: tpu7x:2x2x1
jax: 0.10.2.dev20260603
libtpu: 0.0.44.dev20260713+nightly
codegen_flags: <defaults>
</compile_context>

<pallas_src>
import functools

import jax
import jax.numpy as jnp
from jax import lax
from jax.experimental import pallas as pl
from jax.experimental.pallas import tpu as pltpu
from jax.experimental.pallas import tpu_sc as plsc

_N = 10000
_NP = 10240
_E = 320000
_G = 128
_TILES = 16
_BN = 640
_NB = _NP // _BN
_R = 5
_C = 40


def _edge_pipeline(table_hbm, src_hbm, src_base, dst_hbm, dst_base, acc,
                   srcall, dstbs, rowsbs, gs, ss, ds, epc, init_wait):
    n = epc // _C
    nmac = n // _R
    pltpu.sync_copy(src_hbm.at[pl.ds(src_base, epc)], srcall)

    def src_sl(k):
        return srcall.at[pl.ds(k * _C, _C)]

    def g_start(k, p):
        pltpu.async_copy(table_hbm.at[src_sl(k)], rowsbs[p], gs[p])

    def g_wait(k, p):
        pltpu.make_async_copy(table_hbm.at[src_sl(k)], rowsbs[p], gs[p]).wait()

    def d_start(k, p):
        pltpu.async_copy(dst_hbm.at[pl.ds(dst_base + k * _C, _C)], dstbs[p], ds[p])

    def d_wait(k, p):
        pltpu.make_async_copy(dst_hbm.at[pl.ds(dst_base + k * _C, _C)],
                              dstbs[p], ds[p]).wait()

    def s_start(p):
        pltpu.async_copy(rowsbs[p], acc.at[dstbs[p]], ss[p], add=True)

    def s_wait(p):
        pltpu.make_async_copy(rowsbs[p], acc.at[dstbs[p]], ss[p]).wait()

    for j in range(_R - 1):
        d_start(j, j)
        g_start(j, j)

    init_wait()
    plsc.subcore_barrier()

    def body(m, carry):
        k0 = m * _R
        for t in range(_R):
            k = k0 + t
            q = (t + _R - 1) % _R
            g_wait(k, t)
            d_wait(k, t)
            s_start(t)
            if t == 0:
                @pl.when(m > 0)
                def _():
                    s_wait(q)
            else:
                s_wait(q)

            @pl.when(k + _R - 1 < n)
            def _():
                d_start(k + _R - 1, q)
                g_start(k + _R - 1, q)

        return carry

    lax.fori_loop(0, nmac, body, 0)
    s_wait((_R - 1) % _R)


def _sc_scratch(epc):
    return ([pltpu.VMEM((epc,), jnp.int32)]
            + [pltpu.VMEM((_C,), jnp.int32) for _ in range(_R)]
            + [pltpu.VMEM((_C, 128), jnp.float32) for _ in range(_R)]
            + [pltpu.VMEM_SHARED((_NP, 128), jnp.float32)]
            + [pltpu.SemaphoreType.DMA for _ in range(3 * _R + 1)])


def _unpack_scr(scr):
    dstbs = scr[:_R]
    rowsbs = scr[_R:2 * _R]
    acc = scr[2 * _R]
    gs = scr[2 * _R + 1:3 * _R + 1]
    ss = scr[3 * _R + 1:4 * _R + 1]
    ds = scr[4 * _R + 1:5 * _R + 1]
    semi = scr[5 * _R + 1]
    return dstbs, rowsbs, acc, gs, ss, ds, semi


def _make_sc_agg_feat():
    mesh = plsc.VectorSubcoreMesh(core_axis_name="c", subcore_axis_name="s")
    epc = _E // _TILES
    rows_pt = _NP // _TILES

    @functools.partial(
        pl.kernel,
        mesh=mesh,
        out_type=jax.ShapeDtypeStruct((2 * _NP, 128), jnp.float32),
        scratch_types=_sc_scratch(epc),
    )
    def agg_kernel(h_hbm, src2_hbm, dst_hbm, out_hbm, srcall, *scr):
        dstbs, rowsbs, acc, gs, ss, ds, semi = _unpack_scr(scr)
        c = lax.axis_index("c")
        s = lax.axis_index("s")
        row0 = s * rows_pt
        pltpu.async_copy(h_hbm.at[pl.ds(c * _NP + row0, rows_pt)],
                         acc.at[pl.ds(row0, rows_pt)], semi)

        def init_wait():
            pltpu.make_async_copy(h_hbm.at[pl.ds(c * _NP + row0, rows_pt)],
                                  acc.at[pl.ds(row0, rows_pt)], semi).wait()

        _edge_pipeline(h_hbm, src2_hbm, c * _E + s * epc, dst_hbm, s * epc,
                       acc, srcall, dstbs, rowsbs, gs, ss, ds, epc, init_wait)
        plsc.subcore_barrier()
        pltpu.sync_copy(acc.at[pl.ds(row0, rows_pt)],
                        out_hbm.at[pl.ds(c * _NP + row0, rows_pt)])

    return agg_kernel


def _make_sc_agg_edge():
    mesh = plsc.VectorSubcoreMesh(core_axis_name="c", subcore_axis_name="s")
    e_half = _E // 2
    epc = e_half // _TILES
    rows_pt = _NP // _TILES

    @functools.partial(
        pl.kernel,
        mesh=mesh,
        out_type=jax.ShapeDtypeStruct((2 * _NP, 128), jnp.float32),
        scratch_types=_sc_scratch(epc),
    )
    def agg_kernel(x_hbm, zeros_hbm, src_hbm, dst_hbm, out_hbm, srcall, *scr):
        dstbs, rowsbs, acc, gs, ss, ds, semi = _unpack_scr(scr)
        c = lax.axis_index("c")
        s = lax.axis_index("s")
        row0 = s * rows_pt

        @pl.when(c == 0)
        def _():
            pltpu.async_copy(x_hbm.at[pl.ds(row0, rows_pt)],
                             acc.at[pl.ds(row0, rows_pt)], semi)

        @pl.when(c == 1)
        def _():
            pltpu.async_copy(zeros_hbm, acc.at[pl.ds(row0, rows_pt)], semi)

        def init_wait():
            pltpu.make_async_copy(x_hbm.at[pl.ds(row0, rows_pt)],
                                  acc.at[pl.ds(row0, rows_pt)], semi).wait()

        base = c * e_half + s * epc
        _edge_pipeline(x_hbm, src_hbm, base, dst_hbm, base,
                       acc, srcall, dstbs, rowsbs, gs, ss, ds, epc, init_wait)
        plsc.subcore_barrier()
        pltpu.sync_copy(acc.at[pl.ds(row0, rows_pt)],
                        out_hbm.at[pl.ds(c * _NP + row0, rows_pt)])

    return agg_kernel


def _make_tc_layer1():

    def body(x_lo_ref, x_hi_ref, w_ref, b_ref, o_ref):
        z = jnp.dot(x_lo_ref[...] + x_hi_ref[...], w_ref[...],
                    preferred_element_type=jnp.float32)
        o_ref[...] = jnp.maximum(z + b_ref[...], 0.0)

    return pl.pallas_call(
        body,
        grid=(2, _NB),
        in_specs=[
            pl.BlockSpec((_BN, 128), lambda h, i: (i, 0)),
            pl.BlockSpec((_BN, 128), lambda h, i: (i + _NB, 0)),
            pl.BlockSpec((128, 128), lambda h, i: (0, h)),
            pl.BlockSpec((1, 128), lambda h, i: (0, h)),
        ],
        out_specs=pl.BlockSpec((_BN, 128), lambda h, i: (h * _NB + i, 0)),
        out_shape=jax.ShapeDtypeStruct((2 * _NP, 128), jnp.float32),
    )


def _make_tc_layer23():

    def body(x_lo_ref, x_hi_ref, w_ref, b_ref, o_ref):
        w = w_ref[...]
        z = (jnp.dot(x_lo_ref[...], w[:128, :],
                     preferred_element_type=jnp.float32)
             + jnp.dot(x_hi_ref[...], w[128:, :],
                       preferred_element_type=jnp.float32))
        o_ref[...] = jnp.maximum(z + b_ref[...], 0.0)

    return pl.pallas_call(
        body,
        grid=(2, _NB),
        in_specs=[
            pl.BlockSpec((_BN, 128), lambda h, i: (i, 0)),
            pl.BlockSpec((_BN, 128), lambda h, i: (i + _NB, 0)),
            pl.BlockSpec((256, 128), lambda h, i: (0, h)),
            pl.BlockSpec((1, 128), lambda h, i: (0, h)),
        ],
        out_specs=pl.BlockSpec((_BN, 128), lambda h, i: (h * _NB + i, 0)),
        out_shape=jax.ShapeDtypeStruct((2 * _NP, 128), jnp.float32),
    )


def _final_body(hA_lo, hA_hi, bA_ref, hB_lo, hB_hi, bB_ref, w_ref, b_ref,
                o_ref, sumsA, cntA, sumsB, cntB):
    i = pl.program_id(0)
    iota = lax.broadcasted_iota(jnp.int32, (_BN, _G), 1)
    ones_col = jnp.ones((_BN, 1), jnp.float32)
    dn = (((0,), (0,)), ((), ()))
    mA = (bA_ref[...] == iota).astype(jnp.float32)
    mB = (bB_ref[...] == iota).astype(jnp.float32)
    sA_lo = lax.dot_general(mA, hA_lo[...], dn, preferred_element_type=jnp.float32)
    sA_hi = lax.dot_general(mA, hA_hi[...], dn, preferred_element_type=jnp.float32)
    sB_lo = lax.dot_general(mB, hB_lo[...], dn, preferred_element_type=jnp.float32)
    sB_hi = lax.dot_general(mB, hB_hi[...], dn, preferred_element_type=jnp.float32)
    cA = lax.dot_general(mA, ones_col, dn, preferred_element_type=jnp.float32)
    cB = lax.dot_general(mB, ones_col, dn, preferred_element_type=jnp.float32)

    @pl.when(i == 0)
    def _():
        sumsA[:, :128] = sA_lo
        sumsA[:, 128:] = sA_hi
        sumsB[:, :128] = sB_lo
        sumsB[:, 128:] = sB_hi
        cntA[...] = cA
        cntB[...] = cB

    @pl.when(i > 0)
    def _():
        sumsA[:, :128] += sA_lo
        sumsA[:, 128:] += sA_hi
        sumsB[:, :128] += sB_lo
        sumsB[:, 128:] += sB_hi
        cntA[...] += cA
        cntB[...] += cB

    @pl.when(i == _NB - 1)
    def _():
        pooledA = sumsA[...] / jnp.maximum(cntA[...], 1.0)
        pooledB = sumsB[...] / jnp.maximum(cntB[...], 1.0)
        w = w_ref[...]
        b = b_ref[...]
        embA = jnp.dot(pooledA, w, preferred_element_type=jnp.float32) + b
        embB = jnp.dot(pooledB, w, preferred_element_type=jnp.float32) + b
        num = jnp.sum(embA * embB, axis=1, keepdims=True)
        nA = jnp.sqrt(jnp.sum(embA * embA, axis=1, keepdims=True))
        nB = jnp.sqrt(jnp.sum(embB * embB, axis=1, keepdims=True))
        o_ref[...] = num / jnp.maximum(nA * nB, 1e-8)


def _make_final():
    return pl.pallas_call(
        _final_body,
        grid=(_NB,),
        in_specs=[
            pl.BlockSpec((_BN, 128), lambda i: (i, 0)),
            pl.BlockSpec((_BN, 128), lambda i: (i + _NB, 0)),
            pl.BlockSpec((_BN, 1), lambda i: (i, 0)),
            pl.BlockSpec((_BN, 128), lambda i: (i, 0)),
            pl.BlockSpec((_BN, 128), lambda i: (i + _NB, 0)),
            pl.BlockSpec((_BN, 1), lambda i: (i, 0)),
            pl.BlockSpec((256, 128), lambda i: (0, 0)),
            pl.BlockSpec((1, 128), lambda i: (0, 0)),
        ],
        out_specs=pl.BlockSpec((_G, 1), lambda i: (0, 0)),
        out_shape=jax.ShapeDtypeStruct((_G, 1), jnp.float32),
        scratch_shapes=[
            pltpu.VMEM((_G, 256), jnp.float32),
            pltpu.VMEM((_G, 1), jnp.float32),
            pltpu.VMEM((_G, 256), jnp.float32),
            pltpu.VMEM((_G, 1), jnp.float32),
        ],
    )


def kernel(x_A, edge_index_A, batch_A, x_B, edge_index_B, batch_B,
           W_in, b_in, W_h1, b_h1, W_h2, b_h2, W_out, b_out):
    agg_edge = _make_sc_agg_edge()
    agg_feat = _make_sc_agg_feat()
    layer1 = _make_tc_layer1()
    layer23 = _make_tc_layer23()
    final = _make_final()

    b_in2 = b_in.astype(jnp.float32).reshape(1, 256)
    b_h12 = b_h1.astype(jnp.float32).reshape(1, 256)
    b_h22 = b_h2.astype(jnp.float32).reshape(1, 256)
    b_out2 = b_out.astype(jnp.float32).reshape(1, 128)
    pad = jnp.zeros((_NP - _N, 128), jnp.float32)
    zeros_pt = jnp.zeros((_NP // _TILES, 128), jnp.float32)

    srcA = edge_index_A[0].astype(jnp.int32)
    dstA = edge_index_A[1].astype(jnp.int32)
    srcB = edge_index_B[0].astype(jnp.int32)
    dstB = edge_index_B[1].astype(jnp.int32)
    src2A = jnp.concatenate([srcA, srcA + _NP])
    src2B = jnp.concatenate([srcB, srcB + _NP])

    a1A = agg_edge(jnp.concatenate([x_A, pad]), zeros_pt, srcA, dstA)
    a1B = agg_edge(jnp.concatenate([x_B, pad]), zeros_pt, srcB, dstB)
    h1A = layer1(a1A, a1A, W_in, b_in2)
    h1B = layer1(a1B, a1B, W_in, b_in2)
    a2A = agg_feat(h1A, src2A, dstA)
    a2B = agg_feat(h1B, src2B, dstB)
    h2A = layer23(a2A, a2A, W_h1, b_h12)
    h2B = layer23(a2B, a2B, W_h1, b_h12)
    a3A = agg_feat(h2A, src2A, dstA)
    a3B = agg_feat(h2B, src2B, dstB)
    h3A = layer23(a3A, a3A, W_h2, b_h22)
    h3B = layer23(a3B, a3B, W_h2, b_h22)

    def pad_batch(batch):
        b = jnp.concatenate([batch.astype(jnp.int32),
                             jnp.full((_NP - _N,), -1, jnp.int32)])
        return b.reshape(_NP, 1)

    score = final(h3A, h3A, pad_batch(batch_A),
                  h3B, h3B, pad_batch(batch_B),
                  W_out, b_out2)
    return score.reshape(_G)

# --- scband reference (transcript-rebuilt; emitter-appended) ---
"""Pipeline reference for scband-siamese-network-11390253269558 (READ-ONLY COPY).

The authoritative reference and input builder live on the scoring server;
editing this copy changes nothing except your own understanding.
"""

import jax, jax.numpy as jnp
import numpy as np

N = 10000
E = 320000
D = 128
H = 256
G = 128
EMB = 128


def setup_inputs(seed: int = 0) -> dict:
    key = jax.random.key(seed)
    ks = jax.random.split(key, 16)
    x_A = jax.random.normal(ks[0], (N, D), dtype=jnp.float32)
    edge_index_A = jax.random.randint(ks[1], (2, E), 0, N, dtype=jnp.int64)
    batch_A = jnp.sort(jax.random.randint(ks[2], (N,), 0, G, dtype=jnp.int64))
    x_B = jax.random.normal(ks[3], (N, D), dtype=jnp.float32)
    edge_index_B = jax.random.randint(ks[4], (2, E), 0, N, dtype=jnp.int64)
    batch_B = jnp.sort(jax.random.randint(ks[5], (N,), 0, G, dtype=jnp.int64))
    s = 0.05
    W_in = jax.random.normal(ks[6], (D, H), dtype=jnp.float32) * s
    b_in = jnp.zeros((H,), dtype=jnp.float32)
    W_h1 = jax.random.normal(ks[7], (H, H), dtype=jnp.float32) * s
    b_h1 = jnp.zeros((H,), dtype=jnp.float32)
    W_h2 = jax.random.normal(ks[8], (H, H), dtype=jnp.float32) * s
    b_h2 = jnp.zeros((H,), dtype=jnp.float32)
    W_out = jax.random.normal(ks[9], (H, EMB), dtype=jnp.float32) * s
    b_out = jnp.zeros((EMB,), dtype=jnp.float32)
    return {
        "x_A": x_A, "edge_index_A": edge_index_A, "batch_A": batch_A,
        "x_B": x_B, "edge_index_B": edge_index_B, "batch_B": batch_B,
        "W_in": W_in, "b_in": b_in, "W_h1": W_h1, "b_h1": b_h1,
        "W_h2": W_h2, "b_h2": b_h2, "W_out": W_out, "b_out": b_out,
    }


def _gnn(x, edge_index, batch, W_in, b_in, W_h1, b_h1, W_h2, b_h2, W_out, b_out):
    src = edge_index[0]
    dst = edge_index[1]
    h = x
    for (W, b) in ((W_in, b_in), (W_h1, b_h1), (W_h2, b_h2)):
        msgs = jnp.take(h, src, axis=0)
        agg = jax.ops.segment_sum(msgs, dst, num_segments=N)
        h = jax.nn.relu(jnp.dot(agg + h, W) + b)
    # global mean pool per graph
    sums = jax.ops.segment_sum(h, batch, num_segments=G)
    counts = jax.ops.segment_sum(jnp.ones((h.shape[0], 1), dtype=h.dtype), batch, num_segments=G)
    pooled = sums / jnp.maximum(counts, 1.0)
    emb = jnp.dot(pooled, W_out) + b_out
    return emb


def reference(x_A, edge_index_A, batch_A, x_B, edge_index_B, batch_B,
              W_in, b_in, W_h1, b_h1, W_h2, b_h2, W_out, b_out):
    emb_A = _gnn(x_A, edge_index_A, batch_A, W_in, b_in, W_h1, b_h1, W_h2, b_h2, W_out, b_out)
    emb_B = _gnn(x_B, edge_index_B, batch_B, W_in, b_in, W_h1, b_h1, W_h2, b_h2, W_out, b_out)
    eps = 1e-8
    num = jnp.sum(emb_A * emb_B, axis=1)
    den = jnp.maximum(jnp.linalg.norm(emb_A, axis=1) * jnp.linalg.norm(emb_B, axis=1), eps)
    score = num / den
    return score

if __name__ == "__main__":
    import jax
    _d = setup_inputs()
    print(jax.jit(kernel)(*tuple(_d.values())))

</pallas_src>

<mosaic_0001>
#map = affine_map<(d0, d1) -> (0, 0)>
#map1 = affine_map<(d0, d1) -> (0)>
module attributes {stable_mosaic.version = 14 : i64} {
  func.func @agg_kernel(%arg0: i32, %arg1: i32, %arg2: memref<20480x128xf32, #tpu.memory_space<hbm>>, %arg3: memref<640000xi32, #tpu.memory_space<hbm>>, %arg4: memref<320000xi32, #tpu.memory_space<hbm>>, %arg5: memref<20480x128xf32, #tpu.memory_space<hbm>>, %arg6: memref<20000xi32, #tpu.memory_space<vmem>>, %arg7: memref<40xi32, #tpu.memory_space<vmem>>, %arg8: memref<40xi32, #tpu.memory_space<vmem>>, %arg9: memref<40xi32, #tpu.memory_space<vmem>>, %arg10: memref<40xi32, #tpu.memory_space<vmem>>, %arg11: memref<40xi32, #tpu.memory_space<vmem>>, %arg12: memref<40x128xf32, #tpu.memory_space<vmem>>, %arg13: memref<40x128xf32, #tpu.memory_space<vmem>>, %arg14: memref<40x128xf32, #tpu.memory_space<vmem>>, %arg15: memref<40x128xf32, #tpu.memory_space<vmem>>, %arg16: memref<40x128xf32, #tpu.memory_space<vmem>>, %arg17: memref<10240x128xf32, #tpu.memory_space<vmem_shared>>, %arg18: memref<!tpu.dma_semaphore, #tpu.memory_space<semaphore_mem>>, %arg19: memref<!tpu.dma_semaphore, #tpu.memory_space<semaphore_mem>>, %arg20: memref<!tpu.dma_semaphore, #tpu.memory_space<semaphore_mem>>, %arg21: memref<!tpu.dma_semaphore, #tpu.memory_space<semaphore_mem>>, %arg22: memref<!tpu.dma_semaphore, #tpu.memory_space<semaphore_mem>>, %arg23: memref<!tpu.dma_semaphore, #tpu.memory_space<semaphore_mem>>, %arg24: memref<!tpu.dma_semaphore, #tpu.memory_space<semaphore_mem>>, %arg25: memref<!tpu.dma_semaphore, #tpu.memory_space<semaphore_mem>>, %arg26: memref<!tpu.dma_semaphore, #tpu.memory_space<semaphore_mem>>, %arg27: memref<!tpu.dma_semaphore, #tpu.memory_space<semaphore_mem>>, %arg28: memref<!tpu.dma_semaphore, #tpu.memory_space<semaphore_mem>>, %arg29: memref<!tpu.dma_semaphore, #tpu.memory_space<semaphore_mem>>, %arg30: memref<!tpu.dma_semaphore, #tpu.memory_space<semaphore_mem>>, %arg31: memref<!tpu.dma_semaphore, #tpu.memory_space<semaphore_mem>>, %arg32: memref<!tpu.dma_semaphore, #tpu.memory_space<semaphore_mem>>, %arg33: memref<!tpu.dma_semaphore, #tpu.memory_space<semaphore_mem>>) attributes {dimension_semantics = [#tpu.dimension_semantics<core_parallel>, #tpu.dimension_semantics<subcore_parallel>], iteration_bounds = array<i64: 2, 16>, scalar_prefetch = 0 : i64, scratch_operands = 28 : i64, tpu.core_type = #tpu.core_type<sc_vector_subcore>, window_params = [{transform_indices = #map}, {transform_indices = #map1}, {transform_indices = #map1}, {transform_indices = #map}]} {
    %mul3A = arith.constant 640 : i32
    %mul3A_0 = arith.muli %arg1, %mul3A : i32
    %mul3A_1 = arith.constant 10240 : i32
    %mul3A_2 = arith.muli %arg0, %mul3A_1 : i32
    %add3A = arith.addi %mul3A_2, %mul3A_0 : i32
    %dma_start3A = arith.constant 0 : i32
    %dma_start3A_3 = tpu.memref_slice %arg17[%mul3A_0, %dma_start3A] : memref<10240x128xf32, #tpu.memory_space<vmem_shared>> -> memref<640x128xf32, #tpu.memory_space<vmem_shared>>
    %dma_start3A_4 = arith.constant 0 : i32
    %dma_start3A_5 = tpu.memref_slice %arg2[%add3A, %dma_start3A_4] : memref<20480x128xf32, #tpu.memory_space<hbm>> -> memref<640x128xf32, #tpu.memory_space<hbm>>
    tpu.enqueue_dma source(%dma_start3A_5 : memref<640x128xf32, #tpu.memory_space<hbm>>) target(%dma_start3A_3 : memref<640x128xf32, #tpu.memory_space<vmem_shared>>) target_semaphore(%arg33 : memref<!tpu.dma_semaphore, #tpu.memory_space<semaphore_mem>>)
    %mul3A_6 = arith.constant 320000 : i32
    %mul3A_7 = arith.muli %arg0, %mul3A_6 : i32
    %mul3A_8 = arith.constant 20000 : i32
    %mul3A_9 = arith.muli %arg1, %mul3A_8 : i32
    %add3A_10 = arith.addi %mul3A_7, %mul3A_9 : i32
    %mul3A_11 = arith.constant 20000 : i32
    %mul3A_12 = arith.muli %arg1, %mul3A_11 : i32
    "tpu.region"() ({
      %run_scoped3A = tpu.sem_alloc : memref<!tpu.dma_semaphore, #tpu.memory_space<semaphore_mem>>
      %dma_start3A_67 = tpu.memref_slice %arg3[%add3A_10] : memref<640000xi32, #tpu.memory_space<hbm>> -> memref<20000xi32, #tpu.memory_space<hbm>>
      %dma_start3A_68 = tpu.memref_slice %arg3[%add3A_10] : memref<640000xi32, #tpu.memory_space<hbm>> -> memref<20000xi32, #tpu.memory_space<hbm>>
      tpu.enqueue_dma source(%dma_start3A_68 : memref<20000xi32, #tpu.memory_space<hbm>>) target(%arg6 : memref<20000xi32, #tpu.memory_space<vmem>>) target_semaphore(%run_scoped3A : memref<!tpu.dma_semaphore, #tpu.memory_space<semaphore_mem>>)
      %dma_wait3A_69 = tpu.memref_slice %arg3[%add3A_10] : memref<640000xi32, #tpu.memory_space<hbm>> -> memref<20000xi32, #tpu.memory_space<hbm>>
      %dma_wait3A_70 = tpu.memref_slice %arg3[%add3A_10] : memref<640000xi32, #tpu.memory_space<hbm>> -> memref<20000xi32, #tpu.memory_space<hbm>>
      tpu.wait_dma2 semaphore(%run_scoped3A : memref<!tpu.dma_semaphore, #tpu.memory_space<semaphore_mem>>) src(%dma_wait3A_70 : memref<20000xi32, #tpu.memory_space<hbm>>) dst(%arg6 : memref<20000xi32, #tpu.memory_space<vmem>>)
      tpu.yield
    }) : () -> ()
    %add3A_13 = arith.constant 0 : i32
    %add3A_14 = arith.addi %mul3A_12, %add3A_13 : i32
    %dma_start3A_15 = tpu.memref_slice %arg4[%add3A_14] : memref<320000xi32, #tpu.memory_space<hbm>> -> memref<40xi32, #tpu.memory_space<hbm>>
    %dma_start3A_16 = tpu.memref_slice %arg4[%add3A_14] : memref<320000xi32, #tpu.memory_space<hbm>> -> memref<40xi32, #tpu.memory_space<hbm>>
    tpu.enqueue_dma source(%dma_start3A_16 : memref<40xi32, #tpu.memory_space<hbm>>) target(%arg7 : memref<40xi32, #tpu.memory_space<vmem>>) target_semaphore(%arg28 : memref<!tpu.dma_semaphore, #tpu.memory_space<semaphore_mem>>)
    %dma_start3A_17 = arith.constant 0 : i32
    %dma_start3A_18 = tpu.memref_slice %arg6[%dma_start3A_17] : memref<20000xi32, #tpu.memory_space<vmem>> -> memref<40xi32, #tpu.memory_space<vmem>>
    %dma_start3A_19 = arith.constant 0 : i32
    %dma_start3A_20 = arith.constant 0 : i32
    %dma_start3A_21 = tpu.memref_slice %arg2[%dma_start3A_19, %dma_start3A_20] : memref<20480x128xf32, #tpu.memory_space<hbm>> -> memref<20480x128xf32, #tpu.memory_space<hbm>>
    tpu.enqueue_indirect_dma source(%dma_start3A_21 : memref<20480x128xf32, #tpu.memory_space<hbm>>) target(%arg12 : memref<40x128xf32, #tpu.memory_space<vmem>>) offsets(%dma_start3A_18 : memref<40xi32, #tpu.memory_space<vmem>>) semaphore(%arg18 : memref<!tpu.dma_semaphore, #tpu.memory_space<semaphore_mem>>)
    %add3A_22 = arith.constant 40 : i32
    %add3A_23 = arith.addi %mul3A_12, %add3A_22 : i32
    %dma_start3A_24 = tpu.memref_slice %arg4[%add3A_23] : memref<320000xi32, #tpu.memory_space<hbm>> -> memref<40xi32, #tpu.memory_space<hbm>>
    %dma_start3A_25 = tpu.memref_slice %arg4[%add3A_23] : memref<320000xi32, #tpu.memory_space<hbm>> -> memref<40xi32, #tpu.memory_space<hbm>>
    tpu.enqueue_dma source(%dma_start3A_25 : memref<40xi32, #tpu.memory_space<hbm>>) target(%arg8 : memref<40xi32, #tpu.memory_space<vmem>>) target_semaphore(%arg29 : memref<!tpu.dma_semaphore, #tpu.memory_space<semaphore_mem>>)
    %dma_start3A_26 = arith.constant 40 : i32
    %dma_start3A_27 = tpu.memref_slice %arg6[%dma_start3A_26] : memref<20000xi32, #tpu.memory_space<vmem>> -> memref<40xi32, #tpu.memory_space<vmem>>
    %dma_start3A_28 = arith.constant 0 : i32
    %dma_start3A_29 = arith.constant 0 : i32
    %dma_start3A_30 = tpu.memref_slice %arg2[%dma_start3A_28, %dma_start3A_29] : memref<20480x128xf32, #tpu.memory_space<hbm>> -> memref<20480x128xf32, #tpu.memory_space<hbm>>
    tpu.enqueue_indirect_dma source(%dma_start3A_30 : memref<20480x128xf32, #tpu.memory_space<hbm>>) target(%arg13 : memref<40x128xf32, #tpu.memory_space<vmem>>) offsets(%dma_start3A_27 : memref<40xi32, #tpu.memory_space<vmem>>) semaphore(%arg19 : memref<!tpu.dma_semaphore, #tpu.memory_space<semaphore_mem>>)
    %add3A_31 = arith.constant 80 : i32
    %add3A_32 = arith.addi %mul3A_12, %add3A_31 : i32
    %dma_start3A_33 = tpu.memref_slice %arg4[%add3A_32] : memref<320000xi32, #tpu.memory_space<hbm>> -> memref<40xi32, #tpu.memory_space<hbm>>
    %dma_start3A_34 = tpu.memref_slice %arg4[%add3A_32] : memref<320000xi32, #tpu.memory_space<hbm>> -> memref<40xi32, #tpu.memory_space<hbm>>
    tpu.enqueue_dma source(%dma_start3A_34 : memref<40xi32, #tpu.memory_space<hbm>>) target(%arg9 : memref<40xi32, #tpu.memory_space<vmem>>) target_semaphore(%arg30 : memref<!tpu.dma_semaphore, #tpu.memory_space<semaphore_mem>>)
    %dma_start3A_35 = arith.constant 80 : i32
    %dma_start3A_36 = tpu.memref_slice %arg6[%dma_start3A_35] : memref<20000xi32, #tpu.memory_space<vmem>> -> memref<40xi32, #tpu.memory_space<vmem>>
    %dma_start3A_37 = arith.constant 0 : i32
    %dma_start3A_38 = arith.constant 0 : i32
    %dma_start3A_39 = tpu.memref_slice %arg2[%dma_start3A_37, %dma_start3A_38] : memref<20480x128xf32, #tpu.memory_space<hbm>> -> memref<20480x128xf32, #tpu.memory_space<hbm>>
    tpu.enqueue_indirect_dma source(%dma_start3A_39 : memref<20480x128xf32, #tpu.memory_space<hbm>>) target(%arg14 : memref<40x128xf32, #tpu.memory_space<vmem>>) offsets(%dma_start3A_36 : memref<40xi32, #tpu.memory_space<vmem>>) semaphore(%arg20 : memref<!tpu.dma_semaphore, #tpu.memory_space<semaphore_mem>>)
    %add3A_40 = arith.constant 120 : i32
    %add3A_41 = arith.addi %mul3A_12, %add3A_40 : i32
    %dma_start3A_42 = tpu.memref_slice %arg4[%add3A_41] : memref<320000xi32, #tpu.memory_space<hbm>> -> memref<40xi32, #tpu.memory_space<hbm>>
    %dma_start3A_43 = tpu.memref_slice %arg4[%add3A_41] : memref<320000xi32, #tpu.memory_space<hbm>> -> memref<40xi32, #tpu.memory_space<hbm>>
    tpu.enqueue_dma source(%dma_start3A_43 : memref<40xi32, #tpu.memory_space<hbm>>) target(%arg10 : memref<40xi32, #tpu.memory_space<vmem>>) target_semaphore(%arg31 : memref<!tpu.dma_semaphore, #tpu.memory_space<semaphore_mem>>)
    %dma_start3A_44 = arith.constant 120 : i32
    %dma_start3A_45 = tpu.memref_slice %arg6[%dma_start3A_44] : memref<20000xi32, #tpu.memory_space<vmem>> -> memref<40xi32, #tpu.memory_space<vmem>>
    %dma_start3A_46 = arith.constant 0 : i32
    %dma_start3A_47 = arith.constant 0 : i32
    %dma_start3A_48 = tpu.memref_slice %arg2[%dma_start3A_46, %dma_start3A_47] : memref<20480x128xf32, #tpu.memory_space<hbm>> -> memref<20480x128xf32, #tpu.memory_space<hbm>>
    tpu.enqueue_indirect_dma source(%dma_start3A_48 : memref<20480x128xf32, #tpu.memory_space<hbm>>) target(%arg15 : memref<40x128xf32, #tpu.memory_space<vmem>>) offsets(%dma_start3A_45 : memref<40xi32, #tpu.memory_space<vmem>>) semaphore(%arg21 : memref<!tpu.dma_semaphore, #tpu.memory_space<semaphore_mem>>)
    %mul3A_49 = arith.constant 10240 : i32
    %mul3A_50 = arith.muli %arg0, %mul3A_49 : i32
    %add3A_51 = arith.addi %mul3A_50, %mul3A_0 : i32
    %dma_wait3A = arith.constant 0 : i32
    %dma_wait3A_52 = tpu.memref_slice %arg17[%mul3A_0, %dma_wait3A] : memref<10240x128xf32, #tpu.memory_space<vmem_shared>> -> memref<640x128xf32, #tpu.memory_space<vmem_shared>>
    %dma_wait3A_53 = arith.constant 0 : i32
    %dma_wait3A_54 = tpu.memref_slice %arg2[%add3A_51, %dma_wait3A_53] : memref<20480x128xf32, #tpu.memory_space<hbm>> -> memref<640x128xf32, #tpu.memory_space<hbm>>
    tpu.wait_dma2 semaphore(%arg33 : memref<!tpu.dma_semaphore, #tpu.memory_space<semaphore_mem>>) src(%dma_wait3A_54 : memref<640x128xf32, #tpu.memory_space<hbm>>) dst(%dma_wait3A_52 : memref<640x128xf32, #tpu.memory_space<vmem_shared>>)
    %barrier3A = arith.constant 0 : index
    tpu.barrier barrier_id(%barrier3A)
    %scan3A = arith.constant 0 : i32
    %scan3A_55 = arith.constant 0 : i32
    %scan3A_56 = arith.constant 100 : i32
    %scan3A_57 = arith.addi %scan3A_55, %scan3A_56 : i32
    %scan3A_58 = arith.constant 1 : i32
    scf.for %scan3A_67 = %scan3A_55 to %scan3A_57 step %scan3A_58  : i32 {
      %mul3A_68 = arith.constant 5 : i32
      %mul3A_69 = arith.muli %scan3A_67, %mul3A_68 : i32
      %add3A_70 = arith.constant 0 : i32
      %add3A_71 = arith.addi %mul3A_69, %add3A_70 : i32
      %mul3A_72 = arith.constant 40 : i32
      %mul3A_73 = arith.muli %add3A_71, %mul3A_72 : i32
      %dma_wait3A_74 = tpu.memref_slice %arg6[%mul3A_73] : memref<20000xi32, #tpu.memory_space<vmem>> -> memref<40xi32, #tpu.memory_space<vmem>>
      %dma_wait3A_75 = arith.constant 0 : i32
      %dma_wait3A_76 = arith.constant 0 : i32
      %dma_wait3A_77 = tpu.memref_slice %arg2[%dma_wait3A_75, %dma_wait3A_76] : memref<20480x128xf32, #tpu.memory_space<hbm>> -> memref<20480x128xf32, #tpu.memory_space<hbm>>
      tpu.wait_indirect_dma semaphore(%arg18 : memref<!tpu.dma_semaphore, #tpu.memory_space<semaphore_mem>>) src(%dma_wait3A_77 : memref<20480x128xf32, #tpu.memory_space<hbm>>) dst(%arg12 : memref<40x128xf32, #tpu.memory_space<vmem>>)
      %mul3A_78 = arith.constant 40 : i32
      %mul3A_79 = arith.muli %add3A_71, %mul3A_78 : i32
      %add3A_80 = arith.addi %mul3A_12, %mul3A_79 : i32
      %dma_wait3A_81 = tpu.memref_slice %arg4[%add3A_80] : memref<320000xi32, #tpu.memory_space<hbm>> -> memref<40xi32, #tpu.memory_space<hbm>>
      %dma_wait3A_82 = tpu.memref_slice %arg4[%add3A_80] : memref<320000xi32, #tpu.memory_space<hbm>> -> memref<40xi32, #tpu.memory_space<hbm>>
      tpu.wait_dma2 semaphore(%arg28 : memref<!tpu.dma_semaphore, #tpu.memory_space<semaphore_mem>>) src(%dma_wait3A_82 : memref<40xi32, #tpu.memory_space<hbm>>) dst(%arg7 : memref<40xi32, #tpu.memory_space<vmem>>)
      %dma_start3A_83 = arith.constant 0 : i32
      %dma_start3A_84 = arith.constant 0 : i32
      %dma_start3A_85 = tpu.memref_slice %arg17[%dma_start3A_83, %dma_start3A_84] : memref<10240x128xf32, #tpu.memory_space<vmem_shared>> -> memref<10240x128xf32, #tpu.memory_space<vmem_shared>>
      tpu.enqueue_indirect_dma source(%arg12 : memref<40x128xf32, #tpu.memory_space<vmem>>) target(%dma_start3A_85 : memref<10240x128xf32, #tpu.memory_space<vmem_shared>>) offsets(%arg7 : memref<40xi32, #tpu.memory_space<vmem>>) semaphore(%arg23 : memref<!tpu.dma_semaphore, #tpu.memory_space<semaphore_mem>>) {add = true}
      %gt3A = arith.constant 0 : i32
      %gt3A_86 = arith.cmpi sgt, %scan3A_67, %gt3A : i32
      %convert_element_type3A = arith.extui %gt3A_86 : i1 to i32
      %cond3A = arith.constant 0 : i32
      %cond3A_87 = arith.cmpi ne, %convert_element_type3A, %cond3A : i32
      scf.if %cond3A_87 {
        %dma_wait3A_207 = arith.constant 0 : i32
        %dma_wait3A_208 = arith.constant 0 : i32
        %dma_wait3A_209 = tpu.memref_slice %arg17[%dma_wait3A_207, %dma_wait3A_208] : memref<10240x128xf32, #tpu.memory_space<vmem_shared>> -> memref<10240x128xf32, #tpu.memory_space<vmem_shared>>
        tpu.wait_indirect_dma semaphore(%arg27 : memref<!tpu.dma_semaphore, #tpu.memory_space<semaphore_mem>>) src(%arg16 : memref<40x128xf32, #tpu.memory_space<vmem>>) dst(%dma_wait3A_209 : memref<10240x128xf32, #tpu.memory_space<vmem_shared>>)
      } else {
      }
      %add3A_88 = arith.constant 5 : i32
      %add3A_89 = arith.addi %add3A_71, %add3A_88 : i32
      %sub3A = arith.constant 1 : i32
      %sub3A_90 = arith.subi %add3A_89, %sub3A : i32
      %lt3A = arith.constant 500 : i32
      %lt3A_91 = arith.cmpi slt, %sub3A_90, %lt3A : i32
      %convert_element_type3A_92 = arith.extui %lt3A_91 : i1 to i32
      %cond3A_93 = arith.constant 0 : i32
      %cond3A_94 = arith.cmpi ne, %convert_element_type3A_92, %cond3A_93 : i32
      scf.if %cond3A_94 {
        %add3A_207 = arith.constant 5 : i32
        %add3A_208 = arith.addi %add3A_71, %add3A_207 : i32
        %sub3A_209 = arith.constant 1 : i32
        %sub3A_210 = arith.subi %add3A_208, %sub3A_209 : i32
        %mul3A_211 = arith.constant 40 : i32
        %mul3A_212 = arith.muli %sub3A_210, %mul3A_211 : i32
        %add3A_213 = arith.addi %mul3A_12, %mul3A_212 : i32
        %dma_start3A_214 = tpu.memref_slice %arg4[%add3A_213] : memref<320000xi32, #tpu.memory_space<hbm>> -> memref<40xi32, #tpu.memory_space<hbm>>
        %dma_start3A_215 = tpu.memref_slice %arg4[%add3A_213] : memref<320000xi32, #tpu.memory_space<hbm>> -> memref<40xi32, #tpu.memory_space<hbm>>
        tpu.enqueue_dma source(%dma_start3A_215 : memref<40xi32, #tpu.memory_space<hbm>>) target(%arg11 : memref<40xi32, #tpu.memory_space<vmem>>) target_semaphore(%arg32 : memref<!tpu.dma_semaphore, #tpu.memory_space<semaphore_mem>>)
        %add3A_216 = arith.constant 5 : i32
        %add3A_217 = arith.addi %add3A_71, %add3A_216 : i32
        %sub3A_218 = arith.constant 1 : i32
        %sub3A_219 = arith.subi %add3A_217, %sub3A_218 : i32
        %mul3A_220 = arith.constant 40 : i32
        %mul3A_221 = arith.muli %sub3A_219, %mul3A_220 : i32
        %dma_start3A_222 = tpu.memref_slice %arg6[%mul3A_221] : memref<20000xi32, #tpu.memory_space<vmem>> -> memref<40xi32, #tpu.memory_space<vmem>>
        %dma_start3A_223 = arith.constant 0 : i32
        %dma_start3A_224 = arith.constant 0 : i32
        %dma_start3A_225 = tpu.memref_slice %arg2[%dma_start3A_223, %dma_start3A_224] : memref<20480x128xf32, #tpu.memory_space<hbm>> -> memref<20480x128xf32, #tpu.memory_space<hbm>>
        tpu.enqueue_indirect_dma source(%dma_start3A_225 : memref<20480x128xf32, #tpu.memory_space<hbm>>) target(%arg16 : memref<40x128xf32, #tpu.memory_space<vmem>>) offsets(%dma_start3A_222 : memref<40xi32, #tpu.memory_space<vmem>>) semaphore(%arg22 : memref<!tpu.dma_semaphore, #tpu.memory_space<semaphore_mem>>)
      } else {
      }
      %add3A_95 = arith.constant 1 : i32
      %add3A_96 = arith.addi %mul3A_69, %add3A_95 : i32
      %mul3A_97 = arith.constant 40 : i32
      %mul3A_98 = arith.muli %add3A_96, %mul3A_97 : i32
      %dma_wait3A_99 = tpu.memref_slice %arg6[%mul3A_98] : memref<20000xi32, #tpu.memory_space<vmem>> -> memref<40xi32, #tpu.memory_space<vmem>>
      %dma_wait3A_100 = arith.constant 0 : i32
      %dma_wait3A_101 = arith.constant 0 : i32
      %dma_wait3A_102 = tpu.memref_slice %arg2[%dma_wait3A_100, %dma_wait3A_101] : memref<20480x128xf32, #tpu.memory_space<hbm>> -> memref<20480x128xf32, #tpu.memory_space<hbm>>
      tpu.wait_indirect_dma semaphore(%arg19 : memref<!tpu.dma_semaphore, #tpu.memory_space<semaphore_mem>>) src(%dma_wait3A_102 : memref<20480x128xf32, #tpu.memory_space<hbm>>) dst(%arg13 : memref<40x128xf32, #tpu.memory_space<vmem>>)
      %mul3A_103 = arith.constant 40 : i32
      %mul3A_104 = arith.muli %add3A_96, %mul3A_103 : i32
      %add3A_105 = arith.addi %mul3A_12, %mul3A_104 : i32
      %dma_wait3A_106 = tpu.memref_slice %arg4[%add3A_105] : memref<320000xi32, #tpu.memory_space<hbm>> -> memref<40xi32, #tpu.memory_space<hbm>>
      %dma_wait3A_107 = tpu.memref_slice %arg4[%add3A_105] : memref<320000xi32, #tpu.memory_space<hbm>> -> memref<40xi32, #tpu.memory_space<hbm>>
      tpu.wait_dma2 semaphore(%arg29 : memref<!tpu.dma_semaphore, #tpu.memory_space<semaphore_mem>>) src(%dma_wait3A_107 : memref<40xi32, #tpu.memory_space<hbm>>) dst(%arg8 : memref<40xi32, #tpu.memory_space<vmem>>)
      %dma_start3A_108 = arith.constant 0 : i32
      %dma_start3A_109 = arith.constant 0 : i32
      %dma_start3A_110 = tpu.memref_slice %arg17[%dma_start3A_108, %dma_start3A_109] : memref<10240x128xf32, #tpu.memory_space<vmem_shared>> -> memref<10240x128xf32, #tpu.memory_space<vmem_shared>>
      tpu.enqueue_indirect_dma source(%arg13 : memref<40x128xf32, #tpu.memory_space<vmem>>) target(%dma_start3A_110 : memref<10240x128xf32, #tpu.memory_space<vmem_shared>>) offsets(%arg8 : memref<40xi32, #tpu.memory_space<vmem>>) semaphore(%arg24 : memref<!tpu.dma_semaphore, #tpu.memory_space<semaphore_mem>>) {add = true}
      %dma_wait3A_111 = arith.constant 0 : i32
      %dma_wait3A_112 = arith.constant 0 : i32
      %dma_wait3A_113 = tpu.memref_slice %arg17[%dma_wait3A_111, %dma_wait3A_112] : memref<10240x128xf32, #tpu.memory_space<vmem_shared>> -> memref<10240x128xf32, #tpu.memory_space<vmem_shared>>
      tpu.wait_indirect_dma semaphore(%arg23 : memref<!tpu.dma_semaphore, #tpu.memory_space<semaphore_mem>>) src(%arg12 : memref<40x128xf32, #tpu.memory_space<vmem>>) dst(%dma_wait3A_113 : memref<10240x128xf32, #tpu.memory_space<vmem_shared>>)
      %add3A_114 = arith.constant 5 : i32
      %add3A_115 = arith.addi %add3A_96, %add3A_114 : i32
      %sub3A_116 = arith.constant 1 : i32
      %sub3A_117 = arith.subi %add3A_115, %sub3A_116 : i32
      %lt3A_118 = arith.constant 500 : i32
      %lt3A_119 = arith.cmpi slt, %sub3A_117, %lt3A_118 : i32
      %convert_element_type3A_120 = arith.extui %lt3A_119 : i1 to i32
      %cond3A_121 = arith.constant 0 : i32
      %cond3A_122 = arith.cmpi ne, %convert_element_type3A_120, %cond3A_121 : i32
      scf.if %cond3A_122 {
        %add3A_207 = arith.constant 5 : i32
        %add3A_208 = arith.addi %add3A_96, %add3A_207 : i32
        %sub3A_209 = arith.constant 1 : i32
        %sub3A_210 = arith.subi %add3A_208, %sub3A_209 : i32
        %mul3A_211 = arith.constant 40 : i32
        %mul3A_212 = arith.muli %sub3A_210, %mul3A_211 : i32
        %add3A_213 = arith.addi %mul3A_12, %mul3A_212 : i32
        %dma_start3A_214 = tpu.memref_slice %arg4[%add3A_213] : memref<320000xi32, #tpu.memory_space<hbm>> -> memref<40xi32, #tpu.memory_space<hbm>>
        %dma_start3A_215 = tpu.memref_slice %arg4[%add3A_213] : memref<320000xi32, #tpu.memory_space<hbm>> -> memref<40xi32, #tpu.memory_space<hbm>>
        tpu.enqueue_dma source(%dma_start3A_215 : memref<40xi32, #tpu.memory_space<hbm>>) target(%arg7 : memref<40xi32, #tpu.memory_space<vmem>>) target_semaphore(%arg28 : memref<!tpu.dma_semaphore, #tpu.memory_space<semaphore_mem>>)
        %add3A_216 = arith.constant 5 : i32
        %add3A_217 = arith.addi %add3A_96, %add3A_216 : i32
        %sub3A_218 = arith.constant 1 : i32
        %sub3A_219 = arith.subi %add3A_217, %sub3A_218 : i32
        %mul3A_220 = arith.constant 40 : i32
        %mul3A_221 = arith.muli %sub3A_219, %mul3A_220 : i32
        %dma_start3A_222 = tpu.memref_slice %arg6[%mul3A_221] : memref<20000xi32, #tpu.memory_space<vmem>> -> memref<40xi32, #tpu.memory_space<vmem>>
        %dma_start3A_223 = arith.constant 0 : i32
        %dma_start3A_224 = arith.constant 0 : i32
        %dma_start3A_225 = tpu.memref_slice %arg2[%dma_start3A_223, %dma_start3A_224] : memref<20480x128xf32, #tpu.memory_space<hbm>> -> memref<20480x128xf32, #tpu.memory_space<hbm>>
        tpu.enqueue_indirect_dma source(%dma_start3A_225 : memref<20480x128xf32, #tpu.memory_space<hbm>>) target(%arg12 : memref<40x128xf32, #tpu.memory_space<vmem>>) offsets(%dma_start3A_222 : memref<40xi32, #tpu.memory_space<vmem>>) semaphore(%arg18 : memref<!tpu.dma_semaphore, #tpu.memory_space<semaphore_mem>>)
      } else {
      }
      %add3A_123 = arith.constant 2 : i32
      %add3A_124 = arith.addi %mul3A_69, %add3A_123 : i32
      %mul3A_125 = arith.constant 40 : i32
      %mul3A_126 = arith.muli %add3A_124, %mul3A_125 : i32
      %dma_wait3A_127 = tpu.memref_slice %arg6[%mul3A_126] : memref<20000xi32, #tpu.memory_space<vmem>> -> memref<40xi32, #tpu.memory_space<vmem>>
      %dma_wait3A_128 = arith.constant 0 : i32
      %dma_wait3A_129 = arith.constant 0 : i32
      %dma_wait3A_130 = tpu.memref_slice %arg2[%dma_wait3A_128, %dma_wait3A_129] : memref<20480x128xf32, #tpu.memory_space<hbm>> -> memref<20480x128xf32, #tpu.memory_space<hbm>>
      tpu.wait_indirect_dma semaphore(%arg20 : memref<!tpu.dma_semaphore, #tpu.memory_space<semaphore_mem>>) src(%dma_wait3A_130 : memref<20480x128xf32, #tpu.memory_space<hbm>>) dst(%arg14 : memref<40x128xf32, #tpu.memory_space<vmem>>)
      %mul3A_131 = arith.constant 40 : i32
      %mul3A_132 = arith.muli %add3A_124, %mul3A_131 : i32
      %add3A_133 = arith.addi %mul3A_12, %mul3A_132 : i32
      %dma_wait3A_134 = tpu.memref_slice %arg4[%add3A_133] : memref<320000xi32, #tpu.memory_space<hbm>> -> memref<40xi32, #tpu.memory_space<hbm>>
      %dma_wait3A_135 = tpu.memref_slice %arg4[%add3A_133] : memref<320000xi32, #tpu.memory_space<hbm>> -> memref<40xi32, #tpu.memory_space<hbm>>
      tpu.wait_dma2 semaphore(%arg30 : memref<!tpu.dma_semaphore, #tpu.memory_space<semaphore_mem>>) src(%dma_wait3A_135 : memref<40xi32, #tpu.memory_space<hbm>>) dst(%arg9 : memref<40xi32, #tpu.memory_space<vmem>>)
      %dma_start3A_136 = arith.constant 0 : i32
      %dma_start3A_137 = arith.constant 0 : i32
      %dma_start3A_138 = tpu.memref_slice %arg17[%dma_start3A_136, %dma_start3A_137] : memref<10240x128xf32, #tpu.memory_space<vmem_shared>> -> memref<10240x128xf32, #tpu.memory_space<vmem_shared>>
      tpu.enqueue_indirect_dma source(%arg14 : memref<40x128xf32, #tpu.memory_space<vmem>>) target(%dma_start3A_138 : memref<10240x128xf32, #tpu.memory_space<vmem_shared>>) offsets(%arg9 : memref<40xi32, #tpu.memory_space<vmem>>) semaphore(%arg25 : memref<!tpu.dma_semaphore, #tpu.memory_space<semaphore_mem>>) {add = true}
      %dma_wait3A_139 = arith.constant 0 : i32
      %dma_wait3A_140 = arith.constant 0 : i32
      %dma_wait3A_141 = tpu.memref_slice %arg17[%dma_wait3A_139, %dma_wait3A_140] : memref<10240x128xf32, #tpu.memory_space<vmem_shared>> -> memref<10240x128xf32, #tpu.memory_space<vmem_shared>>
      tpu.wait_indirect_dma semaphore(%arg24 : memref<!tpu.dma_semaphore, #tpu.memory_space<semaphore_mem>>) src(%arg13 : memref<40x128xf32, #tpu.memory_space<vmem>>) dst(%dma_wait3A_141 : memref<10240x128xf32, #tpu.memory_space<vmem_shared>>)
      %add3A_142 = arith.constant 5 : i32
      %add3A_143 = arith.addi %add3A_124, %add3A_142 : i32
      %sub3A_144 = arith.constant 1 : i32
      %sub3A_145 = arith.subi %add3A_143, %sub3A_144 : i32
      %lt3A_146 = arith.constant 500 : i32
      %lt3A_147 = arith.cmpi slt, %sub3A_145, %lt3A_146 : i32
      %convert_element_type3A_148 = arith.extui %lt3A_147 : i1 to i32
      %cond3A_149 = arith.constant 0 : i32
      %cond3A_150 = arith.cmpi ne, %convert_element_type3A_148, %cond3A_149 : i32
      scf.if %cond3A_150 {
        %add3A_207 = arith.constant 5 : i32
        %add3A_208 = arith.addi %add3A_124, %add3A_207 : i32
        %sub3A_209 = arith.constant 1 : i32
        %sub3A_210 = arith.subi %add3A_208, %sub3A_209 : i32
        %mul3A_211 = arith.constant 40 : i32
        %mul3A_212 = arith.muli %sub3A_210, %mul3A_211 : i32
        %add3A_213 = arith.addi %mul3A_12, %mul3A_212 : i32
        %dma_start3A_214 = tpu.memref_slice %arg4[%add3A_213] : memref<320000xi32, #tpu.memory_space<hbm>> -> memref<40xi32, #tpu.memory_space<hbm>>
        %dma_start3A_215 = tpu.memref_slice %arg4[%add3A_213] : memref<320000xi32, #tpu.memory_space<hbm>> -> memref<40xi32, #tpu.memory_space<hbm>>
        tpu.enqueue_dma source(%dma_start3A_215 : memref<40xi32, #tpu.memory_space<hbm>>) target(%arg8 : memref<40xi32, #tpu.memory_space<vmem>>) target_semaphore(%arg29 : memref<!tpu.dma_semaphore, #tpu.memory_space<semaphore_mem>>)
        %add3A_216 = arith.constant 5 : i32
        %add3A_217 = arith.addi %add3A_124, %add3A_216 : i32
        %sub3A_218 = arith.constant 1 : i32
        %sub3A_219 = arith.subi %add3A_217, %sub3A_218 : i32
        %mul3A_220 = arith.constant 40 : i32
        %mul3A_221 = arith.muli %sub3A_219, %mul3A_220 : i32
        %dma_start3A_222 = tpu.memref_slice %arg6[%mul3A_221] : memref<20000xi32, #tpu.memory_space<vmem>> -> memref<40xi32, #tpu.memory_space<vmem>>
        %dma_start3A_223 = arith.constant 0 : i32
        %dma_start3A_224 = arith.constant 0 : i32
        %dma_start3A_225 = tpu.memref_slice %arg2[%dma_start3A_223, %dma_start3A_224] : memref<20480x128xf32, #tpu.memory_space<hbm>> -> memref<20480x128xf32, #tpu.memory_space<hbm>>
        tpu.enqueue_indirect_dma source(%dma_start3A_225 : memref<20480x128xf32, #tpu.memory_space<hbm>>) target(%arg13 : memref<40x128xf32, #tpu.memory_space<vmem>>) offsets(%dma_start3A_222 : memref<40xi32, #tpu.memory_space<vmem>>) semaphore(%arg19 : memref<!tpu.dma_semaphore, #tpu.memory_space<semaphore_mem>>)
      } else {
      }
      %add3A_151 = arith.constant 3 : i32
      %add3A_152 = arith.addi %mul3A_69, %add3A_151 : i32
      %mul3A_153 = arith.constant 40 : i32
      %mul3A_154 = arith.muli %add3A_152, %mul3A_153 : i32
      %dma_wait3A_155 = tpu.memref_slice %arg6[%mul3A_154] : memref<20000xi32, #tpu.memory_space<vmem>> -> memref<40xi32, #tpu.memory_space<vmem>>
      %dma_wait3A_156 = arith.constant 0 : i32
      %dma_wait3A_157 = arith.constant 0 : i32
      %dma_wait3A_158 = tpu.memref_slice %arg2[%dma_wait3A_156, %dma_wait3A_157] : memref<20480x128xf32, #tpu.memory_space<hbm>> -> memref<20480x128xf32, #tpu.memory_space<hbm>>
      tpu.wait_indirect_dma semaphore(%arg21 : memref<!tpu.dma_semaphore, #tpu.memory_space<semaphore_mem>>) src(%dma_wait3A_158 : memref<20480x128xf32, #tpu.memory_space<hbm>>) dst(%arg15 : memref<40x128xf32, #tpu.memory_space<vmem>>)
      %mul3A_159 = arith.constant 40 : i32
      %mul3A_160 = arith.muli %add3A_152, %mul3A_159 : i32
      %add3A_161 = arith.addi %mul3A_12, %mul3A_160 : i32
      %dma_wait3A_162 = tpu.memref_slice %arg4[%add3A_161] : memref<320000xi32, #tpu.memory_space<hbm>> -> memref<40xi32, #tpu.memory_space<hbm>>
      %dma_wait3A_163 = tpu.memref_slice %arg4[%add3A_161] : memref<320000xi32, #tpu.memory_space<hbm>> -> memref<40xi32, #tpu.memory_space<hbm>>
      tpu.wait_dma2 semaphore(%arg31 : memref<!tpu.dma_semaphore, #tpu.memory_space<semaphore_mem>>) src(%dma_wait3A_163 : memref<40xi32, #tpu.memory_space<hbm>>) dst(%arg10 : memref<40xi32, #tpu.memory_space<vmem>>)
      %dma_start3A_164 = arith.constant 0 : i32
      %dma_start3A_165 = arith.constant 0 : i32
      %dma_start3A_166 = tpu.memref_slice %arg17[%dma_start3A_164, %dma_start3A_165] : memref<10240x128xf32, #tpu.memory_space<vmem_shared>> -> memref<10240x128xf32, #tpu.memory_space<vmem_shared>>
      tpu.enqueue_indirect_dma source(%arg15 : memref<40x128xf32, #tpu.memory_space<vmem>>) target(%dma_start3A_166 : memref<10240x128xf32, #tpu.memory_space<vmem_shared>>) offsets(%arg10 : memref<40xi32, #tpu.memory_space<vmem>>) semaphore(%arg26 : memref<!tpu.dma_semaphore, #tpu.memory_space<semaphore_mem>>) {add = true}
      %dma_wait3A_167 = arith.constant 0 : i32
      %dma_wait3A_168 = arith.constant 0 : i32
      %dma_wait3A_169 = tpu.memref_slice %arg17[%dma_wait3A_167, %dma_wait3A_168] : memref<10240x128xf32, #tpu.memory_space<vmem_shared>> -> memref<10240x128xf32, #tpu.memory_space<vmem_shared>>
      tpu.wait_indirect_dma semaphore(%arg25 : memref<!tpu.dma_semaphore, #tpu.memory_space<semaphore_mem>>) src(%arg14 : memref<40x128xf32, #tpu.memory_space<vmem>>) dst(%dma_wait3A_169 : memref<10240x128xf32, #tpu.memory_space<vmem_shared>>)
      %add3A_170 = arith.constant 5 : i32
      %add3A_171 = arith.addi %add3A_152, %add3A_170 : i32
      %sub3A_172 = arith.constant 1 : i32
      %sub3A_173 = arith.subi %add3A_171, %sub3A_172 : i32
      %lt3A_174 = arith.constant 500 : i32
      %lt3A_175 = arith.cmpi slt, %sub3A_173, %lt3A_174 : i32
      %convert_element_type3A_176 = arith.extui %lt3A_175 : i1 to i32
      %cond3A_177 = arith.constant 0 : i32
      %cond3A_178 = arith.cmpi ne, %convert_element_type3A_176, %cond3A_177 : i32
      scf.if %cond3A_178 {
        %add3A_207 = arith.constant 5 : i32
        %add3A_208 = arith.addi %add3A_152, %add3A_207 : i32
        %sub3A_209 = arith.constant 1 : i32
        %sub3A_210 = arith.subi %add3A_208, %sub3A_209 : i32
        %mul3A_211 = arith.constant 40 : i32
        %mul3A_212 = arith.muli %sub3A_210, %mul3A_211 : i32
        %add3A_213 = arith.addi %mul3A_12, %mul3A_212 : i32
        %dma_start3A_214 = tpu.memref_slice %arg4[%add3A_213] : memref<320000xi32, #tpu.memory_space<hbm>> -> memref<40xi32, #tpu.memory_space<hbm>>
        %dma_start3A_215 = tpu.memref_slice %arg4[%add3A_213] : memref<320000xi32, #tpu.memory_space<hbm>> -> memref<40xi32, #tpu.memory_space<hbm>>
        tpu.enqueue_dma source(%dma_start3A_215 : memref<40xi32, #tpu.memory_space<hbm>>) target(%arg9 : memref<40xi32, #tpu.memory_space<vmem>>) target_semaphore(%arg30 : memref<!tpu.dma_semaphore, #tpu.memory_space<semaphore_mem>>)
        %add3A_216 = arith.constant 5 : i32
        %add3A_217 = arith.addi %add3A_152, %add3A_216 : i32
        %sub3A_218 = arith.constant 1 : i32
        %sub3A_219 = arith.subi %add3A_217, %sub3A_218 : i32
        %mul3A_220 = arith.constant 40 : i32
        %mul3A_221 = arith.muli %sub3A_219, %mul3A_220 : i32
        %dma_start3A_222 = tpu.memref_slice %arg6[%mul3A_221] : memref<20000xi32, #tpu.memory_space<vmem>> -> memref<40xi32, #tpu.memory_space<vmem>>
        %dma_start3A_223 = arith.constant 0 : i32
        %dma_start3A_224 = arith.constant 0 : i32
        %dma_start3A_225 = tpu.memref_slice %arg2[%dma_start3A_223, %dma_start3A_224] : memref<20480x128xf32, #tpu.memory_space<hbm>> -> memref<20480x128xf32, #tpu.memory_space<hbm>>
        tpu.enqueue_indirect_dma source(%dma_start3A_225 : memref<20480x128xf32, #tpu.memory_space<hbm>>) target(%arg14 : memref<40x128xf32, #tpu.memory_space<vmem>>) offsets(%dma_start3A_222 : memref<40xi32, #tpu.memory_space<vmem>>) semaphore(%arg20 : memref<!tpu.dma_semaphore, #tpu.memory_space<semaphore_mem>>)
      } else {
      }
      %add3A_179 = arith.constant 4 : i32
      %add3A_180 = arith.addi %mul3A_69, %add3A_179 : i32
      %mul3A_181 = arith.constant 40 : i32
      %mul3A_182 = arith.muli %add3A_180, %mul3A_181 : i32
      %dma_wait3A_183 = tpu.memref_slice %arg6[%mul3A_182] : memref<20000xi32, #tpu.memory_space<vmem>> -> memref<40xi32, #tpu.memory_space<vmem>>
      %dma_wait3A_184 = arith.constant 0 : i32
      %dma_wait3A_185 = arith.constant 0 : i32
      %dma_wait3A_186 = tpu.memref_slice %arg2[%dma_wait3A_184, %dma_wait3A_185] : memref<20480x128xf32, #tpu.memory_space<hbm>> -> memref<20480x128xf32, #tpu.memory_space<hbm>>
      tpu.wait_indirect_dma semaphore(%arg22 : memref<!tpu.dma_semaphore, #tpu.memory_space<semaphore_mem>>) src(%dma_wait3A_186 : memref<20480x128xf32, #tpu.memory_space<hbm>>) dst(%arg16 : memref<40x128xf32, #tpu.memory_space<vmem>>)
      %mul3A_187 = arith.constant 40 : i32
      %mul3A_188 = arith.muli %add3A_180, %mul3A_187 : i32
      %add3A_189 = arith.addi %mul3A_12, %mul3A_188 : i32
      %dma_wait3A_190 = tpu.memref_slice %arg4[%add3A_189] : memref<320000xi32, #tpu.memory_space<hbm>> -> memref<40xi32, #tpu.memory_space<hbm>>
      %dma_wait3A_191 = tpu.memref_slice %arg4[%add3A_189] : memref<320000xi32, #tpu.memory_space<hbm>> -> memref<40xi32, #tpu.memory_space<hbm>>
      tpu.wait_dma2 semaphore(%arg32 : memref<!tpu.dma_semaphore, #tpu.memory_space<semaphore_mem>>) src(%dma_wait3A_191 : memref<40xi32, #tpu.memory_space<hbm>>) dst(%arg11 : memref<40xi32, #tpu.memory_space<vmem>>)
      %dma_start3A_192 = arith.constant 0 : i32
      %dma_start3A_193 = arith.constant 0 : i32
      %dma_start3A_194 = tpu.memref_slice %arg17[%dma_start3A_192, %dma_start3A_193] : memref<10240x128xf32, #tpu.memory_space<vmem_shared>> -> memref<10240x128xf32, #tpu.memory_space<vmem_shared>>
      tpu.enqueue_indirect_dma source(%arg16 : memref<40x128xf32, #tpu.memory_space<vmem>>) target(%dma_start3A_194 : memref<10240x128xf32, #tpu.memory_space<vmem_shared>>) offsets(%arg11 : memref<40xi32, #tpu.memory_space<vmem>>) semaphore(%arg27 : memref<!tpu.dma_semaphore, #tpu.memory_space<semaphore_mem>>) {add = true}
      %dma_wait3A_195 = arith.constant 0 : i32
      %dma_wait3A_196 = arith.constant 0 : i32
      %dma_wait3A_197 = tpu.memref_slice %arg17[%dma_wait3A_195, %dma_wait3A_196] : memref<10240x128xf32, #tpu.memory_space<vmem_shared>> -> memref<10240x128xf32, #tpu.memory_space<vmem_shared>>
      tpu.wait_indirect_dma semaphore(%arg26 : memref<!tpu.dma_semaphore, #tpu.memory_space<semaphore_mem>>) src(%arg15 : memref<40x128xf32, #tpu.memory_space<vmem>>) dst(%dma_wait3A_197 : memref<10240x128xf32, #tpu.memory_space<vmem_shared>>)
      %add3A_198 = arith.constant 5 : i32
      %add3A_199 = arith.addi %add3A_180, %add3A_198 : i32
      %sub3A_200 = arith.constant 1 : i32
      %sub3A_201 = arith.subi %add3A_199, %sub3A_200 : i32
      %lt3A_202 = arith.constant 500 : i32
      %lt3A_203 = arith.cmpi slt, %sub3A_201, %lt3A_202 : i32
      %convert_element_type3A_204 = arith.extui %lt3A_203 : i1 to i32
      %cond3A_205 = arith.constant 0 : i32
      %cond3A_206 = arith.cmpi ne, %convert_element_type3A_204, %cond3A_205 : i32
      scf.if %cond3A_206 {
        %add3A_207 = arith.constant 5 : i32
        %add3A_208 = arith.addi %add3A_180, %add3A_207 : i32
        %sub3A_209 = arith.constant 1 : i32
        %sub3A_210 = arith.subi %add3A_208, %sub3A_209 : i32
        %mul3A_211 = arith.constant 40 : i32
        %mul3A_212 = arith.muli %sub3A_210, %mul3A_211 : i32
        %add3A_213 = arith.addi %mul3A_12, %mul3A_212 : i32
        %dma_start3A_214 = tpu.memref_slice %arg4[%add3A_213] : memref<320000xi32, #tpu.memory_space<hbm>> -> memref<40xi32, #tpu.memory_space<hbm>>
        %dma_start3A_215 = tpu.memref_slice %arg4[%add3A_213] : memref<320000xi32, #tpu.memory_space<hbm>> -> memref<40xi32, #tpu.memory_space<hbm>>
        tpu.enqueue_dma source(%dma_start3A_215 : memref<40xi32, #tpu.memory_space<hbm>>) target(%arg10 : memref<40xi32, #tpu.memory_space<vmem>>) target_semaphore(%arg31 : memref<!tpu.dma_semaphore, #tpu.memory_space<semaphore_mem>>)
        %add3A_216 = arith.constant 5 : i32
        %add3A_217 = arith.addi %add3A_180, %add3A_216 : i32
        %sub3A_218 = arith.constant 1 : i32
        %sub3A_219 = arith.subi %add3A_217, %sub3A_218 : i32
        %mul3A_220 = arith.constant 40 : i32
        %mul3A_221 = arith.muli %sub3A_219, %mul3A_220 : i32
        %dma_start3A_222 = tpu.memref_slice %arg6[%mul3A_221] : memref<20000xi32, #tpu.memory_space<vmem>> -> memref<40xi32, #tpu.memory_space<vmem>>
        %dma_start3A_223 = arith.constant 0 : i32
        %dma_start3A_224 = arith.constant 0 : i32
        %dma_start3A_225 = tpu.memref_slice %arg2[%dma_start3A_223, %dma_start3A_224] : memref<20480x128xf32, #tpu.memory_space<hbm>> -> memref<20480x128xf32, #tpu.memory_space<hbm>>
        tpu.enqueue_indirect_dma source(%dma_start3A_225 : memref<20480x128xf32, #tpu.memory_space<hbm>>) target(%arg15 : memref<40x128xf32, #tpu.memory_space<vmem>>) offsets(%dma_start3A_222 : memref<40xi32, #tpu.memory_space<vmem>>) semaphore(%arg21 : memref<!tpu.dma_semaphore, #tpu.memory_space<semaphore_mem>>)
      } else {
      }
    }
    %scan3A_59 = arith.constant 100 : i32
    %dma_wait3A_60 = arith.constant 0 : i32
    %dma_wait3A_61 = arith.constant 0 : i32
    %dma_wait3A_62 = tpu.memref_slice %arg17[%dma_wait3A_60, %dma_wait3A_61] : memref<10240x128xf32, #tpu.memory_space<vmem_shared>> -> memref<10240x128xf32, #tpu.memory_space<vmem_shared>>
    tpu.wait_indirect_dma semaphore(%arg27 : memref<!tpu.dma_semaphore, #tpu.memory_space<semaphore_mem>>) src(%arg16 : memref<40x128xf32, #tpu.memory_space<vmem>>) dst(%dma_wait3A_62 : memref<10240x128xf32, #tpu.memory_space<vmem_shared>>)
    %barrier3A_63 = arith.constant 0 : index
    tpu.barrier barrier_id(%barrier3A_63)
    %mul3A_64 = arith.constant 10240 : i32
    %mul3A_65 = arith.muli %arg0, %mul3A_64 : i32
    %add3A_66 = arith.addi %mul3A_65, %mul3A_0 : i32
    "tpu.region"() ({
      %run_scoped3A = tpu.sem_alloc : memref<!tpu.dma_semaphore, #tpu.memory_space<semaphore_mem>>
      %dma_start3A_67 = arith.constant 0 : i32
      %dma_start3A_68 = tpu.memref_slice %arg5[%add3A_66, %dma_start3A_67] : memref<20480x128xf32, #tpu.memory_space<hbm>> -> memref<640x128xf32, #tpu.memory_space<hbm>>
      %dma_start3A_69 = arith.constant 0 : i32
      %dma_start3A_70 = tpu.memref_slice %arg17[%mul3A_0, %dma_start3A_69] : memref<10240x128xf32, #tpu.memory_space<vmem_shared>> -> memref<640x128xf32, #tpu.memory_space<vmem_shared>>
      tpu.enqueue_dma source(%dma_start3A_70 : memref<640x128xf32, #tpu.memory_space<vmem_shared>>) target(%dma_start3A_68 : memref<640x128xf32, #tpu.memory_space<hbm>>) target_semaphore(%run_scoped3A : memref<!tpu.dma_semaphore, #tpu.memory_space<semaphore_mem>>)
      %dma_wait3A_71 = arith.constant 0 : i32
      %dma_wait3A_72 = tpu.memref_slice %arg5[%add3A_66, %dma_wait3A_71] : memref<20480x128xf32, #tpu.memory_space<hbm>> -> memref<640x128xf32, #tpu.memory_space<hbm>>
      %dma_wait3A_73 = arith.constant 0 : i32
      %dma_wait3A_74 = tpu.memref_slice %arg17[%mul3A_0, %dma_wait3A_73] : memref<10240x128xf32, #tpu.memory_space<vmem_shared>> -> memref<640x128xf32, #tpu.memory_space<vmem_shared>>
      tpu.wait_dma2 semaphore(%run_scoped3A : memref<!tpu.dma_semaphore, #tpu.memory_space<semaphore_mem>>) src(%dma_wait3A_74 : memref<640x128xf32, #tpu.memory_space<vmem_shared>>) dst(%dma_wait3A_72 : memref<640x128xf32, #tpu.memory_space<hbm>>)
      tpu.yield
    }) : () -> ()
    return
  }
}

#map = affine_map<(d0, d1) -> (0, 0)>
#map1 = affine_map<(d0, d1) -> (0)>
module attributes {stable_mosaic.version = 14 : i64} {
  func.func @agg_kernel(%arg0: i32, %arg1: i32, %arg2: memref<10240x128xf32, #tpu.memory_space<hbm>>, %arg3: memref<640x128xf32, #tpu.memory_space<hbm>>, %arg4: memref<320000xi32, #tpu.memory_space<hbm>>, %arg5: memref<320000xi32, #tpu.memory_space<hbm>>, %arg6: memref<20480x128xf32, #tpu.memory_space<hbm>>, %arg7: memref<10000xi32, #tpu.memory_space<vmem>>, %arg8: memref<40xi32, #tpu.memory_space<vmem>>, %arg9: memref<40xi32, #tpu.memory_space<vmem>>, %arg10: memref<40xi32, #tpu.memory_space<vmem>>, %arg11: memref<40xi32, #tpu.memory_space<vmem>>, %arg12: memref<40xi32, #tpu.memory_space<vmem>>, %arg13: memref<40x128xf32, #tpu.memory_space<vmem>>, %arg14: memref<40x128xf32, #tpu.memory_space<vmem>>, %arg15: memref<40x128xf32, #tpu.memory_space<vmem>>, %arg16: memref<40x128xf32, #tpu.memory_space<vmem>>, %arg17: memref<40x128xf32, #tpu.memory_space<vmem>>, %arg18: memref<10240x128xf32, #tpu.memory_space<vmem_shared>>, %arg19: memref<!tpu.dma_semaphore, #tpu.memory_space<semaphore_mem>>, %arg20: memref<!tpu.dma_semaphore, #tpu.memory_space<semaphore_mem>>, %arg21: memref<!tpu.dma_semaphore, #tpu.memory_space<semaphore_mem>>, %arg22: memref<!tpu.dma_semaphore, #tpu.memory_space<semaphore_mem>>, %arg23: memref<!tpu.dma_semaphore, #tpu.memory_space<semaphore_mem>>, %arg24: memref<!tpu.dma_semaphore, #tpu.memory_space<semaphore_mem>>, %arg25: memref<!tpu.dma_semaphore, #tpu.memory_space<semaphore_mem>>, %arg26: memref<!tpu.dma_semaphore, #tpu.memory_space<semaphore_mem>>, %arg27: memref<!tpu.dma_semaphore, #tpu.memory_space<semaphore_mem>>, %arg28: memref<!tpu.dma_semaphore, #tpu.memory_space<semaphore_mem>>, %arg29: memref<!tpu.dma_semaphore, #tpu.memory_space<semaphore_mem>>, %arg30: memref<!tpu.dma_semaphore, #tpu.memory_space<semaphore_mem>>, %arg31: memref<!tpu.dma_semaphore, #tpu.memory_space<semaphore_mem>>, %arg32: memref<!tpu.dma_semaphore, #tpu.memory_space<semaphore_mem>>, %arg33: memref<!tpu.dma_semaphore, #tpu.memory_space<semaphore_mem>>, %arg34: memref<!tpu.dma_semaphore, #tpu.memory_space<semaphore_mem>>) attributes {dimension_semantics = [#tpu.dimension_semantics<core_parallel>, #tpu.dimension_semantics<subcore_parallel>], iteration_bounds = array<i64: 2, 16>, scalar_prefetch = 0 : i64, scratch_operands = 28 : i64, tpu.core_type = #tpu.core_type<sc_vector_subcore>, window_params = [{transform_indices = #map}, {transform_indices = #map}, {transform_indices = #map1}, {transform_indices = #map1}, {transform_indices = #map}]} {
    %mul3A = arith.constant 640 : i32
    %mul3A_0 = arith.muli %arg1, %mul3A : i32
    %eq3A = arith.constant 0 : i32
    %eq3A_1 = arith.cmpi eq, %arg0, %eq3A : i32
    %convert_element_type3A = arith.extui %eq3A_1 : i1 to i32
    %cond3A = arith.constant 0 : i32
    %cond3A_2 = arith.cmpi ne, %convert_element_type3A, %cond3A : i32
    scf.if %cond3A_2 {
      %dma_start3A_62 = arith.constant 0 : i32
      %dma_start3A_63 = tpu.memref_slice %arg18[%mul3A_0, %dma_start3A_62] : memref<10240x128xf32, #tpu.memory_space<vmem_shared>> -> memref<640x128xf32, #tpu.memory_space<vmem_shared>>
      %dma_start3A_64 = arith.constant 0 : i32
      %dma_start3A_65 = tpu.memref_slice %arg2[%mul3A_0, %dma_start3A_64] : memref<10240x128xf32, #tpu.memory_space<hbm>> -> memref<640x128xf32, #tpu.memory_space<hbm>>
      tpu.enqueue_dma source(%dma_start3A_65 : memref<640x128xf32, #tpu.memory_space<hbm>>) target(%dma_start3A_63 : memref<640x128xf32, #tpu.memory_space<vmem_shared>>) target_semaphore(%arg34 : memref<!tpu.dma_semaphore, #tpu.memory_space<semaphore_mem>>)
    } else {
    }
    %eq3A_3 = arith.constant 1 : i32
    %eq3A_4 = arith.cmpi eq, %arg0, %eq3A_3 : i32
    %convert_element_type3A_5 = arith.extui %eq3A_4 : i1 to i32
    %cond3A_6 = arith.constant 0 : i32
    %cond3A_7 = arith.cmpi ne, %convert_element_type3A_5, %cond3A_6 : i32
    scf.if %cond3A_7 {
      %dma_start3A_62 = arith.constant 0 : i32
      %dma_start3A_63 = tpu.memref_slice %arg18[%mul3A_0, %dma_start3A_62] : memref<10240x128xf32, #tpu.memory_space<vmem_shared>> -> memref<640x128xf32, #tpu.memory_space<vmem_shared>>
      tpu.enqueue_dma source(%arg3 : memref<640x128xf32, #tpu.memory_space<hbm>>) target(%dma_start3A_63 : memref<640x128xf32, #tpu.memory_space<vmem_shared>>) target_semaphore(%arg34 : memref<!tpu.dma_semaphore, #tpu.memory_space<semaphore_mem>>)
    } else {
    }
    %mul3A_8 = arith.constant 160000 : i32
    %mul3A_9 = arith.muli %arg0, %mul3A_8 : i32
    %mul3A_10 = arith.constant 10000 : i32
    %mul3A_11 = arith.muli %arg1, %mul3A_10 : i32
    %add3A = arith.addi %mul3A_9, %mul3A_11 : i32
    "tpu.region"() ({
      %run_scoped3A = tpu.sem_alloc : memref<!tpu.dma_semaphore, #tpu.memory_space<semaphore_mem>>
      %dma_start3A_62 = tpu.memref_slice %arg4[%add3A] : memref<320000xi32, #tpu.memory_space<hbm>> -> memref<10000xi32, #tpu.memory_space<hbm>>
      %dma_start3A_63 = tpu.memref_slice %arg4[%add3A] : memref<320000xi32, #tpu.memory_space<hbm>> -> memref<10000xi32, #tpu.memory_space<hbm>>
      tpu.enqueue_dma source(%dma_start3A_63 : memref<10000xi32, #tpu.memory_space<hbm>>) target(%arg7 : memref<10000xi32, #tpu.memory_space<vmem>>) target_semaphore(%run_scoped3A : memref<!tpu.dma_semaphore, #tpu.memory_space<semaphore_mem>>)
      %dma_wait3A_64 = tpu.memref_slice %arg4[%add3A] : memref<320000xi32, #tpu.memory_space<hbm>> -> memref<10000xi32, #tpu.memory_space<hbm>>
      %dma_wait3A_65 = tpu.memref_slice %arg4[%add3A] : memref<320000xi32, #tpu.memory_space<hbm>> -> memref<10000xi32, #tpu.memory_space<hbm>>
      tpu.wait_dma2 semaphore(%run_scoped3A : memref<!tpu.dma_semaphore, #tpu.memory_space<semaphore_mem>>) src(%dma_wait3A_65 : memref<10000xi32, #tpu.memory_space<hbm>>) dst(%arg7 : memref<10000xi32, #tpu.memory_space<vmem>>)
      tpu.yield
    }) : () -> ()
    %add3A_12 = arith.constant 0 : i32
    %add3A_13 = arith.addi %add3A, %add3A_12 : i32
    %dma_start3A = tpu.memref_slice %arg5[%add3A_13] : memref<320000xi32, #tpu.memory_space<hbm>> -> memref<40xi32, #tpu.memory_space<hbm>>
    %dma_start3A_14 = tpu.memref_slice %arg5[%add3A_13] : memref<320000xi32, #tpu.memory_space<hbm>> -> memref<40xi32, #tpu.memory_space<hbm>>
    tpu.enqueue_dma source(%dma_start3A_14 : memref<40xi32, #tpu.memory_space<hbm>>) target(%arg8 : memref<40xi32, #tpu.memory_space<vmem>>) target_semaphore(%arg29 : memref<!tpu.dma_semaphore, #tpu.memory_space<semaphore_mem>>)
    %dma_start3A_15 = arith.constant 0 : i32
    %dma_start3A_16 = tpu.memref_slice %arg7[%dma_start3A_15] : memref<10000xi32, #tpu.memory_space<vmem>> -> memref<40xi32, #tpu.memory_space<vmem>>
    %dma_start3A_17 = arith.constant 0 : i32
    %dma_start3A_18 = arith.constant 0 : i32
    %dma_start3A_19 = tpu.memref_slice %arg2[%dma_start3A_17, %dma_start3A_18] : memref<10240x128xf32, #tpu.memory_space<hbm>> -> memref<10240x128xf32, #tpu.memory_space<hbm>>
    tpu.enqueue_indirect_dma source(%dma_start3A_19 : memref<10240x128xf32, #tpu.memory_space<hbm>>) target(%arg13 : memref<40x128xf32, #tpu.memory_space<vmem>>) offsets(%dma_start3A_16 : memref<40xi32, #tpu.memory_space<vmem>>) semaphore(%arg19 : memref<!tpu.dma_semaphore, #tpu.memory_space<semaphore_mem>>)
    %add3A_20 = arith.constant 40 : i32
    %add3A_21 = arith.addi %add3A, %add3A_20 : i32
    %dma_start3A_22 = tpu.memref_slice %arg5[%add3A_21] : memref<320000xi32, #tpu.memory_space<hbm>> -> memref<40xi32, #tpu.memory_space<hbm>>
    %dma_start3A_23 = tpu.memref_slice %arg5[%add3A_21] : memref<320000xi32, #tpu.memory_space<hbm>> -> memref<40xi32, #tpu.memory_space<hbm>>
    tpu.enqueue_dma source(%dma_start3A_23 : memref<40xi32, #tpu.memory_space<hbm>>) target(%arg9 : memref<40xi32, #tpu.memory_space<vmem>>) target_semaphore(%arg30 : memref<!tpu.dma_semaphore, #tpu.memory_space<semaphore_mem>>)
    %dma_start3A_24 = arith.constant 40 : i32
    %dma_start3A_25 = tpu.memref_slice %arg7[%dma_start3A_24] : memref<10000xi32, #tpu.memory_space<vmem>> -> memref<40xi32, #tpu.memory_space<vmem>>
    %dma_start3A_26 = arith.constant 0 : i32
    %dma_start3A_27 = arith.constant 0 : i32
    %dma_start3A_28 = tpu.memref_slice %arg2[%dma_start3A_26, %dma_start3A_27] : memref<10240x128xf32, #tpu.memory_space<hbm>> -> memref<10240x128xf32, #tpu.memory_space<hbm>>
    tpu.enqueue_indirect_dma source(%dma_start3A_28 : memref<10240x128xf32, #tpu.memory_space<hbm>>) target(%arg14 : memref<40x128xf32, #tpu.memory_space<vmem>>) offsets(%dma_start3A_25 : memref<40xi32, #tpu.memory_space<vmem>>) semaphore(%arg20 : memref<!tpu.dma_semaphore, #tpu.memory_space<semaphore_mem>>)
    %add3A_29 = arith.constant 80 : i32
    %add3A_30 = arith.addi %add3A, %add3A_29 : i32
    %dma_start3A_31 = tpu.memref_slice %arg5[%add3A_30] : memref<320000xi32, #tpu.memory_space<hbm>> -> memref<40xi32, #tpu.memory_space<hbm>>
    %dma_start3A_32 = tpu.memref_slice %arg5[%add3A_30] : memref<320000xi32, #tpu.memory_space<hbm>> -> memref<40xi32, #tpu.memory_space<hbm>>
    tpu.enqueue_dma source(%dma_start3A_32 : memref<40xi32, #tpu.memory_space<hbm>>) target(%arg10 : memref<40xi32, #tpu.memory_space<vmem>>) target_semaphore(%arg31 : memref<!tpu.dma_semaphore, #tpu.memory_space<semaphore_mem>>)
    %dma_start3A_33 = arith.constant 80 : i32
    %dma_start3A_34 = tpu.memref_slice %arg7[%dma_start3A_33] : memref<10000xi32, #tpu.memory_space<vmem>> -> memref<40xi32, #tpu.memory_space<vmem>>
    %dma_start3A_35 = arith.constant 0 : i32
    %dma_start3A_36 = arith.constant 0 : i32
    %dma_start3A_37 = tpu.memref_slice %arg2[%dma_start3A_35, %dma_start3A_36] : memref<10240x128xf32, #tpu.memory_space<hbm>> -> memref<10240x128xf32, #tpu.memory_space<hbm>>
    tpu.enqueue_indirect_dma source(%dma_start3A_37 : memref<10240x128xf32, #tpu.memory_space<hbm>>) target(%arg15 : memref<40x128xf32, #tpu.memory_space<vmem>>) offsets(%dma_start3A_34 : memref<40xi32, #tpu.memory_space<vmem>>) semaphore(%arg21 : memref<!tpu.dma_semaphore, #tpu.memory_space<semaphore_mem>>)
    %add3A_38 = arith.constant 120 : i32
    %add3A_39 = arith.addi %add3A, %add3A_38 : i32
    %dma_start3A_40 = tpu.memref_slice %arg5[%add3A_39] : memref<320000xi32, #tpu.memory_space<hbm>> -> memref<40xi32, #tpu.memory_space<hbm>>
    %dma_start3A_41 = tpu.memref_slice %arg5[%add3A_39] : memref<320000xi32, #tpu.memory_space<hbm>> -> memref<40xi32, #tpu.memory_space<hbm>>
    tpu.enqueue_dma source(%dma_start3A_41 : memref<40xi32, #tpu.memory_space<hbm>>) target(%arg11 : memref<40xi32, #tpu.memory_space<vmem>>) target_semaphore(%arg32 : memref<!tpu.dma_semaphore, #tpu.memory_space<semaphore_mem>>)
    %dma_start3A_42 = arith.constant 120 : i32
    %dma_start3A_43 = tpu.memref_slice %arg7[%dma_start3A_42] : memref<10000xi32, #tpu.memory_space<vmem>> -> memref<40xi32, #tpu.memory_space<vmem>>
    %dma_start3A_44 = arith.constant 0 : i32
    %dma_start3A_45 = arith.constant 0 : i32
    %dma_start3A_46 = tpu.memref_slice %arg2[%dma_start3A_44, %dma_start3A_45] : memref<10240x128xf32, #tpu.memory_space<hbm>> -> memref<10240x128xf32, #tpu.memory_space<hbm>>
    tpu.enqueue_indirect_dma source(%dma_start3A_46 : memref<10240x128xf32, #tpu.memory_space<hbm>>) target(%arg16 : memref<40x128xf32, #tpu.memory_space<vmem>>) offsets(%dma_start3A_43 : memref<40xi32, #tpu.memory_space<vmem>>) semaphore(%arg22 : memref<!tpu.dma_semaphore, #tpu.memory_space<semaphore_mem>>)
    %dma_wait3A = arith.constant 0 : i32
    %dma_wait3A_47 = tpu.memref_slice %arg18[%mul3A_0, %dma_wait3A] : memref<10240x128xf32, #tpu.memory_space<vmem_shared>> -> memref<640x128xf32, #tpu.memory_space<vmem_shared>>
    %dma_wait3A_48 = arith.constant 0 : i32
    %dma_wait3A_49 = tpu.memref_slice %arg2[%mul3A_0, %dma_wait3A_48] : memref<10240x128xf32, #tpu.memory_space<hbm>> -> memref<640x128xf32, #tpu.memory_space<hbm>>
    tpu.wait_dma2 semaphore(%arg34 : memref<!tpu.dma_semaphore, #tpu.memory_space<semaphore_mem>>) src(%dma_wait3A_49 : memref<640x128xf32, #tpu.memory_space<hbm>>) dst(%dma_wait3A_47 : memref<640x128xf32, #tpu.memory_space<vmem_shared>>)
    %barrier3A = arith.constant 0 : index
    tpu.barrier barrier_id(%barrier3A)
    %scan3A = arith.constant 0 : i32
    %scan3A_50 = arith.constant 0 : i32
    %scan3A_51 = arith.constant 50 : i32
    %scan3A_52 = arith.addi %scan3A_50, %scan3A_51 : i32
    %scan3A_53 = arith.constant 1 : i32
    scf.for %scan3A_62 = %scan3A_50 to %scan3A_52 step %scan3A_53  : i32 {
      %mul3A_63 = arith.constant 5 : i32
      %mul3A_64 = arith.muli %scan3A_62, %mul3A_63 : i32
      %add3A_65 = arith.constant 0 : i32
      %add3A_66 = arith.addi %mul3A_64, %add3A_65 : i32
      %mul3A_67 = arith.constant 40 : i32
      %mul3A_68 = arith.muli %add3A_66, %mul3A_67 : i32
      %dma_wait3A_69 = tpu.memref_slice %arg7[%mul3A_68] : memref<10000xi32, #tpu.memory_space<vmem>> -> memref<40xi32, #tpu.memory_space<vmem>>
      %dma_wait3A_70 = arith.constant 0 : i32
      %dma_wait3A_71 = arith.constant 0 : i32
      %dma_wait3A_72 = tpu.memref_slice %arg2[%dma_wait3A_70, %dma_wait3A_71] : memref<10240x128xf32, #tpu.memory_space<hbm>> -> memref<10240x128xf32, #tpu.memory_space<hbm>>
      tpu.wait_indirect_dma semaphore(%arg19 : memref<!tpu.dma_semaphore, #tpu.memory_space<semaphore_mem>>) src(%dma_wait3A_72 : memref<10240x128xf32, #tpu.memory_space<hbm>>) dst(%arg13 : memref<40x128xf32, #tpu.memory_space<vmem>>)
      %mul3A_73 = arith.constant 40 : i32
      %mul3A_74 = arith.muli %add3A_66, %mul3A_73 : i32
      %add3A_75 = arith.addi %add3A, %mul3A_74 : i32
      %dma_wait3A_76 = tpu.memref_slice %arg5[%add3A_75] : memref<320000xi32, #tpu.memory_space<hbm>> -> memref<40xi32, #tpu.memory_space<hbm>>
      %dma_wait3A_77 = tpu.memref_slice %arg5[%add3A_75] : memref<320000xi32, #tpu.memory_space<hbm>> -> memref<40xi32, #tpu.memory_space<hbm>>
      tpu.wait_dma2 semaphore(%arg29 : memref<!tpu.dma_semaphore, #tpu.memory_space<semaphore_mem>>) src(%dma_wait3A_77 : memref<40xi32, #tpu.memory_space<hbm>>) dst(%arg8 : memref<40xi32, #tpu.memory_space<vmem>>)
      %dma_start3A_78 = arith.constant 0 : i32
      %dma_start3A_79 = arith.constant 0 : i32
      %dma_start3A_80 = tpu.memref_slice %arg18[%dma_start3A_78, %dma_start3A_79] : memref<10240x128xf32, #tpu.memory_space<vmem_shared>> -> memref<10240x128xf32, #tpu.memory_space<vmem_shared>>
      tpu.enqueue_indirect_dma source(%arg13 : memref<40x128xf32, #tpu.memory_space<vmem>>) target(%dma_start3A_80 : memref<10240x128xf32, #tpu.memory_space<vmem_shared>>) offsets(%arg8 : memref<40xi32, #tpu.memory_space<vmem>>) semaphore(%arg24 : memref<!tpu.dma_semaphore, #tpu.memory_space<semaphore_mem>>) {add = true}
      %gt3A = arith.constant 0 : i32
      %gt3A_81 = arith.cmpi sgt, %scan3A_62, %gt3A : i32
      %convert_element_type3A_82 = arith.extui %gt3A_81 : i1 to i32
      %cond3A_83 = arith.constant 0 : i32
      %cond3A_84 = arith.cmpi ne, %convert_element_type3A_82, %cond3A_83 : i32
      scf.if %cond3A_84 {
        %dma_wait3A_204 = arith.constant 0 : i32
        %dma_wait3A_205 = arith.constant 0 : i32
        %dma_wait3A_206 = tpu.memref_slice %arg18[%dma_wait3A_204, %dma_wait3A_205] : memref<10240x128xf32, #tpu.memory_space<vmem_shared>> -> memref<10240x128xf32, #tpu.memory_space<vmem_shared>>
        tpu.wait_indirect_dma semaphore(%arg28 : memref<!tpu.dma_semaphore, #tpu.memory_space<semaphore_mem>>) src(%arg17 : memref<40x128xf32, #tpu.memory_space<vmem>>) dst(%dma_wait3A_206 : memref<10240x128xf32, #tpu.memory_space<vmem_shared>>)
      } else {
      }
      %add3A_85 = arith.constant 5 : i32
      %add3A_86 = arith.addi %add3A_66, %add3A_85 : i32
      %sub3A = arith.constant 1 : i32
      %sub3A_87 = arith.subi %add3A_86, %sub3A : i32
      %lt3A = arith.constant 250 : i32
      %lt3A_88 = arith.cmpi slt, %sub3A_87, %lt3A : i32
      %convert_element_type3A_89 = arith.extui %lt3A_88 : i1 to i32
      %cond3A_90 = arith.constant 0 : i32
      %cond3A_91 = arith.cmpi ne, %convert_element_type3A_89, %cond3A_90 : i32
      scf.if %cond3A_91 {
        %add3A_204 = arith.constant 5 : i32
        %add3A_205 = arith.addi %add3A_66, %add3A_204 : i32
        %sub3A_206 = arith.constant 1 : i32
        %sub3A_207 = arith.subi %add3A_205, %sub3A_206 : i32
        %mul3A_208 = arith.constant 40 : i32
        %mul3A_209 = arith.muli %sub3A_207, %mul3A_208 : i32
        %add3A_210 = arith.addi %add3A, %mul3A_209 : i32
        %dma_start3A_211 = tpu.memref_slice %arg5[%add3A_210] : memref<320000xi32, #tpu.memory_space<hbm>> -> memref<40xi32, #tpu.memory_space<hbm>>
        %dma_start3A_212 = tpu.memref_slice %arg5[%add3A_210] : memref<320000xi32, #tpu.memory_space<hbm>> -> memref<40xi32, #tpu.memory_space<hbm>>
        tpu.enqueue_dma source(%dma_start3A_212 : memref<40xi32, #tpu.memory_space<hbm>>) target(%arg12 : memref<40xi32, #tpu.memory_space<vmem>>) target_semaphore(%arg33 : memref<!tpu.dma_semaphore, #tpu.memory_space<semaphore_mem>>)
        %add3A_213 = arith.constant 5 : i32
        %add3A_214 = arith.addi %add3A_66, %add3A_213 : i32
        %sub3A_215 = arith.constant 1 : i32
        %sub3A_216 = arith.subi %add3A_214, %sub3A_215 : i32
        %mul3A_217 = arith.constant 40 : i32
        %mul3A_218 = arith.muli %sub3A_216, %mul3A_217 : i32
        %dma_start3A_219 = tpu.memref_slice %arg7[%mul3A_218] : memref<10000xi32, #tpu.memory_space<vmem>> -> memref<40xi32, #tpu.memory_space<vmem>>
        %dma_start3A_220 = arith.constant 0 : i32
        %dma_start3A_221 = arith.constant 0 : i32
        %dma_start3A_222 = tpu.memref_slice %arg2[%dma_start3A_220, %dma_start3A_221] : memref<10240x128xf32, #tpu.memory_space<hbm>> -> memref<10240x128xf32, #tpu.memory_space<hbm>>
        tpu.enqueue_indirect_dma source(%dma_start3A_222 : memref<10240x128xf32, #tpu.memory_space<hbm>>) target(%arg17 : memref<40x128xf32, #tpu.memory_space<vmem>>) offsets(%dma_start3A_219 : memref<40xi32, #tpu.memory_space<vmem>>) semaphore(%arg23 : memref<!tpu.dma_semaphore, #tpu.memory_space<semaphore_mem>>)
      } else {
      }
      %add3A_92 = arith.constant 1 : i32
      %add3A_93 = arith.addi %mul3A_64, %add3A_92 : i32
      %mul3A_94 = arith.constant 40 : i32
      %mul3A_95 = arith.muli %add3A_93, %mul3A_94 : i32
      %dma_wait3A_96 = tpu.memref_slice %arg7[%mul3A_95] : memref<10000xi32, #tpu.memory_space<vmem>> -> memref<40xi32, #tpu.memory_space<vmem>>
      %dma_wait3A_97 = arith.constant 0 : i32
      %dma_wait3A_98 = arith.constant 0 : i32
      %dma_wait3A_99 = tpu.memref_slice %arg2[%dma_wait3A_97, %dma_wait3A_98] : memref<10240x128xf32, #tpu.memory_space<hbm>> -> memref<10240x128xf32, #tpu.memory_space<hbm>>
      tpu.wait_indirect_dma semaphore(%arg20 : memref<!tpu.dma_semaphore, #tpu.memory_space<semaphore_mem>>) src(%dma_wait3A_99 : memref<10240x128xf32, #tpu.memory_space<hbm>>) dst(%arg14 : memref<40x128xf32, #tpu.memory_space<vmem>>)
      %mul3A_100 = arith.constant 40 : i32
      %mul3A_101 = arith.muli %add3A_93, %mul3A_100 : i32
      %add3A_102 = arith.addi %add3A, %mul3A_101 : i32
      %dma_wait3A_103 = tpu.memref_slice %arg5[%add3A_102] : memref<320000xi32, #tpu.memory_space<hbm>> -> memref<40xi32, #tpu.memory_space<hbm>>
      %dma_wait3A_104 = tpu.memref_slice %arg5[%add3A_102] : memref<320000xi32, #tpu.memory_space<hbm>> -> memref<40xi32, #tpu.memory_space<hbm>>
      tpu.wait_dma2 semaphore(%arg30 : memref<!tpu.dma_semaphore, #tpu.memory_space<semaphore_mem>>) src(%dma_wait3A_104 : memref<40xi32, #tpu.memory_space<hbm>>) dst(%arg9 : memref<40xi32, #tpu.memory_space<vmem>>)
      %dma_start3A_105 = arith.constant 0 : i32
      %dma_start3A_106 = arith.constant 0 : i32
      %dma_start3A_107 = tpu.memref_slice %arg18[%dma_start3A_105, %dma_start3A_106] : memref<10240x128xf32, #tpu.memory_space<vmem_shared>> -> memref<10240x128xf32, #tpu.memory_space<vmem_shared>>
      tpu.enqueue_indirect_dma source(%arg14 : memref<40x128xf32, #tpu.memory_space<vmem>>) target(%dma_start3A_107 : memref<10240x128xf32, #tpu.memory_space<vmem_shared>>) offsets(%arg9 : memref<40xi32, #tpu.memory_space<vmem>>) semaphore(%arg25 : memref<!tpu.dma_semaphore, #tpu.memory_space<semaphore_mem>>) {add = true}
      %dma_wait3A_108 = arith.constant 0 : i32
      %dma_wait3A_109 = arith.constant 0 : i32
      %dma_wait3A_110 = tpu.memref_slice %arg18[%dma_wait3A_108, %dma_wait3A_109] : memref<10240x128xf32, #tpu.memory_space<vmem_shared>> -> memref<10240x128xf32, #tpu.memory_space<vmem_shared>>
      tpu.wait_indirect_dma semaphore(%arg24 : memref<!tpu.dma_semaphore, #tpu.memory_space<semaphore_mem>>) src(%arg13 : memref<40x128xf32, #tpu.memory_space<vmem>>) dst(%dma_wait3A_110 : memref<10240x128xf32, #tpu.memory_space<vmem_shared>>)
      %add3A_111 = arith.constant 5 : i32
      %add3A_112 = arith.addi %add3A_93, %add3A_111 : i32
      %sub3A_113 = arith.constant 1 : i32
      %sub3A_114 = arith.subi %add3A_112, %sub3A_113 : i32
      %lt3A_115 = arith.constant 250 : i32
      %lt3A_116 = arith.cmpi slt, %sub3A_114, %lt3A_115 : i32
      %convert_element_type3A_117 = arith.extui %lt3A_116 : i1 to i32
      %cond3A_118 = arith.constant 0 : i32
      %cond3A_119 = arith.cmpi ne, %convert_element_type3A_117, %cond3A_118 : i32
      scf.if %cond3A_119 {
        %add3A_204 = arith.constant 5 : i32
        %add3A_205 = arith.addi %add3A_93, %add3A_204 : i32
        %sub3A_206 = arith.constant 1 : i32
        %sub3A_207 = arith.subi %add3A_205, %sub3A_206 : i32
        %mul3A_208 = arith.constant 40 : i32
        %mul3A_209 = arith.muli %sub3A_207, %mul3A_208 : i32
        %add3A_210 = arith.addi %add3A, %mul3A_209 : i32
        %dma_start3A_211 = tpu.memref_slice %arg5[%add3A_210] : memref<320000xi32, #tpu.memory_space<hbm>> -> memref<40xi32, #tpu.memory_space<hbm>>
        %dma_start3A_212 = tpu.memref_slice %arg5[%add3A_210] : memref<320000xi32, #tpu.memory_space<hbm>> -> memref<40xi32, #tpu.memory_space<hbm>>
        tpu.enqueue_dma source(%dma_start3A_212 : memref<40xi32, #tpu.memory_space<hbm>>) target(%arg8 : memref<40xi32, #tpu.memory_space<vmem>>) target_semaphore(%arg29 : memref<!tpu.dma_semaphore, #tpu.memory_space<semaphore_mem>>)
        %add3A_213 = arith.constant 5 : i32
        %add3A_214 = arith.addi %add3A_93, %add3A_213 : i32
        %sub3A_215 = arith.constant 1 : i32
        %sub3A_216 = arith.subi %add3A_214, %sub3A_215 : i32
        %mul3A_217 = arith.constant 40 : i32
        %mul3A_218 = arith.muli %sub3A_216, %mul3A_217 : i32
        %dma_start3A_219 = tpu.memref_slice %arg7[%mul3A_218] : memref<10000xi32, #tpu.memory_space<vmem>> -> memref<40xi32, #tpu.memory_space<vmem>>
        %dma_start3A_220 = arith.constant 0 : i32
        %dma_start3A_221 = arith.constant 0 : i32
        %dma_start3A_222 = tpu.memref_slice %arg2[%dma_start3A_220, %dma_start3A_221] : memref<10240x128xf32, #tpu.memory_space<hbm>> -> memref<10240x128xf32, #tpu.memory_space<hbm>>
        tpu.enqueue_indirect_dma source(%dma_start3A_222 : memref<10240x128xf32, #tpu.memory_space<hbm>>) target(%arg13 : memref<40x128xf32, #tpu.memory_space<vmem>>) offsets(%dma_start3A_219 : memref<40xi32, #tpu.memory_space<vmem>>) semaphore(%arg19 : memref<!tpu.dma_semaphore, #tpu.memory_space<semaphore_mem>>)
      } else {
      }
      %add3A_120 = arith.constant 2 : i32
      %add3A_121 = arith.addi %mul3A_64, %add3A_120 : i32
      %mul3A_122 = arith.constant 40 : i32
      %mul3A_123 = arith.muli %add3A_121, %mul3A_122 : i32
      %dma_wait3A_124 = tpu.memref_slice %arg7[%mul3A_123] : memref<10000xi32, #tpu.memory_space<vmem>> -> memref<40xi32, #tpu.memory_space<vmem>>
      %dma_wait3A_125 = arith.constant 0 : i32
      %dma_wait3A_126 = arith.constant 0 : i32
      %dma_wait3A_127 = tpu.memref_slice %arg2[%dma_wait3A_125, %dma_wait3A_126] : memref<10240x128xf32, #tpu.memory_space<hbm>> -> memref<10240x128xf32, #tpu.memory_space<hbm>>
      tpu.wait_indirect_dma semaphore(%arg21 : memref<!tpu.dma_semaphore, #tpu.memory_space<semaphore_mem>>) src(%dma_wait3A_127 : memref<10240x128xf32, #tpu.memory_space<hbm>>) dst(%arg15 : memref<40x128xf32, #tpu.memory_space<vmem>>)
      %mul3A_128 = arith.constant 40 : i32
      %mul3A_129 = arith.muli %add3A_121, %mul3A_128 : i32
      %add3A_130 = arith.addi %add3A, %mul3A_129 : i32
      %dma_wait3A_131 = tpu.memref_slice %arg5[%add3A_130] : memref<320000xi32, #tpu.memory_space<hbm>> -> memref<40xi32, #tpu.memory_space<hbm>>
      %dma_wait3A_132 = tpu.memref_slice %arg5[%add3A_130] : memref<320000xi32, #tpu.memory_space<hbm>> -> memref<40xi32, #tpu.memory_space<hbm>>
      tpu.wait_dma2 semaphore(%arg31 : memref<!tpu.dma_semaphore, #tpu.memory_space<semaphore_mem>>) src(%dma_wait3A_132 : memref<40xi32, #tpu.memory_space<hbm>>) dst(%arg10 : memref<40xi32, #tpu.memory_space<vmem>>)
      %dma_start3A_133 = arith.constant 0 : i32
      %dma_start3A_134 = arith.constant 0 : i32
      %dma_start3A_135 = tpu.memref_slice %arg18[%dma_start3A_133, %dma_start3A_134] : memref<10240x128xf32, #tpu.memory_space<vmem_shared>> -> memref<10240x128xf32, #tpu.memory_space<vmem_shared>>
      tpu.enqueue_indirect_dma source(%arg15 : memref<40x128xf32, #tpu.memory_space<vmem>>) target(%dma_start3A_135 : memref<10240x128xf32, #tpu.memory_space<vmem_shared>>) offsets(%arg10 : memref<40xi32, #tpu.memory_space<vmem>>) semaphore(%arg26 : memref<!tpu.dma_semaphore, #tpu.memory_space<semaphore_mem>>) {add = true}
      %dma_wait3A_136 = arith.constant 0 : i32
      %dma_wait3A_137 = arith.constant 0 : i32
      %dma_wait3A_138 = tpu.memref_slice %arg18[%dma_wait3A_136, %dma_wait3A_137] : memref<10240x128xf32, #tpu.memory_space<vmem_shared>> -> memref<10240x128xf32, #tpu.memory_space<vmem_shared>>
      tpu.wait_indirect_dma semaphore(%arg25 : memref<!tpu.dma_semaphore, #tpu.memory_space<semaphore_mem>>) src(%arg14 : memref<40x128xf32, #tpu.memory_space<vmem>>) dst(%dma_wait3A_138 : memref<10240x128xf32, #tpu.memory_space<vmem_shared>>)
      %add3A_139 = arith.constant 5 : i32
      %add3A_140 = arith.addi %add3A_121, %add3A_139 : i32
      %sub3A_141 = arith.constant 1 : i32
      %sub3A_142 = arith.subi %add3A_140, %sub3A_141 : i32
      %lt3A_143 = arith.constant 250 : i32
      %lt3A_144 = arith.cmpi slt, %sub3A_142, %lt3A_143 : i32
      %convert_element_type3A_145 = arith.extui %lt3A_144 : i1 to i32
      %cond3A_146 = arith.constant 0 : i32
      %cond3A_147 = arith.cmpi ne, %convert_element_type3A_145, %cond3A_146 : i32
      scf.if %cond3A_147 {
        %add3A_204 = arith.constant 5 : i32
        %add3A_205 = arith.addi %add3A_121, %add3A_204 : i32
        %sub3A_206 = arith.constant 1 : i32
        %sub3A_207 = arith.subi %add3A_205, %sub3A_206 : i32
        %mul3A_208 = arith.constant 40 : i32
        %mul3A_209 = arith.muli %sub3A_207, %mul3A_208 : i32
        %add3A_210 = arith.addi %add3A, %mul3A_209 : i32
        %dma_start3A_211 = tpu.memref_slice %arg5[%add3A_210] : memref<320000xi32, #tpu.memory_space<hbm>> -> memref<40xi32, #tpu.memory_space<hbm>>
        %dma_start3A_212 = tpu.memref_slice %arg5[%add3A_210] : memref<320000xi32, #tpu.memory_space<hbm>> -> memref<40xi32, #tpu.memory_space<hbm>>
        tpu.enqueue_dma source(%dma_start3A_212 : memref<40xi32, #tpu.memory_space<hbm>>) target(%arg9 : memref<40xi32, #tpu.memory_space<vmem>>) target_semaphore(%arg30 : memref<!tpu.dma_semaphore, #tpu.memory_space<semaphore_mem>>)
        %add3A_213 = arith.constant 5 : i32
        %add3A_214 = arith.addi %add3A_121, %add3A_213 : i32
        %sub3A_215 = arith.constant 1 : i32
        %sub3A_216 = arith.subi %add3A_214, %sub3A_215 : i32
        %mul3A_217 = arith.constant 40 : i32
        %mul3A_218 = arith.muli %sub3A_216, %mul3A_217 : i32
        %dma_start3A_219 = tpu.memref_slice %arg7[%mul3A_218] : memref<10000xi32, #tpu.memory_space<vmem>> -> memref<40xi32, #tpu.memory_space<vmem>>
        %dma_start3A_220 = arith.constant 0 : i32
        %dma_start3A_221 = arith.constant 0 : i32
        %dma_start3A_222 = tpu.memref_slice %arg2[%dma_start3A_220, %dma_start3A_221] : memref<10240x128xf32, #tpu.memory_space<hbm>> -> memref<10240x128xf32, #tpu.memory_space<hbm>>
        tpu.enqueue_indirect_dma source(%dma_start3A_222 : memref<10240x128xf32, #tpu.memory_space<hbm>>) target(%arg14 : memref<40x128xf32, #tpu.memory_space<vmem>>) offsets(%dma_start3A_219 : memref<40xi32, #tpu.memory_space<vmem>>) semaphore(%arg20 : memref<!tpu.dma_semaphore, #tpu.memory_space<semaphore_mem>>)
      } else {
      }
      %add3A_148 = arith.constant 3 : i32
      %add3A_149 = arith.addi %mul3A_64, %add3A_148 : i32
      %mul3A_150 = arith.constant 40 : i32
      %mul3A_151 = arith.muli %add3A_149, %mul3A_150 : i32
      %dma_wait3A_152 = tpu.memref_slice %arg7[%mul3A_151] : memref<10000xi32, #tpu.memory_space<vmem>> -> memref<40xi32, #tpu.memory_space<vmem>>
      %dma_wait3A_153 = arith.constant 0 : i32
      %dma_wait3A_154 = arith.constant 0 : i32
      %dma_wait3A_155 = tpu.memref_slice %arg2[%dma_wait3A_153, %dma_wait3A_154] : memref<10240x128xf32, #tpu.memory_space<hbm>> -> memref<10240x128xf32, #tpu.memory_space<hbm>>
      tpu.wait_indirect_dma semaphore(%arg22 : memref<!tpu.dma_semaphore, #tpu.memory_space<semaphore_mem>>) src(%dma_wait3A_155 : memref<10240x128xf32, #tpu.memory_space<hbm>>) dst(%arg16 : memref<40x128xf32, #tpu.memory_space<vmem>>)
      %mul3A_156 = arith.constant 40 : i32
      %mul3A_157 = arith.muli %add3A_149, %mul3A_156 : i32
      %add3A_158 = arith.addi %add3A, %mul3A_157 : i32
      %dma_wait3A_159 = tpu.memref_slice %arg5[%add3A_158] : memref<320000xi32, #tpu.memory_space<hbm>> -> memref<40xi32, #tpu.memory_space<hbm>>
      %dma_wait3A_160 = tpu.memref_slice %arg5[%add3A_158] : memref<320000xi32, #tpu.memory_space<hbm>> -> memref<40xi32, #tpu.memory_space<hbm>>
      tpu.wait_dma2 semaphore(%arg32 : memref<!tpu.dma_semaphore, #tpu.memory_space<semaphore_mem>>) src(%dma_wait3A_160 : memref<40xi32, #tpu.memory_space<hbm>>) dst(%arg11 : memref<40xi32, #tpu.memory_space<vmem>>)
      %dma_start3A_161 = arith.constant 0 : i32
      %dma_start3A_162 = arith.constant 0 : i32
      %dma_start3A_163 = tpu.memref_slice %arg18[%dma_start3A_161, %dma_start3A_162] : memref<10240x128xf32, #tpu.memory_space<vmem_shared>> -> memref<10240x128xf32, #tpu.memory_space<vmem_shared>>
      tpu.enqueue_indirect_dma source(%arg16 : memref<40x128xf32, #tpu.memory_space<vmem>>) target(%dma_start3A_163 : memref<10240x128xf32, #tpu.memory_space<vmem_shared>>) offsets(%arg11 : memref<40xi32, #tpu.memory_space<vmem>>) semaphore(%arg27 : memref<!tpu.dma_semaphore, #tpu.memory_space<semaphore_mem>>) {add = true}
      %dma_wait3A_164 = arith.constant 0 : i32
      %dma_wait3A_165 = arith.constant 0 : i32
      %dma_wait3A_166 = tpu.memref_slice %arg18[%dma_wait3A_164, %dma_wait3A_165] : memref<10240x128xf32, #tpu.memory_space<vmem_shared>> -> memref<10240x128xf32, #tpu.memory_space<vmem_shared>>
      tpu.wait_indirect_dma semaphore(%arg26 : memref<!tpu.dma_semaphore, #tpu.memory_space<semaphore_mem>>) src(%arg15 : memref<40x128xf32, #tpu.memory_space<vmem>>) dst(%dma_wait3A_166 : memref<10240x128xf32, #tpu.memory_space<vmem_shared>>)
      %add3A_167 = arith.constant 5 : i32
      %add3A_168 = arith.addi %add3A_149, %add3A_167 : i32
      %sub3A_169 = arith.constant 1 : i32
      %sub3A_170 = arith.subi %add3A_168, %sub3A_169 : i32
      %lt3A_171 = arith.constant 250 : i32
      %lt3A_172 = arith.cmpi slt, %sub3A_170, %lt3A_171 : i32
      %convert_element_type3A_173 = arith.extui %lt3A_172 : i1 to i32
      %cond3A_174 = arith.constant 0 : i32
      %cond3A_175 = arith.cmpi ne, %convert_element_type3A_173, %cond3A_174 : i32
      scf.if %cond3A_175 {
        %add3A_204 = arith.constant 5 : i32
        %add3A_205 = arith.addi %add3A_149, %add3A_204 : i32
        %sub3A_206 = arith.constant 1 : i32
        %sub3A_207 = arith.subi %add3A_205, %sub3A_206 : i32
        %mul3A_208 = arith.constant 40 : i32
        %mul3A_209 = arith.muli %sub3A_207, %mul3A_208 : i32
        %add3A_210 = arith.addi %add3A, %mul3A_209 : i32
        %dma_start3A_211 = tpu.memref_slice %arg5[%add3A_210] : memref<320000xi32, #tpu.memory_space<hbm>> -> memref<40xi32, #tpu.memory_space<hbm>>
        %dma_start3A_212 = tpu.memref_slice %arg5[%add3A_210] : memref<320000xi32, #tpu.memory_space<hbm>> -> memref<40xi32, #tpu.memory_space<hbm>>
        tpu.enqueue_dma source(%dma_start3A_212 : memref<40xi32, #tpu.memory_space<hbm>>) target(%arg10 : memref<40xi32, #tpu.memory_space<vmem>>) target_semaphore(%arg31 : memref<!tpu.dma_semaphore, #tpu.memory_space<semaphore_mem>>)
        %add3A_213 = arith.constant 5 : i32
        %add3A_214 = arith.addi %add3A_149, %add3A_213 : i32
        %sub3A_215 = arith.constant 1 : i32
        %sub3A_216 = arith.subi %add3A_214, %sub3A_215 : i32
        %mul3A_217 = arith.constant 40 : i32
        %mul3A_218 = arith.muli %sub3A_216, %mul3A_217 : i32
        %dma_start3A_219 = tpu.memref_slice %arg7[%mul3A_218] : memref<10000xi32, #tpu.memory_space<vmem>> -> memref<40xi32, #tpu.memory_space<vmem>>
        %dma_start3A_220 = arith.constant 0 : i32
        %dma_start3A_221 = arith.constant 0 : i32
        %dma_start3A_222 = tpu.memref_slice %arg2[%dma_start3A_220, %dma_start3A_221] : memref<10240x128xf32, #tpu.memory_space<hbm>> -> memref<10240x128xf32, #tpu.memory_space<hbm>>
        tpu.enqueue_indirect_dma source(%dma_start3A_222 : memref<10240x128xf32, #tpu.memory_space<hbm>>) target(%arg15 : memref<40x128xf32, #tpu.memory_space<vmem>>) offsets(%dma_start3A_219 : memref<40xi32, #tpu.memory_space<vmem>>) semaphore(%arg21 : memref<!tpu.dma_semaphore, #tpu.memory_space<semaphore_mem>>)
      } else {
      }
      %add3A_176 = arith.constant 4 : i32
      %add3A_177 = arith.addi %mul3A_64, %add3A_176 : i32
      %mul3A_178 = arith.constant 40 : i32
      %mul3A_179 = arith.muli %add3A_177, %mul3A_178 : i32
      %dma_wait3A_180 = tpu.memref_slice %arg7[%mul3A_179] : memref<10000xi32, #tpu.memory_space<vmem>> -> memref<40xi32, #tpu.memory_space<vmem>>
      %dma_wait3A_181 = arith.constant 0 : i32
      %dma_wait3A_182 = arith.constant 0 : i32
      %dma_wait3A_183 = tpu.memref_slice %arg2[%dma_wait3A_181, %dma_wait3A_182] : memref<10240x128xf32, #tpu.memory_space<hbm>> -> memref<10240x128xf32, #tpu.memory_space<hbm>>
      tpu.wait_indirect_dma semaphore(%arg23 : memref<!tpu.dma_semaphore, #tpu.memory_space<semaphore_mem>>) src(%dma_wait3A_183 : memref<10240x128xf32, #tpu.memory_space<hbm>>) dst(%arg17 : memref<40x128xf32, #tpu.memory_space<vmem>>)
      %mul3A_184 = arith.constant 40 : i32
      %mul3A_185 = arith.muli %add3A_177, %mul3A_184 : i32
      %add3A_186 = arith.addi %add3A, %mul3A_185 : i32
      %dma_wait3A_187 = tpu.memref_slice %arg5[%add3A_186] : memref<320000xi32, #tpu.memory_space<hbm>> -> memref<40xi32, #tpu.memory_space<hbm>>
      %dma_wait3A_188 = tpu.memref_slice %arg5[%add3A_186] : memref<320000xi32, #tpu.memory_space<hbm>> -> memref<40xi32, #tpu.memory_space<hbm>>
      tpu.wait_dma2 semaphore(%arg33 : memref<!tpu.dma_semaphore, #tpu.memory_space<semaphore_mem>>) src(%dma_wait3A_188 : memref<40xi32, #tpu.memory_space<hbm>>) dst(%arg12 : memref<40xi32, #tpu.memory_space<vmem>>)
      %dma_start3A_189 = arith.constant 0 : i32
      %dma_start3A_190 = arith.constant 0 : i32
      %dma_start3A_191 = tpu.memref_slice %arg18[%dma_start3A_189, %dma_start3A_190] : memref<10240x128xf32, #tpu.memory_space<vmem_shared>> -> memref<10240x128xf32, #tpu.memory_space<vmem_shared>>
      tpu.enqueue_indirect_dma source(%arg17 : memref<40x128xf32, #tpu.memory_space<vmem>>) target(%dma_start3A_191 : memref<10240x128xf32, #tpu.memory_space<vmem_shared>>) offsets(%arg12 : memref<40xi32, #tpu.memory_space<vmem>>) semaphore(%arg28 : memref<!tpu.dma_semaphore, #tpu.memory_space<semaphore_mem>>) {add = true}
      %dma_wait3A_192 = arith.constant 0 : i32
      %dma_wait3A_193 = arith.constant 0 : i32
      %dma_wait3A_194 = tpu.memref_slice %arg18[%dma_wait3A_192, %dma_wait3A_193] : memref<10240x128xf32, #tpu.memory_space<vmem_shared>> -> memref<10240x128xf32, #tpu.memory_space<vmem_shared>>
      tpu.wait_indirect_dma semaphore(%arg27 : memref<!tpu.dma_semaphore, #tpu.memory_space<semaphore_mem>>) src(%arg16 : memref<40x128xf32, #tpu.memory_space<vmem>>) dst(%dma_wait3A_194 : memref<10240x128xf32, #tpu.memory_space<vmem_shared>>)
      %add3A_195 = arith.constant 5 : i32
      %add3A_196 = arith.addi %add3A_177, %add3A_195 : i32
      %sub3A_197 = arith.constant 1 : i32
      %sub3A_198 = arith.subi %add3A_196, %sub3A_197 : i32
      %lt3A_199 = arith.constant 250 : i32
      %lt3A_200 = arith.cmpi slt, %sub3A_198, %lt3A_199 : i32
      %convert_element_type3A_201 = arith.extui %lt3A_200 : i1 to i32
      %cond3A_202 = arith.constant 0 : i32
      %cond3A_203 = arith.cmpi ne, %convert_element_type3A_201, %cond3A_202 : i32
      scf.if %cond3A_203 {
        %add3A_204 = arith.constant 5 : i32
        %add3A_205 = arith.addi %add3A_177, %add3A_204 : i32
        %sub3A_206 = arith.constant 1 : i32
        %sub3A_207 = arith.subi %add3A_205, %sub3A_206 : i32
        %mul3A_208 = arith.constant 40 : i32
        %mul3A_209 = arith.muli %sub3A_207, %mul3A_208 : i32
        %add3A_210 = arith.addi %add3A, %mul3A_209 : i32
        %dma_start3A_211 = tpu.memref_slice %arg5[%add3A_210] : memref<320000xi32, #tpu.memory_space<hbm>> -> memref<40xi32, #tpu.memory_space<hbm>>
        %dma_start3A_212 = tpu.memref_slice %arg5[%add3A_210] : memref<320000xi32, #tpu.memory_space<hbm>> -> memref<40xi32, #tpu.memory_space<hbm>>
        tpu.enqueue_dma source(%dma_start3A_212 : memref<40xi32, #tpu.memory_space<hbm>>) target(%arg11 : memref<40xi32, #tpu.memory_space<vmem>>) target_semaphore(%arg32 : memref<!tpu.dma_semaphore, #tpu.memory_space<semaphore_mem>>)
        %add3A_213 = arith.constant 5 : i32
        %add3A_214 = arith.addi %add3A_177, %add3A_213 : i32
        %sub3A_215 = arith.constant 1 : i32
        %sub3A_216 = arith.subi %add3A_214, %sub3A_215 : i32
        %mul3A_217 = arith.constant 40 : i32
        %mul3A_218 = arith.muli %sub3A_216, %mul3A_217 : i32
        %dma_start3A_219 = tpu.memref_slice %arg7[%mul3A_218] : memref<10000xi32, #tpu.memory_space<vmem>> -> memref<40xi32, #tpu.memory_space<vmem>>
        %dma_start3A_220 = arith.constant 0 : i32
        %dma_start3A_221 = arith.constant 0 : i32
        %dma_start3A_222 = tpu.memref_slice %arg2[%dma_start3A_220, %dma_start3A_221] : memref<10240x128xf32, #tpu.memory_space<hbm>> -> memref<10240x128xf32, #tpu.memory_space<hbm>>
        tpu.enqueue_indirect_dma source(%dma_start3A_222 : memref<10240x128xf32, #tpu.memory_space<hbm>>) target(%arg16 : memref<40x128xf32, #tpu.memory_space<vmem>>) offsets(%dma_start3A_219 : memref<40xi32, #tpu.memory_space<vmem>>) semaphore(%arg22 : memref<!tpu.dma_semaphore, #tpu.memory_space<semaphore_mem>>)
      } else {
      }
    }
    %scan3A_54 = arith.constant 50 : i32
    %dma_wait3A_55 = arith.constant 0 : i32
    %dma_wait3A_56 = arith.constant 0 : i32
    %dma_wait3A_57 = tpu.memref_slice %arg18[%dma_wait3A_55, %dma_wait3A_56] : memref<10240x128xf32, #tpu.memory_space<vmem_shared>> -> memref<10240x128xf32, #tpu.memory_space<vmem_shared>>
    tpu.wait_indirect_dma semaphore(%arg28 : memref<!tpu.dma_semaphore, #tpu.memory_space<semaphore_mem>>) src(%arg17 : memref<40x128xf32, #tpu.memory_space<vmem>>) dst(%dma_wait3A_57 : memref<10240x128xf32, #tpu.memory_space<vmem_shared>>)
    %barrier3A_58 = arith.constant 0 : index
    tpu.barrier barrier_id(%barrier3A_58)
    %mul3A_59 = arith.constant 10240 : i32
    %mul3A_60 = arith.muli %arg0, %mul3A_59 : i32
    %add3A_61 = arith.addi %mul3A_60, %mul3A_0 : i32
    "tpu.region"() ({
      %run_scoped3A = tpu.sem_alloc : memref<!tpu.dma_semaphore, #tpu.memory_space<semaphore_mem>>
      %dma_start3A_62 = arith.constant 0 : i32
      %dma_start3A_63 = tpu.memref_slice %arg6[%add3A_61, %dma_start3A_62] : memref<20480x128xf32, #tpu.memory_space<hbm>> -> memref<640x128xf32, #tpu.memory_space<hbm>>
      %dma_start3A_64 = arith.constant 0 : i32
      %dma_start3A_65 = tpu.memref_slice %arg18[%mul3A_0, %dma_start3A_64] : memref<10240x128xf32, #tpu.memory_space<vmem_shared>> -> memref<640x128xf32, #tpu.memory_space<vmem_shared>>
      tpu.enqueue_dma source(%dma_start3A_65 : memref<640x128xf32, #tpu.memory_space<vmem_shared>>) target(%dma_start3A_63 : memref<640x128xf32, #tpu.memory_space<hbm>>) target_semaphore(%run_scoped3A : memref<!tpu.dma_semaphore, #tpu.memory_space<semaphore_mem>>)
      %dma_wait3A_66 = arith.constant 0 : i32
      %dma_wait3A_67 = tpu.memref_slice %arg6[%add3A_61, %dma_wait3A_66] : memref<20480x128xf32, #tpu.memory_space<hbm>> -> memref<640x128xf32, #tpu.memory_space<hbm>>
      %dma_wait3A_68 = arith.constant 0 : i32
      %dma_wait3A_69 = tpu.memref_slice %arg18[%mul3A_0, %dma_wait3A_68] : memref<10240x128xf32, #tpu.memory_space<vmem_shared>> -> memref<640x128xf32, #tpu.memory_space<vmem_shared>>
      tpu.wait_dma2 semaphore(%run_scoped3A : memref<!tpu.dma_semaphore, #tpu.memory_space<semaphore_mem>>) src(%dma_wait3A_69 : memref<640x128xf32, #tpu.memory_space<vmem_shared>>) dst(%dma_wait3A_67 : memref<640x128xf32, #tpu.memory_space<hbm>>)
      tpu.yield
    }) : () -> ()
    return
  }
}

#map = affine_map<(d0, d1) -> (0, 0)>
#map1 = affine_map<(d0, d1) -> (0)>
module attributes {stable_mosaic.version = 14 : i64} {
  func.func @agg_kernel(%arg0: i32, %arg1: i32, %arg2: memref<20480x128xf32, #tpu.memory_space<hbm>>, %arg3: memref<640000xi32, #tpu.memory_space<hbm>>, %arg4: memref<320000xi32, #tpu.memory_space<hbm>>, %arg5: memref<20480x128xf32, #tpu.memory_space<hbm>>, %arg6: memref<20000xi32, #tpu.memory_space<vmem>>, %arg7: memref<40xi32, #tpu.memory_space<vmem>>, %arg8: memref<40xi32, #tpu.memory_space<vmem>>, %arg9: memref<40xi32, #tpu.memory_space<vmem>>, %arg10: memref<40xi32, #tpu.memory_space<vmem>>, %arg11: memref<40xi32, #tpu.memory_space<vmem>>, %arg12: memref<40x128xf32, #tpu.memory_space<vmem>>, %arg13: memref<40x128xf32, #tpu.memory_space<vmem>>, %arg14: memref<40x128xf32, #tpu.memory_space<vmem>>, %arg15: memref<40x128xf32, #tpu.memory_space<vmem>>, %arg16: memref<40x128xf32, #tpu.memory_space<vmem>>, %arg17: memref<10240x128xf32, #tpu.memory_space<vmem_shared>>, %arg18: memref<!tpu.dma_semaphore, #tpu.memory_space<semaphore_mem>>, %arg19: memref<!tpu.dma_semaphore, #tpu.memory_space<semaphore_mem>>, %arg20: memref<!tpu.dma_semaphore, #tpu.memory_space<semaphore_mem>>, %arg21: memref<!tpu.dma_semaphore, #tpu.memory_space<semaphore_mem>>, %arg22: memref<!tpu.dma_semaphore, #tpu.memory_space<semaphore_mem>>, %arg23: memref<!tpu.dma_semaphore, #tpu.memory_space<semaphore_mem>>, %arg24: memref<!tpu.dma_semaphore, #tpu.memory_space<semaphore_mem>>, %arg25: memref<!tpu.dma_semaphore, #tpu.memory_space<semaphore_mem>>, %arg26: memref<!tpu.dma_semaphore, #tpu.memory_space<semaphore_mem>>, %arg27: memref<!tpu.dma_semaphore, #tpu.memory_space<semaphore_mem>>, %arg28: memref<!tpu.dma_semaphore, #tpu.memory_space<semaphore_mem>>, %arg29: memref<!tpu.dma_semaphore, #tpu.memory_space<semaphore_mem>>, %arg30: memref<!tpu.dma_semaphore, #tpu.memory_space<semaphore_mem>>, %arg31: memref<!tpu.dma_semaphore, #tpu.memory_space<semaphore_mem>>, %arg32: memref<!tpu.dma_semaphore, #tpu.memory_space<semaphore_mem>>, %arg33: memref<!tpu.dma_semaphore, #tpu.memory_space<semaphore_mem>>) attributes {dimension_semantics = [#tpu.dimension_semantics<core_parallel>, #tpu.dimension_semantics<subcore_parallel>], iteration_bounds = array<i64: 2, 16>, scalar_prefetch = 0 : i64, scratch_operands = 28 : i64, tpu.core_type = #tpu.core_type<sc_vector_subcore>, window_params = [{transform_indices = #map}, {transform_indices = #map1}, {transform_indices = #map1}, {transform_indices = #map}]} {
    %mul3A = arith.constant 640 : i32
    %mul3A_0 = arith.muli %arg1, %mul3A : i32
    %mul3A_1 = arith.constant 10240 : i32
    %mul3A_2 = arith.muli %arg0, %mul3A_1 : i32
    %add3A = arith.addi %mul3A_2, %mul3A_0 : i32
    %dma_start3A = arith.constant 0 : i32
    %dma_start3A_3 = tpu.memref_slice %arg17[%mul3A_0, %dma_start3A] : memref<10240x128xf32, #tpu.memory_space<vmem_shared>> -> memref<640x128xf32, #tpu.memory_space<vmem_shared>>
    %dma_start3A_4 = arith.constant 0 : i32
    %dma_start3A_5 = tpu.memref_slice %arg2[%add3A, %dma_start3A_4] : memref<20480x128xf32, #tpu.memory_space<hbm>> -> memref<640x128xf32, #tpu.memory_space<hbm>>
    tpu.enqueue_dma source(%dma_start3A_5 : memref<640x128xf32, #tpu.memory_space<hbm>>) target(%dma_start3A_3 : memref<640x128xf32, #tpu.memory_space<vmem_shared>>) target_semaphore(%arg33 : memref<!tpu.dma_semaphore, #tpu.memory_space<semaphore_mem>>)
    %mul3A_6 = arith.constant 320000 : i32
    %mul3A_7 = arith.muli %arg0, %mul3A_6 : i32
    %mul3A_8 = arith.constant 20000 : i32
    %mul3A_9 = arith.muli %arg1, %mul3A_8 : i32
    %add3A_10 = arith.addi %mul3A_7, %mul3A_9 : i32
    %mul3A_11 = arith.constant 20000 : i32
    %mul3A_12 = arith.muli %arg1, %mul3A_11 : i32
    "tpu.region"() ({
      %run_scoped3A = tpu.sem_alloc : memref<!tpu.dma_semaphore, #tpu.memory_space<semaphore_mem>>
      %dma_start3A_67 = tpu.memref_slice %arg3[%add3A_10] : memref<640000xi32, #tpu.memory_space<hbm>> -> memref<20000xi32, #tpu.memory_space<hbm>>
      %dma_start3A_68 = tpu.memref_slice %arg3[%add3A_10] : memref<640000xi32, #tpu.memory_space<hbm>> -> memref<20000xi32, #tpu.memory_space<hbm>>
      tpu.enqueue_dma source(%dma_start3A_68 : memref<20000xi32, #tpu.memory_space<hbm>>) target(%arg6 : memref<20000xi32, #tpu.memory_space<vmem>>) target_semaphore(%run_scoped3A : memref<!tpu.dma_semaphore, #tpu.memory_space<semaphore_mem>>)
      %dma_wait3A_69 = tpu.memref_slice %arg3[%add3A_10] : memref<640000xi32, #tpu.memory_space<hbm>> -> memref<20000xi32, #tpu.memory_space<hbm>>
      %dma_wait3A_70 = tpu.memref_slice %arg3[%add3A_10] : memref<640000xi32, #tpu.memory_space<hbm>> -> memref<20000xi32, #tpu.memory_space<hbm>>
      tpu.wait_dma2 semaphore(%run_scoped3A : memref<!tpu.dma_semaphore, #tpu.memory_space<semaphore_mem>>) src(%dma_wait3A_70 : memref<20000xi32, #tpu.memory_space<hbm>>) dst(%arg6 : memref<20000xi32, #tpu.memory_space<vmem>>)
      tpu.yield
    }) : () -> ()
    %add3A_13 = arith.constant 0 : i32
    %add3A_14 = arith.addi %mul3A_12, %add3A_13 : i32
    %dma_start3A_15 = tpu.memref_slice %arg4[%add3A_14] : memref<320000xi32, #tpu.memory_space<hbm>> -> memref<40xi32, #tpu.memory_space<hbm>>
    %dma_start3A_16 = tpu.memref_slice %arg4[%add3A_14] : memref<320000xi32, #tpu.memory_space<hbm>> -> memref<40xi32, #tpu.memory_space<hbm>>
    tpu.enqueue_dma source(%dma_start3A_16 : memref<40xi32, #tpu.memory_space<hbm>>) target(%arg7 : memref<40xi32, #tpu.memory_space<vmem>>) target_semaphore(%arg28 : memref<!tpu.dma_semaphore, #tpu.memory_space<semaphore_mem>>)
    %dma_start3A_17 = arith.constant 0 : i32
    %dma_start3A_18 = tpu.memref_slice %arg6[%dma_start3A_17] : memref<20000xi32, #tpu.memory_space<vmem>> -> memref<40xi32, #tpu.memory_space<vmem>>
    %dma_start3A_19 = arith.constant 0 : i32
    %dma_start3A_20 = arith.constant 0 : i32
    %dma_start3A_21 = tpu.memref_slice %arg2[%dma_start3A_19, %dma_start3A_20] : memref<20480x128xf32, #tpu.memory_space<hbm>> -> memref<20480x128xf32, #tpu.memory_space<hbm>>
    tpu.enqueue_indirect_dma source(%dma_start3A_21 : memref<20480x128xf32, #tpu.memory_space<hbm>>) target(%arg12 : memref<40x128xf32, #tpu.memory_space<vmem>>) offsets(%dma_start3A_18 : memref<40xi32, #tpu.memory_space<vmem>>) semaphore(%arg18 : memref<!tpu.dma_semaphore, #tpu.memory_space<semaphore_mem>>)
    %add3A_22 = arith.constant 40 : i32
    %add3A_23 = arith.addi %mul3A_12, %add3A_22 : i32
    %dma_start3A_24 = tpu.memref_slice %arg4[%add3A_23] : memref<320000xi32, #tpu.memory_space<hbm>> -> memref<40xi32, #tpu.memory_space<hbm>>
    %dma_start3A_25 = tpu.memref_slice %arg4[%add3A_23] : memref<320000xi32, #tpu.memory_space<hbm>> -> memref<40xi32, #tpu.memory_space<hbm>>
    tpu.enqueue_dma source(%dma_start3A_25 : memref<40xi32, #tpu.memory_space<hbm>>) target(%arg8 : memref<40xi32, #tpu.memory_space<vmem>>) target_semaphore(%arg29 : memref<!tpu.dma_semaphore, #tpu.memory_space<semaphore_mem>>)
    %dma_start3A_26 = arith.constant 40 : i32
    %dma_start3A_27 = tpu.memref_slice %arg6[%dma_start3A_26] : memref<20000xi32, #tpu.memory_space<vmem>> -> memref<40xi32, #tpu.memory_space<vmem>>
    %dma_start3A_28 = arith.constant 0 : i32
    %dma_start3A_29 = arith.constant 0 : i32
    %dma_start3A_30 = tpu.memref_slice %arg2[%dma_start3A_28, %dma_start3A_29] : memref<20480x128xf32, #tpu.memory_space<hbm>> -> memref<20480x128xf32, #tpu.memory_space<hbm>>
    tpu.enqueue_indirect_dma source(%dma_start3A_30 : memref<20480x128xf32, #tpu.memory_space<hbm>>) target(%arg13 : memref<40x128xf32, #tpu.memory_space<vmem>>) offsets(%dma_start3A_27 : memref<40xi32, #tpu.memory_space<vmem>>) semaphore(%arg19 : memref<!tpu.dma_semaphore, #tpu.memory_space<semaphore_mem>>)
    %add3A_31 = arith.constant 80 : i32
    %add3A_32 = arith.addi %mul3A_12, %add3A_31 : i32
    %dma_start3A_33 = tpu.memref_slice %arg4[%add3A_32] : memref<320000xi32, #tpu.memory_space<hbm>> -> memref<40xi32, #tpu.memory_space<hbm>>
    %dma_start3A_34 = tpu.memref_slice %arg4[%add3A_32] : memref<320000xi32, #tpu.memory_space<hbm>> -> memref<40xi32, #tpu.memory_space<hbm>>
    tpu.enqueue_dma source(%dma_start3A_34 : memref<40xi32, #tpu.memory_space<hbm>>) target(%arg9 : memref<40xi32, #tpu.memory_space<vmem>>) target_semaphore(%arg30 : memref<!tpu.dma_semaphore, #tpu.memory_space<semaphore_mem>>)
    %dma_start3A_35 = arith.constant 80 : i32
    %dma_start3A_36 = tpu.memref_slice %arg6[%dma_start3A_35] : memref<20000xi32, #tpu.memory_space<vmem>> -> memref<40xi32, #tpu.memory_space<vmem>>
    %dma_start3A_37 = arith.constant 0 : i32
    %dma_start3A_38 = arith.constant 0 : i32
    %dma_start3A_39 = tpu.memref_slice %arg2[%dma_start3A_37, %dma_start3A_38] : memref<20480x128xf32, #tpu.memory_space<hbm>> -> memref<20480x128xf32, #tpu.memory_space<hbm>>
    tpu.enqueue_indirect_dma source(%dma_start3A_39 : memref<20480x128xf32, #tpu.memory_space<hbm>>) target(%arg14 : memref<40x128xf32, #tpu.memory_space<vmem>>) offsets(%dma_start3A_36 : memref<40xi32, #tpu.memory_space<vmem>>) semaphore(%arg20 : memref<!tpu.dma_semaphore, #tpu.memory_space<semaphore_mem>>)
    %add3A_40 = arith.constant 120 : i32
    %add3A_41 = arith.addi %mul3A_12, %add3A_40 : i32
    %dma_start3A_42 = tpu.memref_slice %arg4[%add3A_41] : memref<320000xi32, #tpu.memory_space<hbm>> -> memref<40xi32, #tpu.memory_space<hbm>>
    %dma_start3A_43 = tpu.memref_slice %arg4[%add3A_41] : memref<320000xi32, #tpu.memory_space<hbm>> -> memref<40xi32, #tpu.memory_space<hbm>>
    tpu.enqueue_dma source(%dma_start3A_43 : memref<40xi32, #tpu.memory_space<hbm>>) target(%arg10 : memref<40xi32, #tpu.memory_space<vmem>>) target_semaphore(%arg31 : memref<!tpu.dma_semaphore, #tpu.memory_space<semaphore_mem>>)
    %dma_start3A_44 = arith.constant 120 : i32
    %dma_start3A_45 = tpu.memref_slice %arg6[%dma_start3A_44] : memref<20000xi32, #tpu.memory_space<vmem>> -> memref<40xi32, #tpu.memory_space<vmem>>
    %dma_start3A_46 = arith.constant 0 : i32
    %dma_start3A_47 = arith.constant 0 : i32
    %dma_start3A_48 = tpu.memref_slice %arg2[%dma_start3A_46, %dma_start3A_47] : memref<20480x128xf32, #tpu.memory_space<hbm>> -> memref<20480x128xf32, #tpu.memory_space<hbm>>
    tpu.enqueue_indirect_dma source(%dma_start3A_48 : memref<20480x128xf32, #tpu.memory_space<hbm>>) target(%arg15 : memref<40x128xf32, #tpu.memory_space<vmem>>) offsets(%dma_start3A_45 : memref<40xi32, #tpu.memory_space<vmem>>) semaphore(%arg21 : memref<!tpu.dma_semaphore, #tpu.memory_space<semaphore_mem>>)
    %mul3A_49 = arith.constant 10240 : i32
    %mul3A_50 = arith.muli %arg0, %mul3A_49 : i32
    %add3A_51 = arith.addi %mul3A_50, %mul3A_0 : i32
    %dma_wait3A = arith.constant 0 : i32
    %dma_wait3A_52 = tpu.memref_slice %arg17[%mul3A_0, %dma_wait3A] : memref<10240x128xf32, #tpu.memory_space<vmem_shared>> -> memref<640x128xf32, #tpu.memory_space<vmem_shared>>
    %dma_wait3A_53 = arith.constant 0 : i32
    %dma_wait3A_54 = tpu.memref_slice %arg2[%add3A_51, %dma_wait3A_53] : memref<20480x128xf32, #tpu.memory_space<hbm>> -> memref<640x128xf32, #tpu.memory_space<hbm>>
    tpu.wait_dma2 semaphore(%arg33 : memref<!tpu.dma_semaphore, #tpu.memory_space<semaphore_mem>>) src(%dma_wait3A_54 : memref<640x128xf32, #tpu.memory_space<hbm>>) dst(%dma_wait3A_52 : memref<640x128xf32, #tpu.memory_space<vmem_shared>>)
    %barrier3A = arith.constant 0 : index
    tpu.barrier barrier_id(%barrier3A)
    %scan3A = arith.constant 0 : i32
    %scan3A_55 = arith.constant 0 : i32
    %scan3A_56 = arith.constant 100 : i32
    %scan3A_57 = arith.addi %scan3A_55, %scan3A_56 : i32
    %scan3A_58 = arith.constant 1 : i32
    scf.for %scan3A_67 = %scan3A_55 to %scan3A_57 step %scan3A_58  : i32 {
      %mul3A_68 = arith.constant 5 : i32
      %mul3A_69 = arith.muli %scan3A_67, %mul3A_68 : i32
      %add3A_70 = arith.constant 0 : i32
      %add3A_71 = arith.addi %mul3A_69, %add3A_70 : i32
      %mul3A_72 = arith.constant 40 : i32
      %mul3A_73 = arith.muli %add3A_71, %mul3A_72 : i32
      %dma_wait3A_74 = tpu.memref_slice %arg6[%mul3A_73] : memref<20000xi32, #tpu.memory_space<vmem>> -> memref<40xi32, #tpu.memory_space<vmem>>
      %dma_wait3A_75 = arith.constant 0 : i32
      %dma_wait3A_76 = arith.constant 0 : i32
      %dma_wait3A_77 = tpu.memref_slice %arg2[%dma_wait3A_75, %dma_wait3A_76] : memref<20480x128xf32, #tpu.memory_space<hbm>> -> memref<20480x128xf32, #tpu.memory_space<hbm>>
      tpu.wait_indirect_dma semaphore(%arg18 : memref<!tpu.dma_semaphore, #tpu.memory_space<semaphore_mem>>) src(%dma_wait3A_77 : memref<20480x128xf32, #tpu.memory_space<hbm>>) dst(%arg12 : memref<40x128xf32, #tpu.memory_space<vmem>>)
      %mul3A_78 = arith.constant 40 : i32
      %mul3A_79 = arith.muli %add3A_71, %mul3A_78 : i32
      %add3A_80 = arith.addi %mul3A_12, %mul3A_79 : i32
      %dma_wait3A_81 = tpu.memref_slice %arg4[%add3A_80] : memref<320000xi32, #tpu.memory_space<hbm>> -> memref<40xi32, #tpu.memory_space<hbm>>
      %dma_wait3A_82 = tpu.memref_slice %arg4[%add3A_80] : memref<320000xi32, #tpu.memory_space<hbm>> -> memref<40xi32, #tpu.memory_space<hbm>>
      tpu.wait_dma2 semaphore(%arg28 : memref<!tpu.dma_semaphore, #tpu.memory_space<semaphore_mem>>) src(%dma_wait3A_82 : memref<40xi32, #tpu.memory_space<hbm>>) dst(%arg7 : memref<40xi32, #tpu.memory_space<vmem>>)
      %dma_start3A_83 = arith.constant 0 : i32
      %dma_start3A_84 = arith.constant 0 : i32
      %dma_start3A_85 = tpu.memref_slice %arg17[%dma_start3A_83, %dma_start3A_84] : memref<10240x128xf32, #tpu.memory_space<vmem_shared>> -> memref<10240x128xf32, #tpu.memory_space<vmem_shared>>
      tpu.enqueue_indirect_dma source(%arg12 : memref<40x128xf32, #tpu.memory_space<vmem>>) target(%dma_start3A_85 : memref<10240x128xf32, #tpu.memory_space<vmem_shared>>) offsets(%arg7 : memref<40xi32, #tpu.memory_space<vmem>>) semaphore(%arg23 : memref<!tpu.dma_semaphore, #tpu.memory_space<semaphore_mem>>) {add = true}
      %gt3A = arith.constant 0 : i32
      %gt3A_86 = arith.cmpi sgt, %scan3A_67, %gt3A : i32
      %convert_element_type3A = arith.extui %gt3A_86 : i1 to i32
      %cond3A = arith.constant 0 : i32
      %cond3A_87 = arith.cmpi ne, %convert_element_type3A, %cond3A : i32
      scf.if %cond3A_87 {
        %dma_wait3A_207 = arith.constant 0 : i32
        %dma_wait3A_208 = arith.constant 0 : i32
        %dma_wait3A_209 = tpu.memref_slice %arg17[%dma_wait3A_207, %dma_wait3A_208] : memref<10240x128xf32, #tpu.memory_space<vmem_shared>> -> memref<10240x128xf32, #tpu.memory_space<vmem_shared>>
        tpu.wait_indirect_dma semaphore(%arg27 : memref<!tpu.dma_semaphore, #tpu.memory_space<semaphore_mem>>) src(%arg16 : memref<40x128xf32, #tpu.memory_space<vmem>>) dst(%dma_wait3A_209 : memref<10240x128xf32, #tpu.memory_space<vmem_shared>>)
      } else {
      }
      %add3A_88 = arith.constant 5 : i32
      %add3A_89 = arith.addi %add3A_71, %add3A_88 : i32
      %sub3A = arith.constant 1 : i32
      %sub3A_90 = arith.subi %add3A_89, %sub3A : i32
      %lt3A = arith.constant 500 : i32
      %lt3A_91 = arith.cmpi slt, %sub3A_90, %lt3A : i32
      %convert_element_type3A_92 = arith.extui %lt3A_91 : i1 to i32
      %cond3A_93 = arith.constant 0 : i32
      %cond3A_94 = arith.cmpi ne, %convert_element_type3A_92, %cond3A_93 : i32
      scf.if %cond3A_94 {
        %add3A_207 = arith.constant 5 : i32
        %add3A_208 = arith.addi %add3A_71, %add3A_207 : i32
        %sub3A_209 = arith.constant 1 : i32
        %sub3A_210 = arith.subi %add3A_208, %sub3A_209 : i32
        %mul3A_211 = arith.constant 40 : i32
        %mul3A_212 = arith.muli %sub3A_210, %mul3A_211 : i32
        %add3A_213 = arith.addi %mul3A_12, %mul3A_212 : i32
        %dma_start3A_214 = tpu.memref_slice %arg4[%add3A_213] : memref<320000xi32, #tpu.memory_space<hbm>> -> memref<40xi32, #tpu.memory_space<hbm>>
        %dma_start3A_215 = tpu.memref_slice %arg4[%add3A_213] : memref<320000xi32, #tpu.memory_space<hbm>> -> memref<40xi32, #tpu.memory_space<hbm>>
        tpu.enqueue_dma source(%dma_start3A_215 : memref<40xi32, #tpu.memory_space<hbm>>) target(%arg11 : memref<40xi32, #tpu.memory_space<vmem>>) target_semaphore(%arg32 : memref<!tpu.dma_semaphore, #tpu.memory_space<semaphore_mem>>)
        %add3A_216 = arith.constant 5 : i32
        %add3A_217 = arith.addi %add3A_71, %add3A_216 : i32
        %sub3A_218 = arith.constant 1 : i32
        %sub3A_219 = arith.subi %add3A_217, %sub3A_218 : i32
        %mul3A_220 = arith.constant 40 : i32
        %mul3A_221 = arith.muli %sub3A_219, %mul3A_220 : i32
        %dma_start3A_222 = tpu.memref_slice %arg6[%mul3A_221] : memref<20000xi32, #tpu.memory_space<vmem>> -> memref<40xi32, #tpu.memory_space<vmem>>
        %dma_start3A_223 = arith.constant 0 : i32
        %dma_start3A_224 = arith.constant 0 : i32
        %dma_start3A_225 = tpu.memref_slice %arg2[%dma_start3A_223, %dma_start3A_224] : memref<20480x128xf32, #tpu.memory_space<hbm>> -> memref<20480x128xf32, #tpu.memory_space<hbm>>
        tpu.enqueue_indirect_dma source(%dma_start3A_225 : memref<20480x128xf32, #tpu.memory_space<hbm>>) target(%arg16 : memref<40x128xf32, #tpu.memory_space<vmem>>) offsets(%dma_start3A_222 : memref<40xi32, #tpu.memory_space<vmem>>) semaphore(%arg22 : memref<!tpu.dma_semaphore, #tpu.memory_space<semaphore_mem>>)
      } else {
      }
      %add3A_95 = arith.constant 1 : i32
      %add3A_96 = arith.addi %mul3A_69, %add3A_95 : i32
      %mul3A_97 = arith.constant 40 : i32
      %mul3A_98 = arith.muli %add3A_96, %mul3A_97 : i32
      %dma_wait3A_99 = tpu.memref_slice %arg6[%mul3A_98] : memref<20000xi32, #tpu.memory_space<vmem>> -> memref<40xi32, #tpu.memory_space<vmem>>
      %dma_wait3A_100 = arith.constant 0 : i32
      %dma_wait3A_101 = arith.constant 0 : i32
      %dma_wait3A_102 = tpu.memref_slice %arg2[%dma_wait3A_100, %dma_wait3A_101] : memref<20480x128xf32, #tpu.memory_space<hbm>> -> memref<20480x128xf32, #tpu.memory_space<hbm>>
      tpu.wait_indirect_dma semaphore(%arg19 : memref<!tpu.dma_semaphore, #tpu.memory_space<semaphore_mem>>) src(%dma_wait3A_102 : memref<20480x128xf32, #tpu.memory_space<hbm>>) dst(%arg13 : memref<40x128xf32, #tpu.memory_space<vmem>>)
      %mul3A_103 = arith.constant 40 : i32
      %mul3A_104 = arith.muli %add3A_96, %mul3A_103 : i32
      %add3A_105 = arith.addi %mul3A_12, %mul3A_104 : i32
      %dma_wait3A_106 = tpu.memref_slice %arg4[%add3A_105] : memref<320000xi32, #tpu.memory_space<hbm>> -> memref<40xi32, #tpu.memory_space<hbm>>
      %dma_wait3A_107 = tpu.memref_slice %arg4[%add3A_105] : memref<320000xi32, #tpu.memory_space<hbm>> -> memref<40xi32, #tpu.memory_space<hbm>>
      tpu.wait_dma2 semaphore(%arg29 : memref<!tpu.dma_semaphore, #tpu.memory_space<semaphore_mem>>) src(%dma_wait3A_107 : memref<40xi32, #tpu.memory_space<hbm>>) dst(%arg8 : memref<40xi32, #tpu.memory_space<vmem>>)
      %dma_start3A_108 = arith.constant 0 : i32
      %dma_start3A_109 = arith.constant 0 : i32
      %dma_start3A_110 = tpu.memref_slice %arg17[%dma_start3A_108, %dma_start3A_109] : memref<10240x128xf32, #tpu.memory_space<vmem_shared>> -> memref<10240x128xf32, #tpu.memory_space<vmem_shared>>
      tpu.enqueue_indirect_dma source(%arg13 : memref<40x128xf32, #tpu.memory_space<vmem>>) target(%dma_start3A_110 : memref<10240x128xf32, #tpu.memory_space<vmem_shared>>) offsets(%arg8 : memref<40xi32, #tpu.memory_space<vmem>>) semaphore(%arg24 : memref<!tpu.dma_semaphore, #tpu.memory_space<semaphore_mem>>) {add = true}
      %dma_wait3A_111 = arith.constant 0 : i32
      %dma_wait3A_112 = arith.constant 0 : i32
      %dma_wait3A_113 = tpu.memref_slice %arg17[%dma_wait3A_111, %dma_wait3A_112] : memref<10240x128xf32, #tpu.memory_space<vmem_shared>> -> memref<10240x128xf32, #tpu.memory_space<vmem_shared>>
      tpu.wait_indirect_dma semaphore(%arg23 : memref<!tpu.dma_semaphore, #tpu.memory_space<semaphore_mem>>) src(%arg12 : memref<40x128xf32, #tpu.memory_space<vmem>>) dst(%dma_wait3A_113 : memref<10240x128xf32, #tpu.memory_space<vmem_shared>>)
      %add3A_114 = arith.constant 5 : i32
      %add3A_115 = arith.addi %add3A_96, %add3A_114 : i32
      %sub3A_116 = arith.constant 1 : i32
      %sub3A_117 = arith.subi %add3A_115, %sub3A_116 : i32
      %lt3A_118 = arith.constant 500 : i32
      %lt3A_119 = arith.cmpi slt, %sub3A_117, %lt3A_118 : i32
      %convert_element_type3A_120 = arith.extui %lt3A_119 : i1 to i32
      %cond3A_121 = arith.constant 0 : i32
      %cond3A_122 = arith.cmpi ne, %convert_element_type3A_120, %cond3A_121 : i32
      scf.if %cond3A_122 {
        %add3A_207 = arith.constant 5 : i32
        %add3A_208 = arith.addi %add3A_96, %add3A_207 : i32
        %sub3A_209 = arith.constant 1 : i32
        %sub3A_210 = arith.subi %add3A_208, %sub3A_209 : i32
        %mul3A_211 = arith.constant 40 : i32
        %mul3A_212 = arith.muli %sub3A_210, %mul3A_211 : i32
        %add3A_213 = arith.addi %mul3A_12, %mul3A_212 : i32
        %dma_start3A_214 = tpu.memref_slice %arg4[%add3A_213] : memref<320000xi32, #tpu.memory_space<hbm>> -> memref<40xi32, #tpu.memory_space<hbm>>
        %dma_start3A_215 = tpu.memref_slice %arg4[%add3A_213] : memref<320000xi32, #tpu.memory_space<hbm>> -> memref<40xi32, #tpu.memory_space<hbm>>
        tpu.enqueue_dma source(%dma_start3A_215 : memref<40xi32, #tpu.memory_space<hbm>>) target(%arg7 : memref<40xi32, #tpu.memory_space<vmem>>) target_semaphore(%arg28 : memref<!tpu.dma_semaphore, #tpu.memory_space<semaphore_mem>>)
        %add3A_216 = arith.constant 5 : i32
        %add3A_217 = arith.addi %add3A_96, %add3A_216 : i32
        %sub3A_218 = arith.constant 1 : i32
        %sub3A_219 = arith.subi %add3A_217, %sub3A_218 : i32
        %mul3A_220 = arith.constant 40 : i32
        %mul3A_221 = arith.muli %sub3A_219, %mul3A_220 : i32
        %dma_start3A_222 = tpu.memref_slice %arg6[%mul3A_221] : memref<20000xi32, #tpu.memory_space<vmem>> -> memref<40xi32, #tpu.memory_space<vmem>>
        %dma_start3A_223 = arith.constant 0 : i32
        %dma_start3A_224 = arith.constant 0 : i32
        %dma_start3A_225 = tpu.memref_slice %arg2[%dma_start3A_223, %dma_start3A_224] : memref<20480x128xf32, #tpu.memory_space<hbm>> -> memref<20480x128xf32, #tpu.memory_space<hbm>>
        tpu.enqueue_indirect_dma source(%dma_start3A_225 : memref<20480x128xf32, #tpu.memory_space<hbm>>) target(%arg12 : memref<40x128xf32, #tpu.memory_space<vmem>>) offsets(%dma_start3A_222 : memref<40xi32, #tpu.memory_space<vmem>>) semaphore(%arg18 : memref<!tpu.dma_semaphore, #tpu.memory_space<semaphore_mem>>)
      } else {
      }
      %add3A_123 = arith.constant 2 : i32
      %add3A_124 = arith.addi %mul3A_69, %add3A_123 : i32
      %mul3A_125 = arith.constant 40 : i32
      %mul3A_126 = arith.muli %add3A_124, %mul3A_125 : i32
      %dma_wait3A_127 = tpu.memref_slice %arg6[%mul3A_126] : memref<20000xi32, #tpu.memory_space<vmem>> -> memref<40xi32, #tpu.memory_space<vmem>>
      %dma_wait3A_128 = arith.constant 0 : i32
      %dma_wait3A_129 = arith.constant 0 : i32
      %dma_wait3A_130 = tpu.memref_slice %arg2[%dma_wait3A_128, %dma_wait3A_129] : memref<20480x128xf32, #tpu.memory_space<hbm>> -> memref<20480x128xf32, #tpu.memory_space<hbm>>
      tpu.wait_indirect_dma semaphore(%arg20 : memref<!tpu.dma_semaphore, #tpu.memory_space<semaphore_mem>>) src(%dma_wait3A_130 : memref<20480x128xf32, #tpu.memory_space<hbm>>) dst(%arg14 : memref<40x128xf32, #tpu.memory_space<vmem>>)
      %mul3A_131 = arith.constant 40 : i32
      %mul3A_132 = arith.muli %add3A_124, %mul3A_131 : i32
      %add3A_133 = arith.addi %mul3A_12, %mul3A_132 : i32
      %dma_wait3A_134 = tpu.memref_slice %arg4[%add3A_133] : memref<320000xi32, #tpu.memory_space<hbm>> -> memref<40xi32, #tpu.memory_space<hbm>>
      %dma_wait3A_135 = tpu.memref_slice %arg4[%add3A_133] : memref<320000xi32, #tpu.memory_space<hbm>> -> memref<40xi32, #tpu.memory_space<hbm>>
      tpu.wait_dma2 semaphore(%arg30 : memref<!tpu.dma_semaphore, #tpu.memory_space<semaphore_mem>>) src(%dma_wait3A_135 : memref<40xi32, #tpu.memory_space<hbm>>) dst(%arg9 : memref<40xi32, #tpu.memory_space<vmem>>)
      %dma_start3A_136 = arith.constant 0 : i32
      %dma_start3A_137 = arith.constant 0 : i32
      %dma_start3A_138 = tpu.memref_slice %arg17[%dma_start3A_136, %dma_start3A_137] : memref<10240x128xf32, #tpu.memory_space<vmem_shared>> -> memref<10240x128xf32, #tpu.memory_space<vmem_shared>>
      tpu.enqueue_indirect_dma source(%arg14 : memref<40x128xf32, #tpu.memory_space<vmem>>) target(%dma_start3A_138 : memref<10240x128xf32, #tpu.memory_space<vmem_shared>>) offsets(%arg9 : memref<40xi32, #tpu.memory_space<vmem>>) semaphore(%arg25 : memref<!tpu.dma_semaphore, #tpu.memory_space<semaphore_mem>>) {add = true}
      %dma_wait3A_139 = arith.constant 0 : i32
      %dma_wait3A_140 = arith.constant 0 : i32
      %dma_wait3A_141 = tpu.memref_slice %arg17[%dma_wait3A_139, %dma_wait3A_140] : memref<10240x128xf32, #tpu.memory_space<vmem_shared>> -> memref<10240x128xf32, #tpu.memory_space<vmem_shared>>
      tpu.wait_indirect_dma semaphore(%arg24 : memref<!tpu.dma_semaphore, #tpu.memory_space<semaphore_mem>>) src(%arg13 : memref<40x128xf32, #tpu.memory_space<vmem>>) dst(%dma_wait3A_141 : memref<10240x128xf32, #tpu.memory_space<vmem_shared>>)
      %add3A_142 = arith.constant 5 : i32
      %add3A_143 = arith.addi %add3A_124, %add3A_142 : i32
      %sub3A_144 = arith.constant 1 : i32
      %sub3A_145 = arith.subi %add3A_143, %sub3A_144 : i32
      %lt3A_146 = arith.constant 500 : i32
      %lt3A_147 = arith.cmpi slt, %sub3A_145, %lt3A_146 : i32
      %convert_element_type3A_148 = arith.extui %lt3A_147 : i1 to i32
      %cond3A_149 = arith.constant 0 : i32
      %cond3A_150 = arith.cmpi ne, %convert_element_type3A_148, %cond3A_149 : i32
      scf.if %cond3A_150 {
        %add3A_207 = arith.constant 5 : i32
        %add3A_208 = arith.addi %add3A_124, %add3A_207 : i32
        %sub3A_209 = arith.constant 1 : i32
        %sub3A_210 = arith.subi %add3A_208, %sub3A_209 : i32
        %mul3A_211 = arith.constant 40 : i32
        %mul3A_212 = arith.muli %sub3A_210, %mul3A_211 : i32
        %add3A_213 = arith.addi %mul3A_12, %mul3A_212 : i32
        %dma_start3A_214 = tpu.memref_slice %arg4[%add3A_213] : memref<320000xi32, #tpu.memory_space<hbm>> -> memref<40xi32, #tpu.memory_space<hbm>>
        %dma_start3A_215 = tpu.memref_slice %arg4[%add3A_213] : memref<320000xi32, #tpu.memory_space<hbm>> -> memref<40xi32, #tpu.memory_space<hbm>>
        tpu.enqueue_dma source(%dma_start3A_215 : memref<40xi32, #tpu.memory_space<hbm>>) target(%arg8 : memref<40xi32, #tpu.memory_space<vmem>>) target_semaphore(%arg29 : memref<!tpu.dma_semaphore, #tpu.memory_space<semaphore_mem>>)
        %add3A_216 = arith.constant 5 : i32
        %add3A_217 = arith.addi %add3A_124, %add3A_216 : i32
        %sub3A_218 = arith.constant 1 : i32
        %sub3A_219 = arith.subi %add3A_217, %sub3A_218 : i32
        %mul3A_220 = arith.constant 40 : i32
        %mul3A_221 = arith.muli %sub3A_219, %mul3A_220 : i32
        %dma_start3A_222 = tpu.memref_slice %arg6[%mul3A_221] : memref<20000xi32, #tpu.memory_space<vmem>> -> memref<40xi32, #tpu.memory_space<vmem>>
        %dma_start3A_223 = arith.constant 0 : i32
        %dma_start3A_224 = arith.constant 0 : i32
        %dma_start3A_225 = tpu.memref_slice %arg2[%dma_start3A_223, %dma_start3A_224] : memref<20480x128xf32, #tpu.memory_space<hbm>> -> memref<20480x128xf32, #tpu.memory_space<hbm>>
        tpu.enqueue_indirect_dma source(%dma_start3A_225 : memref<20480x128xf32, #tpu.memory_space<hbm>>) target(%arg13 : memref<40x128xf32, #tpu.memory_space<vmem>>) offsets(%dma_start3A_222 : memref<40xi32, #tpu.memory_space<vmem>>) semaphore(%arg19 : memref<!tpu.dma_semaphore, #tpu.memory_space<semaphore_mem>>)
      } else {
      }
      %add3A_151 = arith.constant 3 : i32
      %add3A_152 = arith.addi %mul3A_69, %add3A_151 : i32
      %mul3A_153 = arith.constant 40 : i32
      %mul3A_154 = arith.muli %add3A_152, %mul3A_153 : i32
      %dma_wait3A_155 = tpu.memref_slice %arg6[%mul3A_154] : memref<20000xi32, #tpu.memory_space<vmem>> -> memref<40xi32, #tpu.memory_space<vmem>>
      %dma_wait3A_156 = arith.constant 0 : i32
      %dma_wait3A_157 = arith.constant 0 : i32
      %dma_wait3A_158 = tpu.memref_slice %arg2[%dma_wait3A_156, %dma_wait3A_157] : memref<20480x128xf32, #tpu.memory_space<hbm>> -> memref<20480x128xf32, #tpu.memory_space<hbm>>
      tpu.wait_indirect_dma semaphore(%arg21 : memref<!tpu.dma_semaphore, #tpu.memory_space<semaphore_mem>>) src(%dma_wait3A_158 : memref<20480x128xf32, #tpu.memory_space<hbm>>) dst(%arg15 : memref<40x128xf32, #tpu.memory_space<vmem>>)
      %mul3A_159 = arith.constant 40 : i32
      %mul3A_160 = arith.muli %add3A_152, %mul3A_159 : i32
      %add3A_161 = arith.addi %mul3A_12, %mul3A_160 : i32
      %dma_wait3A_162 = tpu.memref_slice %arg4[%add3A_161] : memref<320000xi32, #tpu.memory_space<hbm>> -> memref<40xi32, #tpu.memory_space<hbm>>
      %dma_wait3A_163 = tpu.memref_slice %arg4[%add3A_161] : memref<320000xi32, #tpu.memory_space<hbm>> -> memref<40xi32, #tpu.memory_space<hbm>>
      tpu.wait_dma2 semaphore(%arg31 : memref<!tpu.dma_semaphore, #tpu.memory_space<semaphore_mem>>) src(%dma_wait3A_163 : memref<40xi32, #tpu.memory_space<hbm>>) dst(%arg10 : memref<40xi32, #tpu.memory_space<vmem>>)
      %dma_start3A_164 = arith.constant 0 : i32
      %dma_start3A_165 = arith.constant 0 : i32
      %dma_start3A_166 = tpu.memref_slice %arg17[%dma_start3A_164, %dma_start3A_165] : memref<10240x128xf32, #tpu.memory_space<vmem_shared>> -> memref<10240x128xf32, #tpu.memory_space<vmem_shared>>
      tpu.enqueue_indirect_dma source(%arg15 : memref<40x128xf32, #tpu.memory_space<vmem>>) target(%dma_start3A_166 : memref<10240x128xf32, #tpu.memory_space<vmem_shared>>) offsets(%arg10 : memref<40xi32, #tpu.memory_space<vmem>>) semaphore(%arg26 : memref<!tpu.dma_semaphore, #tpu.memory_space<semaphore_mem>>) {add = true}
      %dma_wait3A_167 = arith.constant 0 : i32
      %dma_wait3A_168 = arith.constant 0 : i32
      %dma_wait3A_169 = tpu.memref_slice %arg17[%dma_wait3A_167, %dma_wait3A_168] : memref<10240x128xf32, #tpu.memory_space<vmem_shared>> -> memref<10240x128xf32, #tpu.memory_space<vmem_shared>>
      tpu.wait_indirect_dma semaphore(%arg25 : memref<!tpu.dma_semaphore, #tpu.memory_space<semaphore_mem>>) src(%arg14 : memref<40x128xf32, #tpu.memory_space<vmem>>) dst(%dma_wait3A_169 : memref<10240x128xf32, #tpu.memory_space<vmem_shared>>)
      %add3A_170 = arith.constant 5 : i32
      %add3A_171 = arith.addi %add3A_152, %add3A_170 : i32
      %sub3A_172 = arith.constant 1 : i32
      %sub3A_173 = arith.subi %add3A_171, %sub3A_172 : i32
      %lt3A_174 = arith.constant 500 : i32
      %lt3A_175 = arith.cmpi slt, %sub3A_173, %lt3A_174 : i32
      %convert_element_type3A_176 = arith.extui %lt3A_175 : i1 to i32
      %cond3A_177 = arith.constant 0 : i32
      %cond3A_178 = arith.cmpi ne, %convert_element_type3A_176, %cond3A_177 : i32
      scf.if %cond3A_178 {
        %add3A_207 = arith.constant 5 : i32
        %add3A_208 = arith.addi %add3A_152, %add3A_207 : i32
        %sub3A_209 = arith.constant 1 : i32
        %sub3A_210 = arith.subi %add3A_208, %sub3A_209 : i32
        %mul3A_211 = arith.constant 40 : i32
        %mul3A_212 = arith.muli %sub3A_210, %mul3A_211 : i32
        %add3A_213 = arith.addi %mul3A_12, %mul3A_212 : i32
        %dma_start3A_214 = tpu.memref_slice %arg4[%add3A_213] : memref<320000xi32, #tpu.memory_space<hbm>> -> memref<40xi32, #tpu.memory_space<hbm>>
        %dma_start3A_215 = tpu.memref_slice %arg4[%add3A_213] : memref<320000xi32, #tpu.memory_space<hbm>> -> memref<40xi32, #tpu.memory_space<hbm>>
        tpu.enqueue_dma source(%dma_start3A_215 : memref<40xi32, #tpu.memory_space<hbm>>) target(%arg9 : memref<40xi32, #tpu.memory_space<vmem>>) target_semaphore(%arg30 : memref<!tpu.dma_semaphore, #tpu.memory_space<semaphore_mem>>)
        %add3A_216 = arith.constant 5 : i32
        %add3A_217 = arith.addi %add3A_152, %add3A_216 : i32
        %sub3A_218 = arith.constant 1 : i32
        %sub3A_219 = arith.subi %add3A_217, %sub3A_218 : i32
        %mul3A_220 = arith.constant 40 : i32
        %mul3A_221 = arith.muli %sub3A_219, %mul3A_220 : i32
        %dma_start3A_222 = tpu.memref_slice %arg6[%mul3A_221] : memref<20000xi32, #tpu.memory_space<vmem>> -> memref<40xi32, #tpu.memory_space<vmem>>
        %dma_start3A_223 = arith.constant 0 : i32
        %dma_start3A_224 = arith.constant 0 : i32
        %dma_start3A_225 = tpu.memref_slice %arg2[%dma_start3A_223, %dma_start3A_224] : memref<20480x128xf32, #tpu.memory_space<hbm>> -> memref<20480x128xf32, #tpu.memory_space<hbm>>
        tpu.enqueue_indirect_dma source(%dma_start3A_225 : memref<20480x128xf32, #tpu.memory_space<hbm>>) target(%arg14 : memref<40x128xf32, #tpu.memory_space<vmem>>) offsets(%dma_start3A_222 : memref<40xi32, #tpu.memory_space<vmem>>) semaphore(%arg20 : memref<!tpu.dma_semaphore, #tpu.memory_space<semaphore_mem>>)
      } else {
      }
      %add3A_179 = arith.constant 4 : i32
      %add3A_180 = arith.addi %mul3A_69, %add3A_179 : i32
      %mul3A_181 = arith.constant 40 : i32
      %mul3A_182 = arith.muli %add3A_180, %mul3A_181 : i32
      %dma_wait3A_183 = tpu.memref_slice %arg6[%mul3A_182] : memref<20000xi32, #tpu.memory_space<vmem>> -> memref<40xi32, #tpu.memory_space<vmem>>
      %dma_wait3A_184 = arith.constant 0 : i32
      %dma_wait3A_185 = arith.constant 0 : i32
      %dma_wait3A_186 = tpu.memref_slice %arg2[%dma_wait3A_184, %dma_wait3A_185] : memref<20480x128xf32, #tpu.memory_space<hbm>> -> memref<20480x128xf32, #tpu.memory_space<hbm>>
      tpu.wait_indirect_dma semaphore(%arg22 : memref<!tpu.dma_semaphore, #tpu.memory_space<semaphore_mem>>) src(%dma_wait3A_186 : memref<20480x128xf32, #tpu.memory_space<hbm>>) dst(%arg16 : memref<40x128xf32, #tpu.memory_space<vmem>>)
      %mul3A_187 = arith.constant 40 : i32
      %mul3A_188 = arith.muli %add3A_180, %mul3A_187 : i32
      %add3A_189 = arith.addi %mul3A_12, %mul3A_188 : i32
      %dma_wait3A_190 = tpu.memref_slice %arg4[%add3A_189] : memref<320000xi32, #tpu.memory_space<hbm>> -> memref<40xi32, #tpu.memory_space<hbm>>
      %dma_wait3A_191 = tpu.memref_slice %arg4[%add3A_189] : memref<320000xi32, #tpu.memory_space<hbm>> -> memref<40xi32, #tpu.memory_space<hbm>>
      tpu.wait_dma2 semaphore(%arg32 : memref<!tpu.dma_semaphore, #tpu.memory_space<semaphore_mem>>) src(%dma_wait3A_191 : memref<40xi32, #tpu.memory_space<hbm>>) dst(%arg11 : memref<40xi32, #tpu.memory_space<vmem>>)
      %dma_start3A_192 = arith.constant 0 : i32
      %dma_start3A_193 = arith.constant 0 : i32
      %dma_start3A_194 = tpu.memref_slice %arg17[%dma_start3A_192, %dma_start3A_193] : memref<10240x128xf32, #tpu.memory_space<vmem_shared>> -> memref<10240x128xf32, #tpu.memory_space<vmem_shared>>
      tpu.enqueue_indirect_dma source(%arg16 : memref<40x128xf32, #tpu.memory_space<vmem>>) target(%dma_start3A_194 : memref<10240x128xf32, #tpu.memory_space<vmem_shared>>) offsets(%arg11 : memref<40xi32, #tpu.memory_space<vmem>>) semaphore(%arg27 : memref<!tpu.dma_semaphore, #tpu.memory_space<semaphore_mem>>) {add = true}
      %dma_wait3A_195 = arith.constant 0 : i32
      %dma_wait3A_196 = arith.constant 0 : i32
      %dma_wait3A_197 = tpu.memref_slice %arg17[%dma_wait3A_195, %dma_wait3A_196] : memref<10240x128xf32, #tpu.memory_space<vmem_shared>> -> memref<10240x128xf32, #tpu.memory_space<vmem_shared>>
      tpu.wait_indirect_dma semaphore(%arg26 : memref<!tpu.dma_semaphore, #tpu.memory_space<semaphore_mem>>) src(%arg15 : memref<40x128xf32, #tpu.memory_space<vmem>>) dst(%dma_wait3A_197 : memref<10240x128xf32, #tpu.memory_space<vmem_shared>>)
      %add3A_198 = arith.constant 5 : i32
      %add3A_199 = arith.addi %add3A_180, %add3A_198 : i32
      %sub3A_200 = arith.constant 1 : i32
      %sub3A_201 = arith.subi %add3A_199, %sub3A_200 : i32
      %lt3A_202 = arith.constant 500 : i32
      %lt3A_203 = arith.cmpi slt, %sub3A_201, %lt3A_202 : i32
      %convert_element_type3A_204 = arith.extui %lt3A_203 : i1 to i32
      %cond3A_205 = arith.constant 0 : i32
      %cond3A_206 = arith.cmpi ne, %convert_element_type3A_204, %cond3A_205 : i32
      scf.if %cond3A_206 {
        %add3A_207 = arith.constant 5 : i32
        %add3A_208 = arith.addi %add3A_180, %add3A_207 : i32
        %sub3A_209 = arith.constant 1 : i32
        %sub3A_210 = arith.subi %add3A_208, %sub3A_209 : i32
        %mul3A_211 = arith.constant 40 : i32
        %mul3A_212 = arith.muli %sub3A_210, %mul3A_211 : i32
        %add3A_213 = arith.addi %mul3A_12, %mul3A_212 : i32
        %dma_start3A_214 = tpu.memref_slice %arg4[%add3A_213] : memref<320000xi32, #tpu.memory_space<hbm>> -> memref<40xi32, #tpu.memory_space<hbm>>
        %dma_start3A_215 = tpu.memref_slice %arg4[%add3A_213] : memref<320000xi32, #tpu.memory_space<hbm>> -> memref<40xi32, #tpu.memory_space<hbm>>
        tpu.enqueue_dma source(%dma_start3A_215 : memref<40xi32, #tpu.memory_space<hbm>>) target(%arg10 : memref<40xi32, #tpu.memory_space<vmem>>) target_semaphore(%arg31 : memref<!tpu.dma_semaphore, #tpu.memory_space<semaphore_mem>>)
        %add3A_216 = arith.constant 5 : i32
        %add3A_217 = arith.addi %add3A_180, %add3A_216 : i32
        %sub3A_218 = arith.constant 1 : i32
        %sub3A_219 = arith.subi %add3A_217, %sub3A_218 : i32
        %mul3A_220 = arith.constant 40 : i32
        %mul3A_221 = arith.muli %sub3A_219, %mul3A_220 : i32
        %dma_start3A_222 = tpu.memref_slice %arg6[%mul3A_221] : memref<20000xi32, #tpu.memory_space<vmem>> -> memref<40xi32, #tpu.memory_space<vmem>>
        %dma_start3A_223 = arith.constant 0 : i32
        %dma_start3A_224 = arith.constant 0 : i32
        %dma_start3A_225 = tpu.memref_slice %arg2[%dma_start3A_223, %dma_start3A_224] : memref<20480x128xf32, #tpu.memory_space<hbm>> -> memref<20480x128xf32, #tpu.memory_space<hbm>>
        tpu.enqueue_indirect_dma source(%dma_start3A_225 : memref<20480x128xf32, #tpu.memory_space<hbm>>) target(%arg15 : memref<40x128xf32, #tpu.memory_space<vmem>>) offsets(%dma_start3A_222 : memref<40xi32, #tpu.memory_space<vmem>>) semaphore(%arg21 : memref<!tpu.dma_semaphore, #tpu.memory_space<semaphore_mem>>)
      } else {
      }
    }
    %scan3A_59 = arith.constant 100 : i32
    %dma_wait3A_60 = arith.constant 0 : i32
    %dma_wait3A_61 = arith.constant 0 : i32
    %dma_wait3A_62 = tpu.memref_slice %arg17[%dma_wait3A_60, %dma_wait3A_61] : memref<10240x128xf32, #tpu.memory_space<vmem_shared>> -> memref<10240x128xf32, #tpu.memory_space<vmem_shared>>
    tpu.wait_indirect_dma semaphore(%arg27 : memref<!tpu.dma_semaphore, #tpu.memory_space<semaphore_mem>>) src(%arg16 : memref<40x128xf32, #tpu.memory_space<vmem>>) dst(%dma_wait3A_62 : memref<10240x128xf32, #tpu.memory_space<vmem_shared>>)
    %barrier3A_63 = arith.constant 0 : index
    tpu.barrier barrier_id(%barrier3A_63)
    %mul3A_64 = arith.constant 10240 : i32
    %mul3A_65 = arith.muli %arg0, %mul3A_64 : i32
    %add3A_66 = arith.addi %mul3A_65, %mul3A_0 : i32
    "tpu.region"() ({
      %run_scoped3A = tpu.sem_alloc : memref<!tpu.dma_semaphore, #tpu.memory_space<semaphore_mem>>
      %dma_start3A_67 = arith.constant 0 : i32
      %dma_start3A_68 = tpu.memref_slice %arg5[%add3A_66, %dma_start3A_67] : memref<20480x128xf32, #tpu.memory_space<hbm>> -> memref<640x128xf32, #tpu.memory_space<hbm>>
      %dma_start3A_69 = arith.constant 0 : i32
      %dma_start3A_70 = tpu.memref_slice %arg17[%mul3A_0, %dma_start3A_69] : memref<10240x128xf32, #tpu.memory_space<vmem_shared>> -> memref<640x128xf32, #tpu.memory_space<vmem_shared>>
      tpu.enqueue_dma source(%dma_start3A_70 : memref<640x128xf32, #tpu.memory_space<vmem_shared>>) target(%dma_start3A_68 : memref<640x128xf32, #tpu.memory_space<hbm>>) target_semaphore(%run_scoped3A : memref<!tpu.dma_semaphore, #tpu.memory_space<semaphore_mem>>)
      %dma_wait3A_71 = arith.constant 0 : i32
      %dma_wait3A_72 = tpu.memref_slice %arg5[%add3A_66, %dma_wait3A_71] : memref<20480x128xf32, #tpu.memory_space<hbm>> -> memref<640x128xf32, #tpu.memory_space<hbm>>
      %dma_wait3A_73 = arith.constant 0 : i32
      %dma_wait3A_74 = tpu.memref_slice %arg17[%mul3A_0, %dma_wait3A_73] : memref<10240x128xf32, #tpu.memory_space<vmem_shared>> -> memref<640x128xf32, #tpu.memory_space<vmem_shared>>
      tpu.wait_dma2 semaphore(%run_scoped3A : memref<!tpu.dma_semaphore, #tpu.memory_space<semaphore_mem>>) src(%dma_wait3A_74 : memref<640x128xf32, #tpu.memory_space<vmem_shared>>) dst(%dma_wait3A_72 : memref<640x128xf32, #tpu.memory_space<hbm>>)
      tpu.yield
    }) : () -> ()
    return
  }
}

#map = affine_map<(d0, d1) -> (0, 0)>
#map1 = affine_map<(d0, d1) -> (0)>
module attributes {stable_mosaic.version = 14 : i64} {
  func.func @agg_kernel(%arg0: i32, %arg1: i32, %arg2: memref<10240x128xf32, #tpu.memory_space<hbm>>, %arg3: memref<640x128xf32, #tpu.memory_space<hbm>>, %arg4: memref<320000xi32, #tpu.memory_space<hbm>>, %arg5: memref<320000xi32, #tpu.memory_space<hbm>>, %arg6: memref<20480x128xf32, #tpu.memory_space<hbm>>, %arg7: memref<10000xi32, #tpu.memory_space<vmem>>, %arg8: memref<40xi32, #tpu.memory_space<vmem>>, %arg9: memref<40xi32, #tpu.memory_space<vmem>>, %arg10: memref<40xi32, #tpu.memory_space<vmem>>, %arg11: memref<40xi32, #tpu.memory_space<vmem>>, %arg12: memref<40xi32, #tpu.memory_space<vmem>>, %arg13: memref<40x128xf32, #tpu.memory_space<vmem>>, %arg14: memref<40x128xf32, #tpu.memory_space<vmem>>, %arg15: memref<40x128xf32, #tpu.memory_space<vmem>>, %arg16: memref<40x128xf32, #tpu.memory_space<vmem>>, %arg17: memref<40x128xf32, #tpu.memory_space<vmem>>, %arg18: memref<10240x128xf32, #tpu.memory_space<vmem_shared>>, %arg19: memref<!tpu.dma_semaphore, #tpu.memory_space<semaphore_mem>>, %arg20: memref<!tpu.dma_semaphore, #tpu.memory_space<semaphore_mem>>, %arg21: memref<!tpu.dma_semaphore, #tpu.memory_space<semaphore_mem>>, %arg22: memref<!tpu.dma_semaphore, #tpu.memory_space<semaphore_mem>>, %arg23: memref<!tpu.dma_semaphore, #tpu.memory_space<semaphore_mem>>, %arg24: memref<!tpu.dma_semaphore, #tpu.memory_space<semaphore_mem>>, %arg25: memref<!tpu.dma_semaphore, #tpu.memory_space<semaphore_mem>>, %arg26: memref<!tpu.dma_semaphore, #tpu.memory_space<semaphore_mem>>, %arg27: memref<!tpu.dma_semaphore, #tpu.memory_space<semaphore_mem>>, %arg28: memref<!tpu.dma_semaphore, #tpu.memory_space<semaphore_mem>>, %arg29: memref<!tpu.dma_semaphore, #tpu.memory_space<semaphore_mem>>, %arg30: memref<!tpu.dma_semaphore, #tpu.memory_space<semaphore_mem>>, %arg31: memref<!tpu.dma_semaphore, #tpu.memory_space<semaphore_mem>>, %arg32: memref<!tpu.dma_semaphore, #tpu.memory_space<semaphore_mem>>, %arg33: memref<!tpu.dma_semaphore, #tpu.memory_space<semaphore_mem>>, %arg34: memref<!tpu.dma_semaphore, #tpu.memory_space<semaphore_mem>>) attributes {dimension_semantics = [#tpu.dimension_semantics<core_parallel>, #tpu.dimension_semantics<subcore_parallel>], iteration_bounds = array<i64: 2, 16>, scalar_prefetch = 0 : i64, scratch_operands = 28 : i64, tpu.core_type = #tpu.core_type<sc_vector_subcore>, window_params = [{transform_indices = #map}, {transform_indices = #map}, {transform_indices = #map1}, {transform_indices = #map1}, {transform_indices = #map}]} {
    %mul3A = arith.constant 640 : i32
    %mul3A_0 = arith.muli %arg1, %mul3A : i32
    %eq3A = arith.constant 0 : i32
    %eq3A_1 = arith.cmpi eq, %arg0, %eq3A : i32
    %convert_element_type3A = arith.extui %eq3A_1 : i1 to i32
    %cond3A = arith.constant 0 : i32
    %cond3A_2 = arith.cmpi ne, %convert_element_type3A, %cond3A : i32
    scf.if %cond3A_2 {
      %dma_start3A_62 = arith.constant 0 : i32
      %dma_start3A_63 = tpu.memref_slice %arg18[%mul3A_0, %dma_start3A_62] : memref<10240x128xf32, #tpu.memory_space<vmem_shared>> -> memref<640x128xf32, #tpu.memory_space<vmem_shared>>
      %dma_start3A_64 = arith.constant 0 : i32
      %dma_start3A_65 = tpu.memref_slice %arg2[%mul3A_0, %dma_start3A_64] : memref<10240x128xf32, #tpu.memory_space<hbm>> -> memref<640x128xf32, #tpu.memory_space<hbm>>
      tpu.enqueue_dma source(%dma_start3A_65 : memref<640x128xf32, #tpu.memory_space<hbm>>) target(%dma_start3A_63 : memref<640x128xf32, #tpu.memory_space<vmem_shared>>) target_semaphore(%arg34 : memref<!tpu.dma_semaphore, #tpu.memory_space<semaphore_mem>>)
    } else {
    }
    %eq3A_3 = arith.constant 1 : i32
    %eq3A_4 = arith.cmpi eq, %arg0, %eq3A_3 : i32
    %convert_element_type3A_5 = arith.extui %eq3A_4 : i1 to i32
    %cond3A_6 = arith.constant 0 : i32
    %cond3A_7 = arith.cmpi ne, %convert_element_type3A_5, %cond3A_6 : i32
    scf.if %cond3A_7 {
      %dma_start3A_62 = arith.constant 0 : i32
      %dma_start3A_63 = tpu.memref_slice %arg18[%mul3A_0, %dma_start3A_62] : memref<10240x128xf32, #tpu.memory_space<vmem_shared>> -> memref<640x128xf32, #tpu.memory_space<vmem_shared>>
      tpu.enqueue_dma source(%arg3 : memref<640x128xf32, #tpu.memory_space<hbm>>) target(%dma_start3A_63 : memref<640x128xf32, #tpu.memory_space<vmem_shared>>) target_semaphore(%arg34 : memref<!tpu.dma_semaphore, #tpu.memory_space<semaphore_mem>>)
    } else {
    }
    %mul3A_8 = arith.constant 160000 : i32
    %mul3A_9 = arith.muli %arg0, %mul3A_8 : i32
    %mul3A_10 = arith.constant 10000 : i32
    %mul3A_11 = arith.muli %arg1, %mul3A_10 : i32
    %add3A = arith.addi %mul3A_9, %mul3A_11 : i32
    "tpu.region"() ({
      %run_scoped3A = tpu.sem_alloc : memref<!tpu.dma_semaphore, #tpu.memory_space<semaphore_mem>>
      %dma_start3A_62 = tpu.memref_slice %arg4[%add3A] : memref<320000xi32, #tpu.memory_space<hbm>> -> memref<10000xi32, #tpu.memory_space<hbm>>
      %dma_start3A_63 = tpu.memref_slice %arg4[%add3A] : memref<320000xi32, #tpu.memory_space<hbm>> -> memref<10000xi32, #tpu.memory_space<hbm>>
      tpu.enqueue_dma source(%dma_start3A_63 : memref<10000xi32, #tpu.memory_space<hbm>>) target(%arg7 : memref<10000xi32, #tpu.memory_space<vmem>>) target_semaphore(%run_scoped3A : memref<!tpu.dma_semaphore, #tpu.memory_space<semaphore_mem>>)
      %dma_wait3A_64 = tpu.memref_slice %arg4[%add3A] : memref<320000xi32, #tpu.memory_space<hbm>> -> memref<10000xi32, #tpu.memory_space<hbm>>
      %dma_wait3A_65 = tpu.memref_slice %arg4[%add3A] : memref<320000xi32, #tpu.memory_space<hbm>> -> memref<10000xi32, #tpu.memory_space<hbm>>
      tpu.wait_dma2 semaphore(%run_scoped3A : memref<!tpu.dma_semaphore, #tpu.memory_space<semaphore_mem>>) src(%dma_wait3A_65 : memref<10000xi32, #tpu.memory_space<hbm>>) dst(%arg7 : memref<10000xi32, #tpu.memory_space<vmem>>)
      tpu.yield
    }) : () -> ()
    %add3A_12 = arith.constant 0 : i32
    %add3A_13 = arith.addi %add3A, %add3A_12 : i32
    %dma_start3A = tpu.memref_slice %arg5[%add3A_13] : memref<320000xi32, #tpu.memory_space<hbm>> -> memref<40xi32, #tpu.memory_space<hbm>>
    %dma_start3A_14 = tpu.memref_slice %arg5[%add3A_13] : memref<320000xi32, #tpu.memory_space<hbm>> -> memref<40xi32, #tpu.memory_space<hbm>>
    tpu.enqueue_dma source(%dma_start3A_14 : memref<40xi32, #tpu.memory_space<hbm>>) target(%arg8 : memref<40xi32, #tpu.memory_space<vmem>>) target_semaphore(%arg29 : memref<!tpu.dma_semaphore, #tpu.memory_space<semaphore_mem>>)
    %dma_start3A_15 = arith.constant 0 : i32
    %dma_start3A_16 = tpu.memref_slice %arg7[%dma_start3A_15] : memref<10000xi32, #tpu.memory_space<vmem>> -> memref<40xi32, #tpu.memory_space<vmem>>
    %dma_start3A_17 = arith.constant 0 : i32
    %dma_start3A_18 = arith.constant 0 : i32
    %dma_start3A_19 = tpu.memref_slice %arg2[%dma_start3A_17, %dma_start3A_18] : memref<10240x128xf32, #tpu.memory_space<hbm>> -> memref<10240x128xf32, #tpu.memory_space<hbm>>
    tpu.enqueue_indirect_dma source(%dma_start3A_19 : memref<10240x128xf32, #tpu.memory_space<hbm>>) target(%arg13 : memref<40x128xf32, #tpu.memory_space<vmem>>) offsets(%dma_start3A_16 : memref<40xi32, #tpu.memory_space<vmem>>) semaphore(%arg19 : memref<!tpu.dma_semaphore, #tpu.memory_space<semaphore_mem>>)
    %add3A_20 = arith.constant 40 : i32
    %add3A_21 = arith.addi %add3A, %add3A_20 : i32
    %dma_start3A_22 = tpu.memref_slice %arg5[%add3A_21] : memref<320000xi32, #tpu.memory_space<hbm>> -> memref<40xi32, #tpu.memory_space<hbm>>
    %dma_start3A_23 = tpu.memref_slice %arg5[%add3A_21] : memref<320000xi32, #tpu.memory_space<hbm>> -> memref<40xi32, #tpu.memory_space<hbm>>
    tpu.enqueue_dma source(%dma_start3A_23 : memref<40xi32, #tpu.memory_space<hbm>>) target(%arg9 : memref<40xi32, #tpu.memory_space<vmem>>) target_semaphore(%arg30 : memref<!tpu.dma_semaphore, #tpu.memory_space<semaphore_mem>>)
    %dma_start3A_24 = arith.constant 40 : i32
    %dma_start3A_25 = tpu.memref_slice %arg7[%dma_start3A_24] : memref<10000xi32, #tpu.memory_space<vmem>> -> memref<40xi32, #tpu.memory_space<vmem>>
    %dma_start3A_26 = arith.constant 0 : i32
    %dma_start3A_27 = arith.constant 0 : i32
    %dma_start3A_28 = tpu.memref_slice %arg2[%dma_start3A_26, %dma_start3A_27] : memref<10240x128xf32, #tpu.memory_space<hbm>> -> memref<10240x128xf32, #tpu.memory_space<hbm>>
    tpu.enqueue_indirect_dma source(%dma_start3A_28 : memref<10240x128xf32, #tpu.memory_space<hbm>>) target(%arg14 : memref<40x128xf32, #tpu.memory_space<vmem>>) offsets(%dma_start3A_25 : memref<40xi32, #tpu.memory_space<vmem>>) semaphore(%arg20 : memref<!tpu.dma_semaphore, #tpu.memory_space<semaphore_mem>>)
    %add3A_29 = arith.constant 80 : i32
    %add3A_30 = arith.addi %add3A, %add3A_29 : i32
    %dma_start3A_31 = tpu.memref_slice %arg5[%add3A_30] : memref<320000xi32, #tpu.memory_space<hbm>> -> memref<40xi32, #tpu.memory_space<hbm>>
    %dma_start3A_32 = tpu.memref_slice %arg5[%add3A_30] : memref<320000xi32, #tpu.memory_space<hbm>> -> memref<40xi32, #tpu.memory_space<hbm>>
    tpu.enqueue_dma source(%dma_start3A_32 : memref<40xi32, #tpu.memory_space<hbm>>) target(%arg10 : memref<40xi32, #tpu.memory_space<vmem>>) target_semaphore(%arg31 : memref<!tpu.dma_semaphore, #tpu.memory_space<semaphore_mem>>)
    %dma_start3A_33 = arith.constant 80 : i32
    %dma_start3A_34 = tpu.memref_slice %arg7[%dma_start3A_33] : memref<10000xi32, #tpu.memory_space<vmem>> -> memref<40xi32, #tpu.memory_space<vmem>>
    %dma_start3A_35 = arith.constant 0 : i32
    %dma_start3A_36 = arith.constant 0 : i32
    %dma_start3A_37 = tpu.memref_slice %arg2[%dma_start3A_35, %dma_start3A_36] : memref<10240x128xf32, #tpu.memory_space<hbm>> -> memref<10240x128xf32, #tpu.memory_space<hbm>>
    tpu.enqueue_indirect_dma source(%dma_start3A_37 : memref<10240x128xf32, #tpu.memory_space<hbm>>) target(%arg15 : memref<40x128xf32, #tpu.memory_space<vmem>>) offsets(%dma_start3A_34 : memref<40xi32, #tpu.memory_space<vmem>>) semaphore(%arg21 : memref<!tpu.dma_semaphore, #tpu.memory_space<semaphore_mem>>)
    %add3A_38 = arith.constant 120 : i32
    %add3A_39 = arith.addi %add3A, %add3A_38 : i32
    %dma_start3A_40 = tpu.memref_slice %arg5[%add3A_39] : memref<320000xi32, #tpu.memory_space<hbm>> -> memref<40xi32, #tpu.memory_space<hbm>>
    %dma_start3A_41 = tpu.memref_slice %arg5[%add3A_39] : memref<320000xi32, #tpu.memory_space<hbm>> -> memref<40xi32, #tpu.memory_space<hbm>>
    tpu.enqueue_dma source(%dma_start3A_41 : memref<40xi32, #tpu.memory_space<hbm>>) target(%arg11 : memref<40xi32, #tpu.memory_space<vmem>>) target_semaphore(%arg32 : memref<!tpu.dma_semaphore, #tpu.memory_space<semaphore_mem>>)
    %dma_start3A_42 = arith.constant 120 : i32
    %dma_start3A_43 = tpu.memref_slice %arg7[%dma_start3A_42] : memref<10000xi32, #tpu.memory_space<vmem>> -> memref<40xi32, #tpu.memory_space<vmem>>
    %dma_start3A_44 = arith.constant 0 : i32
    %dma_start3A_45 = arith.constant 0 : i32
    %dma_start3A_46 = tpu.memref_slice %arg2[%dma_start3A_44, %dma_start3A_45] : memref<10240x128xf32, #tpu.memory_space<hbm>> -> memref<10240x128xf32, #tpu.memory_space<hbm>>
    tpu.enqueue_indirect_dma source(%dma_start3A_46 : memref<10240x128xf32, #tpu.memory_space<hbm>>) target(%arg16 : memref<40x128xf32, #tpu.memory_space<vmem>>) offsets(%dma_start3A_43 : memref<40xi32, #tpu.memory_space<vmem>>) semaphore(%arg22 : memref<!tpu.dma_semaphore, #tpu.memory_space<semaphore_mem>>)
    %dma_wait3A = arith.constant 0 : i32
    %dma_wait3A_47 = tpu.memref_slice %arg18[%mul3A_0, %dma_wait3A] : memref<10240x128xf32, #tpu.memory_space<vmem_shared>> -> memref<640x128xf32, #tpu.memory_space<vmem_shared>>
    %dma_wait3A_48 = arith.constant 0 : i32
    %dma_wait3A_49 = tpu.memref_slice %arg2[%mul3A_0, %dma_wait3A_48] : memref<10240x128xf32, #tpu.memory_space<hbm>> -> memref<640x128xf32, #tpu.memory_space<hbm>>
    tpu.wait_dma2 semaphore(%arg34 : memref<!tpu.dma_semaphore, #tpu.memory_space<semaphore_mem>>) src(%dma_wait3A_49 : memref<640x128xf32, #tpu.memory_space<hbm>>) dst(%dma_wait3A_47 : memref<640x128xf32, #tpu.memory_space<vmem_shared>>)
    %barrier3A = arith.constant 0 : index
    tpu.barrier barrier_id(%barrier3A)
    %scan3A = arith.constant 0 : i32
    %scan3A_50 = arith.constant 0 : i32
    %scan3A_51 = arith.constant 50 : i32
    %scan3A_52 = arith.addi %scan3A_50, %scan3A_51 : i32
    %scan3A_53 = arith.constant 1 : i32
    scf.for %scan3A_62 = %scan3A_50 to %scan3A_52 step %scan3A_53  : i32 {
      %mul3A_63 = arith.constant 5 : i32
      %mul3A_64 = arith.muli %scan3A_62, %mul3A_63 : i32
      %add3A_65 = arith.constant 0 : i32
      %add3A_66 = arith.addi %mul3A_64, %add3A_65 : i32
      %mul3A_67 = arith.constant 40 : i32
      %mul3A_68 = arith.muli %add3A_66, %mul3A_67 : i32
      %dma_wait3A_69 = tpu.memref_slice %arg7[%mul3A_68] : memref<10000xi32, #tpu.memory_space<vmem>> -> memref<40xi32, #tpu.memory_space<vmem>>
      %dma_wait3A_70 = arith.constant 0 : i32
      %dma_wait3A_71 = arith.constant 0 : i32
      %dma_wait3A_72 = tpu.memref_slice %arg2[%dma_wait3A_70, %dma_wait3A_71] : memref<10240x128xf32, #tpu.memory_space<hbm>> -> memref<10240x128xf32, #tpu.memory_space<hbm>>
      tpu.wait_indirect_dma semaphore(%arg19 : memref<!tpu.dma_semaphore, #tpu.memory_space<semaphore_mem>>) src(%dma_wait3A_72 : memref<10240x128xf32, #tpu.memory_space<hbm>>) dst(%arg13 : memref<40x128xf32, #tpu.memory_space<vmem>>)
      %mul3A_73 = arith.constant 40 : i32
      %mul3A_74 = arith.muli %add3A_66, %mul3A_73 : i32
      %add3A_75 = arith.addi %add3A, %mul3A_74 : i32
      %dma_wait3A_76 = tpu.memref_slice %arg5[%add3A_75] : memref<320000xi32, #tpu.memory_space<hbm>> -> memref<40xi32, #tpu.memory_space<hbm>>
      %dma_wait3A_77 = tpu.memref_slice %arg5[%add3A_75] : memref<320000xi32, #tpu.memory_space<hbm>> -> memref<40xi32, #tpu.memory_space<hbm>>
      tpu.wait_dma2 semaphore(%arg29 : memref<!tpu.dma_semaphore, #tpu.memory_space<semaphore_mem>>) src(%dma_wait3A_77 : memref<40xi32, #tpu.memory_space<hbm>>) dst(%arg8 : memref<40xi32, #tpu.memory_space<vmem>>)
      %dma_start3A_78 = arith.constant 0 : i32
      %dma_start3A_79 = arith.constant 0 : i32
      %dma_start3A_80 = tpu.memref_slice %arg18[%dma_start3A_78, %dma_start3A_79] : memref<10240x128xf32, #tpu.memory_space<vmem_shared>> -> memref<10240x128xf32, #tpu.memory_space<vmem_shared>>
      tpu.enqueue_indirect_dma source(%arg13 : memref<40x128xf32, #tpu.memory_space<vmem>>) target(%dma_start3A_80 : memref<10240x128xf32, #tpu.memory_space<vmem_shared>>) offsets(%arg8 : memref<40xi32, #tpu.memory_space<vmem>>) semaphore(%arg24 : memref<!tpu.dma_semaphore, #tpu.memory_space<semaphore_mem>>) {add = true}
      %gt3A = arith.constant 0 : i32
      %gt3A_81 = arith.cmpi sgt, %scan3A_62, %gt3A : i32
      %convert_element_type3A_82 = arith.extui %gt3A_81 : i1 to i32
      %cond3A_83 = arith.constant 0 : i32
      %cond3A_84 = arith.cmpi ne, %convert_element_type3A_82, %cond3A_83 : i32
      scf.if %cond3A_84 {
        %dma_wait3A_204 = arith.constant 0 : i32
        %dma_wait3A_205 = arith.constant 0 : i32
        %dma_wait3A_206 = tpu.memref_slice %arg18[%dma_wait3A_204, %dma_wait3A_205] : memref<10240x128xf32, #tpu.memory_space<vmem_shared>> -> memref<10240x128xf32, #tpu.memory_space<vmem_shared>>
        tpu.wait_indirect_dma semaphore(%arg28 : memref<!tpu.dma_semaphore, #tpu.memory_space<semaphore_mem>>) src(%arg17 : memref<40x128xf32, #tpu.memory_space<vmem>>) dst(%dma_wait3A_206 : memref<10240x128xf32, #tpu.memory_space<vmem_shared>>)
      } else {
      }
      %add3A_85 = arith.constant 5 : i32
      %add3A_86 = arith.addi %add3A_66, %add3A_85 : i32
      %sub3A = arith.constant 1 : i32
      %sub3A_87 = arith.subi %add3A_86, %sub3A : i32
      %lt3A = arith.constant 250 : i32
      %lt3A_88 = arith.cmpi slt, %sub3A_87, %lt3A : i32
      %convert_element_type3A_89 = arith.extui %lt3A_88 : i1 to i32
      %cond3A_90 = arith.constant 0 : i32
      %cond3A_91 = arith.cmpi ne, %convert_element_type3A_89, %cond3A_90 : i32
      scf.if %cond3A_91 {
        %add3A_204 = arith.constant 5 : i32
        %add3A_205 = arith.addi %add3A_66, %add3A_204 : i32
        %sub3A_206 = arith.constant 1 : i32
        %sub3A_207 = arith.subi %add3A_205, %sub3A_206 : i32
        %mul3A_208 = arith.constant 40 : i32
        %mul3A_209 = arith.muli %sub3A_207, %mul3A_208 : i32
        %add3A_210 = arith.addi %add3A, %mul3A_209 : i32
        %dma_start3A_211 = tpu.memref_slice %arg5[%add3A_210] : memref<320000xi32, #tpu.memory_space<hbm>> -> memref<40xi32, #tpu.memory_space<hbm>>
        %dma_start3A_212 = tpu.memref_slice %arg5[%add3A_210] : memref<320000xi32, #tpu.memory_space<hbm>> -> memref<40xi32, #tpu.memory_space<hbm>>
        tpu.enqueue_dma source(%dma_start3A_212 : memref<40xi32, #tpu.memory_space<hbm>>) target(%arg12 : memref<40xi32, #tpu.memory_space<vmem>>) target_semaphore(%arg33 : memref<!tpu.dma_semaphore, #tpu.memory_space<semaphore_mem>>)
        %add3A_213 = arith.constant 5 : i32
        %add3A_214 = arith.addi %add3A_66, %add3A_213 : i32
        %sub3A_215 = arith.constant 1 : i32
        %sub3A_216 = arith.subi %add3A_214, %sub3A_215 : i32
        %mul3A_217 = arith.constant 40 : i32
        %mul3A_218 = arith.muli %sub3A_216, %mul3A_217 : i32
        %dma_start3A_219 = tpu.memref_slice %arg7[%mul3A_218] : memref<10000xi32, #tpu.memory_space<vmem>> -> memref<40xi32, #tpu.memory_space<vmem>>
        %dma_start3A_220 = arith.constant 0 : i32
        %dma_start3A_221 = arith.constant 0 : i32
        %dma_start3A_222 = tpu.memref_slice %arg2[%dma_start3A_220, %dma_start3A_221] : memref<10240x128xf32, #tpu.memory_space<hbm>> -> memref<10240x128xf32, #tpu.memory_space<hbm>>
        tpu.enqueue_indirect_dma source(%dma_start3A_222 : memref<10240x128xf32, #tpu.memory_space<hbm>>) target(%arg17 : memref<40x128xf32, #tpu.memory_space<vmem>>) offsets(%dma_start3A_219 : memref<40xi32, #tpu.memory_space<vmem>>) semaphore(%arg23 : memref<!tpu.dma_semaphore, #tpu.memory_space<semaphore_mem>>)
      } else {
      }
      %add3A_92 = arith.constant 1 : i32
      %add3A_93 = arith.addi %mul3A_64, %add3A_92 : i32
      %mul3A_94 = arith.constant 40 : i32
      %mul3A_95 = arith.muli %add3A_93, %mul3A_94 : i32
      %dma_wait3A_96 = tpu.memref_slice %arg7[%mul3A_95] : memref<10000xi32, #tpu.memory_space<vmem>> -> memref<40xi32, #tpu.memory_space<vmem>>
      %dma_wait3A_97 = arith.constant 0 : i32
      %dma_wait3A_98 = arith.constant 0 : i32
      %dma_wait3A_99 = tpu.memref_slice %arg2[%dma_wait3A_97, %dma_wait3A_98] : memref<10240x128xf32, #tpu.memory_space<hbm>> -> memref<10240x128xf32, #tpu.memory_space<hbm>>
      tpu.wait_indirect_dma semaphore(%arg20 : memref<!tpu.dma_semaphore, #tpu.memory_space<semaphore_mem>>) src(%dma_wait3A_99 : memref<10240x128xf32, #tpu.memory_space<hbm>>) dst(%arg14 : memref<40x128xf32, #tpu.memory_space<vmem>>)
      %mul3A_100 = arith.constant 40 : i32
      %mul3A_101 = arith.muli %add3A_93, %mul3A_100 : i32
      %add3A_102 = arith.addi %add3A, %mul3A_101 : i32
      %dma_wait3A_103 = tpu.memref_slice %arg5[%add3A_102] : memref<320000xi32, #tpu.memory_space<hbm>> -> memref<40xi32, #tpu.memory_space<hbm>>
      %dma_wait3A_104 = tpu.memref_slice %arg5[%add3A_102] : memref<320000xi32, #tpu.memory_space<hbm>> -> memref<40xi32, #tpu.memory_space<hbm>>
      tpu.wait_dma2 semaphore(%arg30 : memref<!tpu.dma_semaphore, #tpu.memory_space<semaphore_mem>>) src(%dma_wait3A_104 : memref<40xi32, #tpu.memory_space<hbm>>) dst(%arg9 : memref<40xi32, #tpu.memory_space<vmem>>)
      %dma_start3A_105 = arith.constant 0 : i32
      %dma_start3A_106 = arith.constant 0 : i32
      %dma_start3A_107 = tpu.memref_slice %arg18[%dma_start3A_105, %dma_start3A_106] : memref<10240x128xf32, #tpu.memory_space<vmem_shared>> -> memref<10240x128xf32, #tpu.memory_space<vmem_shared>>
      tpu.enqueue_indirect_dma source(%arg14 : memref<40x128xf32, #tpu.memory_space<vmem>>) target(%dma_start3A_107 : memref<10240x128xf32, #tpu.memory_space<vmem_shared>>) offsets(%arg9 : memref<40xi32, #tpu.memory_space<vmem>>) semaphore(%arg25 : memref<!tpu.dma_semaphore, #tpu.memory_space<semaphore_mem>>) {add = true}
      %dma_wait3A_108 = arith.constant 0 : i32
      %dma_wait3A_109 = arith.constant 0 : i32
      %dma_wait3A_110 = tpu.memref_slice %arg18[%dma_wait3A_108, %dma_wait3A_109] : memref<10240x128xf32, #tpu.memory_space<vmem_shared>> -> memref<10240x128xf32, #tpu.memory_space<vmem_shared>>
      tpu.wait_indirect_dma semaphore(%arg24 : memref<!tpu.dma_semaphore, #tpu.memory_space<semaphore_mem>>) src(%arg13 : memref<40x128xf32, #tpu.memory_space<vmem>>) dst(%dma_wait3A_110 : memref<10240x128xf32, #tpu.memory_space<vmem_shared>>)
      %add3A_111 = arith.constant 5 : i32
      %add3A_112 = arith.addi %add3A_93, %add3A_111 : i32
      %sub3A_113 = arith.constant 1 : i32
      %sub3A_114 = arith.subi %add3A_112, %sub3A_113 : i32
      %lt3A_115 = arith.constant 250 : i32
      %lt3A_116 = arith.cmpi slt, %sub3A_114, %lt3A_115 : i32
      %convert_element_type3A_117 = arith.extui %lt3A_116 : i1 to i32
      %cond3A_118 = arith.constant 0 : i32
      %cond3A_119 = arith.cmpi ne, %convert_element_type3A_117, %cond3A_118 : i32
      scf.if %cond3A_119 {
        %add3A_204 = arith.constant 5 : i32
        %add3A_205 = arith.addi %add3A_93, %add3A_204 : i32
        %sub3A_206 = arith.constant 1 : i32
        %sub3A_207 = arith.subi %add3A_205, %sub3A_206 : i32
        %mul3A_208 = arith.constant 40 : i32
        %mul3A_209 = arith.muli %sub3A_207, %mul3A_208 : i32
        %add3A_210 = arith.addi %add3A, %mul3A_209 : i32
        %dma_start3A_211 = tpu.memref_slice %arg5[%add3A_210] : memref<320000xi32, #tpu.memory_space<hbm>> -> memref<40xi32, #tpu.memory_space<hbm>>
        %dma_start3A_212 = tpu.memref_slice %arg5[%add3A_210] : memref<320000xi32, #tpu.memory_space<hbm>> -> memref<40xi32, #tpu.memory_space<hbm>>
        tpu.enqueue_dma source(%dma_start3A_212 : memref<40xi32, #tpu.memory_space<hbm>>) target(%arg8 : memref<40xi32, #tpu.memory_space<vmem>>) target_semaphore(%arg29 : memref<!tpu.dma_semaphore, #tpu.memory_space<semaphore_mem>>)
        %add3A_213 = arith.constant 5 : i32
        %add3A_214 = arith.addi %add3A_93, %add3A_213 : i32
        %sub3A_215 = arith.constant 1 : i32
        %sub3A_216 = arith.subi %add3A_214, %sub3A_215 : i32
        %mul3A_217 = arith.constant 40 : i32
        %mul3A_218 = arith.muli %sub3A_216, %mul3A_217 : i32
        %dma_start3A_219 = tpu.memref_slice %arg7[%mul3A_218] : memref<10000xi32, #tpu.memory_space<vmem>> -> memref<40xi32, #tpu.memory_space<vmem>>
        %dma_start3A_220 = arith.constant 0 : i32
        %dma_start3A_221 = arith.constant 0 : i32
        %dma_start3A_222 = tpu.memref_slice %arg2[%dma_start3A_220, %dma_start3A_221] : memref<10240x128xf32, #tpu.memory_space<hbm>> -> memref<10240x128xf32, #tpu.memory_space<hbm>>
        tpu.enqueue_indirect_dma source(%dma_start3A_222 : memref<10240x128xf32, #tpu.memory_space<hbm>>) target(%arg13 : memref<40x128xf32, #tpu.memory_space<vmem>>) offsets(%dma_start3A_219 : memref<40xi32, #tpu.memory_space<vmem>>) semaphore(%arg19 : memref<!tpu.dma_semaphore, #tpu.memory_space<semaphore_mem>>)
      } else {
      }
      %add3A_120 = arith.constant 2 : i32
      %add3A_121 = arith.addi %mul3A_64, %add3A_120 : i32
      %mul3A_122 = arith.constant 40 : i32
      %mul3A_123 = arith.muli %add3A_121, %mul3A_122 : i32
      %dma_wait3A_124 = tpu.memref_slice %arg7[%mul3A_123] : memref<10000xi32, #tpu.memory_space<vmem>> -> memref<40xi32, #tpu.memory_space<vmem>>
      %dma_wait3A_125 = arith.constant 0 : i32
      %dma_wait3A_126 = arith.constant 0 : i32
      %dma_wait3A_127 = tpu.memref_slice %arg2[%dma_wait3A_125, %dma_wait3A_126] : memref<10240x128xf32, #tpu.memory_space<hbm>> -> memref<10240x128xf32, #tpu.memory_space<hbm>>
      tpu.wait_indirect_dma semaphore(%arg21 : memref<!tpu.dma_semaphore, #tpu.memory_space<semaphore_mem>>) src(%dma_wait3A_127 : memref<10240x128xf32, #tpu.memory_space<hbm>>) dst(%arg15 : memref<40x128xf32, #tpu.memory_space<vmem>>)
      %mul3A_128 = arith.constant 40 : i32
      %mul3A_129 = arith.muli %add3A_121, %mul3A_128 : i32
      %add3A_130 = arith.addi %add3A, %mul3A_129 : i32
      %dma_wait3A_131 = tpu.memref_slice %arg5[%add3A_130] : memref<320000xi32, #tpu.memory_space<hbm>> -> memref<40xi32, #tpu.memory_space<hbm>>
      %dma_wait3A_132 = tpu.memref_slice %arg5[%add3A_130] : memref<320000xi32, #tpu.memory_space<hbm>> -> memref<40xi32, #tpu.memory_space<hbm>>
      tpu.wait_dma2 semaphore(%arg31 : memref<!tpu.dma_semaphore, #tpu.memory_space<semaphore_mem>>) src(%dma_wait3A_132 : memref<40xi32, #tpu.memory_space<hbm>>) dst(%arg10 : memref<40xi32, #tpu.memory_space<vmem>>)
      %dma_start3A_133 = arith.constant 0 : i32
      %dma_start3A_134 = arith.constant 0 : i32
      %dma_start3A_135 = tpu.memref_slice %arg18[%dma_start3A_133, %dma_start3A_134] : memref<10240x128xf32, #tpu.memory_space<vmem_shared>> -> memref<10240x128xf32, #tpu.memory_space<vmem_shared>>
      tpu.enqueue_indirect_dma source(%arg15 : memref<40x128xf32, #tpu.memory_space<vmem>>) target(%dma_start3A_135 : memref<10240x128xf32, #tpu.memory_space<vmem_shared>>) offsets(%arg10 : memref<40xi32, #tpu.memory_space<vmem>>) semaphore(%arg26 : memref<!tpu.dma_semaphore, #tpu.memory_space<semaphore_mem>>) {add = true}
      %dma_wait3A_136 = arith.constant 0 : i32
      %dma_wait3A_137 = arith.constant 0 : i32
      %dma_wait3A_138 = tpu.memref_slice %arg18[%dma_wait3A_136, %dma_wait3A_137] : memref<10240x128xf32, #tpu.memory_space<vmem_shared>> -> memref<10240x128xf32, #tpu.memory_space<vmem_shared>>
      tpu.wait_indirect_dma semaphore(%arg25 : memref<!tpu.dma_semaphore, #tpu.memory_space<semaphore_mem>>) src(%arg14 : memref<40x128xf32, #tpu.memory_space<vmem>>) dst(%dma_wait3A_138 : memref<10240x128xf32, #tpu.memory_space<vmem_shared>>)
      %add3A_139 = arith.constant 5 : i32
      %add3A_140 = arith.addi %add3A_121, %add3A_139 : i32
      %sub3A_141 = arith.constant 1 : i32
      %sub3A_142 = arith.subi %add3A_140, %sub3A_141 : i32
      %lt3A_143 = arith.constant 250 : i32
      %lt3A_144 = arith.cmpi slt, %sub3A_142, %lt3A_143 : i32
      %convert_element_type3A_145 = arith.extui %lt3A_144 : i1 to i32
      %cond3A_146 = arith.constant 0 : i32
      %cond3A_147 = arith.cmpi ne, %convert_element_type3A_145, %cond3A_146 : i32
      scf.if %cond3A_147 {
        %add3A_204 = arith.constant 5 : i32
        %add3A_205 = arith.addi %add3A_121, %add3A_204 : i32
        %sub3A_206 = arith.constant 1 : i32
        %sub3A_207 = arith.subi %add3A_205, %sub3A_206 : i32
        %mul3A_208 = arith.constant 40 : i32
        %mul3A_209 = arith.muli %sub3A_207, %mul3A_208 : i32
        %add3A_210 = arith.addi %add3A, %mul3A_209 : i32
        %dma_start3A_211 = tpu.memref_slice %arg5[%add3A_210] : memref<320000xi32, #tpu.memory_space<hbm>> -> memref<40xi32, #tpu.memory_space<hbm>>
        %dma_start3A_212 = tpu.memref_slice %arg5[%add3A_210] : memref<320000xi32, #tpu.memory_space<hbm>> -> memref<40xi32, #tpu.memory_space<hbm>>
        tpu.enqueue_dma source(%dma_start3A_212 : memref<40xi32, #tpu.memory_space<hbm>>) target(%arg9 : memref<40xi32, #tpu.memory_space<vmem>>) target_semaphore(%arg30 : memref<!tpu.dma_semaphore, #tpu.memory_space<semaphore_mem>>)
        %add3A_213 = arith.constant 5 : i32
        %add3A_214 = arith.addi %add3A_121, %add3A_213 : i32
        %sub3A_215 = arith.constant 1 : i32
        %sub3A_216 = arith.subi %add3A_214, %sub3A_215 : i32
        %mul3A_217 = arith.constant 40 : i32
        %mul3A_218 = arith.muli %sub3A_216, %mul3A_217 : i32
        %dma_start3A_219 = tpu.memref_slice %arg7[%mul3A_218] : memref<10000xi32, #tpu.memory_space<vmem>> -> memref<40xi32, #tpu.memory_space<vmem>>
        %dma_start3A_220 = arith.constant 0 : i32
        %dma_start3A_221 = arith.constant 0 : i32
        %dma_start3A_222 = tpu.memref_slice %arg2[%dma_start3A_220, %dma_start3A_221] : memref<10240x128xf32, #tpu.memory_space<hbm>> -> memref<10240x128xf32, #tpu.memory_space<hbm>>
        tpu.enqueue_indirect_dma source(%dma_start3A_222 : memref<10240x128xf32, #tpu.memory_space<hbm>>) target(%arg14 : memref<40x128xf32, #tpu.memory_space<vmem>>) offsets(%dma_start3A_219 : memref<40xi32, #tpu.memory_space<vmem>>) semaphore(%arg20 : memref<!tpu.dma_semaphore, #tpu.memory_space<semaphore_mem>>)
      } else {
      }
      %add3A_148 = arith.constant 3 : i32
      %add3A_149 = arith.addi %mul3A_64, %add3A_148 : i32
      %mul3A_150 = arith.constant 40 : i32
      %mul3A_151 = arith.muli %add3A_149, %mul3A_150 : i32
      %dma_wait3A_152 = tpu.memref_slice %arg7[%mul3A_151] : memref<10000xi32, #tpu.memory_space<vmem>> -> memref<40xi32, #tpu.memory_space<vmem>>
      %dma_wait3A_153 = arith.constant 0 : i32
      %dma_wait3A_154 = arith.constant 0 : i32
      %dma_wait3A_155 = tpu.memref_slice %arg2[%dma_wait3A_153, %dma_wait3A_154] : memref<10240x128xf32, #tpu.memory_space<hbm>> -> memref<10240x128xf32, #tpu.memory_space<hbm>>
      tpu.wait_indirect_dma semaphore(%arg22 : memref<!tpu.dma_semaphore, #tpu.memory_space<semaphore_mem>>) src(%dma_wait3A_155 : memref<10240x128xf32, #tpu.memory_space<hbm>>) dst(%arg16 : memref<40x128xf32, #tpu.memory_space<vmem>>)
      %mul3A_156 = arith.constant 40 : i32
      %mul3A_157 = arith.muli %add3A_149, %mul3A_156 : i32
      %add3A_158 = arith.addi %add3A, %mul3A_157 : i32
      %dma_wait3A_159 = tpu.memref_slice %arg5[%add3A_158] : memref<320000xi32, #tpu.memory_space<hbm>> -> memref<40xi32, #tpu.memory_space<hbm>>
      %dma_wait3A_160 = tpu.memref_slice %arg5[%add3A_158] : memref<320000xi32, #tpu.memory_space<hbm>> -> memref<40xi32, #tpu.memory_space<hbm>>
      tpu.wait_dma2 semaphore(%arg32 : memref<!tpu.dma_semaphore, #tpu.memory_space<semaphore_mem>>) src(%dma_wait3A_160 : memref<40xi32, #tpu.memory_space<hbm>>) dst(%arg11 : memref<40xi32, #tpu.memory_space<vmem>>)
      %dma_start3A_161 = arith.constant 0 : i32
      %dma_start3A_162 = arith.constant 0 : i32
      %dma_start3A_163 = tpu.memref_slice %arg18[%dma_start3A_161, %dma_start3A_162] : memref<10240x128xf32, #tpu.memory_space<vmem_shared>> -> memref<10240x128xf32, #tpu.memory_space<vmem_shared>>
      tpu.enqueue_indirect_dma source(%arg16 : memref<40x128xf32, #tpu.memory_space<vmem>>) target(%dma_start3A_163 : memref<10240x128xf32, #tpu.memory_space<vmem_shared>>) offsets(%arg11 : memref<40xi32, #tpu.memory_space<vmem>>) semaphore(%arg27 : memref<!tpu.dma_semaphore, #tpu.memory_space<semaphore_mem>>) {add = true}
      %dma_wait3A_164 = arith.constant 0 : i32
      %dma_wait3A_165 = arith.constant 0 : i32
      %dma_wait3A_166 = tpu.memref_slice %arg18[%dma_wait3A_164, %dma_wait3A_165] : memref<10240x128xf32, #tpu.memory_space<vmem_shared>> -> memref<10240x128xf32, #tpu.memory_space<vmem_shared>>
      tpu.wait_indirect_dma semaphore(%arg26 : memref<!tpu.dma_semaphore, #tpu.memory_space<semaphore_mem>>) src(%arg15 : memref<40x128xf32, #tpu.memory_space<vmem>>) dst(%dma_wait3A_166 : memref<10240x128xf32, #tpu.memory_space<vmem_shared>>)
      %add3A_167 = arith.constant 5 : i32
      %add3A_168 = arith.addi %add3A_149, %add3A_167 : i32
      %sub3A_169 = arith.constant 1 : i32
      %sub3A_170 = arith.subi %add3A_168, %sub3A_169 : i32
      %lt3A_171 = arith.constant 250 : i32
      %lt3A_172 = arith.cmpi slt, %sub3A_170, %lt3A_171 : i32
      %convert_element_type3A_173 = arith.extui %lt3A_172 : i1 to i32
      %cond3A_174 = arith.constant 0 : i32
      %cond3A_175 = arith.cmpi ne, %convert_element_type3A_173, %cond3A_174 : i32
      scf.if %cond3A_175 {
        %add3A_204 = arith.constant 5 : i32
        %add3A_205 = arith.addi %add3A_149, %add3A_204 : i32
        %sub3A_206 = arith.constant 1 : i32
        %sub3A_207 = arith.subi %add3A_205, %sub3A_206 : i32
        %mul3A_208 = arith.constant 40 : i32
        %mul3A_209 = arith.muli %sub3A_207, %mul3A_208 : i32
        %add3A_210 = arith.addi %add3A, %mul3A_209 : i32
        %dma_start3A_211 = tpu.memref_slice %arg5[%add3A_210] : memref<320000xi32, #tpu.memory_space<hbm>> -> memref<40xi32, #tpu.memory_space<hbm>>
        %dma_start3A_212 = tpu.memref_slice %arg5[%add3A_210] : memref<320000xi32, #tpu.memory_space<hbm>> -> memref<40xi32, #tpu.memory_space<hbm>>
        tpu.enqueue_dma source(%dma_start3A_212 : memref<40xi32, #tpu.memory_space<hbm>>) target(%arg10 : memref<40xi32, #tpu.memory_space<vmem>>) target_semaphore(%arg31 : memref<!tpu.dma_semaphore, #tpu.memory_space<semaphore_mem>>)
        %add3A_213 = arith.constant 5 : i32
        %add3A_214 = arith.addi %add3A_149, %add3A_213 : i32
        %sub3A_215 = arith.constant 1 : i32
        %sub3A_216 = arith.subi %add3A_214, %sub3A_215 : i32
        %mul3A_217 = arith.constant 40 : i32
        %mul3A_218 = arith.muli %sub3A_216, %mul3A_217 : i32
        %dma_start3A_219 = tpu.memref_slice %arg7[%mul3A_218] : memref<10000xi32, #tpu.memory_space<vmem>> -> memref<40xi32, #tpu.memory_space<vmem>>
        %dma_start3A_220 = arith.constant 0 : i32
        %dma_start3A_221 = arith.constant 0 : i32
        %dma_start3A_222 = tpu.memref_slice %arg2[%dma_start3A_220, %dma_start3A_221] : memref<10240x128xf32, #tpu.memory_space<hbm>> -> memref<10240x128xf32, #tpu.memory_space<hbm>>
        tpu.enqueue_indirect_dma source(%dma_start3A_222 : memref<10240x128xf32, #tpu.memory_space<hbm>>) target(%arg15 : memref<40x128xf32, #tpu.memory_space<vmem>>) offsets(%dma_start3A_219 : memref<40xi32, #tpu.memory_space<vmem>>) semaphore(%arg21 : memref<!tpu.dma_semaphore, #tpu.memory_space<semaphore_mem>>)
      } else {
      }
      %add3A_176 = arith.constant 4 : i32
      %add3A_177 = arith.addi %mul3A_64, %add3A_176 : i32
      %mul3A_178 = arith.constant 40 : i32
      %mul3A_179 = arith.muli %add3A_177, %mul3A_178 : i32
      %dma_wait3A_180 = tpu.memref_slice %arg7[%mul3A_179] : memref<10000xi32, #tpu.memory_space<vmem>> -> memref<40xi32, #tpu.memory_space<vmem>>
      %dma_wait3A_181 = arith.constant 0 : i32
      %dma_wait3A_182 = arith.constant 0 : i32
      %dma_wait3A_183 = tpu.memref_slice %arg2[%dma_wait3A_181, %dma_wait3A_182] : memref<10240x128xf32, #tpu.memory_space<hbm>> -> memref<10240x128xf32, #tpu.memory_space<hbm>>
      tpu.wait_indirect_dma semaphore(%arg23 : memref<!tpu.dma_semaphore, #tpu.memory_space<semaphore_mem>>) src(%dma_wait3A_183 : memref<10240x128xf32, #tpu.memory_space<hbm>>) dst(%arg17 : memref<40x128xf32, #tpu.memory_space<vmem>>)
      %mul3A_184 = arith.constant 40 : i32
      %mul3A_185 = arith.muli %add3A_177, %mul3A_184 : i32
      %add3A_186 = arith.addi %add3A, %mul3A_185 : i32
      %dma_wait3A_187 = tpu.memref_slice %arg5[%add3A_186] : memref<320000xi32, #tpu.memory_space<hbm>> -> memref<40xi32, #tpu.memory_space<hbm>>
      %dma_wait3A_188 = tpu.memref_slice %arg5[%add3A_186] : memref<320000xi32, #tpu.memory_space<hbm>> -> memref<40xi32, #tpu.memory_space<hbm>>
      tpu.wait_dma2 semaphore(%arg33 : memref<!tpu.dma_semaphore, #tpu.memory_space<semaphore_mem>>) src(%dma_wait3A_188 : memref<40xi32, #tpu.memory_space<hbm>>) dst(%arg12 : memref<40xi32, #tpu.memory_space<vmem>>)
      %dma_start3A_189 = arith.constant 0 : i32
      %dma_start3A_190 = arith.constant 0 : i32
      %dma_start3A_191 = tpu.memref_slice %arg18[%dma_start3A_189, %dma_start3A_190] : memref<10240x128xf32, #tpu.memory_space<vmem_shared>> -> memref<10240x128xf32, #tpu.memory_space<vmem_shared>>
      tpu.enqueue_indirect_dma source(%arg17 : memref<40x128xf32, #tpu.memory_space<vmem>>) target(%dma_start3A_191 : memref<10240x128xf32, #tpu.memory_space<vmem_shared>>) offsets(%arg12 : memref<40xi32, #tpu.memory_space<vmem>>) semaphore(%arg28 : memref<!tpu.dma_semaphore, #tpu.memory_space<semaphore_mem>>) {add = true}
      %dma_wait3A_192 = arith.constant 0 : i32
      %dma_wait3A_193 = arith.constant 0 : i32
      %dma_wait3A_194 = tpu.memref_slice %arg18[%dma_wait3A_192, %dma_wait3A_193] : memref<10240x128xf32, #tpu.memory_space<vmem_shared>> -> memref<10240x128xf32, #tpu.memory_space<vmem_shared>>
      tpu.wait_indirect_dma semaphore(%arg27 : memref<!tpu.dma_semaphore, #tpu.memory_space<semaphore_mem>>) src(%arg16 : memref<40x128xf32, #tpu.memory_space<vmem>>) dst(%dma_wait3A_194 : memref<10240x128xf32, #tpu.memory_space<vmem_shared>>)
      %add3A_195 = arith.constant 5 : i32
      %add3A_196 = arith.addi %add3A_177, %add3A_195 : i32
      %sub3A_197 = arith.constant 1 : i32
      %sub3A_198 = arith.subi %add3A_196, %sub3A_197 : i32
      %lt3A_199 = arith.constant 250 : i32
      %lt3A_200 = arith.cmpi slt, %sub3A_198, %lt3A_199 : i32
      %convert_element_type3A_201 = arith.extui %lt3A_200 : i1 to i32
      %cond3A_202 = arith.constant 0 : i32
      %cond3A_203 = arith.cmpi ne, %convert_element_type3A_201, %cond3A_202 : i32
      scf.if %cond3A_203 {
        %add3A_204 = arith.constant 5 : i32
        %add3A_205 = arith.addi %add3A_177, %add3A_204 : i32
        %sub3A_206 = arith.constant 1 : i32
        %sub3A_207 = arith.subi %add3A_205, %sub3A_206 : i32
        %mul3A_208 = arith.constant 40 : i32
        %mul3A_209 = arith.muli %sub3A_207, %mul3A_208 : i32
        %add3A_210 = arith.addi %add3A, %mul3A_209 : i32
        %dma_start3A_211 = tpu.memref_slice %arg5[%add3A_210] : memref<320000xi32, #tpu.memory_space<hbm>> -> memref<40xi32, #tpu.memory_space<hbm>>
        %dma_start3A_212 = tpu.memref_slice %arg5[%add3A_210] : memref<320000xi32, #tpu.memory_space<hbm>> -> memref<40xi32, #tpu.memory_space<hbm>>
        tpu.enqueue_dma source(%dma_start3A_212 : memref<40xi32, #tpu.memory_space<hbm>>) target(%arg11 : memref<40xi32, #tpu.memory_space<vmem>>) target_semaphore(%arg32 : memref<!tpu.dma_semaphore, #tpu.memory_space<semaphore_mem>>)
        %add3A_213 = arith.constant 5 : i32
        %add3A_214 = arith.addi %add3A_177, %add3A_213 : i32
        %sub3A_215 = arith.constant 1 : i32
        %sub3A_216 = arith.subi %add3A_214, %sub3A_215 : i32
        %mul3A_217 = arith.constant 40 : i32
        %mul3A_218 = arith.muli %sub3A_216, %mul3A_217 : i32
        %dma_start3A_219 = tpu.memref_slice %arg7[%mul3A_218] : memref<10000xi32, #tpu.memory_space<vmem>> -> memref<40xi32, #tpu.memory_space<vmem>>
        %dma_start3A_220 = arith.constant 0 : i32
        %dma_start3A_221 = arith.constant 0 : i32
        %dma_start3A_222 = tpu.memref_slice %arg2[%dma_start3A_220, %dma_start3A_221] : memref<10240x128xf32, #tpu.memory_space<hbm>> -> memref<10240x128xf32, #tpu.memory_space<hbm>>
        tpu.enqueue_indirect_dma source(%dma_start3A_222 : memref<10240x128xf32, #tpu.memory_space<hbm>>) target(%arg16 : memref<40x128xf32, #tpu.memory_space<vmem>>) offsets(%dma_start3A_219 : memref<40xi32, #tpu.memory_space<vmem>>) semaphore(%arg22 : memref<!tpu.dma_semaphore, #tpu.memory_space<semaphore_mem>>)
      } else {
      }
    }
    %scan3A_54 = arith.constant 50 : i32
    %dma_wait3A_55 = arith.constant 0 : i32
    %dma_wait3A_56 = arith.constant 0 : i32
    %dma_wait3A_57 = tpu.memref_slice %arg18[%dma_wait3A_55, %dma_wait3A_56] : memref<10240x128xf32, #tpu.memory_space<vmem_shared>> -> memref<10240x128xf32, #tpu.memory_space<vmem_shared>>
    tpu.wait_indirect_dma semaphore(%arg28 : memref<!tpu.dma_semaphore, #tpu.memory_space<semaphore_mem>>) src(%arg17 : memref<40x128xf32, #tpu.memory_space<vmem>>) dst(%dma_wait3A_57 : memref<10240x128xf32, #tpu.memory_space<vmem_shared>>)
    %barrier3A_58 = arith.constant 0 : index
    tpu.barrier barrier_id(%barrier3A_58)
    %mul3A_59 = arith.constant 10240 : i32
    %mul3A_60 = arith.muli %arg0, %mul3A_59 : i32
    %add3A_61 = arith.addi %mul3A_60, %mul3A_0 : i32
    "tpu.region"() ({
      %run_scoped3A = tpu.sem_alloc : memref<!tpu.dma_semaphore, #tpu.memory_space<semaphore_mem>>
      %dma_start3A_62 = arith.constant 0 : i32
      %dma_start3A_63 = tpu.memref_slice %arg6[%add3A_61, %dma_start3A_62] : memref<20480x128xf32, #tpu.memory_space<hbm>> -> memref<640x128xf32, #tpu.memory_space<hbm>>
      %dma_start3A_64 = arith.constant 0 : i32
      %dma_start3A_65 = tpu.memref_slice %arg18[%mul3A_0, %dma_start3A_64] : memref<10240x128xf32, #tpu.memory_space<vmem_shared>> -> memref<640x128xf32, #tpu.memory_space<vmem_shared>>
      tpu.enqueue_dma source(%dma_start3A_65 : memref<640x128xf32, #tpu.memory_space<vmem_shared>>) target(%dma_start3A_63 : memref<640x128xf32, #tpu.memory_space<hbm>>) target_semaphore(%run_scoped3A : memref<!tpu.dma_semaphore, #tpu.memory_space<semaphore_mem>>)
      %dma_wait3A_66 = arith.constant 0 : i32
      %dma_wait3A_67 = tpu.memref_slice %arg6[%add3A_61, %dma_wait3A_66] : memref<20480x128xf32, #tpu.memory_space<hbm>> -> memref<640x128xf32, #tpu.memory_space<hbm>>
      %dma_wait3A_68 = arith.constant 0 : i32
      %dma_wait3A_69 = tpu.memref_slice %arg18[%mul3A_0, %dma_wait3A_68] : memref<10240x128xf32, #tpu.memory_space<vmem_shared>> -> memref<640x128xf32, #tpu.memory_space<vmem_shared>>
      tpu.wait_dma2 semaphore(%run_scoped3A : memref<!tpu.dma_semaphore, #tpu.memory_space<semaphore_mem>>) src(%dma_wait3A_69 : memref<640x128xf32, #tpu.memory_space<vmem_shared>>) dst(%dma_wait3A_67 : memref<640x128xf32, #tpu.memory_space<hbm>>)
      tpu.yield
    }) : () -> ()
    return
  }
}

#map = affine_map<(d0, d1) -> (0, 0)>
#map1 = affine_map<(d0, d1) -> (0)>
module attributes {stable_mosaic.version = 14 : i64} {
  func.func @agg_kernel(%arg0: i32, %arg1: i32, %arg2: memref<20480x128xf32, #tpu.memory_space<hbm>>, %arg3: memref<640000xi32, #tpu.memory_space<hbm>>, %arg4: memref<320000xi32, #tpu.memory_space<hbm>>, %arg5: memref<20480x128xf32, #tpu.memory_space<hbm>>, %arg6: memref<20000xi32, #tpu.memory_space<vmem>>, %arg7: memref<40xi32, #tpu.memory_space<vmem>>, %arg8: memref<40xi32, #tpu.memory_space<vmem>>, %arg9: memref<40xi32, #tpu.memory_space<vmem>>, %arg10: memref<40xi32, #tpu.memory_space<vmem>>, %arg11: memref<40xi32, #tpu.memory_space<vmem>>, %arg12: memref<40x128xf32, #tpu.memory_space<vmem>>, %arg13: memref<40x128xf32, #tpu.memory_space<vmem>>, %arg14: memref<40x128xf32, #tpu.memory_space<vmem>>, %arg15: memref<40x128xf32, #tpu.memory_space<vmem>>, %arg16: memref<40x128xf32, #tpu.memory_space<vmem>>, %arg17: memref<10240x128xf32, #tpu.memory_space<vmem_shared>>, %arg18: memref<!tpu.dma_semaphore, #tpu.memory_space<semaphore_mem>>, %arg19: memref<!tpu.dma_semaphore, #tpu.memory_space<semaphore_mem>>, %arg20: memref<!tpu.dma_semaphore, #tpu.memory_space<semaphore_mem>>, %arg21: memref<!tpu.dma_semaphore, #tpu.memory_space<semaphore_mem>>, %arg22: memref<!tpu.dma_semaphore, #tpu.memory_space<semaphore_mem>>, %arg23: memref<!tpu.dma_semaphore, #tpu.memory_space<semaphore_mem>>, %arg24: memref<!tpu.dma_semaphore, #tpu.memory_space<semaphore_mem>>, %arg25: memref<!tpu.dma_semaphore, #tpu.memory_space<semaphore_mem>>, %arg26: memref<!tpu.dma_semaphore, #tpu.memory_space<semaphore_mem>>, %arg27: memref<!tpu.dma_semaphore, #tpu.memory_space<semaphore_mem>>, %arg28: memref<!tpu.dma_semaphore, #tpu.memory_space<semaphore_mem>>, %arg29: memref<!tpu.dma_semaphore, #tpu.memory_space<semaphore_mem>>, %arg30: memref<!tpu.dma_semaphore, #tpu.memory_space<semaphore_mem>>, %arg31: memref<!tpu.dma_semaphore, #tpu.memory_space<semaphore_mem>>, %arg32: memref<!tpu.dma_semaphore, #tpu.memory_space<semaphore_mem>>, %arg33: memref<!tpu.dma_semaphore, #tpu.memory_space<semaphore_mem>>) attributes {dimension_semantics = [#tpu.dimension_semantics<core_parallel>, #tpu.dimension_semantics<subcore_parallel>], iteration_bounds = array<i64: 2, 16>, scalar_prefetch = 0 : i64, scratch_operands = 28 : i64, tpu.core_type = #tpu.core_type<sc_vector_subcore>, window_params = [{transform_indices = #map}, {transform_indices = #map1}, {transform_indices = #map1}, {transform_indices = #map}]} {
    %mul3A = arith.constant 640 : i32
    %mul3A_0 = arith.muli %arg1, %mul3A : i32
    %mul3A_1 = arith.constant 10240 : i32
    %mul3A_2 = arith.muli %arg0, %mul3A_1 : i32
    %add3A = arith.addi %mul3A_2, %mul3A_0 : i32
    %dma_start3A = arith.constant 0 : i32
    %dma_start3A_3 = tpu.memref_slice %arg17[%mul3A_0, %dma_start3A] : memref<10240x128xf32, #tpu.memory_space<vmem_shared>> -> memref<640x128xf32, #tpu.memory_space<vmem_shared>>
    %dma_start3A_4 = arith.constant 0 : i32
    %dma_start3A_5 = tpu.memref_slice %arg2[%add3A, %dma_start3A_4] : memref<20480x128xf32, #tpu.memory_space<hbm>> -> memref<640x128xf32, #tpu.memory_space<hbm>>
    tpu.enqueue_dma source(%dma_start3A_5 : memref<640x128xf32, #tpu.memory_space<hbm>>) target(%dma_start3A_3 : memref<640x128xf32, #tpu.memory_space<vmem_shared>>) target_semaphore(%arg33 : memref<!tpu.dma_semaphore, #tpu.memory_space<semaphore_mem>>)
    %mul3A_6 = arith.constant 320000 : i32
    %mul3A_7 = arith.muli %arg0, %mul3A_6 : i32
    %mul3A_8 = arith.constant 20000 : i32
    %mul3A_9 = arith.muli %arg1, %mul3A_8 : i32
    %add3A_10 = arith.addi %mul3A_7, %mul3A_9 : i32
    %mul3A_11 = arith.constant 20000 : i32
    %mul3A_12 = arith.muli %arg1, %mul3A_11 : i32
    "tpu.region"() ({
      %run_scoped3A = tpu.sem_alloc : memref<!tpu.dma_semaphore, #tpu.memory_space<semaphore_mem>>
      %dma_start3A_67 = tpu.memref_slice %arg3[%add3A_10] : memref<640000xi32, #tpu.memory_space<hbm>> -> memref<20000xi32, #tpu.memory_space<hbm>>
      %dma_start3A_68 = tpu.memref_slice %arg3[%add3A_10] : memref<640000xi32, #tpu.memory_space<hbm>> -> memref<20000xi32, #tpu.memory_space<hbm>>
      tpu.enqueue_dma source(%dma_start3A_68 : memref<20000xi32, #tpu.memory_space<hbm>>) target(%arg6 : memref<20000xi32, #tpu.memory_space<vmem>>) target_semaphore(%run_scoped3A : memref<!tpu.dma_semaphore, #tpu.memory_space<semaphore_mem>>)
      %dma_wait3A_69 = tpu.memref_slice %arg3[%add3A_10] : memref<640000xi32, #tpu.memory_space<hbm>> -> memref<20000xi32, #tpu.memory_space<hbm>>
      %dma_wait3A_70 = tpu.memref_slice %arg3[%add3A_10] : memref<640000xi32, #tpu.memory_space<hbm>> -> memref<20000xi32, #tpu.memory_space<hbm>>
      tpu.wait_dma2 semaphore(%run_scoped3A : memref<!tpu.dma_semaphore, #tpu.memory_space<semaphore_mem>>) src(%dma_wait3A_70 : memref<20000xi32, #tpu.memory_space<hbm>>) dst(%arg6 : memref<20000xi32, #tpu.memory_space<vmem>>)
      tpu.yield
    }) : () -> ()
    %add3A_13 = arith.constant 0 : i32
    %add3A_14 = arith.addi %mul3A_12, %add3A_13 : i32
    %dma_start3A_15 = tpu.memref_slice %arg4[%add3A_14] : memref<320000xi32, #tpu.memory_space<hbm>> -> memref<40xi32, #tpu.memory_space<hbm>>
    %dma_start3A_16 = tpu.memref_slice %arg4[%add3A_14] : memref<320000xi32, #tpu.memory_space<hbm>> -> memref<40xi32, #tpu.memory_space<hbm>>
    tpu.enqueue_dma source(%dma_start3A_16 : memref<40xi32, #tpu.memory_space<hbm>>) target(%arg7 : memref<40xi32, #tpu.memory_space<vmem>>) target_semaphore(%arg28 : memref<!tpu.dma_semaphore, #tpu.memory_space<semaphore_mem>>)
    %dma_start3A_17 = arith.constant 0 : i32
    %dma_start3A_18 = tpu.memref_slice %arg6[%dma_start3A_17] : memref<20000xi32, #tpu.memory_space<vmem>> -> memref<40xi32, #tpu.memory_space<vmem>>
    %dma_start3A_19 = arith.constant 0 : i32
    %dma_start3A_20 = arith.constant 0 : i32
    %dma_start3A_21 = tpu.memref_slice %arg2[%dma_start3A_19, %dma_start3A_20] : memref<20480x128xf32, #tpu.memory_space<hbm>> -> memref<20480x128xf32, #tpu.memory_space<hbm>>
    tpu.enqueue_indirect_dma source(%dma_start3A_21 : memref<20480x128xf32, #tpu.memory_space<hbm>>) target(%arg12 : memref<40x128xf32, #tpu.memory_space<vmem>>) offsets(%dma_start3A_18 : memref<40xi32, #tpu.memory_space<vmem>>) semaphore(%arg18 : memref<!tpu.dma_semaphore, #tpu.memory_space<semaphore_mem>>)
    %add3A_22 = arith.constant 40 : i32
    %add3A_23 = arith.addi %mul3A_12, %add3A_22 : i32
    %dma_start3A_24 = tpu.memref_slice %arg4[%add3A_23] : memref<320000xi32, #tpu.memory_space<hbm>> -> memref<40xi32, #tpu.memory_space<hbm>>
    %dma_start3A_25 = tpu.memref_slice %arg4[%add3A_23] : memref<320000xi32, #tpu.memory_space<hbm>> -> memref<40xi32, #tpu.memory_space<hbm>>
    tpu.enqueue_dma source(%dma_start3A_25 : memref<40xi32, #tpu.memory_space<hbm>>) target(%arg8 : memref<40xi32, #tpu.memory_space<vmem>>) target_semaphore(%arg29 : memref<!tpu.dma_semaphore, #tpu.memory_space<semaphore_mem>>)
    %dma_start3A_26 = arith.constant 40 : i32
    %dma_start3A_27 = tpu.memref_slice %arg6[%dma_start3A_26] : memref<20000xi32, #tpu.memory_space<vmem>> -> memref<40xi32, #tpu.memory_space<vmem>>
    %dma_start3A_28 = arith.constant 0 : i32
    %dma_start3A_29 = arith.constant 0 : i32
    %dma_start3A_30 = tpu.memref_slice %arg2[%dma_start3A_28, %dma_start3A_29] : memref<20480x128xf32, #tpu.memory_space<hbm>> -> memref<20480x128xf32, #tpu.memory_space<hbm>>
    tpu.enqueue_indirect_dma source(%dma_start3A_30 : memref<20480x128xf32, #tpu.memory_space<hbm>>) target(%arg13 : memref<40x128xf32, #tpu.memory_space<vmem>>) offsets(%dma_start3A_27 : memref<40xi32, #tpu.memory_space<vmem>>) semaphore(%arg19 : memref<!tpu.dma_semaphore, #tpu.memory_space<semaphore_mem>>)
    %add3A_31 = arith.constant 80 : i32
    %add3A_32 = arith.addi %mul3A_12, %add3A_31 : i32
    %dma_start3A_33 = tpu.memref_slice %arg4[%add3A_32] : memref<320000xi32, #tpu.memory_space<hbm>> -> memref<40xi32, #tpu.memory_space<hbm>>
    %dma_start3A_34 = tpu.memref_slice %arg4[%add3A_32] : memref<320000xi32, #tpu.memory_space<hbm>> -> memref<40xi32, #tpu.memory_space<hbm>>
    tpu.enqueue_dma source(%dma_start3A_34 : memref<40xi32, #tpu.memory_space<hbm>>) target(%arg9 : memref<40xi32, #tpu.memory_space<vmem>>) target_semaphore(%arg30 : memref<!tpu.dma_semaphore, #tpu.memory_space<semaphore_mem>>)
    %dma_start3A_35 = arith.constant 80 : i32
    %dma_start3A_36 = tpu.memref_slice %arg6[%dma_start3A_35] : memref<20000xi32, #tpu.memory_space<vmem>> -> memref<40xi32, #tpu.memory_space<vmem>>
    %dma_start3A_37 = arith.constant 0 : i32
    %dma_start3A_38 = arith.constant 0 : i32
    %dma_start3A_39 = tpu.memref_slice %arg2[%dma_start3A_37, %dma_start3A_38] : memref<20480x128xf32, #tpu.memory_space<hbm>> -> memref<20480x128xf32, #tpu.memory_space<hbm>>
    tpu.enqueue_indirect_dma source(%dma_start3A_39 : memref<20480x128xf32, #tpu.memory_space<hbm>>) target(%arg14 : memref<40x128xf32, #tpu.memory_space<vmem>>) offsets(%dma_start3A_36 : memref<40xi32, #tpu.memory_space<vmem>>) semaphore(%arg20 : memref<!tpu.dma_semaphore, #tpu.memory_space<semaphore_mem>>)
    %add3A_40 = arith.constant 120 : i32
    %add3A_41 = arith.addi %mul3A_12, %add3A_40 : i32
    %dma_start3A_42 = tpu.memref_slice %arg4[%add3A_41] : memref<320000xi32, #tpu.memory_space<hbm>> -> memref<40xi32, #tpu.memory_space<hbm>>
    %dma_start3A_43 = tpu.memref_slice %arg4[%add3A_41] : memref<320000xi32, #tpu.memory_space<hbm>> -> memref<40xi32, #tpu.memory_space<hbm>>
    tpu.enqueue_dma source(%dma_start3A_43 : memref<40xi32, #tpu.memory_space<hbm>>) target(%arg10 : memref<40xi32, #tpu.memory_space<vmem>>) target_semaphore(%arg31 : memref<!tpu.dma_semaphore, #tpu.memory_space<semaphore_mem>>)
    %dma_start3A_44 = arith.constant 120 : i32
    %dma_start3A_45 = tpu.memref_slice %arg6[%dma_start3A_44] : memref<20000xi32, #tpu.memory_space<vmem>> -> memref<40xi32, #tpu.memory_space<vmem>>
    %dma_start3A_46 = arith.constant 0 : i32
    %dma_start3A_47 = arith.constant 0 : i32
    %dma_start3A_48 = tpu.memref_slice %arg2[%dma_start3A_46, %dma_start3A_47] : memref<20480x128xf32, #tpu.memory_space<hbm>> -> memref<20480x128xf32, #tpu.memory_space<hbm>>
    tpu.enqueue_indirect_dma source(%dma_start3A_48 : memref<20480x128xf32, #tpu.memory_space<hbm>>) target(%arg15 : memref<40x128xf32, #tpu.memory_space<vmem>>) offsets(%dma_start3A_45 : memref<40xi32, #tpu.memory_space<vmem>>) semaphore(%arg21 : memref<!tpu.dma_semaphore, #tpu.memory_space<semaphore_mem>>)
    %mul3A_49 = arith.constant 10240 : i32
    %mul3A_50 = arith.muli %arg0, %mul3A_49 : i32
    %add3A_51 = arith.addi %mul3A_50, %mul3A_0 : i32
    %dma_wait3A = arith.constant 0 : i32
    %dma_wait3A_52 = tpu.memref_slice %arg17[%mul3A_0, %dma_wait3A] : memref<10240x128xf32, #tpu.memory_space<vmem_shared>> -> memref<640x128xf32, #tpu.memory_space<vmem_shared>>
    %dma_wait3A_53 = arith.constant 0 : i32
    %dma_wait3A_54 = tpu.memref_slice %arg2[%add3A_51, %dma_wait3A_53] : memref<20480x128xf32, #tpu.memory_space<hbm>> -> memref<640x128xf32, #tpu.memory_space<hbm>>
    tpu.wait_dma2 semaphore(%arg33 : memref<!tpu.dma_semaphore, #tpu.memory_space<semaphore_mem>>) src(%dma_wait3A_54 : memref<640x128xf32, #tpu.memory_space<hbm>>) dst(%dma_wait3A_52 : memref<640x128xf32, #tpu.memory_space<vmem_shared>>)
    %barrier3A = arith.constant 0 : index
    tpu.barrier barrier_id(%barrier3A)
    %scan3A = arith.constant 0 : i32
    %scan3A_55 = arith.constant 0 : i32
    %scan3A_56 = arith.constant 100 : i32
    %scan3A_57 = arith.addi %scan3A_55, %scan3A_56 : i32
    %scan3A_58 = arith.constant 1 : i32
    scf.for %scan3A_67 = %scan3A_55 to %scan3A_57 step %scan3A_58  : i32 {
      %mul3A_68 = arith.constant 5 : i32
      %mul3A_69 = arith.muli %scan3A_67, %mul3A_68 : i32
      %add3A_70 = arith.constant 0 : i32
      %add3A_71 = arith.addi %mul3A_69, %add3A_70 : i32
      %mul3A_72 = arith.constant 40 : i32
      %mul3A_73 = arith.muli %add3A_71, %mul3A_72 : i32
      %dma_wait3A_74 = tpu.memref_slice %arg6[%mul3A_73] : memref<20000xi32, #tpu.memory_space<vmem>> -> memref<40xi32, #tpu.memory_space<vmem>>
      %dma_wait3A_75 = arith.constant 0 : i32
      %dma_wait3A_76 = arith.constant 0 : i32
      %dma_wait3A_77 = tpu.memref_slice %arg2[%dma_wait3A_75, %dma_wait3A_76] : memref<20480x128xf32, #tpu.memory_space<hbm>> -> memref<20480x128xf32, #tpu.memory_space<hbm>>
      tpu.wait_indirect_dma semaphore(%arg18 : memref<!tpu.dma_semaphore, #tpu.memory_space<semaphore_mem>>) src(%dma_wait3A_77 : memref<20480x128xf32, #tpu.memory_space<hbm>>) dst(%arg12 : memref<40x128xf32, #tpu.memory_space<vmem>>)
      %mul3A_78 = arith.constant 40 : i32
      %mul3A_79 = arith.muli %add3A_71, %mul3A_78 : i32
      %add3A_80 = arith.addi %mul3A_12, %mul3A_79 : i32
      %dma_wait3A_81 = tpu.memref_slice %arg4[%add3A_80] : memref<320000xi32, #tpu.memory_space<hbm>> -> memref<40xi32, #tpu.memory_space<hbm>>
      %dma_wait3A_82 = tpu.memref_slice %arg4[%add3A_80] : memref<320000xi32, #tpu.memory_space<hbm>> -> memref<40xi32, #tpu.memory_space<hbm>>
      tpu.wait_dma2 semaphore(%arg28 : memref<!tpu.dma_semaphore, #tpu.memory_space<semaphore_mem>>) src(%dma_wait3A_82 : memref<40xi32, #tpu.memory_space<hbm>>) dst(%arg7 : memref<40xi32, #tpu.memory_space<vmem>>)
      %dma_start3A_83 = arith.constant 0 : i32
      %dma_start3A_84 = arith.constant 0 : i32
      %dma_start3A_85 = tpu.memref_slice %arg17[%dma_start3A_83, %dma_start3A_84] : memref<10240x128xf32, #tpu.memory_space<vmem_shared>> -> memref<10240x128xf32, #tpu.memory_space<vmem_shared>>
      tpu.enqueue_indirect_dma source(%arg12 : memref<40x128xf32, #tpu.memory_space<vmem>>) target(%dma_start3A_85 : memref<10240x128xf32, #tpu.memory_space<vmem_shared>>) offsets(%arg7 : memref<40xi32, #tpu.memory_space<vmem>>) semaphore(%arg23 : memref<!tpu.dma_semaphore, #tpu.memory_space<semaphore_mem>>) {add = true}
      %gt3A = arith.constant 0 : i32
      %gt3A_86 = arith.cmpi sgt, %scan3A_67, %gt3A : i32
      %convert_element_type3A = arith.extui %gt3A_86 : i1 to i32
      %cond3A = arith.constant 0 : i32
      %cond3A_87 = arith.cmpi ne, %convert_element_type3A, %cond3A : i32
      scf.if %cond3A_87 {
        %dma_wait3A_207 = arith.constant 0 : i32
        %dma_wait3A_208 = arith.constant 0 : i32
        %dma_wait3A_209 = tpu.memref_slice %arg17[%dma_wait3A_207, %dma_wait3A_208] : memref<10240x128xf32, #tpu.memory_space<vmem_shared>> -> memref<10240x128xf32, #tpu.memory_space<vmem_shared>>
        tpu.wait_indirect_dma semaphore(%arg27 : memref<!tpu.dma_semaphore, #tpu.memory_space<semaphore_mem>>) src(%arg16 : memref<40x128xf32, #tpu.memory_space<vmem>>) dst(%dma_wait3A_209 : memref<10240x128xf32, #tpu.memory_space<vmem_shared>>)
      } else {
      }
      %add3A_88 = arith.constant 5 : i32
      %add3A_89 = arith.addi %add3A_71, %add3A_88 : i32
      %sub3A = arith.constant 1 : i32
      %sub3A_90 = arith.subi %add3A_89, %sub3A : i32
      %lt3A = arith.constant 500 : i32
      %lt3A_91 = arith.cmpi slt, %sub3A_90, %lt3A : i32
      %convert_element_type3A_92 = arith.extui %lt3A_91 : i1 to i32
      %cond3A_93 = arith.constant 0 : i32
      %cond3A_94 = arith.cmpi ne, %convert_element_type3A_92, %cond3A_93 : i32
      scf.if %cond3A_94 {
        %add3A_207 = arith.constant 5 : i32
        %add3A_208 = arith.addi %add3A_71, %add3A_207 : i32
        %sub3A_209 = arith.constant 1 : i32
        %sub3A_210 = arith.subi %add3A_208, %sub3A_209 : i32
        %mul3A_211 = arith.constant 40 : i32
        %mul3A_212 = arith.muli %sub3A_210, %mul3A_211 : i32
        %add3A_213 = arith.addi %mul3A_12, %mul3A_212 : i32
        %dma_start3A_214 = tpu.memref_slice %arg4[%add3A_213] : memref<320000xi32, #tpu.memory_space<hbm>> -> memref<40xi32, #tpu.memory_space<hbm>>
        %dma_start3A_215 = tpu.memref_slice %arg4[%add3A_213] : memref<320000xi32, #tpu.memory_space<hbm>> -> memref<40xi32, #tpu.memory_space<hbm>>
        tpu.enqueue_dma source(%dma_start3A_215 : memref<40xi32, #tpu.memory_space<hbm>>) target(%arg11 : memref<40xi32, #tpu.memory_space<vmem>>) target_semaphore(%arg32 : memref<!tpu.dma_semaphore, #tpu.memory_space<semaphore_mem>>)
        %add3A_216 = arith.constant 5 : i32
        %add3A_217 = arith.addi %add3A_71, %add3A_216 : i32
        %sub3A_218 = arith.constant 1 : i32
        %sub3A_219 = arith.subi %add3A_217, %sub3A_218 : i32
        %mul3A_220 = arith.constant 40 : i32
        %mul3A_221 = arith.muli %sub3A_219, %mul3A_220 : i32
        %dma_start3A_222 = tpu.memref_slice %arg6[%mul3A_221] : memref<20000xi32, #tpu.memory_space<vmem>> -> memref<40xi32, #tpu.memory_space<vmem>>
        %dma_start3A_223 = arith.constant 0 : i32
        %dma_start3A_224 = arith.constant 0 : i32
        %dma_start3A_225 = tpu.memref_slice %arg2[%dma_start3A_223, %dma_start3A_224] : memref<20480x128xf32, #tpu.memory_space<hbm>> -> memref<20480x128xf32, #tpu.memory_space<hbm>>
        tpu.enqueue_indirect_dma source(%dma_start3A_225 : memref<20480x128xf32, #tpu.memory_space<hbm>>) target(%arg16 : memref<40x128xf32, #tpu.memory_space<vmem>>) offsets(%dma_start3A_222 : memref<40xi32, #tpu.memory_space<vmem>>) semaphore(%arg22 : memref<!tpu.dma_semaphore, #tpu.memory_space<semaphore_mem>>)
      } else {
      }
      %add3A_95 = arith.constant 1 : i32
      %add3A_96 = arith.addi %mul3A_69, %add3A_95 : i32
      %mul3A_97 = arith.constant 40 : i32
      %mul3A_98 = arith.muli %add3A_96, %mul3A_97 : i32
      %dma_wait3A_99 = tpu.memref_slice %arg6[%mul3A_98] : memref<20000xi32, #tpu.memory_space<vmem>> -> memref<40xi32, #tpu.memory_space<vmem>>
      %dma_wait3A_100 = arith.constant 0 : i32
      %dma_wait3A_101 = arith.constant 0 : i32
      %dma_wait3A_102 = tpu.memref_slice %arg2[%dma_wait3A_100, %dma_wait3A_101] : memref<20480x128xf32, #tpu.memory_space<hbm>> -> memref<20480x128xf32, #tpu.memory_space<hbm>>
      tpu.wait_indirect_dma semaphore(%arg19 : memref<!tpu.dma_semaphore, #tpu.memory_space<semaphore_mem>>) src(%dma_wait3A_102 : memref<20480x128xf32, #tpu.memory_space<hbm>>) dst(%arg13 : memref<40x128xf32, #tpu.memory_space<vmem>>)
      %mul3A_103 = arith.constant 40 : i32
      %mul3A_104 = arith.muli %add3A_96, %mul3A_103 : i32
      %add3A_105 = arith.addi %mul3A_12, %mul3A_104 : i32
      %dma_wait3A_106 = tpu.memref_slice %arg4[%add3A_105] : memref<320000xi32, #tpu.memory_space<hbm>> -> memref<40xi32, #tpu.memory_space<hbm>>
      %dma_wait3A_107 = tpu.memref_slice %arg4[%add3A_105] : memref<320000xi32, #tpu.memory_space<hbm>> -> memref<40xi32, #tpu.memory_space<hbm>>
      tpu.wait_dma2 semaphore(%arg29 : memref<!tpu.dma_semaphore, #tpu.memory_space<semaphore_mem>>) src(%dma_wait3A_107 : memref<40xi32, #tpu.memory_space<hbm>>) dst(%arg8 : memref<40xi32, #tpu.memory_space<vmem>>)
      %dma_start3A_108 = arith.constant 0 : i32
      %dma_start3A_109 = arith.constant 0 : i32
      %dma_start3A_110 = tpu.memref_slice %arg17[%dma_start3A_108, %dma_start3A_109] : memref<10240x128xf32, #tpu.memory_space<vmem_shared>> -> memref<10240x128xf32, #tpu.memory_space<vmem_shared>>
      tpu.enqueue_indirect_dma source(%arg13 : memref<40x128xf32, #tpu.memory_space<vmem>>) target(%dma_start3A_110 : memref<10240x128xf32, #tpu.memory_space<vmem_shared>>) offsets(%arg8 : memref<40xi32, #tpu.memory_space<vmem>>) semaphore(%arg24 : memref<!tpu.dma_semaphore, #tpu.memory_space<semaphore_mem>>) {add = true}
      %dma_wait3A_111 = arith.constant 0 : i32
      %dma_wait3A_112 = arith.constant 0 : i32
      %dma_wait3A_113 = tpu.memref_slice %arg17[%dma_wait3A_111, %dma_wait3A_112] : memref<10240x128xf32, #tpu.memory_space<vmem_shared>> -> memref<10240x128xf32, #tpu.memory_space<vmem_shared>>
      tpu.wait_indirect_dma semaphore(%arg23 : memref<!tpu.dma_semaphore, #tpu.memory_space<semaphore_mem>>) src(%arg12 : memref<40x128xf32, #tpu.memory_space<vmem>>) dst(%dma_wait3A_113 : memref<10240x128xf32, #tpu.memory_space<vmem_shared>>)
      %add3A_114 = arith.constant 5 : i32
      %add3A_115 = arith.addi %add3A_96, %add3A_114 : i32
      %sub3A_116 = arith.constant 1 : i32
      %sub3A_117 = arith.subi %add3A_115, %sub3A_116 : i32
      %lt3A_118 = arith.constant 500 : i32
      %lt3A_119 = arith.cmpi slt, %sub3A_117, %lt3A_118 : i32
      %convert_element_type3A_120 = arith.extui %lt3A_119 : i1 to i32
      %cond3A_121 = arith.constant 0 : i32
      %cond3A_122 = arith.cmpi ne, %convert_element_type3A_120, %cond3A_121 : i32
      scf.if %cond3A_122 {
        %add3A_207 = arith.constant 5 : i32
        %add3A_208 = arith.addi %add3A_96, %add3A_207 : i32
        %sub3A_209 = arith.constant 1 : i32
        %sub3A_210 = arith.subi %add3A_208, %sub3A_209 : i32
        %mul3A_211 = arith.constant 40 : i32
        %mul3A_212 = arith.muli %sub3A_210, %mul3A_211 : i32
        %add3A_213 = arith.addi %mul3A_12, %mul3A_212 : i32
        %dma_start3A_214 = tpu.memref_slice %arg4[%add3A_213] : memref<320000xi32, #tpu.memory_space<hbm>> -> memref<40xi32, #tpu.memory_space<hbm>>
        %dma_start3A_215 = tpu.memref_slice %arg4[%add3A_213] : memref<320000xi32, #tpu.memory_space<hbm>> -> memref<40xi32, #tpu.memory_space<hbm>>
        tpu.enqueue_dma source(%dma_start3A_215 : memref<40xi32, #tpu.memory_space<hbm>>) target(%arg7 : memref<40xi32, #tpu.memory_space<vmem>>) target_semaphore(%arg28 : memref<!tpu.dma_semaphore, #tpu.memory_space<semaphore_mem>>)
        %add3A_216 = arith.constant 5 : i32
        %add3A_217 = arith.addi %add3A_96, %add3A_216 : i32
        %sub3A_218 = arith.constant 1 : i32
        %sub3A_219 = arith.subi %add3A_217, %sub3A_218 : i32
        %mul3A_220 = arith.constant 40 : i32
        %mul3A_221 = arith.muli %sub3A_219, %mul3A_220 : i32
        %dma_start3A_222 = tpu.memref_slice %arg6[%mul3A_221] : memref<20000xi32, #tpu.memory_space<vmem>> -> memref<40xi32, #tpu.memory_space<vmem>>
        %dma_start3A_223 = arith.constant 0 : i32
        %dma_start3A_224 = arith.constant 0 : i32
        %dma_start3A_225 = tpu.memref_slice %arg2[%dma_start3A_223, %dma_start3A_224] : memref<20480x128xf32, #tpu.memory_space<hbm>> -> memref<20480x128xf32, #tpu.memory_space<hbm>>
        tpu.enqueue_indirect_dma source(%dma_start3A_225 : memref<20480x128xf32, #tpu.memory_space<hbm>>) target(%arg12 : memref<40x128xf32, #tpu.memory_space<vmem>>) offsets(%dma_start3A_222 : memref<40xi32, #tpu.memory_space<vmem>>) semaphore(%arg18 : memref<!tpu.dma_semaphore, #tpu.memory_space<semaphore_mem>>)
      } else {
      }
      %add3A_123 = arith.constant 2 : i32
      %add3A_124 = arith.addi %mul3A_69, %add3A_123 : i32
      %mul3A_125 = arith.constant 40 : i32
      %mul3A_126 = arith.muli %add3A_124, %mul3A_125 : i32
      %dma_wait3A_127 = tpu.memref_slice %arg6[%mul3A_126] : memref<20000xi32, #tpu.memory_space<vmem>> -> memref<40xi32, #tpu.memory_space<vmem>>
      %dma_wait3A_128 = arith.constant 0 : i32
      %dma_wait3A_129 = arith.constant 0 : i32
      %dma_wait3A_130 = tpu.memref_slice %arg2[%dma_wait3A_128, %dma_wait3A_129] : memref<20480x128xf32, #tpu.memory_space<hbm>> -> memref<20480x128xf32, #tpu.memory_space<hbm>>
      tpu.wait_indirect_dma semaphore(%arg20 : memref<!tpu.dma_semaphore, #tpu.memory_space<semaphore_mem>>) src(%dma_wait3A_130 : memref<20480x128xf32, #tpu.memory_space<hbm>>) dst(%arg14 : memref<40x128xf32, #tpu.memory_space<vmem>>)
      %mul3A_131 = arith.constant 40 : i32
      %mul3A_132 = arith.muli %add3A_124, %mul3A_131 : i32
      %add3A_133 = arith.addi %mul3A_12, %mul3A_132 : i32
      %dma_wait3A_134 = tpu.memref_slice %arg4[%add3A_133] : memref<320000xi32, #tpu.memory_space<hbm>> -> memref<40xi32, #tpu.memory_space<hbm>>
      %dma_wait3A_135 = tpu.memref_slice %arg4[%add3A_133] : memref<320000xi32, #tpu.memory_space<hbm>> -> memref<40xi32, #tpu.memory_space<hbm>>
      tpu.wait_dma2 semaphore(%arg30 : memref<!tpu.dma_semaphore, #tpu.memory_space<semaphore_mem>>) src(%dma_wait3A_135 : memref<40xi32, #tpu.memory_space<hbm>>) dst(%arg9 : memref<40xi32, #tpu.memory_space<vmem>>)
      %dma_start3A_136 = arith.constant 0 : i32
      %dma_start3A_137 = arith.constant 0 : i32
      %dma_start3A_138 = tpu.memref_slice %arg17[%dma_start3A_136, %dma_start3A_137] : memref<10240x128xf32, #tpu.memory_space<vmem_shared>> -> memref<10240x128xf32, #tpu.memory_space<vmem_shared>>
      tpu.enqueue_indirect_dma source(%arg14 : memref<40x128xf32, #tpu.memory_space<vmem>>) target(%dma_start3A_138 : memref<10240x128xf32, #tpu.memory_space<vmem_shared>>) offsets(%arg9 : memref<40xi32, #tpu.memory_space<vmem>>) semaphore(%arg25 : memref<!tpu.dma_semaphore, #tpu.memory_space<semaphore_mem>>) {add = true}
      %dma_wait3A_139 = arith.constant 0 : i32
      %dma_wait3A_140 = arith.constant 0 : i32
      %dma_wait3A_141 = tpu.memref_slice %arg17[%dma_wait3A_139, %dma_wait3A_140] : memref<10240x128xf32, #tpu.memory_space<vmem_shared>> -> memref<10240x128xf32, #tpu.memory_space<vmem_shared>>
      tpu.wait_indirect_dma semaphore(%arg24 : memref<!tpu.dma_semaphore, #tpu.memory_space<semaphore_mem>>) src(%arg13 : memref<40x128xf32, #tpu.memory_space<vmem>>) dst(%dma_wait3A_141 : memref<10240x128xf32, #tpu.memory_space<vmem_shared>>)
      %add3A_142 = arith.constant 5 : i32
      %add3A_143 = arith.addi %add3A_124, %add3A_142 : i32
      %sub3A_144 = arith.constant 1 : i32
      %sub3A_145 = arith.subi %add3A_143, %sub3A_144 : i32
      %lt3A_146 = arith.constant 500 : i32
      %lt3A_147 = arith.cmpi slt, %sub3A_145, %lt3A_146 : i32
      %convert_element_type3A_148 = arith.extui %lt3A_147 : i1 to i32
      %cond3A_149 = arith.constant 0 : i32
      %cond3A_150 = arith.cmpi ne, %convert_element_type3A_148, %cond3A_149 : i32
      scf.if %cond3A_150 {
        %add3A_207 = arith.constant 5 : i32
        %add3A_208 = arith.addi %add3A_124, %add3A_207 : i32
        %sub3A_209 = arith.constant 1 : i32
        %sub3A_210 = arith.subi %add3A_208, %sub3A_209 : i32
        %mul3A_211 = arith.constant 40 : i32
        %mul3A_212 = arith.muli %sub3A_210, %mul3A_211 : i32
        %add3A_213 = arith.addi %mul3A_12, %mul3A_212 : i32
        %dma_start3A_214 = tpu.memref_slice %arg4[%add3A_213] : memref<320000xi32, #tpu.memory_space<hbm>> -> memref<40xi32, #tpu.memory_space<hbm>>
        %dma_start3A_215 = tpu.memref_slice %arg4[%add3A_213] : memref<320000xi32, #tpu.memory_space<hbm>> -> memref<40xi32, #tpu.memory_space<hbm>>
        tpu.enqueue_dma source(%dma_start3A_215 : memref<40xi32, #tpu.memory_space<hbm>>) target(%arg8 : memref<40xi32, #tpu.memory_space<vmem>>) target_semaphore(%arg29 : memref<!tpu.dma_semaphore, #tpu.memory_space<semaphore_mem>>)
        %add3A_216 = arith.constant 5 : i32
        %add3A_217 = arith.addi %add3A_124, %add3A_216 : i32
        %sub3A_218 = arith.constant 1 : i32
        %sub3A_219 = arith.subi %add3A_217, %sub3A_218 : i32
        %mul3A_220 = arith.constant 40 : i32
        %mul3A_221 = arith.muli %sub3A_219, %mul3A_220 : i32
        %dma_start3A_222 = tpu.memref_slice %arg6[%mul3A_221] : memref<20000xi32, #tpu.memory_space<vmem>> -> memref<40xi32, #tpu.memory_space<vmem>>
        %dma_start3A_223 = arith.constant 0 : i32
        %dma_start3A_224 = arith.constant 0 : i32
        %dma_start3A_225 = tpu.memref_slice %arg2[%dma_start3A_223, %dma_start3A_224] : memref<20480x128xf32, #tpu.memory_space<hbm>> -> memref<20480x128xf32, #tpu.memory_space<hbm>>
        tpu.enqueue_indirect_dma source(%dma_start3A_225 : memref<20480x128xf32, #tpu.memory_space<hbm>>) target(%arg13 : memref<40x128xf32, #tpu.memory_space<vmem>>) offsets(%dma_start3A_222 : memref<40xi32, #tpu.memory_space<vmem>>) semaphore(%arg19 : memref<!tpu.dma_semaphore, #tpu.memory_space<semaphore_mem>>)
      } else {
      }
      %add3A_151 = arith.constant 3 : i32
      %add3A_152 = arith.addi %mul3A_69, %add3A_151 : i32
      %mul3A_153 = arith.constant 40 : i32
      %mul3A_154 = arith.muli %add3A_152, %mul3A_153 : i32
      %dma_wait3A_155 = tpu.memref_slice %arg6[%mul3A_154] : memref<20000xi32, #tpu.memory_space<vmem>> -> memref<40xi32, #tpu.memory_space<vmem>>
      %dma_wait3A_156 = arith.constant 0 : i32
      %dma_wait3A_157 = arith.constant 0 : i32
      %dma_wait3A_158 = tpu.memref_slice %arg2[%dma_wait3A_156, %dma_wait3A_157] : memref<20480x128xf32, #tpu.memory_space<hbm>> -> memref<20480x128xf32, #tpu.memory_space<hbm>>
      tpu.wait_indirect_dma semaphore(%arg21 : memref<!tpu.dma_semaphore, #tpu.memory_space<semaphore_mem>>) src(%dma_wait3A_158 : memref<20480x128xf32, #tpu.memory_space<hbm>>) dst(%arg15 : memref<40x128xf32, #tpu.memory_space<vmem>>)
      %mul3A_159 = arith.constant 40 : i32
      %mul3A_160 = arith.muli %add3A_152, %mul3A_159 : i32
      %add3A_161 = arith.addi %mul3A_12, %mul3A_160 : i32
      %dma_wait3A_162 = tpu.memref_slice %arg4[%add3A_161] : memref<320000xi32, #tpu.memory_space<hbm>> -> memref<40xi32, #tpu.memory_space<hbm>>
      %dma_wait3A_163 = tpu.memref_slice %arg4[%add3A_161] : memref<320000xi32, #tpu.memory_space<hbm>> -> memref<40xi32, #tpu.memory_space<hbm>>
      tpu.wait_dma2 semaphore(%arg31 : memref<!tpu.dma_semaphore, #tpu.memory_space<semaphore_mem>>) src(%dma_wait3A_163 : memref<40xi32, #tpu.memory_space<hbm>>) dst(%arg10 : memref<40xi32, #tpu.memory_space<vmem>>)
      %dma_start3A_164 = arith.constant 0 : i32
      %dma_start3A_165 = arith.constant 0 : i32
      %dma_start3A_166 = tpu.memref_slice %arg17[%dma_start3A_164, %dma_start3A_165] : memref<10240x128xf32, #tpu.memory_space<vmem_shared>> -> memref<10240x128xf32, #tpu.memory_space<vmem_shared>>
      tpu.enqueue_indirect_dma source(%arg15 : memref<40x128xf32, #tpu.memory_space<vmem>>) target(%dma_start3A_166 : memref<10240x128xf32, #tpu.memory_space<vmem_shared>>) offsets(%arg10 : memref<40xi32, #tpu.memory_space<vmem>>) semaphore(%arg26 : memref<!tpu.dma_semaphore, #tpu.memory_space<semaphore_mem>>) {add = true}
      %dma_wait3A_167 = arith.constant 0 : i32
      %dma_wait3A_168 = arith.constant 0 : i32
      %dma_wait3A_169 = tpu.memref_slice %arg17[%dma_wait3A_167, %dma_wait3A_168] : memref<10240x128xf32, #tpu.memory_space<vmem_shared>> -> memref<10240x128xf32, #tpu.memory_space<vmem_shared>>
      tpu.wait_indirect_dma semaphore(%arg25 : memref<!tpu.dma_semaphore, #tpu.memory_space<semaphore_mem>>) src(%arg14 : memref<40x128xf32, #tpu.memory_space<vmem>>) dst(%dma_wait3A_169 : memref<10240x128xf32, #tpu.memory_space<vmem_shared>>)
      %add3A_170 = arith.constant 5 : i32
      %add3A_171 = arith.addi %add3A_152, %add3A_170 : i32
      %sub3A_172 = arith.constant 1 : i32
      %sub3A_173 = arith.subi %add3A_171, %sub3A_172 : i32
      %lt3A_174 = arith.constant 500 : i32
      %lt3A_175 = arith.cmpi slt, %sub3A_173, %lt3A_174 : i32
      %convert_element_type3A_176 = arith.extui %lt3A_175 : i1 to i32
      %cond3A_177 = arith.constant 0 : i32
      %cond3A_178 = arith.cmpi ne, %convert_element_type3A_176, %cond3A_177 : i32
      scf.if %cond3A_178 {
        %add3A_207 = arith.constant 5 : i32
        %add3A_208 = arith.addi %add3A_152, %add3A_207 : i32
        %sub3A_209 = arith.constant 1 : i32
        %sub3A_210 = arith.subi %add3A_208, %sub3A_209 : i32
        %mul3A_211 = arith.constant 40 : i32
        %mul3A_212 = arith.muli %sub3A_210, %mul3A_211 : i32
        %add3A_213 = arith.addi %mul3A_12, %mul3A_212 : i32
        %dma_start3A_214 = tpu.memref_slice %arg4[%add3A_213] : memref<320000xi32, #tpu.memory_space<hbm>> -> memref<40xi32, #tpu.memory_space<hbm>>
        %dma_start3A_215 = tpu.memref_slice %arg4[%add3A_213] : memref<320000xi32, #tpu.memory_space<hbm>> -> memref<40xi32, #tpu.memory_space<hbm>>
        tpu.enqueue_dma source(%dma_start3A_215 : memref<40xi32, #tpu.memory_space<hbm>>) target(%arg9 : memref<40xi32, #tpu.memory_space<vmem>>) target_semaphore(%arg30 : memref<!tpu.dma_semaphore, #tpu.memory_space<semaphore_mem>>)
        %add3A_216 = arith.constant 5 : i32
        %add3A_217 = arith.addi %add3A_152, %add3A_216 : i32
        %sub3A_218 = arith.constant 1 : i32
        %sub3A_219 = arith.subi %add3A_217, %sub3A_218 : i32
        %mul3A_220 = arith.constant 40 : i32
        %mul3A_221 = arith.muli %sub3A_219, %mul3A_220 : i32
        %dma_start3A_222 = tpu.memref_slice %arg6[%mul3A_221] : memref<20000xi32, #tpu.memory_space<vmem>> -> memref<40xi32, #tpu.memory_space<vmem>>
        %dma_start3A_223 = arith.constant 0 : i32
        %dma_start3A_224 = arith.constant 0 : i32
        %dma_start3A_225 = tpu.memref_slice %arg2[%dma_start3A_223, %dma_start3A_224] : memref<20480x128xf32, #tpu.memory_space<hbm>> -> memref<20480x128xf32, #tpu.memory_space<hbm>>
        tpu.enqueue_indirect_dma source(%dma_start3A_225 : memref<20480x128xf32, #tpu.memory_space<hbm>>) target(%arg14 : memref<40x128xf32, #tpu.memory_space<vmem>>) offsets(%dma_start3A_222 : memref<40xi32, #tpu.memory_space<vmem>>) semaphore(%arg20 : memref<!tpu.dma_semaphore, #tpu.memory_space<semaphore_mem>>)
      } else {
      }
      %add3A_179 = arith.constant 4 : i32
      %add3A_180 = arith.addi %mul3A_69, %add3A_179 : i32
      %mul3A_181 = arith.constant 40 : i32
      %mul3A_182 = arith.muli %add3A_180, %mul3A_181 : i32
      %dma_wait3A_183 = tpu.memref_slice %arg6[%mul3A_182] : memref<20000xi32, #tpu.memory_space<vmem>> -> memref<40xi32, #tpu.memory_space<vmem>>
      %dma_wait3A_184 = arith.constant 0 : i32
      %dma_wait3A_185 = arith.constant 0 : i32
      %dma_wait3A_186 = tpu.memref_slice %arg2[%dma_wait3A_184, %dma_wait3A_185] : memref<20480x128xf32, #tpu.memory_space<hbm>> -> memref<20480x128xf32, #tpu.memory_space<hbm>>
      tpu.wait_indirect_dma semaphore(%arg22 : memref<!tpu.dma_semaphore, #tpu.memory_space<semaphore_mem>>) src(%dma_wait3A_186 : memref<20480x128xf32, #tpu.memory_space<hbm>>) dst(%arg16 : memref<40x128xf32, #tpu.memory_space<vmem>>)
      %mul3A_187 = arith.constant 40 : i32
      %mul3A_188 = arith.muli %add3A_180, %mul3A_187 : i32
      %add3A_189 = arith.addi %mul3A_12, %mul3A_188 : i32
      %dma_wait3A_190 = tpu.memref_slice %arg4[%add3A_189] : memref<320000xi32, #tpu.memory_space<hbm>> -> memref<40xi32, #tpu.memory_space<hbm>>
      %dma_wait3A_191 = tpu.memref_slice %arg4[%add3A_189] : memref<320000xi32, #tpu.memory_space<hbm>> -> memref<40xi32, #tpu.memory_space<hbm>>
      tpu.wait_dma2 semaphore(%arg32 : memref<!tpu.dma_semaphore, #tpu.memory_space<semaphore_mem>>) src(%dma_wait3A_191 : memref<40xi32, #tpu.memory_space<hbm>>) dst(%arg11 : memref<40xi32, #tpu.memory_space<vmem>>)
      %dma_start3A_192 = arith.constant 0 : i32
      %dma_start3A_193 = arith.constant 0 : i32
      %dma_start3A_194 = tpu.memref_slice %arg17[%dma_start3A_192, %dma_start3A_193] : memref<10240x128xf32, #tpu.memory_space<vmem_shared>> -> memref<10240x128xf32, #tpu.memory_space<vmem_shared>>
      tpu.enqueue_indirect_dma source(%arg16 : memref<40x128xf32, #tpu.memory_space<vmem>>) target(%dma_start3A_194 : memref<10240x128xf32, #tpu.memory_space<vmem_shared>>) offsets(%arg11 : memref<40xi32, #tpu.memory_space<vmem>>) semaphore(%arg27 : memref<!tpu.dma_semaphore, #tpu.memory_space<semaphore_mem>>) {add = true}
      %dma_wait3A_195 = arith.constant 0 : i32
      %dma_wait3A_196 = arith.constant 0 : i32
      %dma_wait3A_197 = tpu.memref_slice %arg17[%dma_wait3A_195, %dma_wait3A_196] : memref<10240x128xf32, #tpu.memory_space<vmem_shared>> -> memref<10240x128xf32, #tpu.memory_space<vmem_shared>>
      tpu.wait_indirect_dma semaphore(%arg26 : memref<!tpu.dma_semaphore, #tpu.memory_space<semaphore_mem>>) src(%arg15 : memref<40x128xf32, #tpu.memory_space<vmem>>) dst(%dma_wait3A_197 : memref<10240x128xf32, #tpu.memory_space<vmem_shared>>)
      %add3A_198 = arith.constant 5 : i32
      %add3A_199 = arith.addi %add3A_180, %add3A_198 : i32
      %sub3A_200 = arith.constant 1 : i32
      %sub3A_201 = arith.subi %add3A_199, %sub3A_200 : i32
      %lt3A_202 = arith.constant 500 : i32
      %lt3A_203 = arith.cmpi slt, %sub3A_201, %lt3A_202 : i32
      %convert_element_type3A_204 = arith.extui %lt3A_203 : i1 to i32
      %cond3A_205 = arith.constant 0 : i32
      %cond3A_206 = arith.cmpi ne, %convert_element_type3A_204, %cond3A_205 : i32
      scf.if %cond3A_206 {
        %add3A_207 = arith.constant 5 : i32
        %add3A_208 = arith.addi %add3A_180, %add3A_207 : i32
        %sub3A_209 = arith.constant 1 : i32
        %sub3A_210 = arith.subi %add3A_208, %sub3A_209 : i32
        %mul3A_211 = arith.constant 40 : i32
        %mul3A_212 = arith.muli %sub3A_210, %mul3A_211 : i32
        %add3A_213 = arith.addi %mul3A_12, %mul3A_212 : i32
        %dma_start3A_214 = tpu.memref_slice %arg4[%add3A_213] : memref<320000xi32, #tpu.memory_space<hbm>> -> memref<40xi32, #tpu.memory_space<hbm>>
        %dma_start3A_215 = tpu.memref_slice %arg4[%add3A_213] : memref<320000xi32, #tpu.memory_space<hbm>> -> memref<40xi32, #tpu.memory_space<hbm>>
        tpu.enqueue_dma source(%dma_start3A_215 : memref<40xi32, #tpu.memory_space<hbm>>) target(%arg10 : memref<40xi32, #tpu.memory_space<vmem>>) target_semaphore(%arg31 : memref<!tpu.dma_semaphore, #tpu.memory_space<semaphore_mem>>)
        %add3A_216 = arith.constant 5 : i32
        %add3A_217 = arith.addi %add3A_180, %add3A_216 : i32
        %sub3A_218 = arith.constant 1 : i32
        %sub3A_219 = arith.subi %add3A_217, %sub3A_218 : i32
        %mul3A_220 = arith.constant 40 : i32
        %mul3A_221 = arith.muli %sub3A_219, %mul3A_220 : i32
        %dma_start3A_222 = tpu.memref_slice %arg6[%mul3A_221] : memref<20000xi32, #tpu.memory_space<vmem>> -> memref<40xi32, #tpu.memory_space<vmem>>
        %dma_start3A_223 = arith.constant 0 : i32
        %dma_start3A_224 = arith.constant 0 : i32
        %dma_start3A_225 = tpu.memref_slice %arg2[%dma_start3A_223, %dma_start3A_224] : memref<20480x128xf32, #tpu.memory_space<hbm>> -> memref<20480x128xf32, #tpu.memory_space<hbm>>
        tpu.enqueue_indirect_dma source(%dma_start3A_225 : memref<20480x128xf32, #tpu.memory_space<hbm>>) target(%arg15 : memref<40x128xf32, #tpu.memory_space<vmem>>) offsets(%dma_start3A_222 : memref<40xi32, #tpu.memory_space<vmem>>) semaphore(%arg21 : memref<!tpu.dma_semaphore, #tpu.memory_space<semaphore_mem>>)
      } else {
      }
    }
    %scan3A_59 = arith.constant 100 : i32
    %dma_wait3A_60 = arith.constant 0 : i32
    %dma_wait3A_61 = arith.constant 0 : i32
    %dma_wait3A_62 = tpu.memref_slice %arg17[%dma_wait3A_60, %dma_wait3A_61] : memref<10240x128xf32, #tpu.memory_space<vmem_shared>> -> memref<10240x128xf32, #tpu.memory_space<vmem_shared>>
    tpu.wait_indirect_dma semaphore(%arg27 : memref<!tpu.dma_semaphore, #tpu.memory_space<semaphore_mem>>) src(%arg16 : memref<40x128xf32, #tpu.memory_space<vmem>>) dst(%dma_wait3A_62 : memref<10240x128xf32, #tpu.memory_space<vmem_shared>>)
    %barrier3A_63 = arith.constant 0 : index
    tpu.barrier barrier_id(%barrier3A_63)
    %mul3A_64 = arith.constant 10240 : i32
    %mul3A_65 = arith.muli %arg0, %mul3A_64 : i32
    %add3A_66 = arith.addi %mul3A_65, %mul3A_0 : i32
    "tpu.region"() ({
      %run_scoped3A = tpu.sem_alloc : memref<!tpu.dma_semaphore, #tpu.memory_space<semaphore_mem>>
      %dma_start3A_67 = arith.constant 0 : i32
      %dma_start3A_68 = tpu.memref_slice %arg5[%add3A_66, %dma_start3A_67] : memref<20480x128xf32, #tpu.memory_space<hbm>> -> memref<640x128xf32, #tpu.memory_space<hbm>>
      %dma_start3A_69 = arith.constant 0 : i32
      %dma_start3A_70 = tpu.memref_slice %arg17[%mul3A_0, %dma_start3A_69] : memref<10240x128xf32, #tpu.memory_space<vmem_shared>> -> memref<640x128xf32, #tpu.memory_space<vmem_shared>>
      tpu.enqueue_dma source(%dma_start3A_70 : memref<640x128xf32, #tpu.memory_space<vmem_shared>>) target(%dma_start3A_68 : memref<640x128xf32, #tpu.memory_space<hbm>>) target_semaphore(%run_scoped3A : memref<!tpu.dma_semaphore, #tpu.memory_space<semaphore_mem>>)
      %dma_wait3A_71 = arith.constant 0 : i32
      %dma_wait3A_72 = tpu.memref_slice %arg5[%add3A_66, %dma_wait3A_71] : memref<20480x128xf32, #tpu.memory_space<hbm>> -> memref<640x128xf32, #tpu.memory_space<hbm>>
      %dma_wait3A_73 = arith.constant 0 : i32
      %dma_wait3A_74 = tpu.memref_slice %arg17[%mul3A_0, %dma_wait3A_73] : memref<10240x128xf32, #tpu.memory_space<vmem_shared>> -> memref<640x128xf32, #tpu.memory_space<vmem_shared>>
      tpu.wait_dma2 semaphore(%run_scoped3A : memref<!tpu.dma_semaphore, #tpu.memory_space<semaphore_mem>>) src(%dma_wait3A_74 : memref<640x128xf32, #tpu.memory_space<vmem_shared>>) dst(%dma_wait3A_72 : memref<640x128xf32, #tpu.memory_space<hbm>>)
      tpu.yield
    }) : () -> ()
    return
  }
}

#map = affine_map<(d0, d1) -> (0, 0)>
#map1 = affine_map<(d0, d1) -> (0)>
module attributes {stable_mosaic.version = 14 : i64} {
  func.func @agg_kernel(%arg0: i32, %arg1: i32, %arg2: memref<20480x128xf32, #tpu.memory_space<hbm>>, %arg3: memref<640000xi32, #tpu.memory_space<hbm>>, %arg4: memref<320000xi32, #tpu.memory_space<hbm>>, %arg5: memref<20480x128xf32, #tpu.memory_space<hbm>>, %arg6: memref<20000xi32, #tpu.memory_space<vmem>>, %arg7: memref<40xi32, #tpu.memory_space<vmem>>, %arg8: memref<40xi32, #tpu.memory_space<vmem>>, %arg9: memref<40xi32, #tpu.memory_space<vmem>>, %arg10: memref<40xi32, #tpu.memory_space<vmem>>, %arg11: memref<40xi32, #tpu.memory_space<vmem>>, %arg12: memref<40x128xf32, #tpu.memory_space<vmem>>, %arg13: memref<40x128xf32, #tpu.memory_space<vmem>>, %arg14: memref<40x128xf32, #tpu.memory_space<vmem>>, %arg15: memref<40x128xf32, #tpu.memory_space<vmem>>, %arg16: memref<40x128xf32, #tpu.memory_space<vmem>>, %arg17: memref<10240x128xf32, #tpu.memory_space<vmem_shared>>, %arg18: memref<!tpu.dma_semaphore, #tpu.memory_space<semaphore_mem>>, %arg19: memref<!tpu.dma_semaphore, #tpu.memory_space<semaphore_mem>>, %arg20: memref<!tpu.dma_semaphore, #tpu.memory_space<semaphore_mem>>, %arg21: memref<!tpu.dma_semaphore, #tpu.memory_space<semaphore_mem>>, %arg22: memref<!tpu.dma_semaphore, #tpu.memory_space<semaphore_mem>>, %arg23: memref<!tpu.dma_semaphore, #tpu.memory_space<semaphore_mem>>, %arg24: memref<!tpu.dma_semaphore, #tpu.memory_space<semaphore_mem>>, %arg25: memref<!tpu.dma_semaphore, #tpu.memory_space<semaphore_mem>>, %arg26: memref<!tpu.dma_semaphore, #tpu.memory_space<semaphore_mem>>, %arg27: memref<!tpu.dma_semaphore, #tpu.memory_space<semaphore_mem>>, %arg28: memref<!tpu.dma_semaphore, #tpu.memory_space<semaphore_mem>>, %arg29: memref<!tpu.dma_semaphore, #tpu.memory_space<semaphore_mem>>, %arg30: memref<!tpu.dma_semaphore, #tpu.memory_space<semaphore_mem>>, %arg31: memref<!tpu.dma_semaphore, #tpu.memory_space<semaphore_mem>>, %arg32: memref<!tpu.dma_semaphore, #tpu.memory_space<semaphore_mem>>, %arg33: memref<!tpu.dma_semaphore, #tpu.memory_space<semaphore_mem>>) attributes {dimension_semantics = [#tpu.dimension_semantics<core_parallel>, #tpu.dimension_semantics<subcore_parallel>], iteration_bounds = array<i64: 2, 16>, scalar_prefetch = 0 : i64, scratch_operands = 28 : i64, tpu.core_type = #tpu.core_type<sc_vector_subcore>, window_params = [{transform_indices = #map}, {transform_indices = #map1}, {transform_indices = #map1}, {transform_indices = #map}]} {
    %mul3A = arith.constant 640 : i32
    %mul3A_0 = arith.muli %arg1, %mul3A : i32
    %mul3A_1 = arith.constant 10240 : i32
    %mul3A_2 = arith.muli %arg0, %mul3A_1 : i32
    %add3A = arith.addi %mul3A_2, %mul3A_0 : i32
    %dma_start3A = arith.constant 0 : i32
    %dma_start3A_3 = tpu.memref_slice %arg17[%mul3A_0, %dma_start3A] : memref<10240x128xf32, #tpu.memory_space<vmem_shared>> -> memref<640x128xf32, #tpu.memory_space<vmem_shared>>
    %dma_start3A_4 = arith.constant 0 : i32
    %dma_start3A_5 = tpu.memref_slice %arg2[%add3A, %dma_start3A_4] : memref<20480x128xf32, #tpu.memory_space<hbm>> -> memref<640x128xf32, #tpu.memory_space<hbm>>
    tpu.enqueue_dma source(%dma_start3A_5 : memref<640x128xf32, #tpu.memory_space<hbm>>) target(%dma_start3A_3 : memref<640x128xf32, #tpu.memory_space<vmem_shared>>) target_semaphore(%arg33 : memref<!tpu.dma_semaphore, #tpu.memory_space<semaphore_mem>>)
    %mul3A_6 = arith.constant 320000 : i32
    %mul3A_7 = arith.muli %arg0, %mul3A_6 : i32
    %mul3A_8 = arith.constant 20000 : i32
    %mul3A_9 = arith.muli %arg1, %mul3A_8 : i32
    %add3A_10 = arith.addi %mul3A_7, %mul3A_9 : i32
    %mul3A_11 = arith.constant 20000 : i32
    %mul3A_12 = arith.muli %arg1, %mul3A_11 : i32
    "tpu.region"() ({
      %run_scoped3A = tpu.sem_alloc : memref<!tpu.dma_semaphore, #tpu.memory_space<semaphore_mem>>
      %dma_start3A_67 = tpu.memref_slice %arg3[%add3A_10] : memref<640000xi32, #tpu.memory_space<hbm>> -> memref<20000xi32, #tpu.memory_space<hbm>>
      %dma_start3A_68 = tpu.memref_slice %arg3[%add3A_10] : memref<640000xi32, #tpu.memory_space<hbm>> -> memref<20000xi32, #tpu.memory_space<hbm>>
      tpu.enqueue_dma source(%dma_start3A_68 : memref<20000xi32, #tpu.memory_space<hbm>>) target(%arg6 : memref<20000xi32, #tpu.memory_space<vmem>>) target_semaphore(%run_scoped3A : memref<!tpu.dma_semaphore, #tpu.memory_space<semaphore_mem>>)
      %dma_wait3A_69 = tpu.memref_slice %arg3[%add3A_10] : memref<640000xi32, #tpu.memory_space<hbm>> -> memref<20000xi32, #tpu.memory_space<hbm>>
      %dma_wait3A_70 = tpu.memref_slice %arg3[%add3A_10] : memref<640000xi32, #tpu.memory_space<hbm>> -> memref<20000xi32, #tpu.memory_space<hbm>>
      tpu.wait_dma2 semaphore(%run_scoped3A : memref<!tpu.dma_semaphore, #tpu.memory_space<semaphore_mem>>) src(%dma_wait3A_70 : memref<20000xi32, #tpu.memory_space<hbm>>) dst(%arg6 : memref<20000xi32, #tpu.memory_space<vmem>>)
      tpu.yield
    }) : () -> ()
    %add3A_13 = arith.constant 0 : i32
    %add3A_14 = arith.addi %mul3A_12, %add3A_13 : i32
    %dma_start3A_15 = tpu.memref_slice %arg4[%add3A_14] : memref<320000xi32, #tpu.memory_space<hbm>> -> memref<40xi32, #tpu.memory_space<hbm>>
    %dma_start3A_16 = tpu.memref_slice %arg4[%add3A_14] : memref<320000xi32, #tpu.memory_space<hbm>> -> memref<40xi32, #tpu.memory_space<hbm>>
    tpu.enqueue_dma source(%dma_start3A_16 : memref<40xi32, #tpu.memory_space<hbm>>) target(%arg7 : memref<40xi32, #tpu.memory_space<vmem>>) target_semaphore(%arg28 : memref<!tpu.dma_semaphore, #tpu.memory_space<semaphore_mem>>)
    %dma_start3A_17 = arith.constant 0 : i32
    %dma_start3A_18 = tpu.memref_slice %arg6[%dma_start3A_17] : memref<20000xi32, #tpu.memory_space<vmem>> -> memref<40xi32, #tpu.memory_space<vmem>>
    %dma_start3A_19 = arith.constant 0 : i32
    %dma_start3A_20 = arith.constant 0 : i32
    %dma_start3A_21 = tpu.memref_slice %arg2[%dma_start3A_19, %dma_start3A_20] : memref<20480x128xf32, #tpu.memory_space<hbm>> -> memref<20480x128xf32, #tpu.memory_space<hbm>>
    tpu.enqueue_indirect_dma source(%dma_start3A_21 : memref<20480x128xf32, #tpu.memory_space<hbm>>) target(%arg12 : memref<40x128xf32, #tpu.memory_space<vmem>>) offsets(%dma_start3A_18 : memref<40xi32, #tpu.memory_space<vmem>>) semaphore(%arg18 : memref<!tpu.dma_semaphore, #tpu.memory_space<semaphore_mem>>)
    %add3A_22 = arith.constant 40 : i32
    %add3A_23 = arith.addi %mul3A_12, %add3A_22 : i32
    %dma_start3A_24 = tpu.memref_slice %arg4[%add3A_23] : memref<320000xi32, #tpu.memory_space<hbm>> -> memref<40xi32, #tpu.memory_space<hbm>>
    %dma_start3A_25 = tpu.memref_slice %arg4[%add3A_23] : memref<320000xi32, #tpu.memory_space<hbm>> -> memref<40xi32, #tpu.memory_space<hbm>>
    tpu.enqueue_dma source(%dma_start3A_25 : memref<40xi32, #tpu.memory_space<hbm>>) target(%arg8 : memref<40xi32, #tpu.memory_space<vmem>>) target_semaphore(%arg29 : memref<!tpu.dma_semaphore, #tpu.memory_space<semaphore_mem>>)
    %dma_start3A_26 = arith.constant 40 : i32
    %dma_start3A_27 = tpu.memref_slice %arg6[%dma_start3A_26] : memref<20000xi32, #tpu.memory_space<vmem>> -> memref<40xi32, #tpu.memory_space<vmem>>
    %dma_start3A_28 = arith.constant 0 : i32
    %dma_start3A_29 = arith.constant 0 : i32
    %dma_start3A_30 = tpu.memref_slice %arg2[%dma_start3A_28, %dma_start3A_29] : memref<20480x128xf32, #tpu.memory_space<hbm>> -> memref<20480x128xf32, #tpu.memory_space<hbm>>
    tpu.enqueue_indirect_dma source(%dma_start3A_30 : memref<20480x128xf32, #tpu.memory_space<hbm>>) target(%arg13 : memref<40x128xf32, #tpu.memory_space<vmem>>) offsets(%dma_start3A_27 : memref<40xi32, #tpu.memory_space<vmem>>) semaphore(%arg19 : memref<!tpu.dma_semaphore, #tpu.memory_space<semaphore_mem>>)
    %add3A_31 = arith.constant 80 : i32
    %add3A_32 = arith.addi %mul3A_12, %add3A_31 : i32
    %dma_start3A_33 = tpu.memref_slice %arg4[%add3A_32] : memref<320000xi32, #tpu.memory_space<hbm>> -> memref<40xi32, #tpu.memory_space<hbm>>
    %dma_start3A_34 = tpu.memref_slice %arg4[%add3A_32] : memref<320000xi32, #tpu.memory_space<hbm>> -> memref<40xi32, #tpu.memory_space<hbm>>
    tpu.enqueue_dma source(%dma_start3A_34 : memref<40xi32, #tpu.memory_space<hbm>>) target(%arg9 : memref<40xi32, #tpu.memory_space<vmem>>) target_semaphore(%arg30 : memref<!tpu.dma_semaphore, #tpu.memory_space<semaphore_mem>>)
    %dma_start3A_35 = arith.constant 80 : i32
    %dma_start3A_36 = tpu.memref_slice %arg6[%dma_start3A_35] : memref<20000xi32, #tpu.memory_space<vmem>> -> memref<40xi32, #tpu.memory_space<vmem>>
    %dma_start3A_37 = arith.constant 0 : i32
    %dma_start3A_38 = arith.constant 0 : i32
    %dma_start3A_39 = tpu.memref_slice %arg2[%dma_start3A_37, %dma_start3A_38] : memref<20480x128xf32, #tpu.memory_space<hbm>> -> memref<20480x128xf32, #tpu.memory_space<hbm>>
    tpu.enqueue_indirect_dma source(%dma_start3A_39 : memref<20480x128xf32, #tpu.memory_space<hbm>>) target(%arg14 : memref<40x128xf32, #tpu.memory_space<vmem>>) offsets(%dma_start3A_36 : memref<40xi32, #tpu.memory_space<vmem>>) semaphore(%arg20 : memref<!tpu.dma_semaphore, #tpu.memory_space<semaphore_mem>>)
    %add3A_40 = arith.constant 120 : i32
    %add3A_41 = arith.addi %mul3A_12, %add3A_40 : i32
    %dma_start3A_42 = tpu.memref_slice %arg4[%add3A_41] : memref<320000xi32, #tpu.memory_space<hbm>> -> memref<40xi32, #tpu.memory_space<hbm>>
    %dma_start3A_43 = tpu.memref_slice %arg4[%add3A_41] : memref<320000xi32, #tpu.memory_space<hbm>> -> memref<40xi32, #tpu.memory_space<hbm>>
    tpu.enqueue_dma source(%dma_start3A_43 : memref<40xi32, #tpu.memory_space<hbm>>) target(%arg10 : memref<40xi32, #tpu.memory_space<vmem>>) target_semaphore(%arg31 : memref<!tpu.dma_semaphore, #tpu.memory_space<semaphore_mem>>)
    %dma_start3A_44 = arith.constant 120 : i32
    %dma_start3A_45 = tpu.memref_slice %arg6[%dma_start3A_44] : memref<20000xi32, #tpu.memory_space<vmem>> -> memref<40xi32, #tpu.memory_space<vmem>>
    %dma_start3A_46 = arith.constant 0 : i32
    %dma_start3A_47 = arith.constant 0 : i32
    %dma_start3A_48 = tpu.memref_slice %arg2[%dma_start3A_46, %dma_start3A_47] : memref<20480x128xf32, #tpu.memory_space<hbm>> -> memref<20480x128xf32, #tpu.memory_space<hbm>>
    tpu.enqueue_indirect_dma source(%dma_start3A_48 : memref<20480x128xf32, #tpu.memory_space<hbm>>) target(%arg15 : memref<40x128xf32, #tpu.memory_space<vmem>>) offsets(%dma_start3A_45 : memref<40xi32, #tpu.memory_space<vmem>>) semaphore(%arg21 : memref<!tpu.dma_semaphore, #tpu.memory_space<semaphore_mem>>)
    %mul3A_49 = arith.constant 10240 : i32
    %mul3A_50 = arith.muli %arg0, %mul3A_49 : i32
    %add3A_51 = arith.addi %mul3A_50, %mul3A_0 : i32
    %dma_wait3A = arith.constant 0 : i32
    %dma_wait3A_52 = tpu.memref_slice %arg17[%mul3A_0, %dma_wait3A] : memref<10240x128xf32, #tpu.memory_space<vmem_shared>> -> memref<640x128xf32, #tpu.memory_space<vmem_shared>>
    %dma_wait3A_53 = arith.constant 0 : i32
    %dma_wait3A_54 = tpu.memref_slice %arg2[%add3A_51, %dma_wait3A_53] : memref<20480x128xf32, #tpu.memory_space<hbm>> -> memref<640x128xf32, #tpu.memory_space<hbm>>
    tpu.wait_dma2 semaphore(%arg33 : memref<!tpu.dma_semaphore, #tpu.memory_space<semaphore_mem>>) src(%dma_wait3A_54 : memref<640x128xf32, #tpu.memory_space<hbm>>) dst(%dma_wait3A_52 : memref<640x128xf32, #tpu.memory_space<vmem_shared>>)
    %barrier3A = arith.constant 0 : index
    tpu.barrier barrier_id(%barrier3A)
    %scan3A = arith.constant 0 : i32
    %scan3A_55 = arith.constant 0 : i32
    %scan3A_56 = arith.constant 100 : i32
    %scan3A_57 = arith.addi %scan3A_55, %scan3A_56 : i32
    %scan3A_58 = arith.constant 1 : i32
    scf.for %scan3A_67 = %scan3A_55 to %scan3A_57 step %scan3A_58  : i32 {
      %mul3A_68 = arith.constant 5 : i32
      %mul3A_69 = arith.muli %scan3A_67, %mul3A_68 : i32
      %add3A_70 = arith.constant 0 : i32
      %add3A_71 = arith.addi %mul3A_69, %add3A_70 : i32
      %mul3A_72 = arith.constant 40 : i32
      %mul3A_73 = arith.muli %add3A_71, %mul3A_72 : i32
      %dma_wait3A_74 = tpu.memref_slice %arg6[%mul3A_73] : memref<20000xi32, #tpu.memory_space<vmem>> -> memref<40xi32, #tpu.memory_space<vmem>>
      %dma_wait3A_75 = arith.constant 0 : i32
      %dma_wait3A_76 = arith.constant 0 : i32
      %dma_wait3A_77 = tpu.memref_slice %arg2[%dma_wait3A_75, %dma_wait3A_76] : memref<20480x128xf32, #tpu.memory_space<hbm>> -> memref<20480x128xf32, #tpu.memory_space<hbm>>
      tpu.wait_indirect_dma semaphore(%arg18 : memref<!tpu.dma_semaphore, #tpu.memory_space<semaphore_mem>>) src(%dma_wait3A_77 : memref<20480x128xf32, #tpu.memory_space<hbm>>) dst(%arg12 : memref<40x128xf32, #tpu.memory_space<vmem>>)
      %mul3A_78 = arith.constant 40 : i32
      %mul3A_79 = arith.muli %add3A_71, %mul3A_78 : i32
      %add3A_80 = arith.addi %mul3A_12, %mul3A_79 : i32
      %dma_wait3A_81 = tpu.memref_slice %arg4[%add3A_80] : memref<320000xi32, #tpu.memory_space<hbm>> -> memref<40xi32, #tpu.memory_space<hbm>>
      %dma_wait3A_82 = tpu.memref_slice %arg4[%add3A_80] : memref<320000xi32, #tpu.memory_space<hbm>> -> memref<40xi32, #tpu.memory_space<hbm>>
      tpu.wait_dma2 semaphore(%arg28 : memref<!tpu.dma_semaphore, #tpu.memory_space<semaphore_mem>>) src(%dma_wait3A_82 : memref<40xi32, #tpu.memory_space<hbm>>) dst(%arg7 : memref<40xi32, #tpu.memory_space<vmem>>)
      %dma_start3A_83 = arith.constant 0 : i32
      %dma_start3A_84 = arith.constant 0 : i32
      %dma_start3A_85 = tpu.memref_slice %arg17[%dma_start3A_83, %dma_start3A_84] : memref<10240x128xf32, #tpu.memory_space<vmem_shared>> -> memref<10240x128xf32, #tpu.memory_space<vmem_shared>>
      tpu.enqueue_indirect_dma source(%arg12 : memref<40x128xf32, #tpu.memory_space<vmem>>) target(%dma_start3A_85 : memref<10240x128xf32, #tpu.memory_space<vmem_shared>>) offsets(%arg7 : memref<40xi32, #tpu.memory_space<vmem>>) semaphore(%arg23 : memref<!tpu.dma_semaphore, #tpu.memory_space<semaphore_mem>>) {add = true}
      %gt3A = arith.constant 0 : i32
      %gt3A_86 = arith.cmpi sgt, %scan3A_67, %gt3A : i32
      %convert_element_type3A = arith.extui %gt3A_86 : i1 to i32
      %cond3A = arith.constant 0 : i32
      %cond3A_87 = arith.cmpi ne, %convert_element_type3A, %cond3A : i32
      scf.if %cond3A_87 {
        %dma_wait3A_207 = arith.constant 0 : i32
        %dma_wait3A_208 = arith.constant 0 : i32
        %dma_wait3A_209 = tpu.memref_slice %arg17[%dma_wait3A_207, %dma_wait3A_208] : memref<10240x128xf32, #tpu.memory_space<vmem_shared>> -> memref<10240x128xf32, #tpu.memory_space<vmem_shared>>
        tpu.wait_indirect_dma semaphore(%arg27 : memref<!tpu.dma_semaphore, #tpu.memory_space<semaphore_mem>>) src(%arg16 : memref<40x128xf32, #tpu.memory_space<vmem>>) dst(%dma_wait3A_209 : memref<10240x128xf32, #tpu.memory_space<vmem_shared>>)
      } else {
      }
      %add3A_88 = arith.constant 5 : i32
      %add3A_89 = arith.addi %add3A_71, %add3A_88 : i32
      %sub3A = arith.constant 1 : i32
      %sub3A_90 = arith.subi %add3A_89, %sub3A : i32
      %lt3A = arith.constant 500 : i32
      %lt3A_91 = arith.cmpi slt, %sub3A_90, %lt3A : i32
      %convert_element_type3A_92 = arith.extui %lt3A_91 : i1 to i32
      %cond3A_93 = arith.constant 0 : i32
      %cond3A_94 = arith.cmpi ne, %convert_element_type3A_92, %cond3A_93 : i32
      scf.if %cond3A_94 {
        %add3A_207 = arith.constant 5 : i32
        %add3A_208 = arith.addi %add3A_71, %add3A_207 : i32
        %sub3A_209 = arith.constant 1 : i32
        %sub3A_210 = arith.subi %add3A_208, %sub3A_209 : i32
        %mul3A_211 = arith.constant 40 : i32
        %mul3A_212 = arith.muli %sub3A_210, %mul3A_211 : i32
        %add3A_213 = arith.addi %mul3A_12, %mul3A_212 : i32
        %dma_start3A_214 = tpu.memref_slice %arg4[%add3A_213] : memref<320000xi32, #tpu.memory_space<hbm>> -> memref<40xi32, #tpu.memory_space<hbm>>
        %dma_start3A_215 = tpu.memref_slice %arg4[%add3A_213] : memref<320000xi32, #tpu.memory_space<hbm>> -> memref<40xi32, #tpu.memory_space<hbm>>
        tpu.enqueue_dma source(%dma_start3A_215 : memref<40xi32, #tpu.memory_space<hbm>>) target(%arg11 : memref<40xi32, #tpu.memory_space<vmem>>) target_semaphore(%arg32 : memref<!tpu.dma_semaphore, #tpu.memory_space<semaphore_mem>>)
        %add3A_216 = arith.constant 5 : i32
        %add3A_217 = arith.addi %add3A_71, %add3A_216 : i32
        %sub3A_218 = arith.constant 1 : i32
        %sub3A_219 = arith.subi %add3A_217, %sub3A_218 : i32
        %mul3A_220 = arith.constant 40 : i32
        %mul3A_221 = arith.muli %sub3A_219, %mul3A_220 : i32
        %dma_start3A_222 = tpu.memref_slice %arg6[%mul3A_221] : memref<20000xi32, #tpu.memory_space<vmem>> -> memref<40xi32, #tpu.memory_space<vmem>>
        %dma_start3A_223 = arith.constant 0 : i32
        %dma_start3A_224 = arith.constant 0 : i32
        %dma_start3A_225 = tpu.memref_slice %arg2[%dma_start3A_223, %dma_start3A_224] : memref<20480x128xf32, #tpu.memory_space<hbm>> -> memref<20480x128xf32, #tpu.memory_space<hbm>>
        tpu.enqueue_indirect_dma source(%dma_start3A_225 : memref<20480x128xf32, #tpu.memory_space<hbm>>) target(%arg16 : memref<40x128xf32, #tpu.memory_space<vmem>>) offsets(%dma_start3A_222 : memref<40xi32, #tpu.memory_space<vmem>>) semaphore(%arg22 : memref<!tpu.dma_semaphore, #tpu.memory_space<semaphore_mem>>)
      } else {
      }
      %add3A_95 = arith.constant 1 : i32
      %add3A_96 = arith.addi %mul3A_69, %add3A_95 : i32
      %mul3A_97 = arith.constant 40 : i32
      %mul3A_98 = arith.muli %add3A_96, %mul3A_97 : i32
      %dma_wait3A_99 = tpu.memref_slice %arg6[%mul3A_98] : memref<20000xi32, #tpu.memory_space<vmem>> -> memref<40xi32, #tpu.memory_space<vmem>>
      %dma_wait3A_100 = arith.constant 0 : i32
      %dma_wait3A_101 = arith.constant 0 : i32
      %dma_wait3A_102 = tpu.memref_slice %arg2[%dma_wait3A_100, %dma_wait3A_101] : memref<20480x128xf32, #tpu.memory_space<hbm>> -> memref<20480x128xf32, #tpu.memory_space<hbm>>
      tpu.wait_indirect_dma semaphore(%arg19 : memref<!tpu.dma_semaphore, #tpu.memory_space<semaphore_mem>>) src(%dma_wait3A_102 : memref<20480x128xf32, #tpu.memory_space<hbm>>) dst(%arg13 : memref<40x128xf32, #tpu.memory_space<vmem>>)
      %mul3A_103 = arith.constant 40 : i32
      %mul3A_104 = arith.muli %add3A_96, %mul3A_103 : i32
      %add3A_105 = arith.addi %mul3A_12, %mul3A_104 : i32
      %dma_wait3A_106 = tpu.memref_slice %arg4[%add3A_105] : memref<320000xi32, #tpu.memory_space<hbm>> -> memref<40xi32, #tpu.memory_space<hbm>>
      %dma_wait3A_107 = tpu.memref_slice %arg4[%add3A_105] : memref<320000xi32, #tpu.memory_space<hbm>> -> memref<40xi32, #tpu.memory_space<hbm>>
      tpu.wait_dma2 semaphore(%arg29 : memref<!tpu.dma_semaphore, #tpu.memory_space<semaphore_mem>>) src(%dma_wait3A_107 : memref<40xi32, #tpu.memory_space<hbm>>) dst(%arg8 : memref<40xi32, #tpu.memory_space<vmem>>)
      %dma_start3A_108 = arith.constant 0 : i32
      %dma_start3A_109 = arith.constant 0 : i32
      %dma_start3A_110 = tpu.memref_slice %arg17[%dma_start3A_108, %dma_start3A_109] : memref<10240x128xf32, #tpu.memory_space<vmem_shared>> -> memref<10240x128xf32, #tpu.memory_space<vmem_shared>>
      tpu.enqueue_indirect_dma source(%arg13 : memref<40x128xf32, #tpu.memory_space<vmem>>) target(%dma_start3A_110 : memref<10240x128xf32, #tpu.memory_space<vmem_shared>>) offsets(%arg8 : memref<40xi32, #tpu.memory_space<vmem>>) semaphore(%arg24 : memref<!tpu.dma_semaphore, #tpu.memory_space<semaphore_mem>>) {add = true}
      %dma_wait3A_111 = arith.constant 0 : i32
      %dma_wait3A_112 = arith.constant 0 : i32
      %dma_wait3A_113 = tpu.memref_slice %arg17[%dma_wait3A_111, %dma_wait3A_112] : memref<10240x128xf32, #tpu.memory_space<vmem_shared>> -> memref<10240x128xf32, #tpu.memory_space<vmem_shared>>
      tpu.wait_indirect_dma semaphore(%arg23 : memref<!tpu.dma_semaphore, #tpu.memory_space<semaphore_mem>>) src(%arg12 : memref<40x128xf32, #tpu.memory_space<vmem>>) dst(%dma_wait3A_113 : memref<10240x128xf32, #tpu.memory_space<vmem_shared>>)
      %add3A_114 = arith.constant 5 : i32
      %add3A_115 = arith.addi %add3A_96, %add3A_114 : i32
      %sub3A_116 = arith.constant 1 : i32
      %sub3A_117 = arith.subi %add3A_115, %sub3A_116 : i32
      %lt3A_118 = arith.constant 500 : i32
      %lt3A_119 = arith.cmpi slt, %sub3A_117, %lt3A_118 : i32
      %convert_element_type3A_120 = arith.extui %lt3A_119 : i1 to i32
      %cond3A_121 = arith.constant 0 : i32
      %cond3A_122 = arith.cmpi ne, %convert_element_type3A_120, %cond3A_121 : i32
      scf.if %cond3A_122 {
        %add3A_207 = arith.constant 5 : i32
        %add3A_208 = arith.addi %add3A_96, %add3A_207 : i32
        %sub3A_209 = arith.constant 1 : i32
        %sub3A_210 = arith.subi %add3A_208, %sub3A_209 : i32
        %mul3A_211 = arith.constant 40 : i32
        %mul3A_212 = arith.muli %sub3A_210, %mul3A_211 : i32
        %add3A_213 = arith.addi %mul3A_12, %mul3A_212 : i32
        %dma_start3A_214 = tpu.memref_slice %arg4[%add3A_213] : memref<320000xi32, #tpu.memory_space<hbm>> -> memref<40xi32, #tpu.memory_space<hbm>>
        %dma_start3A_215 = tpu.memref_slice %arg4[%add3A_213] : memref<320000xi32, #tpu.memory_space<hbm>> -> memref<40xi32, #tpu.memory_space<hbm>>
        tpu.enqueue_dma source(%dma_start3A_215 : memref<40xi32, #tpu.memory_space<hbm>>) target(%arg7 : memref<40xi32, #tpu.memory_space<vmem>>) target_semaphore(%arg28 : memref<!tpu.dma_semaphore, #tpu.memory_space<semaphore_mem>>)
        %add3A_216 = arith.constant 5 : i32
        %add3A_217 = arith.addi %add3A_96, %add3A_216 : i32
        %sub3A_218 = arith.constant 1 : i32
        %sub3A_219 = arith.subi %add3A_217, %sub3A_218 : i32
        %mul3A_220 = arith.constant 40 : i32
        %mul3A_221 = arith.muli %sub3A_219, %mul3A_220 : i32
        %dma_start3A_222 = tpu.memref_slice %arg6[%mul3A_221] : memref<20000xi32, #tpu.memory_space<vmem>> -> memref<40xi32, #tpu.memory_space<vmem>>
        %dma_start3A_223 = arith.constant 0 : i32
        %dma_start3A_224 = arith.constant 0 : i32
        %dma_start3A_225 = tpu.memref_slice %arg2[%dma_start3A_223, %dma_start3A_224] : memref<20480x128xf32, #tpu.memory_space<hbm>> -> memref<20480x128xf32, #tpu.memory_space<hbm>>
        tpu.enqueue_indirect_dma source(%dma_start3A_225 : memref<20480x128xf32, #tpu.memory_space<hbm>>) target(%arg12 : memref<40x128xf32, #tpu.memory_space<vmem>>) offsets(%dma_start3A_222 : memref<40xi32, #tpu.memory_space<vmem>>) semaphore(%arg18 : memref<!tpu.dma_semaphore, #tpu.memory_space<semaphore_mem>>)
      } else {
      }
      %add3A_123 = arith.constant 2 : i32
      %add3A_124 = arith.addi %mul3A_69, %add3A_123 : i32
      %mul3A_125 = arith.constant 40 : i32
      %mul3A_126 = arith.muli %add3A_124, %mul3A_125 : i32
      %dma_wait3A_127 = tpu.memref_slice %arg6[%mul3A_126] : memref<20000xi32, #tpu.memory_space<vmem>> -> memref<40xi32, #tpu.memory_space<vmem>>
      %dma_wait3A_128 = arith.constant 0 : i32
      %dma_wait3A_129 = arith.constant 0 : i32
      %dma_wait3A_130 = tpu.memref_slice %arg2[%dma_wait3A_128, %dma_wait3A_129] : memref<20480x128xf32, #tpu.memory_space<hbm>> -> memref<20480x128xf32, #tpu.memory_space<hbm>>
      tpu.wait_indirect_dma semaphore(%arg20 : memref<!tpu.dma_semaphore, #tpu.memory_space<semaphore_mem>>) src(%dma_wait3A_130 : memref<20480x128xf32, #tpu.memory_space<hbm>>) dst(%arg14 : memref<40x128xf32, #tpu.memory_space<vmem>>)
      %mul3A_131 = arith.constant 40 : i32
      %mul3A_132 = arith.muli %add3A_124, %mul3A_131 : i32
      %add3A_133 = arith.addi %mul3A_12, %mul3A_132 : i32
      %dma_wait3A_134 = tpu.memref_slice %arg4[%add3A_133] : memref<320000xi32, #tpu.memory_space<hbm>> -> memref<40xi32, #tpu.memory_space<hbm>>
      %dma_wait3A_135 = tpu.memref_slice %arg4[%add3A_133] : memref<320000xi32, #tpu.memory_space<hbm>> -> memref<40xi32, #tpu.memory_space<hbm>>
      tpu.wait_dma2 semaphore(%arg30 : memref<!tpu.dma_semaphore, #tpu.memory_space<semaphore_mem>>) src(%dma_wait3A_135 : memref<40xi32, #tpu.memory_space<hbm>>) dst(%arg9 : memref<40xi32, #tpu.memory_space<vmem>>)
      %dma_start3A_136 = arith.constant 0 : i32
      %dma_start3A_137 = arith.constant 0 : i32
      %dma_start3A_138 = tpu.memref_slice %arg17[%dma_start3A_136, %dma_start3A_137] : memref<10240x128xf32, #tpu.memory_space<vmem_shared>> -> memref<10240x128xf32, #tpu.memory_space<vmem_shared>>
      tpu.enqueue_indirect_dma source(%arg14 : memref<40x128xf32, #tpu.memory_space<vmem>>) target(%dma_start3A_138 : memref<10240x128xf32, #tpu.memory_space<vmem_shared>>) offsets(%arg9 : memref<40xi32, #tpu.memory_space<vmem>>) semaphore(%arg25 : memref<!tpu.dma_semaphore, #tpu.memory_space<semaphore_mem>>) {add = true}
      %dma_wait3A_139 = arith.constant 0 : i32
      %dma_wait3A_140 = arith.constant 0 : i32
      %dma_wait3A_141 = tpu.memref_slice %arg17[%dma_wait3A_139, %dma_wait3A_140] : memref<10240x128xf32, #tpu.memory_space<vmem_shared>> -> memref<10240x128xf32, #tpu.memory_space<vmem_shared>>
      tpu.wait_indirect_dma semaphore(%arg24 : memref<!tpu.dma_semaphore, #tpu.memory_space<semaphore_mem>>) src(%arg13 : memref<40x128xf32, #tpu.memory_space<vmem>>) dst(%dma_wait3A_141 : memref<10240x128xf32, #tpu.memory_space<vmem_shared>>)
      %add3A_142 = arith.constant 5 : i32
      %add3A_143 = arith.addi %add3A_124, %add3A_142 : i32
      %sub3A_144 = arith.constant 1 : i32
      %sub3A_145 = arith.subi %add3A_143, %sub3A_144 : i32
      %lt3A_146 = arith.constant 500 : i32
      %lt3A_147 = arith.cmpi slt, %sub3A_145, %lt3A_146 : i32
      %convert_element_type3A_148 = arith.extui %lt3A_147 : i1 to i32
      %cond3A_149 = arith.constant 0 : i32
      %cond3A_150 = arith.cmpi ne, %convert_element_type3A_148, %cond3A_149 : i32
      scf.if %cond3A_150 {
        %add3A_207 = arith.constant 5 : i32
        %add3A_208 = arith.addi %add3A_124, %add3A_207 : i32
        %sub3A_209 = arith.constant 1 : i32
        %sub3A_210 = arith.subi %add3A_208, %sub3A_209 : i32
        %mul3A_211 = arith.constant 40 : i32
        %mul3A_212 = arith.muli %sub3A_210, %mul3A_211 : i32
        %add3A_213 = arith.addi %mul3A_12, %mul3A_212 : i32
        %dma_start3A_214 = tpu.memref_slice %arg4[%add3A_213] : memref<320000xi32, #tpu.memory_space<hbm>> -> memref<40xi32, #tpu.memory_space<hbm>>
        %dma_start3A_215 = tpu.memref_slice %arg4[%add3A_213] : memref<320000xi32, #tpu.memory_space<hbm>> -> memref<40xi32, #tpu.memory_space<hbm>>
        tpu.enqueue_dma source(%dma_start3A_215 : memref<40xi32, #tpu.memory_space<hbm>>) target(%arg8 : memref<40xi32, #tpu.memory_space<vmem>>) target_semaphore(%arg29 : memref<!tpu.dma_semaphore, #tpu.memory_space<semaphore_mem>>)
        %add3A_216 = arith.constant 5 : i32
        %add3A_217 = arith.addi %add3A_124, %add3A_216 : i32
        %sub3A_218 = arith.constant 1 : i32
        %sub3A_219 = arith.subi %add3A_217, %sub3A_218 : i32
        %mul3A_220 = arith.constant 40 : i32
        %mul3A_221 = arith.muli %sub3A_219, %mul3A_220 : i32
        %dma_start3A_222 = tpu.memref_slice %arg6[%mul3A_221] : memref<20000xi32, #tpu.memory_space<vmem>> -> memref<40xi32, #tpu.memory_space<vmem>>
        %dma_start3A_223 = arith.constant 0 : i32
        %dma_start3A_224 = arith.constant 0 : i32
        %dma_start3A_225 = tpu.memref_slice %arg2[%dma_start3A_223, %dma_start3A_224] : memref<20480x128xf32, #tpu.memory_space<hbm>> -> memref<20480x128xf32, #tpu.memory_space<hbm>>
        tpu.enqueue_indirect_dma source(%dma_start3A_225 : memref<20480x128xf32, #tpu.memory_space<hbm>>) target(%arg13 : memref<40x128xf32, #tpu.memory_space<vmem>>) offsets(%dma_start3A_222 : memref<40xi32, #tpu.memory_space<vmem>>) semaphore(%arg19 : memref<!tpu.dma_semaphore, #tpu.memory_space<semaphore_mem>>)
      } else {
      }
      %add3A_151 = arith.constant 3 : i32
      %add3A_152 = arith.addi %mul3A_69, %add3A_151 : i32
      %mul3A_153 = arith.constant 40 : i32
      %mul3A_154 = arith.muli %add3A_152, %mul3A_153 : i32
      %dma_wait3A_155 = tpu.memref_slice %arg6[%mul3A_154] : memref<20000xi32, #tpu.memory_space<vmem>> -> memref<40xi32, #tpu.memory_space<vmem>>
      %dma_wait3A_156 = arith.constant 0 : i32
      %dma_wait3A_157 = arith.constant 0 : i32
      %dma_wait3A_158 = tpu.memref_slice %arg2[%dma_wait3A_156, %dma_wait3A_157] : memref<20480x128xf32, #tpu.memory_space<hbm>> -> memref<20480x128xf32, #tpu.memory_space<hbm>>
      tpu.wait_indirect_dma semaphore(%arg21 : memref<!tpu.dma_semaphore, #tpu.memory_space<semaphore_mem>>) src(%dma_wait3A_158 : memref<20480x128xf32, #tpu.memory_space<hbm>>) dst(%arg15 : memref<40x128xf32, #tpu.memory_space<vmem>>)
      %mul3A_159 = arith.constant 40 : i32
      %mul3A_160 = arith.muli %add3A_152, %mul3A_159 : i32
      %add3A_161 = arith.addi %mul3A_12, %mul3A_160 : i32
      %dma_wait3A_162 = tpu.memref_slice %arg4[%add3A_161] : memref<320000xi32, #tpu.memory_space<hbm>> -> memref<40xi32, #tpu.memory_space<hbm>>
      %dma_wait3A_163 = tpu.memref_slice %arg4[%add3A_161] : memref<320000xi32, #tpu.memory_space<hbm>> -> memref<40xi32, #tpu.memory_space<hbm>>
      tpu.wait_dma2 semaphore(%arg31 : memref<!tpu.dma_semaphore, #tpu.memory_space<semaphore_mem>>) src(%dma_wait3A_163 : memref<40xi32, #tpu.memory_space<hbm>>) dst(%arg10 : memref<40xi32, #tpu.memory_space<vmem>>)
      %dma_start3A_164 = arith.constant 0 : i32
      %dma_start3A_165 = arith.constant 0 : i32
      %dma_start3A_166 = tpu.memref_slice %arg17[%dma_start3A_164, %dma_start3A_165] : memref<10240x128xf32, #tpu.memory_space<vmem_shared>> -> memref<10240x128xf32, #tpu.memory_space<vmem_shared>>
      tpu.enqueue_indirect_dma source(%arg15 : memref<40x128xf32, #tpu.memory_space<vmem>>) target(%dma_start3A_166 : memref<10240x128xf32, #tpu.memory_space<vmem_shared>>) offsets(%arg10 : memref<40xi32, #tpu.memory_space<vmem>>) semaphore(%arg26 : memref<!tpu.dma_semaphore, #tpu.memory_space<semaphore_mem>>) {add = true}
      %dma_wait3A_167 = arith.constant 0 : i32
      %dma_wait3A_168 = arith.constant 0 : i32
      %dma_wait3A_169 = tpu.memref_slice %arg17[%dma_wait3A_167, %dma_wait3A_168] : memref<10240x128xf32, #tpu.memory_space<vmem_shared>> -> memref<10240x128xf32, #tpu.memory_space<vmem_shared>>
      tpu.wait_indirect_dma semaphore(%arg25 : memref<!tpu.dma_semaphore, #tpu.memory_space<semaphore_mem>>) src(%arg14 : memref<40x128xf32, #tpu.memory_space<vmem>>) dst(%dma_wait3A_169 : memref<10240x128xf32, #tpu.memory_space<vmem_shared>>)
      %add3A_170 = arith.constant 5 : i32
      %add3A_171 = arith.addi %add3A_152, %add3A_170 : i32
      %sub3A_172 = arith.constant 1 : i32
      %sub3A_173 = arith.subi %add3A_171, %sub3A_172 : i32
      %lt3A_174 = arith.constant 500 : i32
      %lt3A_175 = arith.cmpi slt, %sub3A_173, %lt3A_174 : i32
      %convert_element_type3A_176 = arith.extui %lt3A_175 : i1 to i32
      %cond3A_177 = arith.constant 0 : i32
      %cond3A_178 = arith.cmpi ne, %convert_element_type3A_176, %cond3A_177 : i32
      scf.if %cond3A_178 {
        %add3A_207 = arith.constant 5 : i32
        %add3A_208 = arith.addi %add3A_152, %add3A_207 : i32
        %sub3A_209 = arith.constant 1 : i32
        %sub3A_210 = arith.subi %add3A_208, %sub3A_209 : i32
        %mul3A_211 = arith.constant 40 : i32
        %mul3A_212 = arith.muli %sub3A_210, %mul3A_211 : i32
        %add3A_213 = arith.addi %mul3A_12, %mul3A_212 : i32
        %dma_start3A_214 = tpu.memref_slice %arg4[%add3A_213] : memref<320000xi32, #tpu.memory_space<hbm>> -> memref<40xi32, #tpu.memory_space<hbm>>
        %dma_start3A_215 = tpu.memref_slice %arg4[%add3A_213] : memref<320000xi32, #tpu.memory_space<hbm>> -> memref<40xi32, #tpu.memory_space<hbm>>
        tpu.enqueue_dma source(%dma_start3A_215 : memref<40xi32, #tpu.memory_space<hbm>>) target(%arg9 : memref<40xi32, #tpu.memory_space<vmem>>) target_semaphore(%arg30 : memref<!tpu.dma_semaphore, #tpu.memory_space<semaphore_mem>>)
        %add3A_216 = arith.constant 5 : i32
        %add3A_217 = arith.addi %add3A_152, %add3A_216 : i32
        %sub3A_218 = arith.constant 1 : i32
        %sub3A_219 = arith.subi %add3A_217, %sub3A_218 : i32
        %mul3A_220 = arith.constant 40 : i32
        %mul3A_221 = arith.muli %sub3A_219, %mul3A_220 : i32
        %dma_start3A_222 = tpu.memref_slice %arg6[%mul3A_221] : memref<20000xi32, #tpu.memory_space<vmem>> -> memref<40xi32, #tpu.memory_space<vmem>>
        %dma_start3A_223 = arith.constant 0 : i32
        %dma_start3A_224 = arith.constant 0 : i32
        %dma_start3A_225 = tpu.memref_slice %arg2[%dma_start3A_223, %dma_start3A_224] : memref<20480x128xf32, #tpu.memory_space<hbm>> -> memref<20480x128xf32, #tpu.memory_space<hbm>>
        tpu.enqueue_indirect_dma source(%dma_start3A_225 : memref<20480x128xf32, #tpu.memory_space<hbm>>) target(%arg14 : memref<40x128xf32, #tpu.memory_space<vmem>>) offsets(%dma_start3A_222 : memref<40xi32, #tpu.memory_space<vmem>>) semaphore(%arg20 : memref<!tpu.dma_semaphore, #tpu.memory_space<semaphore_mem>>)
      } else {
      }
      %add3A_179 = arith.constant 4 : i32
      %add3A_180 = arith.addi %mul3A_69, %add3A_179 : i32
      %mul3A_181 = arith.constant 40 : i32
      %mul3A_182 = arith.muli %add3A_180, %mul3A_181 : i32
      %dma_wait3A_183 = tpu.memref_slice %arg6[%mul3A_182] : memref<20000xi32, #tpu.memory_space<vmem>> -> memref<40xi32, #tpu.memory_space<vmem>>
      %dma_wait3A_184 = arith.constant 0 : i32
      %dma_wait3A_185 = arith.constant 0 : i32
      %dma_wait3A_186 = tpu.memref_slice %arg2[%dma_wait3A_184, %dma_wait3A_185] : memref<20480x128xf32, #tpu.memory_space<hbm>> -> memref<20480x128xf32, #tpu.memory_space<hbm>>
      tpu.wait_indirect_dma semaphore(%arg22 : memref<!tpu.dma_semaphore, #tpu.memory_space<semaphore_mem>>) src(%dma_wait3A_186 : memref<20480x128xf32, #tpu.memory_space<hbm>>) dst(%arg16 : memref<40x128xf32, #tpu.memory_space<vmem>>)
      %mul3A_187 = arith.constant 40 : i32
      %mul3A_188 = arith.muli %add3A_180, %mul3A_187 : i32
      %add3A_189 = arith.addi %mul3A_12, %mul3A_188 : i32
      %dma_wait3A_190 = tpu.memref_slice %arg4[%add3A_189] : memref<320000xi32, #tpu.memory_space<hbm>> -> memref<40xi32, #tpu.memory_space<hbm>>
      %dma_wait3A_191 = tpu.memref_slice %arg4[%add3A_189] : memref<320000xi32, #tpu.memory_space<hbm>> -> memref<40xi32, #tpu.memory_space<hbm>>
      tpu.wait_dma2 semaphore(%arg32 : memref<!tpu.dma_semaphore, #tpu.memory_space<semaphore_mem>>) src(%dma_wait3A_191 : memref<40xi32, #tpu.memory_space<hbm>>) dst(%arg11 : memref<40xi32, #tpu.memory_space<vmem>>)
      %dma_start3A_192 = arith.constant 0 : i32
      %dma_start3A_193 = arith.constant 0 : i32
      %dma_start3A_194 = tpu.memref_slice %arg17[%dma_start3A_192, %dma_start3A_193] : memref<10240x128xf32, #tpu.memory_space<vmem_shared>> -> memref<10240x128xf32, #tpu.memory_space<vmem_shared>>
      tpu.enqueue_indirect_dma source(%arg16 : memref<40x128xf32, #tpu.memory_space<vmem>>) target(%dma_start3A_194 : memref<10240x128xf32, #tpu.memory_space<vmem_shared>>) offsets(%arg11 : memref<40xi32, #tpu.memory_space<vmem>>) semaphore(%arg27 : memref<!tpu.dma_semaphore, #tpu.memory_space<semaphore_mem>>) {add = true}
      %dma_wait3A_195 = arith.constant 0 : i32
      %dma_wait3A_196 = arith.constant 0 : i32
      %dma_wait3A_197 = tpu.memref_slice %arg17[%dma_wait3A_195, %dma_wait3A_196] : memref<10240x128xf32, #tpu.memory_space<vmem_shared>> -> memref<10240x128xf32, #tpu.memory_space<vmem_shared>>
      tpu.wait_indirect_dma semaphore(%arg26 : memref<!tpu.dma_semaphore, #tpu.memory_space<semaphore_mem>>) src(%arg15 : memref<40x128xf32, #tpu.memory_space<vmem>>) dst(%dma_wait3A_197 : memref<10240x128xf32, #tpu.memory_space<vmem_shared>>)
      %add3A_198 = arith.constant 5 : i32
      %add3A_199 = arith.addi %add3A_180, %add3A_198 : i32
      %sub3A_200 = arith.constant 1 : i32
      %sub3A_201 = arith.subi %add3A_199, %sub3A_200 : i32
      %lt3A_202 = arith.constant 500 : i32
      %lt3A_203 = arith.cmpi slt, %sub3A_201, %lt3A_202 : i32
      %convert_element_type3A_204 = arith.extui %lt3A_203 : i1 to i32
      %cond3A_205 = arith.constant 0 : i32
      %cond3A_206 = arith.cmpi ne, %convert_element_type3A_204, %cond3A_205 : i32
      scf.if %cond3A_206 {
        %add3A_207 = arith.constant 5 : i32
        %add3A_208 = arith.addi %add3A_180, %add3A_207 : i32
        %sub3A_209 = arith.constant 1 : i32
        %sub3A_210 = arith.subi %add3A_208, %sub3A_209 : i32
        %mul3A_211 = arith.constant 40 : i32
        %mul3A_212 = arith.muli %sub3A_210, %mul3A_211 : i32
        %add3A_213 = arith.addi %mul3A_12, %mul3A_212 : i32
        %dma_start3A_214 = tpu.memref_slice %arg4[%add3A_213] : memref<320000xi32, #tpu.memory_space<hbm>> -> memref<40xi32, #tpu.memory_space<hbm>>
        %dma_start3A_215 = tpu.memref_slice %arg4[%add3A_213] : memref<320000xi32, #tpu.memory_space<hbm>> -> memref<40xi32, #tpu.memory_space<hbm>>
        tpu.enqueue_dma source(%dma_start3A_215 : memref<40xi32, #tpu.memory_space<hbm>>) target(%arg10 : memref<40xi32, #tpu.memory_space<vmem>>) target_semaphore(%arg31 : memref<!tpu.dma_semaphore, #tpu.memory_space<semaphore_mem>>)
        %add3A_216 = arith.constant 5 : i32
        %add3A_217 = arith.addi %add3A_180, %add3A_216 : i32
        %sub3A_218 = arith.constant 1 : i32
        %sub3A_219 = arith.subi %add3A_217, %sub3A_218 : i32
        %mul3A_220 = arith.constant 40 : i32
        %mul3A_221 = arith.muli %sub3A_219, %mul3A_220 : i32
        %dma_start3A_222 = tpu.memref_slice %arg6[%mul3A_221] : memref<20000xi32, #tpu.memory_space<vmem>> -> memref<40xi32, #tpu.memory_space<vmem>>
        %dma_start3A_223 = arith.constant 0 : i32
        %dma_start3A_224 = arith.constant 0 : i32
        %dma_start3A_225 = tpu.memref_slice %arg2[%dma_start3A_223, %dma_start3A_224] : memref<20480x128xf32, #tpu.memory_space<hbm>> -> memref<20480x128xf32, #tpu.memory_space<hbm>>
        tpu.enqueue_indirect_dma source(%dma_start3A_225 : memref<20480x128xf32, #tpu.memory_space<hbm>>) target(%arg15 : memref<40x128xf32, #tpu.memory_space<vmem>>) offsets(%dma_start3A_222 : memref<40xi32, #tpu.memory_space<vmem>>) semaphore(%arg21 : memref<!tpu.dma_semaphore, #tpu.memory_space<semaphore_mem>>)
      } else {
      }
    }
    %scan3A_59 = arith.constant 100 : i32
    %dma_wait3A_60 = arith.constant 0 : i32
    %dma_wait3A_61 = arith.constant 0 : i32
    %dma_wait3A_62 = tpu.memref_slice %arg17[%dma_wait3A_60, %dma_wait3A_61] : memref<10240x128xf32, #tpu.memory_space<vmem_shared>> -> memref<10240x128xf32, #tpu.memory_space<vmem_shared>>
    tpu.wait_indirect_dma semaphore(%arg27 : memref<!tpu.dma_semaphore, #tpu.memory_space<semaphore_mem>>) src(%arg16 : memref<40x128xf32, #tpu.memory_space<vmem>>) dst(%dma_wait3A_62 : memref<10240x128xf32, #tpu.memory_space<vmem_shared>>)
    %barrier3A_63 = arith.constant 0 : index
    tpu.barrier barrier_id(%barrier3A_63)
    %mul3A_64 = arith.constant 10240 : i32
    %mul3A_65 = arith.muli %arg0, %mul3A_64 : i32
    %add3A_66 = arith.addi %mul3A_65, %mul3A_0 : i32
    "tpu.region"() ({
      %run_scoped3A = tpu.sem_alloc : memref<!tpu.dma_semaphore, #tpu.memory_space<semaphore_mem>>
      %dma_start3A_67 = arith.constant 0 : i32
      %dma_start3A_68 = tpu.memref_slice %arg5[%add3A_66, %dma_start3A_67] : memref<20480x128xf32, #tpu.memory_space<hbm>> -> memref<640x128xf32, #tpu.memory_space<hbm>>
      %dma_start3A_69 = arith.constant 0 : i32
      %dma_start3A_70 = tpu.memref_slice %arg17[%mul3A_0, %dma_start3A_69] : memref<10240x128xf32, #tpu.memory_space<vmem_shared>> -> memref<640x128xf32, #tpu.memory_space<vmem_shared>>
      tpu.enqueue_dma source(%dma_start3A_70 : memref<640x128xf32, #tpu.memory_space<vmem_shared>>) target(%dma_start3A_68 : memref<640x128xf32, #tpu.memory_space<hbm>>) target_semaphore(%run_scoped3A : memref<!tpu.dma_semaphore, #tpu.memory_space<semaphore_mem>>)
      %dma_wait3A_71 = arith.constant 0 : i32
      %dma_wait3A_72 = tpu.memref_slice %arg5[%add3A_66, %dma_wait3A_71] : memref<20480x128xf32, #tpu.memory_space<hbm>> -> memref<640x128xf32, #tpu.memory_space<hbm>>
      %dma_wait3A_73 = arith.constant 0 : i32
      %dma_wait3A_74 = tpu.memref_slice %arg17[%mul3A_0, %dma_wait3A_73] : memref<10240x128xf32, #tpu.memory_space<vmem_shared>> -> memref<640x128xf32, #tpu.memory_space<vmem_shared>>
      tpu.wait_dma2 semaphore(%run_scoped3A : memref<!tpu.dma_semaphore, #tpu.memory_space<semaphore_mem>>) src(%dma_wait3A_74 : memref<640x128xf32, #tpu.memory_space<vmem_shared>>) dst(%dma_wait3A_72 : memref<640x128xf32, #tpu.memory_space<hbm>>)
      tpu.yield
    }) : () -> ()
    return
  }
}

module attributes {stable_mosaic.version = 14 : i64} {
  func.func @body(%arg0: i32, %arg1: i32, %arg2: memref<640x128xf32, #tpu.memory_space<vmem>>, %arg3: memref<640x128xf32, #tpu.memory_space<vmem>>, %arg4: memref<128x128xf32, #tpu.memory_space<vmem>>, %arg5: memref<1x128xf32, #tpu.memory_space<vmem>>, %arg6: memref<640x128xf32, #tpu.memory_space<vmem>>) attributes {dimension_semantics = [#tpu.dimension_semantics<arbitrary>, #tpu.dimension_semantics<arbitrary>], iteration_bounds = array<i64: 2, 16>, scalar_prefetch = 0 : i64, scratch_operands = 0 : i64, tpu.core_type = #tpu.core_type<tc>, window_params = [{transform_indices = @transform_0, window_bounds = array<i64: 640, 128>}, {transform_indices = @transform_1, window_bounds = array<i64: 640, 128>}, {transform_indices = @transform_2, window_bounds = array<i64: 128, 128>}, {transform_indices = @transform_3, window_bounds = array<i64: 1, 128>}, {transform_indices = @transform_4, window_bounds = array<i64: 640, 128>}]} {
    %get3A = arith.constant 0 : index
    %get3A_0 = arith.constant 0 : index
    %get3A_1 = vector.load %arg2[%get3A, %get3A_0] : memref<640x128xf32, #tpu.memory_space<vmem>>, vector<640x128xf32>
    %get3A_2 = arith.constant 0 : index
    %get3A_3 = arith.constant 0 : index
    %get3A_4 = vector.load %arg3[%get3A_2, %get3A_3] : memref<640x128xf32, #tpu.memory_space<vmem>>, vector<640x128xf32>
    %add3A = arith.addf %get3A_1, %get3A_4 : vector<640x128xf32>
    %get3A_5 = arith.constant 0 : index
    %get3A_6 = arith.constant 0 : index
    %get3A_7 = vector.load %arg4[%get3A_5, %get3A_6] : memref<128x128xf32, #tpu.memory_space<vmem>>, vector<128x128xf32>
    %dot_general3A = arith.constant dense<0.000000e+00> : vector<640x128xf32>
    %dot_general3A_8 = tpu.matmul %add3A, %get3A_7, %dot_general3A {dimension_numbers = #tpu.dot_dimension_numbers<[1], [0], [0], [1], [0, 0, 1, 1], [], []>, transpose_lhs_hint = false} : vector<640x128xf32>, vector<128x128xf32>, vector<640x128xf32> -> vector<640x128xf32>
    %get3A_9 = arith.constant 0 : index
    %get3A_10 = arith.constant 0 : index
    %get3A_11 = vector.load %arg5[%get3A_9, %get3A_10] : memref<1x128xf32, #tpu.memory_space<vmem>>, vector<1x128xf32>
    %add3A_12 = vector.broadcast %get3A_11 : vector<1x128xf32> to vector<640x128xf32>
    %add3A_13 = arith.addf %dot_general3A_8, %add3A_12 : vector<640x128xf32>
    %max3A = arith.constant 0.000000e+00 : f32
    %max3A_14 = vector.broadcast %max3A : f32 to vector<640x128xf32>
    %max3A_15 = arith.maximumf %add3A_13, %max3A_14 : vector<640x128xf32>
    %swap3A = arith.constant 0 : index
    %swap3A_16 = arith.constant 0 : index
    %swap3A_17 = vector.load %arg6[%swap3A, %swap3A_16] : memref<640x128xf32, #tpu.memory_space<vmem>>, vector<640x128xf32>
    tpu.vector_store %arg6[%swap3A, %swap3A_16], %max3A_15 {strides = array<i32>} : memref<640x128xf32, #tpu.memory_space<vmem>>, vector<640x128xf32>,
    return
  }
  func.func @transform_0(%arg0: i32, %arg1: i32) -> (i32, i32) {
    %c0_i32 = arith.constant 0 : i32
    %c0_i32_0 = arith.constant 0 : i32
    return %arg1, %c0_i32 : i32, i32
  }
  func.func @transform_1(%arg0: i32, %arg1: i32) -> (i32, i32) {
    %add3A = arith.constant 16 : i32
    %add3A_0 = arith.addi %arg1, %add3A : i32
    %c0_i32 = arith.constant 0 : i32
    %c0_i32_1 = arith.constant 0 : i32
    return %add3A_0, %c0_i32 : i32, i32
  }
  func.func @transform_2(%arg0: i32, %arg1: i32) -> (i32, i32) {
    %c0_i32 = arith.constant 0 : i32
    %c0_i32_0 = arith.constant 0 : i32
    return %c0_i32, %arg0 : i32, i32
  }
  func.func @transform_3(%arg0: i32, %arg1: i32) -> (i32, i32) {
    %c0_i32 = arith.constant 0 : i32
    %c0_i32_0 = arith.constant 0 : i32
    return %c0_i32, %arg0 : i32, i32
  }
  func.func @transform_4(%arg0: i32, %arg1: i32) -> (i32, i32) {
    %mul3A = arith.constant 16 : i32
    %mul3A_0 = arith.muli %arg0, %mul3A : i32
    %add3A = arith.addi %mul3A_0, %arg1 : i32
    %c0_i32 = arith.constant 0 : i32
    %c0_i32_1 = arith.constant 0 : i32
    return %add3A, %c0_i32 : i32, i32
  }
}

module attributes {stable_mosaic.version = 14 : i64} {
  func.func @body(%arg0: i32, %arg1: i32, %arg2: memref<640x128xf32, #tpu.memory_space<vmem>>, %arg3: memref<640x128xf32, #tpu.memory_space<vmem>>, %arg4: memref<256x128xf32, #tpu.memory_space<vmem>>, %arg5: memref<1x128xf32, #tpu.memory_space<vmem>>, %arg6: memref<640x128xf32, #tpu.memory_space<vmem>>) attributes {dimension_semantics = [#tpu.dimension_semantics<arbitrary>, #tpu.dimension_semantics<arbitrary>], iteration_bounds = array<i64: 2, 16>, scalar_prefetch = 0 : i64, scratch_operands = 0 : i64, tpu.core_type = #tpu.core_type<tc>, window_params = [{transform_indices = @transform_0, window_bounds = array<i64: 640, 128>}, {transform_indices = @transform_1, window_bounds = array<i64: 640, 128>}, {transform_indices = @transform_2, window_bounds = array<i64: 256, 128>}, {transform_indices = @transform_3, window_bounds = array<i64: 1, 128>}, {transform_indices = @transform_4, window_bounds = array<i64: 640, 128>}]} {
    %get3A = arith.constant 0 : index
    %get3A_0 = arith.constant 0 : index
    %get3A_1 = vector.load %arg4[%get3A, %get3A_0] : memref<256x128xf32, #tpu.memory_space<vmem>>, vector<256x128xf32>
    %get3A_2 = arith.constant 0 : index
    %get3A_3 = arith.constant 0 : index
    %get3A_4 = vector.load %arg2[%get3A_2, %get3A_3] : memref<640x128xf32, #tpu.memory_space<vmem>>, vector<640x128xf32>
    %slice3A = vector.extract_strided_slice %get3A_1 {offsets = [0, 0], sizes = [128, 128], strides = [1, 1]} : vector<256x128xf32> to vector<128x128xf32>
    %dot_general3A = arith.constant dense<0.000000e+00> : vector<640x128xf32>
    %dot_general3A_5 = tpu.matmul %get3A_4, %slice3A, %dot_general3A {dimension_numbers = #tpu.dot_dimension_numbers<[1], [0], [0], [1], [0, 0, 1, 1], [], []>, transpose_lhs_hint = false} : vector<640x128xf32>, vector<128x128xf32>, vector<640x128xf32> -> vector<640x128xf32>
    %get3A_6 = arith.constant 0 : index
    %get3A_7 = arith.constant 0 : index
    %get3A_8 = vector.load %arg3[%get3A_6, %get3A_7] : memref<640x128xf32, #tpu.memory_space<vmem>>, vector<640x128xf32>
    %slice3A_9 = vector.extract_strided_slice %get3A_1 {offsets = [128, 0], sizes = [128, 128], strides = [1, 1]} : vector<256x128xf32> to vector<128x128xf32>
    %dot_general3A_10 = arith.constant dense<0.000000e+00> : vector<640x128xf32>
    %dot_general3A_11 = tpu.matmul %get3A_8, %slice3A_9, %dot_general3A_10 {dimension_numbers = #tpu.dot_dimension_numbers<[1], [0], [0], [1], [0, 0, 1, 1], [], []>, transpose_lhs_hint = false} : vector<640x128xf32>, vector<128x128xf32>, vector<640x128xf32> -> vector<640x128xf32>
    %add3A = arith.addf %dot_general3A_5, %dot_general3A_11 : vector<640x128xf32>
    %get3A_12 = arith.constant 0 : index
    %get3A_13 = arith.constant 0 : index
    %get3A_14 = vector.load %arg5[%get3A_12, %get3A_13] : memref<1x128xf32, #tpu.memory_space<vmem>>, vector<1x128xf32>
    %add3A_15 = vector.broadcast %get3A_14 : vector<1x128xf32> to vector<640x128xf32>
    %add3A_16 = arith.addf %add3A, %add3A_15 : vector<640x128xf32>
    %max3A = arith.constant 0.000000e+00 : f32
    %max3A_17 = vector.broadcast %max3A : f32 to vector<640x128xf32>
    %max3A_18 = arith.maximumf %add3A_16, %max3A_17 : vector<640x128xf32>
    %swap3A = arith.constant 0 : index
    %swap3A_19 = arith.constant 0 : index
    %swap3A_20 = vector.load %arg6[%swap3A, %swap3A_19] : memref<640x128xf32, #tpu.memory_space<vmem>>, vector<640x128xf32>
    tpu.vector_store %arg6[%swap3A, %swap3A_19], %max3A_18 {strides = array<i32>} : memref<640x128xf32, #tpu.memory_space<vmem>>, vector<640x128xf32>,
    return
  }
  func.func @transform_0(%arg0: i32, %arg1: i32) -> (i32, i32) {
    %c0_i32 = arith.constant 0 : i32
    %c0_i32_0 = arith.constant 0 : i32
    return %arg1, %c0_i32 : i32, i32
  }
  func.func @transform_1(%arg0: i32, %arg1: i32) -> (i32, i32) {
    %add3A = arith.constant 16 : i32
    %add3A_0 = arith.addi %arg1, %add3A : i32
    %c0_i32 = arith.constant 0 : i32
    %c0_i32_1 = arith.constant 0 : i32
    return %add3A_0, %c0_i32 : i32, i32
  }
  func.func @transform_2(%arg0: i32, %arg1: i32) -> (i32, i32) {
    %c0_i32 = arith.constant 0 : i32
    %c0_i32_0 = arith.constant 0 : i32
    return %c0_i32, %arg0 : i32, i32
  }
  func.func @transform_3(%arg0: i32, %arg1: i32) -> (i32, i32) {
    %c0_i32 = arith.constant 0 : i32
    %c0_i32_0 = arith.constant 0 : i32
    return %c0_i32, %arg0 : i32, i32
  }
  func.func @transform_4(%arg0: i32, %arg1: i32) -> (i32, i32) {
    %mul3A = arith.constant 16 : i32
    %mul3A_0 = arith.muli %arg0, %mul3A : i32
    %add3A = arith.addi %mul3A_0, %arg1 : i32
    %c0_i32 = arith.constant 0 : i32
    %c0_i32_1 = arith.constant 0 : i32
    return %add3A, %c0_i32 : i32, i32
  }
}

module attributes {stable_mosaic.version = 14 : i64} {
  func.func @_final_body(%arg0: i32, %arg1: memref<640x128xf32, #tpu.memory_space<vmem>>, %arg2: memref<640x128xf32, #tpu.memory_space<vmem>>, %arg3: memref<640x1xi32, #tpu.memory_space<vmem>>, %arg4: memref<640x128xf32, #tpu.memory_space<vmem>>, %arg5: memref<640x128xf32, #tpu.memory_space<vmem>>, %arg6: memref<640x1xi32, #tpu.memory_space<vmem>>, %arg7: memref<256x128xf32, #tpu.memory_space<vmem>>, %arg8: memref<1x128xf32, #tpu.memory_space<vmem>>, %arg9: memref<128x1xf32, #tpu.memory_space<vmem>>, %arg10: memref<128x256xf32, #tpu.memory_space<vmem>>, %arg11: memref<128x1xf32, #tpu.memory_space<vmem>>, %arg12: memref<128x256xf32, #tpu.memory_space<vmem>>, %arg13: memref<128x1xf32, #tpu.memory_space<vmem>>) attributes {dimension_semantics = [#tpu.dimension_semantics<arbitrary>], iteration_bounds = array<i64: 16>, scalar_prefetch = 0 : i64, scratch_operands = 4 : i64, tpu.core_type = #tpu.core_type<tc>, window_params = [{transform_indices = @transform_0, window_bounds = array<i64: 640, 128>}, {transform_indices = @transform_1, window_bounds = array<i64: 640, 128>}, {transform_indices = @transform_2, window_bounds = array<i64: 640, 1>}, {transform_indices = @transform_3, window_bounds = array<i64: 640, 128>}, {transform_indices = @transform_4, window_bounds = array<i64: 640, 128>}, {transform_indices = @transform_5, window_bounds = array<i64: 640, 1>}, {pipeline_mode = #tpu.pipeline_mode<synchronous>, transform_indices = @transform_6, window_bounds = array<i64: 256, 128>}, {pipeline_mode = #tpu.pipeline_mode<synchronous>, transform_indices = @transform_7, window_bounds = array<i64: 1, 128>}, {pipeline_mode = #tpu.pipeline_mode<synchronous>, transform_indices = @transform_8, window_bounds = array<i64: 128, 1>}]} {
    %iota3A = tpu.iota {dimensions = array<i32: 1>} : vector<640x128xi32>
    %broadcast_in_dim3A = arith.constant 1.000000e+00 : f32
    %broadcast_in_dim3A_0 = vector.broadcast %broadcast_in_dim3A : f32 to vector<640x1xf32>
    %get3A = arith.constant 0 : index
    %get3A_1 = arith.constant 0 : index
    %get3A_2 = vector.load %arg3[%get3A, %get3A_1] : memref<640x1xi32, #tpu.memory_space<vmem>>, vector<640x1xi32>
    %eq3A = vector.broadcast %get3A_2 : vector<640x1xi32> to vector<640x128xi32>
    %eq3A_3 = arith.cmpi eq, %eq3A, %iota3A : vector<640x128xi32>
    %convert_element_type3A = arith.extui %eq3A_3 : vector<640x128xi1> to vector<640x128xi32>
    %convert_element_type3A_4 = arith.sitofp %convert_element_type3A : vector<640x128xi32> to vector<640x128xf32>
    %get3A_5 = arith.constant 0 : index
    %get3A_6 = arith.constant 0 : index
    %get3A_7 = vector.load %arg6[%get3A_5, %get3A_6] : memref<640x1xi32, #tpu.memory_space<vmem>>, vector<640x1xi32>
    %eq3A_8 = vector.broadcast %get3A_7 : vector<640x1xi32> to vector<640x128xi32>
    %eq3A_9 = arith.cmpi eq, %eq3A_8, %iota3A : vector<640x128xi32>
    %convert_element_type3A_10 = arith.extui %eq3A_9 : vector<640x128xi1> to vector<640x128xi32>
    %convert_element_type3A_11 = arith.sitofp %convert_element_type3A_10 : vector<640x128xi32> to vector<640x128xf32>
    %get3A_12 = arith.constant 0 : index
    %get3A_13 = arith.constant 0 : index
    %get3A_14 = vector.load %arg1[%get3A_12, %get3A_13] : memref<640x128xf32, #tpu.memory_space<vmem>>, vector<640x128xf32>
    %dot_general3A = arith.constant dense<0.000000e+00> : vector<128x128xf32>
    %dot_general3A_15 = tpu.matmul %convert_element_type3A_4, %get3A_14, %dot_general3A {dimension_numbers = #tpu.dot_dimension_numbers<[0], [0], [1], [1], [0, 1, 1, 1], [], []>, transpose_lhs_hint = false} : vector<640x128xf32>, vector<640x128xf32>, vector<128x128xf32> -> vector<128x128xf32>
    %get3A_16 = arith.constant 0 : index
    %get3A_17 = arith.constant 0 : index
    %get3A_18 = vector.load %arg2[%get3A_16, %get3A_17] : memref<640x128xf32, #tpu.memory_space<vmem>>, vector<640x128xf32>
    %dot_general3A_19 = arith.constant dense<0.000000e+00> : vector<128x128xf32>
    %dot_general3A_20 = tpu.matmul %convert_element_type3A_4, %get3A_18, %dot_general3A_19 {dimension_numbers = #tpu.dot_dimension_numbers<[0], [0], [1], [1], [0, 1, 1, 1], [], []>, transpose_lhs_hint = false} : vector<640x128xf32>, vector<640x128xf32>, vector<128x128xf32> -> vector<128x128xf32>
    %get3A_21 = arith.constant 0 : index
    %get3A_22 = arith.constant 0 : index
    %get3A_23 = vector.load %arg4[%get3A_21, %get3A_22] : memref<640x128xf32, #tpu.memory_space<vmem>>, vector<640x128xf32>
    %dot_general3A_24 = arith.constant dense<0.000000e+00> : vector<128x128xf32>
    %dot_general3A_25 = tpu.matmul %convert_element_type3A_11, %get3A_23, %dot_general3A_24 {dimension_numbers = #tpu.dot_dimension_numbers<[0], [0], [1], [1], [0, 1, 1, 1], [], []>, transpose_lhs_hint = false} : vector<640x128xf32>, vector<640x128xf32>, vector<128x128xf32> -> vector<128x128xf32>
    %get3A_26 = arith.constant 0 : index
    %get3A_27 = arith.constant 0 : index
    %get3A_28 = vector.load %arg5[%get3A_26, %get3A_27] : memref<640x128xf32, #tpu.memory_space<vmem>>, vector<640x128xf32>
    %dot_general3A_29 = arith.constant dense<0.000000e+00> : vector<128x128xf32>
    %dot_general3A_30 = tpu.matmul %convert_element_type3A_11, %get3A_28, %dot_general3A_29 {dimension_numbers = #tpu.dot_dimension_numbers<[0], [0], [1], [1], [0, 1, 1, 1], [], []>, transpose_lhs_hint = false} : vector<640x128xf32>, vector<640x128xf32>, vector<128x128xf32> -> vector<128x128xf32>
    %dot_general3A_31 = arith.constant dense<0.000000e+00> : vector<128x1xf32>
    %dot_general3A_32 = tpu.matmul %convert_element_type3A_4, %broadcast_in_dim3A_0, %dot_general3A_31 {dimension_numbers = #tpu.dot_dimension_numbers<[0], [0], [1], [1], [0, 1, 1, 1], [], []>, transpose_lhs_hint = false} : vector<640x128xf32>, vector<640x1xf32>, vector<128x1xf32> -> vector<128x1xf32>
    %dot_general3A_33 = arith.constant dense<0.000000e+00> : vector<128x1xf32>
    %dot_general3A_34 = tpu.matmul %convert_element_type3A_11, %broadcast_in_dim3A_0, %dot_general3A_33 {dimension_numbers = #tpu.dot_dimension_numbers<[0], [0], [1], [1], [0, 1, 1, 1], [], []>, transpose_lhs_hint = false} : vector<640x128xf32>, vector<640x1xf32>, vector<128x1xf32> -> vector<128x1xf32>
    %eq3A_35 = arith.constant 0 : i32
    %eq3A_36 = arith.cmpi eq, %arg0, %eq3A_35 : i32
    %convert_element_type3A_37 = arith.extui %eq3A_36 : i1 to i32
    %cond3A = arith.constant 0 : i32
    %cond3A_38 = arith.cmpi ne, %convert_element_type3A_37, %cond3A : i32
    scf.if %cond3A_38 {
      %swap3A = arith.constant 0 : index
      %swap3A_48 = arith.constant 0 : index
      %swap3A_49 = vector.load %arg10[%swap3A, %swap3A_48] : memref<128x256xf32, #tpu.memory_space<vmem>>, vector<128x128xf32>
      tpu.vector_store %arg10[%swap3A, %swap3A_48], %dot_general3A_15 {strides = array<i32>} : memref<128x256xf32, #tpu.memory_space<vmem>>, vector<128x128xf32>,
      %swap3A_50 = arith.constant 0 : index
      %swap3A_51 = arith.constant 128 : index
      %swap3A_52 = vector.load %arg10[%swap3A_50, %swap3A_51] : memref<128x256xf32, #tpu.memory_space<vmem>>, vector<128x128xf32>
      tpu.vector_store %arg10[%swap3A_50, %swap3A_51], %dot_general3A_20 {strides = array<i32>} : memref<128x256xf32, #tpu.memory_space<vmem>>, vector<128x128xf32>,
      %swap3A_53 = arith.constant 0 : index
      %swap3A_54 = arith.constant 0 : index
      %swap3A_55 = vector.load %arg12[%swap3A_53, %swap3A_54] : memref<128x256xf32, #tpu.memory_space<vmem>>, vector<128x128xf32>
      tpu.vector_store %arg12[%swap3A_53, %swap3A_54], %dot_general3A_25 {strides = array<i32>} : memref<128x256xf32, #tpu.memory_space<vmem>>, vector<128x128xf32>,
      %swap3A_56 = arith.constant 0 : index
      %swap3A_57 = arith.constant 128 : index
      %swap3A_58 = vector.load %arg12[%swap3A_56, %swap3A_57] : memref<128x256xf32, #tpu.memory_space<vmem>>, vector<128x128xf32>
      tpu.vector_store %arg12[%swap3A_56, %swap3A_57], %dot_general3A_30 {strides = array<i32>} : memref<128x256xf32, #tpu.memory_space<vmem>>, vector<128x128xf32>,
      %swap3A_59 = arith.constant 0 : index
      %swap3A_60 = arith.constant 0 : index
      %swap3A_61 = vector.load %arg11[%swap3A_59, %swap3A_60] : memref<128x1xf32, #tpu.memory_space<vmem>>, vector<128x1xf32>
      tpu.vector_store %arg11[%swap3A_59, %swap3A_60], %dot_general3A_32 {strides = array<i32>} : memref<128x1xf32, #tpu.memory_space<vmem>>, vector<128x1xf32>,
      %swap3A_62 = arith.constant 0 : index
      %swap3A_63 = arith.constant 0 : index
      %swap3A_64 = vector.load %arg13[%swap3A_62, %swap3A_63] : memref<128x1xf32, #tpu.memory_space<vmem>>, vector<128x1xf32>
      tpu.vector_store %arg13[%swap3A_62, %swap3A_63], %dot_general3A_34 {strides = array<i32>} : memref<128x1xf32, #tpu.memory_space<vmem>>, vector<128x1xf32>,
    } else {
    }
    %gt3A = arith.constant 0 : i32
    %gt3A_39 = arith.cmpi sgt, %arg0, %gt3A : i32
    %convert_element_type3A_40 = arith.extui %gt3A_39 : i1 to i32
    %cond3A_41 = arith.constant 0 : i32
    %cond3A_42 = arith.cmpi ne, %convert_element_type3A_40, %cond3A_41 : i32
    scf.if %cond3A_42 {
      %get3A_48 = arith.constant 0 : index
      %get3A_49 = arith.constant 0 : index
      %get3A_50 = vector.load %arg10[%get3A_48, %get3A_49] : memref<128x256xf32, #tpu.memory_space<vmem>>, vector<128x128xf32>
      %add3A = arith.addf %get3A_50, %dot_general3A_15 : vector<128x128xf32>
      %swap3A = arith.constant 0 : index
      %swap3A_51 = arith.constant 0 : index
      %swap3A_52 = vector.load %arg10[%swap3A, %swap3A_51] : memref<128x256xf32, #tpu.memory_space<vmem>>, vector<128x128xf32>
      tpu.vector_store %arg10[%swap3A, %swap3A_51], %add3A {strides = array<i32>} : memref<128x256xf32, #tpu.memory_space<vmem>>, vector<128x128xf32>,
      %get3A_53 = arith.constant 0 : index
      %get3A_54 = arith.constant 128 : index
      %get3A_55 = vector.load %arg10[%get3A_53, %get3A_54] : memref<128x256xf32, #tpu.memory_space<vmem>>, vector<128x128xf32>
      %add3A_56 = arith.addf %get3A_55, %dot_general3A_20 : vector<128x128xf32>
      %swap3A_57 = arith.constant 0 : index
      %swap3A_58 = arith.constant 128 : index
      %swap3A_59 = vector.load %arg10[%swap3A_57, %swap3A_58] : memref<128x256xf32, #tpu.memory_space<vmem>>, vector<128x128xf32>
      tpu.vector_store %arg10[%swap3A_57, %swap3A_58], %add3A_56 {strides = array<i32>} : memref<128x256xf32, #tpu.memory_space<vmem>>, vector<128x128xf32>,
      %get3A_60 = arith.constant 0 : index
      %get3A_61 = arith.constant 0 : index
      %get3A_62 = vector.load %arg12[%get3A_60, %get3A_61] : memref<128x256xf32, #tpu.memory_space<vmem>>, vector<128x128xf32>
      %add3A_63 = arith.addf %get3A_62, %dot_general3A_25 : vector<128x128xf32>
      %swap3A_64 = arith.constant 0 : index
      %swap3A_65 = arith.constant 0 : index
      %swap3A_66 = vector.load %arg12[%swap3A_64, %swap3A_65] : memref<128x256xf32, #tpu.memory_space<vmem>>, vector<128x128xf32>
      tpu.vector_store %arg12[%swap3A_64, %swap3A_65], %add3A_63 {strides = array<i32>} : memref<128x256xf32, #tpu.memory_space<vmem>>, vector<128x128xf32>,
      %get3A_67 = arith.constant 0 : index
      %get3A_68 = arith.constant 128 : index
      %get3A_69 = vector.load %arg12[%get3A_67, %get3A_68] : memref<128x256xf32, #tpu.memory_space<vmem>>, vector<128x128xf32>
      %add3A_70 = arith.addf %get3A_69, %dot_general3A_30 : vector<128x128xf32>
      %swap3A_71 = arith.constant 0 : index
      %swap3A_72 = arith.constant 128 : index
      %swap3A_73 = vector.load %arg12[%swap3A_71, %swap3A_72] : memref<128x256xf32, #tpu.memory_space<vmem>>, vector<128x128xf32>
      tpu.vector_store %arg12[%swap3A_71, %swap3A_72], %add3A_70 {strides = array<i32>} : memref<128x256xf32, #tpu.memory_space<vmem>>, vector<128x128xf32>,
      %get3A_74 = arith.constant 0 : index
      %get3A_75 = arith.constant 0 : index
      %get3A_76 = vector.load %arg11[%get3A_74, %get3A_75] : memref<128x1xf32, #tpu.memory_space<vmem>>, vector<128x1xf32>
      %add3A_77 = arith.addf %get3A_76, %dot_general3A_32 : vector<128x1xf32>
      %swap3A_78 = arith.constant 0 : index
      %swap3A_79 = arith.constant 0 : index
      %swap3A_80 = vector.load %arg11[%swap3A_78, %swap3A_79] : memref<128x1xf32, #tpu.memory_space<vmem>>, vector<128x1xf32>
      tpu.vector_store %arg11[%swap3A_78, %swap3A_79], %add3A_77 {strides = array<i32>} : memref<128x1xf32, #tpu.memory_space<vmem>>, vector<128x1xf32>,
      %get3A_81 = arith.constant 0 : index
      %get3A_82 = arith.constant 0 : index
      %get3A_83 = vector.load %arg13[%get3A_81, %get3A_82] : memref<128x1xf32, #tpu.memory_space<vmem>>, vector<128x1xf32>
      %add3A_84 = arith.addf %get3A_83, %dot_general3A_34 : vector<128x1xf32>
      %swap3A_85 = arith.constant 0 : index
      %swap3A_86 = arith.constant 0 : index
      %swap3A_87 = vector.load %arg13[%swap3A_85, %swap3A_86] : memref<128x1xf32, #tpu.memory_space<vmem>>, vector<128x1xf32>
      tpu.vector_store %arg13[%swap3A_85, %swap3A_86], %add3A_84 {strides = array<i32>} : memref<128x1xf32, #tpu.memory_space<vmem>>, vector<128x1xf32>,
    } else {
    }
    %eq3A_43 = arith.constant 15 : i32
    %eq3A_44 = arith.cmpi eq, %arg0, %eq3A_43 : i32
    %convert_element_type3A_45 = arith.extui %eq3A_44 : i1 to i32
    %cond3A_46 = arith.constant 0 : i32
    %cond3A_47 = arith.cmpi ne, %convert_element_type3A_45, %cond3A_46 : i32
    scf.if %cond3A_47 {
      %get3A_48 = arith.constant 0 : index
      %get3A_49 = arith.constant 0 : index
      %get3A_50 = vector.load %arg10[%get3A_48, %get3A_49] : memref<128x256xf32, #tpu.memory_space<vmem>>, vector<128x256xf32>
      %get3A_51 = arith.constant 0 : index
      %get3A_52 = arith.constant 0 : index
      %get3A_53 = vector.load %arg11[%get3A_51, %get3A_52] : memref<128x1xf32, #tpu.memory_space<vmem>>, vector<128x1xf32>
      %max3A = arith.constant 1.000000e+00 : f32
      %max3A_54 = vector.broadcast %max3A : f32 to vector<128x1xf32>
      %max3A_55 = arith.maximumf %get3A_53, %max3A_54 : vector<128x1xf32>
      %div3A = vector.broadcast %max3A_55 : vector<128x1xf32> to vector<128x256xf32>
      %div3A_56 = arith.divf %get3A_50, %div3A : vector<128x256xf32>
      %get3A_57 = arith.constant 0 : index
      %get3A_58 = arith.constant 0 : index
      %get3A_59 = vector.load %arg12[%get3A_57, %get3A_58] : memref<128x256xf32, #tpu.memory_space<vmem>>, vector<128x256xf32>
      %get3A_60 = arith.constant 0 : index
      %get3A_61 = arith.constant 0 : index
      %get3A_62 = vector.load %arg13[%get3A_60, %get3A_61] : memref<128x1xf32, #tpu.memory_space<vmem>>, vector<128x1xf32>
      %max3A_63 = arith.constant 1.000000e+00 : f32
      %max3A_64 = vector.broadcast %max3A_63 : f32 to vector<128x1xf32>
      %max3A_65 = arith.maximumf %get3A_62, %max3A_64 : vector<128x1xf32>
      %div3A_66 = vector.broadcast %max3A_65 : vector<128x1xf32> to vector<128x256xf32>
      %div3A_67 = arith.divf %get3A_59, %div3A_66 : vector<128x256xf32>
      %get3A_68 = arith.constant 0 : index
      %get3A_69 = arith.constant 0 : index
      %get3A_70 = vector.load %arg7[%get3A_68, %get3A_69] : memref<256x128xf32, #tpu.memory_space<vmem>>, vector<256x128xf32>
      %get3A_71 = arith.constant 0 : index
      %get3A_72 = arith.constant 0 : index
      %get3A_73 = vector.load %arg8[%get3A_71, %get3A_72] : memref<1x128xf32, #tpu.memory_space<vmem>>, vector<1x128xf32>
      %dot_general3A_74 = arith.constant dense<0.000000e+00> : vector<128x128xf32>
      %dot_general3A_75 = tpu.matmul %div3A_56, %get3A_70, %dot_general3A_74 {dimension_numbers = #tpu.dot_dimension_numbers<[1], [0], [0], [1], [0, 0, 1, 1], [], []>, transpose_lhs_hint = false} : vector<128x256xf32>, vector<256x128xf32>, vector<128x128xf32> -> vector<128x128xf32>
      %add3A = vector.broadcast %get3A_73 : vector<1x128xf32> to vector<128x128xf32>
      %add3A_76 = arith.addf %dot_general3A_75, %add3A : vector<128x128xf32>
      %dot_general3A_77 = arith.constant dense<0.000000e+00> : vector<128x128xf32>
      %dot_general3A_78 = tpu.matmul %div3A_67, %get3A_70, %dot_general3A_77 {dimension_numbers = #tpu.dot_dimension_numbers<[1], [0], [0], [1], [0, 0, 1, 1], [], []>, transpose_lhs_hint = false} : vector<128x256xf32>, vector<256x128xf32>, vector<128x128xf32> -> vector<128x128xf32>
      %add3A_79 = vector.broadcast %get3A_73 : vector<1x128xf32> to vector<128x128xf32>
      %add3A_80 = arith.addf %dot_general3A_78, %add3A_79 : vector<128x128xf32>
      %mul3A = arith.mulf %add3A_76, %add3A_80 : vector<128x128xf32>
      %reduce_sum3A = arith.constant dense<0.000000e+00> : vector<128xf32>
      %reduce_sum3A_81 = vector.multi_reduction <add>, %mul3A, %reduce_sum3A [1] : vector<128x128xf32> to vector<128xf32>
      %broadcast_in_dim3A_82 = vector.shape_cast %reduce_sum3A_81 : vector<128xf32> to vector<128x1xf32>
      %mul3A_83 = arith.mulf %add3A_76, %add3A_76 : vector<128x128xf32>
      %reduce_sum3A_84 = arith.constant dense<0.000000e+00> : vector<128xf32>
      %reduce_sum3A_85 = vector.multi_reduction <add>, %mul3A_83, %reduce_sum3A_84 [1] : vector<128x128xf32> to vector<128xf32>
      %broadcast_in_dim3A_86 = vector.shape_cast %reduce_sum3A_85 : vector<128xf32> to vector<128x1xf32>
      %sqrt3A = math.sqrt %broadcast_in_dim3A_86 : vector<128x1xf32>
      %mul3A_87 = arith.mulf %add3A_80, %add3A_80 : vector<128x128xf32>
      %reduce_sum3A_88 = arith.constant dense<0.000000e+00> : vector<128xf32>
      %reduce_sum3A_89 = vector.multi_reduction <add>, %mul3A_87, %reduce_sum3A_88 [1] : vector<128x128xf32> to vector<128xf32>
      %broadcast_in_dim3A_90 = vector.shape_cast %reduce_sum3A_89 : vector<128xf32> to vector<128x1xf32>
      %sqrt3A_91 = math.sqrt %broadcast_in_dim3A_90 : vector<128x1xf32>
      %mul3A_92 = arith.mulf %sqrt3A, %sqrt3A_91 : vector<128x1xf32>
      %max3A_93 = arith.constant 9.99999993E-9 : f32
      %max3A_94 = vector.broadcast %max3A_93 : f32 to vector<128x1xf32>
      %max3A_95 = arith.maximumf %mul3A_92, %max3A_94 : vector<128x1xf32>
      %div3A_96 = arith.divf %broadcast_in_dim3A_82, %max3A_95 : vector<128x1xf32>
      %swap3A = arith.constant 0 : index
      %swap3A_97 = arith.constant 0 : index
      %swap3A_98 = vector.load %arg9[%swap3A, %swap3A_97] : memref<128x1xf32, #tpu.memory_space<vmem>>, vector<128x1xf32>
      tpu.vector_store %arg9[%swap3A, %swap3A_97], %div3A_96 {strides = array<i32>} : memref<128x1xf32, #tpu.memory_space<vmem>>, vector<128x1xf32>,
    } else {
    }
    return
  }
  func.func @transform_0(%arg0: i32) -> (i32, i32) {
    %c0_i32 = arith.constant 0 : i32
    %c0_i32_0 = arith.constant 0 : i32
    return %arg0, %c0_i32 : i32, i32
  }
  func.func @transform_1(%arg0: i32) -> (i32, i32) {
    %add3A = arith.constant 16 : i32
    %add3A_0 = arith.addi %arg0, %add3A : i32
    %c0_i32 = arith.constant 0 : i32
    %c0_i32_1 = arith.constant 0 : i32
    return %add3A_0, %c0_i32 : i32, i32
  }
  func.func @transform_2(%arg0: i32) -> (i32, i32) {
    %c0_i32 = arith.constant 0 : i32
    %c0_i32_0 = arith.constant 0 : i32
    return %arg0, %c0_i32 : i32, i32
  }
  func.func @transform_3(%arg0: i32) -> (i32, i32) {
    %c0_i32 = arith.constant 0 : i32
    %c0_i32_0 = arith.constant 0 : i32
    return %arg0, %c0_i32 : i32, i32
  }
  func.func @transform_4(%arg0: i32) -> (i32, i32) {
    %add3A = arith.constant 16 : i32
    %add3A_0 = arith.addi %arg0, %add3A : i32
    %c0_i32 = arith.constant 0 : i32
    %c0_i32_1 = arith.constant 0 : i32
    return %add3A_0, %c0_i32 : i32, i32
  }
  func.func @transform_5(%arg0: i32) -> (i32, i32) {
    %c0_i32 = arith.constant 0 : i32
    %c0_i32_0 = arith.constant 0 : i32
    return %arg0, %c0_i32 : i32, i32
  }
  func.func @transform_6(%arg0: i32) -> (i32, i32) {
    %c0_i32 = arith.constant 0 : i32
    %c0_i32_0 = arith.constant 0 : i32
    %c0_i32_1 = arith.constant 0 : i32
    return %c0_i32, %c0_i32_0 : i32, i32
  }
  func.func @transform_7(%arg0: i32) -> (i32, i32) {
    %c0_i32 = arith.constant 0 : i32
    %c0_i32_0 = arith.constant 0 : i32
    %c0_i32_1 = arith.constant 0 : i32
    return %c0_i32, %c0_i32_0 : i32, i32
  }
  func.func @transform_8(%arg0: i32) -> (i32, i32) {
    %c0_i32 = arith.constant 0 : i32
    %c0_i32_0 = arith.constant 0 : i32
    %c0_i32_1 = arith.constant 0 : i32
    return %c0_i32, %c0_i32_0 : i32, i32
  }
}

</mosaic_0001>

<sc_bundles>
// kernel: kernel.15.cloned.1.call-start
scs
__scs_entry_jumppad:
0x0: {  	(pc) =	sbr.rel $0x88, $3  }
0x1: {  	(tag) =	ssettag $0x0;
	lr =	simm.s32 $0x1  }
0x2: {  	[smem:$0x3F93] =	sst lr;
	_ =	strace $0xD0000000  }
0x3: {  	_ = 	snop  }
0x4: {  	_ = 	snop  }
0x5: {  	_ = 	snop  }
0x6: {  	_ = 	snop  }
0x7: {  	_ = 	snop  }
__scs_overlays_trampoline_lowered:
0x8: {  	[smem:$0x3FA2] =	sst s0  }
0x9: {  	[smem:$0x3FA3] =	sst s1  }
0xa: {  	[smem:$0x3FA4] =	sst s2  }
0xb: {  	[smem:$0x3FA5] =	sst s3  }
0xc: {  	[smem:$0x3FA6] =	sst s4  }
0xd: {  	[smem:$0x3FA7] =	sst s5  }
0xe: {  	[smem:$0x3FA8] =	sst s6  }
0xf: {  	[smem:$0x3FA9] =	sst s7  }
0x10: {  	[smem:$0x3FAA] =	sst s8  }
0x11: {  	[smem:$0x3FAB] =	sst s9;
	s0 =	simm.s32 @!p0 $0x0  }
0x12: {  	s1 =	sld [smem:$0x3F91];
	s0 =	simm.s32 @p0 $0x1  }
0x13: {  	[smem:$0x3FAC] =	sst s0;
	s0 =	simm.s32 @!p1 $0x0  }
0x14: {  	s2 =	sld [smem:$0x3F90];
	s0 =	simm.s32 @p1 $0x1  }
0x15: {  	[smem:$0x3FAD] =	sst s0;
	s0 =	simm.s32 @!p2 $0x0  }
0x16: {  	s3 =	sld [smem:$0x3FDB];
	s0 =	simm.s32 @p2 $0x1  }
0x17: {  	s4 =	simm.s32 $0x1BF5;
	[smem:$0x3FAF] =	sst s0  }
0x18: {  	s0 =	sld [smem:$0x3F92];
	_ =	swait.ge [sflag:s4], $0x0  }
0x19: {  	s7 =	sld [smem:$0x3F93]  }
0x1a: {  	s8 =	sadd.s32 $0xFFFFE003, lr  }
0x1b: {  	s9 =	sadd.s32 $0xFFFFFEF7, lr;
	s5 =	simm.s32 $0xFFFFFFFF;
	p2 =	slt.u32 s8, $0xFFFFF086  }
0x1c: {  	p1 =	slt.u32 s9, $0xF7A;
	s5 =	simm.s32 @!p2 $0x0  }
0x1d: {  	s5 =	simm.s32 @p1 $0x1;
	p0 =	seq.s32 s7, s2  }
0x1e: {  	s7 =	smul.u32 @!p0 $0xF7A, s2;
	p2 =	seq.s32 @!p0 s5, $0x0  }
0x1f: {  	s9 =	smul.u32 $0xF7A, s1;
	s8 =	simm.s32 @!p0 $0x1BF5;
	p2 =	por !p2, p0  }
0x20: {  	[sflag:s8] =	ssyncset.s32 @!p0 $0xFFFFF086;
	s6 =	sadd.s32 @!p0 s3, s7;
	s7 =	simm.s32 @!p0 $0x108  }
0x21: {  	s3 =	sadd.s32 s3, s9;
	s6 =	sadd.s32 @!p0 $0x88, s6;
	s7 =	simm.s32 @p2 $0x1082  }
0x22: {  	[simem:s7], [sflag:s8] =	dma.local @!p0 [hbm:s6], $0xF7A  }
0x23: {  	s9 =	sor.u32 $0xD0000000, s2;
	s6 =	simm.s32 $0x108;
	_ =	swait.ge @!p0 [sflag:s8], $0x0  }
0x24: {  	s3 =	sadd.s32 $0x88, s3;
	s6 =	simm.s32 @!p1 $0x1082;
	[sflag:s4] =	ssyncset.s32 $0xFFFFF086  }
0x25: {  	[simem:s6], [sflag:s4] =	dma.local [hbm:s3], $0xF7A  }
0x26: {  	[smem:$0x3F93] =	sst s1;
	(tag) =	ssettag s2;
	_ =	strace s9  }
0x27: {  	s1 =	sld [smem:$0x3FA3]  }
0x28: {  	s2 =	sld [smem:$0x3FA4]  }
0x29: {  	s4 =	sld [smem:$0x3FA6]  }
0x2a: {  	p0 =	seq.s32 s5, $0x0;
	s5 =	sld [smem:$0x3FA7]  }
0x2b: {  	s6 =	sld [smem:$0x3FA8]  }
0x2c: {  	s7 =	sld [smem:$0x3FA9]  }
0x2d: {  	s3 =	simm.s32 $0x108;
	s8 =	sld [smem:$0x3FAA]  }
0x2e: {  	s3 =	simm.s32 @!p0 $0x1082;
	s9 =	sld [smem:$0x3FAB]  }
0x2f: {  	lr =	sadd.s32 s0, s3;
	s0 =	sld [smem:$0x3FA2]  }
0x30: {  	s3 =	sld [smem:$0x3FA5]  }
0x31: {  	[smem:$0x3FAE] =	sst s10  }
0x32: {  	s10 =	sld [smem:$0x3FAC];
	_ =	sdelay $0x3  }
0x33: {  	p0 =	seq.s32 s10, $0x1;
	s10 =	sld [smem:$0x3FAE];
	_ =	sdelay $0x3  }
0x34: {  	[smem:$0x3FAE] =	sst s10  }
0x35: {  	s10 =	sld [smem:$0x3FAD];
	_ =	sdelay $0x3  }
0x36: {  	p1 =	seq.s32 s10, $0x1;
	s10 =	sld [smem:$0x3FAE];
	_ =	sdelay $0x3  }
0x37: {  	[smem:$0x3FAE] =	sst s10  }
0x38: {  	s10 =	sld [smem:$0x3FAF]  }
0x39: {  	_ = 	snop;
	(pc) =	sbr.ind lr, $3  }
0x3a: {  	_ = 	snop  }
0x3b: {  	_ = 	snop  }
0x3c: {  	p2 =	seq.s32 s10, $0x1;
	s10 =	sld [smem:$0x3FAE]  }
0x3d: {  	_ =	shalt  }
0x3e: {  	_ =	shalt  }
0x3f: {  	_ =	shalt  }
0x40: {  	_ =	shalt  }
0x41: {  	_ =	shalt  }
0x42: {  	_ =	shalt  }
0x43: {  	_ =	shalt  }
0x44: {  	_ =	shalt  }
0x45: {  	_ =	shalt  }
0x46: {  	_ =	shalt  }
0x47: {  	_ =	shalt  }
0x48: {  	_ =	shalt  }
0x49: {  	_ =	shalt  }
0x4a: {  	_ =	shalt  }
0x4b: {  	_ =	shalt  }
0x4c: {  	_ =	shalt  }
0x4d: {  	_ =	shalt  }
0x4e: {  	_ =	shalt  }
0x4f: {  	_ =	shalt  }
0x50: {  	_ =	shalt  }
0x51: {  	_ =	shalt  }
0x52: {  	_ =	shalt  }
0x53: {  	_ =	shalt  }
0x54: {  	_ =	shalt  }
0x55: {  	_ =	shalt  }
0x56: {  	_ =	shalt  }
0x57: {  	_ =	shalt  }
0x58: {  	_ =	shalt  }
0x59: {  	_ =	shalt  }
0x5a: {  	_ =	shalt  }
0x5b: {  	_ =	shalt  }
0x5c: {  	_ =	shalt  }
0x5d: {  	_ =	shalt  }
0x5e: {  	_ =	shalt  }
0x5f: {  	_ =	shalt  }
0x60: {  	_ =	shalt  }
0x61: {  	_ =	shalt  }
0x62: {  	_ =	shalt  }
0x63: {  	_ =	shalt  }
0x64: {  	_ =	shalt  }
0x65: {  	_ =	shalt  }
0x66: {  	_ =	shalt  }
0x67: {  	_ =	shalt  }
0x68: {  	_ =	shalt  }
0x69: {  	_ =	shalt  }
0x6a: {  	_ =	shalt  }
0x6b: {  	_ =	shalt  }
0x6c: {  	_ =	shalt  }
0x6d: {  	_ =	shalt  }
0x6e: {  	_ =	shalt  }
0x6f: {  	_ =	shalt  }
0x70: {  	_ =	shalt  }
0x71: {  	_ =	shalt  }
0x72: {  	_ =	shalt  }
0x73: {  	_ =	shalt  }
0x74: {  	_ =	shalt  }
0x75: {  	_ =	shalt  }
0x76: {  	_ =	shalt  }
0x77: {  	_ =	shalt  }
0x78: {  	_ =	shalt  }
0x79: {  	_ =	shalt  }
0x7a: {  	_ =	shalt  }
0x7b: {  	_ =	shalt  }
0x7c: {  	_ =	shalt  }
0x7d: {  	_ =	shalt  }
0x7e: {  	_ =	shalt  }
0x7f: {  	_ =	shalt  }
0x80: {  	_ =	shalt  }
0x81: {  	_ =	shalt  }
0x82: {  	_ =	shalt  }
0x83: {  	_ =	shalt  }
0x84: {  	_ =	shalt  }
0x85: {  	_ =	shalt  }
0x86: {  	_ =	shalt  }
0x87: {  	_ =	shalt  }
.Lfunc_end0:
.L_simem_size_0:
called_computation_lowered:
.L_overlay_start_0:
0x88: {  	s2 =	sld [smem:$0x3FD9]  }
0x89: {  	s3 =	sld [smem:$0x3FFE];
	_ =	sdelay $0x1  }
0x8a: {  	s1 =	srdreg.scid  }
0x8b: {  	s0 =	sand.u32 $0x1, s1  }
0x8c: {  	s17 =	sshll.u32 s0, $0xA;
	s2 =	sadd.s32 s3, s2  }
0x8d: {  	s2 =	sadd.s32 s2, s17  }
0x8e: {  	[smem:$0x3FBA] =	sst s2  }
0x8f: {  	_ = 	snop  }
0x90: {  	(tm) =	ssettm $0x1  }
0x91: {  	s18 =	sld [smem:$0x3FFB];
	_ =	sdelay $0x3  }
0x92: {  	_ =	strace s18  }
0x93: {  	s2 =	sld [smem:$0x3FFC];
	_ =	sdelay $0x3  }
0x94: {  	_ =	strace s2  }
0x95: {  	s2 =	sld [smem:$0x3FFD];
	_ =	sdelay $0x3  }
0x96: {  	_ =	strace s2  }
0x97: {  	_ =	strace $0x8FFFFFFF  }
0x98: {  	s19 =	sld [smem:$0x3FDB];
	_ =	sdelay $0x1  }
0x99: {  	s20 =	simm.s32 $_scs_section_size  }
0x9a: {  	s4 =	simm.s32 $_size__tile_overlayer_lowered;
	s5 =	simm.s32 $_tile_overlayer_lowered  }
0x9b: {  	s6 =	simm.s32 $0x1BFF;
	s21 =	sshll.u32 s5, $0x1;
	s3 =	sadd.s32 s20, s19  }
0x9c: {  	s22 =	simm.s32 $0x0;
	s4 =	sshll.u32 s4, $0x1;
	s5 =	sadd.s32 s21, s3  }
0x9d: {  	[timem:s22], [sflag:s6] =	dma.local [hbm:s5], s4  }
0x9e: {  	_ =	swait.ge [sflag:s6], s4  }
0x9f: {  	s4 =	ssub.s32 $0x0, s4;
	[sflag:s6] =	ssyncset.done $0x0  }
0xa0: {  	[sflag:s6] =	ssyncadd.s32 s4;
	_ =	sdelay $0x1  }
0xa1: {  	s23 =	simm.s32 $0x1B8B  }
0xa2: {  	_ =	swait.ge [sflag:s23], $0x1  }
0xa3: {  	[sflag:s23] =	ssyncset.done $0x0  }
0xa4: {  	[sflag:s23] =	ssyncadd.s32 $0xFFFFFFFF  }
0xa5: {  	s4 =	sld [smem:$0x0]  }
0xa6: {  	s5 =	sand.u32 $0xFFFFFFFE, s1  }
0xa7: {  	p0 =	sne.s32 s1, s5  }
0xa8: {  	s5 =	sshll.u32 @p0 s5, $0xE  }
0xa9: {  	s5 =	sadd.s32 @p0 $0x11B8D, s5;
	s6 =	sshll.u32 @p0 s4, $0x11  }
0xaa: {  	s5 =	sor.u32 @p0 s6, s5  }
0xab: {  	[sflag:s5] =	ssyncadd.remote.s32 @p0 $0x1;
	_ =	sdelay $0x1  }
0xac: {  	s5 =	simm.s32 @p0 $0x1B8D  }
0xad: {  	_ =	swait.eq @p0 [sflag:s5], $0x1  }
0xae: {  	[sflag:s5] =	ssyncadd.s32 @p0 $0xFFFFFFFF  }
0xaf: {  	s6 =	sshll.u32 @!p0 s1, $0xE  }
0xb0: {  	s6 =	sor.u32 @!p0 $0x4000, s6;
	s5 =	simm.s32 @!p0 $0x1B8D  }
0xb1: {  	s4 =	sshll.u32 @!p0 s4, $0x11;
	s6 =	sadd.s32 @!p0 $0x11B8D, s6;
	_ =	swait.eq @!p0 [sflag:s5], $0x1  }
0xb2: {  	s4 =	sor.u32 @!p0 s4, s6;
	[sflag:s5] =	ssyncadd.s32 @!p0 $0xFFFFFFFF  }
0xb3: {  	s25 =	simm.s32 $0x1B8E;
	s24 =	sld [smem:$0x3FFE];
	[sflag:s4] =	ssyncadd.remote.s32 @!p0 $0x1  }
0xb4: {  	s26 =	simm.s32 $execute0_lowered;
	[smem:$0x3FD2] =	sst s25  }
0xb5: {  	s5 =	sshll.u32 s26, $0x1;
	_ =	strace $0x80000049;
	[dreg:$0x1] =	wrdreg $0xFFFFFFFF  }
0xb6: {  	s28 =	simm.s32 $_size_execute0_lowered;
	s3 =	sadd.s32 s3, s5;
	[dreg:$0x0] =	wrdreg $0x0  }
0xb7: {  	s5 =	sshll.u32 s28, $0x1;
	[dreg:$0x2] =	wrdreg s3  }
0xb8: {  	[dreg:$0x3] =	wrdreg s5  }
0xb9: {  	[dreg:$0x4] =	wrdreg $0xC0  }
0xba: {  	_ =	task [dreg:s22], $0x5FFFF  }
0xbb: {  	[dreg:$0x1] =	wrdreg $0xFFFFFFFF  }
0xbc: {  	[dreg:$0x0] =	wrdreg $0x60  }
0xbd: {  	[dreg:$0x2] =	wrdreg s24  }
0xbe: {  	[dreg:$0x3] =	wrdreg $0x8E000  }
0xbf: {  	[dreg:$0x4] =	wrdreg $0x9  }
0xc0: {  	_ =	task.clear_ibuf [dreg:s22], $0x5FFFF;
	_ =	strace $0x90000049  }
0xc1: {  	s29 =	simm.s32 $0x9;
	_ =	strace $0x8000004B  }
0xc2: {  	_ =	swait.ge [sflag:s29], $0x1  }
0xc3: {  	[sflag:s29] =	ssyncadd.s32 $0xFFFFFFFF  }
0xc4: {  	_ =	strace $0x9000004B  }
0xc5: {  	_ =	sfence  }
0xc6: {  	s30 =	sld [smem:$0x0];
	_ =	sdelay $0x2  }
0xc7: {  	s31 =	sshll.u32 s1, $0xD;
	s1 =	sshrl.u32 s1, $0x2  }
0xc8: {  	s4 =	sand.u32 $0x4000, s31;
	s1 =	sadd.s32 s1, s30  }
0xc9: {  	s0 =	sor.u32 s4, s0;
	s1 =	sshll.u32 s1, $0x11  }
0xca: {  	s0 =	sor.u32 s1, s0  }
0xcb: {  	s0 =	sadd.s32 $0x8F2B, s0  }
0xcc: {  	[sflag:s0] =	ssyncadd.remote.s32 $0x1  }
0xcd: {  	_ =	sfence.sel $0xFFFF  }
0xce: {  	[dreg:$0x0] =	wrdreg $0xFFFFFFFF;
	(pc) =	sbr.abs _section_cstart, $3  }
0xcf: {  	[dreg:$0x1] =	wrdreg $0xFFFFFFFF  }
0xd0: {  	_ =	task.clear_ibuf [dreg:s22], $0x2FFFF;
	_ =	strace $0x9FFFFFFF  }
0xd1: {  	(tm) =	ssettm $0x7FFFFFFF  }
tec
execute0_lowered:
.L_overlay_start_1:
0x0: {  	(tag) =	ssettag $0x1  }
0x1: {  	s0 =	rddreg [dreg:$0x0]  }
0x2: {  	s1 =	srdreg.scid;
	s14 =	stileid.u32  }
0x3: {  	s2 =	rddreg [dreg:$0x1];
	s5 =	smul.u32 $0x2710, s14  }
0x4: {  	s3 =	simm.s32 $0x0;
	s30 =	simm.s32 $0x6600;
	s7 =	smul.u32 $0x2800, s14  }
0x5: {  	s1 =	sand.u32 $0x1, s1;
	[smem:$0x7FF] =	sst s3;
	s12 =	smul.u32 $0x50000, s14  }
0x6: {  	s10 =	sadd.s32 $0x3FA00, s0;
	s4 =	smul.u32 $0x27100, s1;
	_ =	strace $0x8000004A  }
0x7: {  	s9 =	smul.u32 $0x28000, s1;
	s13 =	ssub.s32 $0x2, s1;
	p0 =	seq.s32 s1, $0x1  }
0x8: {  	s31 =	sshrl.u32 s13, $0x1;
	s12 =	sshrl.u32 s12, $0x2;
	s6 =	sadd.s32 s5, s4  }
0x9: {  	s4 =	sadd.s32 $0x92200, s0;
	s5 =	sadd.s32 $0xC4000, s0;
	s9 =	sadd.s32 s7, s9  }
0xa: {  	s15 =	sadd.s32 s12, s2;
	s8 =	sshrl.u32 s6, $0x3;
	s12 =	sadd.s32 s4, s7  }
0xb: {  	s17 =	sadd.s32 $0x28, s6;
	s19 =	sadd.s32 $0x78, s6;
	s22 =	sadd.s32 $0xF0, s6  }
0xc: {  	s24 =	sadd.s32 $0xC8, s6;
	s25 =	sadd.s32 $0x118, s6;
	s26 =	sadd.s32 $0x140, s6  }
0xd: {  	s6 =	sadd.s32 $0xA0, s6;
	[dreg:$0x3] =	wrdreg s5;
	s11 =	sadd.s32 s8, s0  }
0xe: {  	s0 =	sadd.s32 s9, s0;
	s9 =	ssub.s32 s13, s31;
	s18 =	sadd.s32 s5, s8  }
0xf: {  	s7 =	sshrl.u32 s17, $0x3;
	s21 =	sshrl.u32 s19, $0x3;
	[dreg:$0xc] =	wrdreg s24  }
0x10: {  	s29 =	sshrl.u32 s6, $0x3;
	s12 =	smov.u32 @p0 s10;
	s31 =	sshll.u32 s14, $0x6  }
0x11: {  	s19 =	sshrl.u32 s15, $0x3;
	s24 =	simm.s32 $0x28;
	[dreg:$0x6] =	wrdreg s18  }
0x12: {  	s10 =	simm.s32 $0x2980;
	s8 =	simm.s32 $0x2;
	[dreg:$0x4] =	wrdreg s12  }
0x13: {  	s13 =	simm.s32 $0x6;
	s6 =	simm.s32 $0x4;
	[dreg:$0x11] =	wrdreg s31  }
0x14: {  	s14 =	simm.s32 $0xE;
	s16 =	sadd.s32 $0xBA200, s11;
	[dreg:$0x13] =	wrdreg s19  }
0x15: {  	s15 =	simm.s32 $0x8;
	s7 =	sadd.s32 s5, s7;
	[dreg:$0x5] =	wrdreg s16  }
0x16: {  	s17 =	simm.s32 $0xF;
	s20 =	sadd.s32 $0xA, s18;
	[dreg:$0x7] =	wrdreg s7  }
0x17: {  	s0 =	sadd.s32 $0xCDE00, s0;
	s23 =	smax.u32 s9, $0x1;
	[dreg:$0x8] =	wrdreg s20  }
0x18: {  	s9 =	simm.s32 $0xB;
	s11 =	simm.s32 $0x7A00;
	[dreg:$0xa] =	wrdreg s0  }
0x19: {  	s7 =	sadd.s32 s5, s21;
	[dreg:$0xb] =	wrdreg s23;
	s0 =	sshrl.u32 s22, $0x3  }
0x1a: {  	s12 =	simm.s32 $0xC;
	[dreg:$0x9] =	wrdreg s7;
	s0 =	sadd.s32 s0, s5  }
0x1b: {  	s18 =	simm.s32 $0x9;
	s7 =	sshrl.u32 s26, $0x3;
	[dreg:$0xd] =	wrdreg s0  }
.Ltmp0:
0x1c: {  	s0 =	sshrl.u32 s25, $0x3;
	s28 =	sadd.s32 s7, s5;
	(pc) =	sbr.rel .LBB2_1-.Ltmp0, $4  }
0x1d: {  	s20 =	simm.s32 $0x11;
	s0 =	sadd.s32 s0, s5;
	[dreg:$0xf] =	wrdreg s28  }
0x1e: {  	s16 =	simm.s32 $0x5;
	[dreg:$0xe] =	wrdreg s0;
	s0 =	sadd.s32 s29, s5  }
0x1f: {  	s7 =	simm.s32 $0x1;
	[dreg:$0x10] =	wrdreg s0;
	s0 =	sor.u32 $0x1C10, s31  }
0x20: {  	s5 =	simm.s32 $0x0;
	[dreg:$0x12] =	wrdreg s0;
	s0 =	simm.s32 $0x2900  }
.LBB2_4:
0x21: {  	_ =	swait.ge [sflag:s16], $0x1400  }
0x22: {  	[sflag:s16] =	ssyncset.done $0x0  }
0x23: {  	[sflag:s16] =	ssyncadd.s32 $0xFFFFEC00  }
0x24: {  	_ =	swait.ge [sflag:s17], $0x28  }
0x25: {  	[sflag:s17] =	ssyncset.done $0x0  }
0x26: {  	[sflag:s17] =	ssyncadd.s32 $0xFFFFFFD8  }
0x27: {  	[spmem:s2] =	stream.indirect.scatter.add.f32 [tilespmem:s11], [sflag:$0xA], $0x80, s10, s24, $0xb8;
	[tilespmem:$0x1CE00] =	vst v63  }
0x28: {  	_ =	swait.ge [sflag:s18], $0x1400  }
0x29: {  	[sflag:s18] =	ssyncset.done $0x0  }
0x2a: {  	s1 =	simm.s32 $0xA;
	[sflag:s18] =	ssyncadd.s32 $0xFFFFEC00  }
0x2b: {  	_ =	swait.ge [sflag:s1], $0x1400  }
0x2c: {  	[sflag:s1] =	ssyncset.done $0x0  }
0x2d: {  	[sflag:s1] =	ssyncadd.s32 $0xFFFFEC00  }
0x2e: {  	[bflag:$0x0] =	sbarrier.arrive $0xFFFF  }
0x2f: {  	s28 =	rddreg [dreg:$0x11]  }
0x30: {  	s5 =	rddreg [dreg:$0xa]  }
0x31: {  	s20 =	simm.s32 $0x11;
	s19 =	rddreg [dreg:$0x13];
	s1 =	sor.u32 $0x1C11, s28  }
0x32: {  	[hbm:s5], [sflag:s1] =	dma.local [spmem:s19], $0x2800  }
0x33: {  	_ =	swait.ge [sflag:s20], $0x2800  }
0x34: {  	s29 =	rddreg [dreg:$0x14]  }
0x35: {  	s31 =	rddreg [dreg:$0xb];
	s5 =	sadd.s32 $0x1, s29  }
0x36: {  	p0 =	sne.s32 s5, s31  }
.Ltmp1:
0x37: {  	_ = 	snop;
	(pc) =	sbr.rel @!p0 .LBB2_5-.Ltmp1, $3  }
0x38: {  	_ =	sdelay $0x1  }
0x39: {  	[sflag:s20] =	ssyncset.done $0x0  }
0x3a: {  	[sflag:s20] =	ssyncadd.s32 $0xFFFFD800  }
.LBB2_1:
0x3b: {  	[dreg:$0x14] =	wrdreg s5  }
0x3c: {  	s1 =	rddreg [dreg:$0x4]  }
0x3d: {  	s25 =	rddreg [dreg:$0x12]  }
0x3e: {  	[spmem:s19], [sflag:s25] =	dma.local [hbm:s1], $0x2800  }
0x3f: {  	s1 =	rddreg [dreg:$0x5]  }
0x40: {  	[tilespmem:s3], [sflag:$0x11] =	stream.linear.gather [hbm4b:s1+s3], $0x2710, $0x38;
	[tilespmem:$0x1CE00] =	vst v63  }
0x41: {  	_ =	swait.ge [sflag:s20], $0x2710  }
0x42: {  	[sflag:s20] =	ssyncset.done $0x0  }
0x43: {  	s28 =	simm.s32 $0x2780;
	s26 =	rddreg [dreg:$0x6];
	[sflag:s20] =	ssyncadd.s32 $0xFFFFD8F0  }
0x44: {  	[tilespmem:s28], [sflag:$0xB] =	stream.linear.gather [hbm4b:s26+s3], $0x28, $0x38;
	[tilespmem:$0x1CE00] =	vst v63  }
0x45: {  	s31 =	simm.s32 $0x2A00  }
0x46: {  	[tilespmem:s31], [sflag:$0x1] =	stream.indirect.gather [hbm4b:s4+s24], $0x80, s3, s24, $0xb8;
	[tilespmem:$0x1CE00] =	vst v63  }
0x47: {  	s19 =	simm.s32 $0x2800;
	s5 =	rddreg [dreg:$0x7]  }
0x48: {  	[tilespmem:s19], [sflag:$0xC] =	stream.linear.gather [hbm4b:s5+s3], $0x28, $0x38;
	[tilespmem:$0x1CE00] =	vst v63  }
0x49: {  	s20 =	simm.s32 $0x3E00  }
0x4a: {  	[tilespmem:s20], [sflag:$0x2] =	stream.indirect.gather [hbm4b:s4+s24], $0x80, s24, s24, $0xb8;
	[tilespmem:$0x1CE00] =	vst v63  }
0x4b: {  	s22 =	simm.s32 $0x2880;
	s21 =	rddreg [dreg:$0x8]  }
0x4c: {  	[tilespmem:s22], [sflag:$0xD] =	stream.linear.gather [hbm4b:s21+s3], $0x28, $0x38;
	[tilespmem:$0x1CE00] =	vst v63  }
0x4d: {  	s23 =	simm.s32 $0x50;
	s25 =	simm.s32 $0x5200  }
0x4e: {  	[tilespmem:s25], [sflag:$0x3] =	stream.indirect.gather [hbm4b:s4+s24], $0x80, s23, s24, $0xb8;
	[tilespmem:$0x1CE00] =	vst v63  }
0x4f: {  	s26 =	rddreg [dreg:$0x9]  }
0x50: {  	[tilespmem:s0], [sflag:$0xE] =	stream.linear.gather [hbm4b:s26+s3], $0x28, $0x38;
	[tilespmem:$0x1CE00] =	vst v63  }
0x51: {  	s28 =	simm.s32 $0x78;
	s31 =	simm.s32 $0x10  }
0x52: {  	[tilespmem:s30], [sflag:$0x4] =	stream.indirect.gather [hbm4b:s4+s24], $0x80, s28, s24, $0xb8;
	[tilespmem:$0x1CE00] =	vst v63  }
0x53: {  	_ =	swait.ge [sflag:s31], $0x2800  }
0x54: {  	[sflag:s31] =	ssyncset.done $0x0  }
0x55: {  	[sflag:s31] =	ssyncadd.s32 $0xFFFFD800  }
0x56: {  	[bflag:$0x0] =	sbarrier.arrive $0xFFFF  }
0x57: {  	s1 =	rddreg [dreg:$0x10]  }
0x58: {  	s20 =	rddreg [dreg:$0xf]  }
0x59: {  	s21 =	rddreg [dreg:$0xe]  }
0x5a: {  	s22 =	rddreg [dreg:$0xd]  }
0x5b: {  	s29 =	simm.s32 $0x0;
	s19 =	rddreg [dreg:$0xc]  }
.LBB2_2:
0x5c: {  	_ =	swait.ge [sflag:s7], $0x1400  }
0x5d: {  	[sflag:s7] =	ssyncset.done $0x0  }
0x5e: {  	[sflag:s7] =	ssyncadd.s32 $0xFFFFEC00  }
0x5f: {  	_ =	swait.ge [sflag:s9], $0x28  }
0x60: {  	s5 =	simm.s32 $0x2780;
	[sflag:s9] =	ssyncset.done $0x0  }
0x61: {  	s23 =	simm.s32 $0x2A00;
	p0 =	seq.s32 s29, $0x0;
	[sflag:s9] =	ssyncadd.s32 $0xFFFFFFD8  }
0x62: {  	[spmem:s2] =	stream.indirect.scatter.add.f32 [tilespmem:s23], [sflag:$0x6], $0x80, s5, s24, $0xb8;
	[tilespmem:$0x1CE00] =	vst v63  }
0x63: {  	s23 =	simm.s32 @!p0 $0xA  }
0x64: {  	_ =	swait.ge @!p0 [sflag:s23], $0x1400  }
0x65: {  	[sflag:s23] =	ssyncset.done @!p0 $0x0  }
0x66: {  	[sflag:s23] =	ssyncadd.s32 @!p0 $0xFFFFEC00;
	s23 =	sshra.s32 s29, $0x2  }
0x67: {  	[tilespmem:s10], [sflag:$0xF] =	stream.linear.gather [hbm4b:s1+s3], $0x28, $0x38;
	[tilespmem:$0x1CE00] =	vst v63  }
0x68: {  	s31 =	sadd.s32 $0xA0, s23  }
0x69: {  	[tilespmem:s11], [sflag:$0x5] =	stream.indirect.gather [hbm4b:s4+s24], $0x80, s31, s24, $0xb8;
	[tilespmem:$0x1CE00] =	vst v63  }
0x6a: {  	_ =	swait.ge [sflag:s8], $0x1400  }
0x6b: {  	[sflag:s8] =	ssyncset.done $0x0  }
0x6c: {  	[sflag:s8] =	ssyncadd.s32 $0xFFFFEC00  }
0x6d: {  	_ =	swait.ge [sflag:s12], $0x28  }
0x6e: {  	[sflag:s12] =	ssyncset.done $0x0  }
0x6f: {  	s25 =	simm.s32 $0x3E00;
	s31 =	simm.s32 $0x2800;
	[sflag:s12] =	ssyncadd.s32 $0xFFFFFFD8  }
0x70: {  	[spmem:s2] =	stream.indirect.scatter.add.f32 [tilespmem:s25], [sflag:$0x7], $0x80, s31, s24, $0xb8;
	[tilespmem:$0x1CE00] =	vst v63  }
0x71: {  	_ =	swait.ge [sflag:s13], $0x1400  }
0x72: {  	p0 =	seq.s32 s29, $0x9920;
	[sflag:s13] =	ssyncset.done $0x0  }
0x73: {  	s31 =	simm.s32 @p0 $0x3;
	[sflag:s13] =	ssyncadd.s32 $0xFFFFEC00  }
0x74: {  	_ =	swait.ge @p0 [sflag:s31], $0x1400  }
0x75: {  	[sflag:s31] =	ssyncset.done @p0 $0x0  }
0x76: {  	[sflag:s31] =	ssyncadd.s32 @p0 $0xFFFFEC00;
	s31 =	simm.s32 @p0 $0xD  }
0x77: {  	_ =	swait.ge @p0 [sflag:s31], $0x28  }
0x78: {  	s26 =	simm.s32 @p0 $0x5200;
	[sflag:s31] =	ssyncset.done @p0 $0x0  }
0x79: {  	s25 =	simm.s32 @p0 $0x2880;
	[sflag:s31] =	ssyncadd.s32 @p0 $0xFFFFFFD8;
	s31 =	simm.s32 @p0 $0x28  }
0x7a: {  	[spmem:s2] =	stream.indirect.scatter.add.f32 @p0 [tilespmem:s26], [sflag:$0x8], $0x80, s25, s31, $0xb8;
	[tilespmem:$0x1CE00] =	vst v63  }
0x7b: {  	s25 =	simm.s32 @p0 $0x7  }
0x7c: {  	_ =	swait.ge @p0 [sflag:s25], $0x1400  }
0x7d: {  	[sflag:s25] =	ssyncset.done @p0 $0x0  }
0x7e: {  	s5 =	rddreg [dreg:$0x3];
	[sflag:s25] =	ssyncadd.s32 @p0 $0xFFFFEC00;
	s25 =	sshrl.u32 @!p0 s19, $0x3  }
0x7f: {  	s26 =	simm.s32 @!p0 $0x0;
	s31 =	simm.s32 @!p0 $0x2780;
	s25 =	sadd.s32 @!p0 s5, s25  }
0x80: {  	[tilespmem:s31], [sflag:$0xB] =	stream.linear.gather @!p0 [hbm4b:s25+s26], $0x28, $0x38;
	[tilespmem:$0x1CE00] =	vst v63  }
0x81: {  	s25 =	sshra.s32 @!p0 s29, $0x2  }
0x82: {  	s28 =	simm.s32 @!p0 $0x28;
	s5 =	simm.s32 @!p0 $0x2A00;
	s31 =	sadd.s32 @!p0 $0xC8, s25  }
0x83: {  	[tilespmem:s5], [sflag:$0x1] =	stream.indirect.gather @!p0 [hbm4b:s4+s28], $0x80, s31, s28, $0xb8;
	[tilespmem:$0x1CE00] =	vst v63  }
0x84: {  	s5 =	simm.s32 @!p0 $0x3  }
0x85: {  	_ =	swait.ge @!p0 [sflag:s5], $0x1400  }
0x86: {  	[sflag:s5] =	ssyncset.done @!p0 $0x0  }
0x87: {  	[sflag:s5] =	ssyncadd.s32 @!p0 $0xFFFFEC00;
	s5 =	simm.s32 @!p0 $0xD  }
0x88: {  	_ =	swait.ge @!p0 [sflag:s5], $0x28  }
0x89: {  	[sflag:s5] =	ssyncset.done @!p0 $0x0  }
0x8a: {  	s31 =	simm.s32 @!p0 $0x5200;
	[sflag:s5] =	ssyncadd.s32 @!p0 $0xFFFFFFD8;
	s5 =	simm.s32 @!p0 $0x2880  }
0x8b: {  	[spmem:s2] =	stream.indirect.scatter.add.f32 @!p0 [tilespmem:s31], [sflag:$0x8], $0x80, s5, s28, $0xb8;
	[tilespmem:$0x1CE00] =	vst v63  }
0x8c: {  	s5 =	simm.s32 @!p0 $0x7  }
0x8d: {  	_ =	swait.ge @!p0 [sflag:s5], $0x1400  }
0x8e: {  	[sflag:s5] =	ssyncset.done @!p0 $0x0  }
0x8f: {  	[sflag:s5] =	ssyncadd.s32 @!p0 $0xFFFFEC00;
	s5 =	simm.s32 @!p0 $0x2800  }
0x90: {  	[tilespmem:s5], [sflag:$0xC] =	stream.linear.gather @!p0 [hbm4b:s22+s26], $0x28, $0x38;
	[tilespmem:$0x1CE00] =	vst v63  }
0x91: {  	s5 =	sadd.s32 @!p0 $0xF0, s25;
	s25 =	simm.s32 @!p0 $0x3E00  }
0x92: {  	[tilespmem:s25], [sflag:$0x2] =	stream.indirect.gather @!p0 [hbm4b:s4+s28], $0x80, s5, s28, $0xb8;
	[tilespmem:$0x1CE00] =	vst v63  }
0x93: {  	_ =	swait.ge [sflag:s6], $0x1400  }
0x94: {  	[sflag:s6] =	ssyncset.done $0x0  }
0x95: {  	[sflag:s6] =	ssyncadd.s32 $0xFFFFEC00  }
0x96: {  	_ =	swait.ge [sflag:s14], $0x28  }
0x97: {  	[sflag:s14] =	ssyncset.done $0x0  }
.Ltmp2:
0x98: {  	[sflag:s14] =	ssyncadd.s32 $0xFFFFFFD8;
	(pc) =	sbr.rel @p0 .LBB2_4-.Ltmp2, $4  }
0x99: {  	[spmem:s2] =	stream.indirect.scatter.add.f32 [tilespmem:s30], [sflag:$0x9], $0x80, s0, s24, $0xb8;
	[tilespmem:$0x1CE00] =	vst v63  }
0x9a: {  	_ =	swait.ge [sflag:s15], $0x1400  }
0x9b: {  	[sflag:s15] =	ssyncset.done $0x0  }
0x9c: {  	[sflag:s15] =	ssyncadd.s32 $0xFFFFEC00  }
0x9d: {  	s5 =	simm.s32 $0x2880  }
0x9e: {  	[tilespmem:s5], [sflag:$0xD] =	stream.linear.gather [hbm4b:s21+s3], $0x28, $0x38;
	[tilespmem:$0x1CE00] =	vst v63  }
0x9f: {  	s28 =	sadd.s32 $0x118, s23;
	s25 =	simm.s32 $0x5200  }
0xa0: {  	[tilespmem:s25], [sflag:$0x3] =	stream.indirect.gather [hbm4b:s4+s24], $0x80, s28, s24, $0xb8;
	[tilespmem:$0x1CE00] =	vst v63  }
0xa1: {  	_ =	swait.ge [sflag:s16], $0x1400  }
0xa2: {  	[sflag:s16] =	ssyncset.done $0x0  }
0xa3: {  	[sflag:s16] =	ssyncadd.s32 $0xFFFFEC00  }
0xa4: {  	_ =	swait.ge [sflag:s17], $0x28  }
0xa5: {  	[sflag:s17] =	ssyncset.done $0x0  }
0xa6: {  	[sflag:s17] =	ssyncadd.s32 $0xFFFFFFD8  }
0xa7: {  	[spmem:s2] =	stream.indirect.scatter.add.f32 [tilespmem:s11], [sflag:$0xA], $0x80, s10, s24, $0xb8;
	[tilespmem:$0x1CE00] =	vst v63  }
0xa8: {  	s31 =	sadd.s32 $0x140, s23;
	_ =	swait.ge [sflag:s18], $0x1400  }
.Ltmp3:
0xa9: {  	s29 =	sadd.s32 $0x320, s29;
	[sflag:s18] =	ssyncset.done $0x0;
	(pc) =	sbr.rel .LBB2_2-.Ltmp3, $4  }
0xaa: {  	s19 =	sadd.s32 $0xC8, s19;
	s22 =	sadd.s32 $0x19, s22;
	[sflag:s18] =	ssyncadd.s32 $0xFFFFEC00  }
0xab: {  	[tilespmem:s0], [sflag:$0xE] =	stream.linear.gather [hbm4b:s20+s3], $0x28, $0x38;
	[tilespmem:$0x1CE00] =	vst v63  }
0xac: {  	s1 =	sadd.s32 $0x19, s1;
	s21 =	sadd.s32 $0x19, s21;
	s20 =	sadd.s32 $0x19, s20  }
0xad: {  	[tilespmem:s30], [sflag:$0x4] =	stream.indirect.gather [hbm4b:s4+s24], $0x80, s31, s24, $0xb8;
	[tilespmem:$0x1CE00] =	vst v63  }
.LBB2_5:
0xae: {  	_ =	sfence.sel $0x180000  }
0xaf: {  	[bflag:$0x0] =	sbarrier.arrive $0xFFFF  }
0xb0: {  	_ =	strace $0x9000004A  }
0xb1: {  	s0 =	stileid.u32;
	[bflag:$0x2] =	sbarrier.arrive $0xFFFF  }
0xb2: {  	p0 =	sne.s32 s0, $0x0;
	s0 =	rddreg [dreg:$0x2]  }
0xb3: {  	s0 =	sadd.s32 @!p0 $0x100000, s0  }
0xb4: {  	[sflag:s0] =	ssyncadd.tile.s32 @!p0 $0x1;
	_ =	shalt  }
.Lfunc_end2:
_tile_overlayer_lowered:
.L_overlay_start_2:
0xb5: {  	(tag) =	ssettag $0x2  }
0xb6: {  	s0 =	rddreg [dreg:$0x0];
	s2 =	stileid.u32  }
0xb7: {  	s1 =	rddreg [dreg:$0x1];
	p0 =	sne.s32 s2, $0x0  }
0xb8: {  	s3 =	rddreg [dreg:$0x2];
	[bflag:$0x3] =	sbarrier.arrive $0xFFFF;
	s2 =	simm.s32 @!p0 $0x1C11  }
0xb9: {  	[timem:s3], [sflag:s2] =	dma.local @!p0 [hbm:s0], s1  }
0xba: {  	s0 =	simm.s32 @!p0 $0x11  }
0xbb: {  	_ =	swait.ge @!p0 [sflag:s0], s1  }
0xbc: {  	s1 =	ssub.s32 @!p0 $0x0, s1;
	[sflag:s0] =	ssyncset.done @!p0 $0x0  }
0xbd: {  	[sflag:s0] =	ssyncadd.s32 @!p0 s1  }
0xbe: {  	[bflag:$0x3] =	sbarrier.arrive $0xFFFF  }
0xbf: {  	_ =	shalt  }

// kernel: kernel.18.cloned.1.call-start
scs
__scs_entry_jumppad:
0x0: {  	(pc) =	sbr.rel $0x88, $3  }
0x1: {  	(tag) =	ssettag $0x0;
	lr =	simm.s32 $0x1  }
0x2: {  	[smem:$0x3F93] =	sst lr;
	_ =	strace $0xD0000000  }
0x3: {  	_ = 	snop  }
0x4: {  	_ = 	snop  }
0x5: {  	_ = 	snop  }
0x6: {  	_ = 	snop  }
0x7: {  	_ = 	snop  }
__scs_overlays_trampoline_lowered:
0x8: {  	[smem:$0x3FA2] =	sst s0  }
0x9: {  	[smem:$0x3FA3] =	sst s1  }
0xa: {  	[smem:$0x3FA4] =	sst s2  }
0xb: {  	[smem:$0x3FA5] =	sst s3  }
0xc: {  	[smem:$0x3FA6] =	sst s4  }
0xd: {  	[smem:$0x3FA7] =	sst s5  }
0xe: {  	[smem:$0x3FA8] =	sst s6  }
0xf: {  	[smem:$0x3FA9] =	sst s7  }
0x10: {  	[smem:$0x3FAA] =	sst s8  }
0x11: {  	[smem:$0x3FAB] =	sst s9;
	s0 =	simm.s32 @!p0 $0x0  }
0x12: {  	s1 =	sld [smem:$0x3F91];
	s0 =	simm.s32 @p0 $0x1  }
0x13: {  	[smem:$0x3FAC] =	sst s0;
	s0 =	simm.s32 @!p1 $0x0  }
0x14: {  	s2 =	sld [smem:$0x3F90];
	s0 =	simm.s32 @p1 $0x1  }
0x15: {  	[smem:$0x3FAD] =	sst s0;
	s0 =	simm.s32 @!p2 $0x0  }
0x16: {  	s3 =	sld [smem:$0x3FDB];
	s0 =	simm.s32 @p2 $0x1  }
0x17: {  	s4 =	simm.s32 $0x1BF5;
	[smem:$0x3FAF] =	sst s0  }
0x18: {  	s0 =	sld [smem:$0x3F92];
	_ =	swait.ge [sflag:s4], $0x0  }
0x19: {  	s7 =	sld [smem:$0x3F93]  }
0x1a: {  	s8 =	sadd.s32 $0xFFFFE003, lr  }
0x1b: {  	s9 =	sadd.s32 $0xFFFFFEF7, lr;
	s5 =	simm.s32 $0xFFFFFFFF;
	p2 =	slt.u32 s8, $0xFFFFF086  }
0x1c: {  	p1 =	slt.u32 s9, $0xF7A;
	s5 =	simm.s32 @!p2 $0x0  }
0x1d: {  	s5 =	simm.s32 @p1 $0x1;
	p0 =	seq.s32 s7, s2  }
0x1e: {  	s7 =	smul.u32 @!p0 $0xF7A, s2;
	p2 =	seq.s32 @!p0 s5, $0x0  }
0x1f: {  	s9 =	smul.u32 $0xF7A, s1;
	s8 =	simm.s32 @!p0 $0x1BF5;
	p2 =	por !p2, p0  }
0x20: {  	[sflag:s8] =	ssyncset.s32 @!p0 $0xFFFFF086;
	s6 =	sadd.s32 @!p0 s3, s7;
	s7 =	simm.s32 @!p0 $0x108  }
0x21: {  	s3 =	sadd.s32 s3, s9;
	s6 =	sadd.s32 @!p0 $0x88, s6;
	s7 =	simm.s32 @p2 $0x1082  }
0x22: {  	[simem:s7], [sflag:s8] =	dma.local @!p0 [hbm:s6], $0xF7A  }
0x23: {  	s9 =	sor.u32 $0xD0000000, s2;
	s6 =	simm.s32 $0x108;
	_ =	swait.ge @!p0 [sflag:s8], $0x0  }
0x24: {  	s3 =	sadd.s32 $0x88, s3;
	s6 =	simm.s32 @!p1 $0x1082;
	[sflag:s4] =	ssyncset.s32 $0xFFFFF086  }
0x25: {  	[simem:s6], [sflag:s4] =	dma.local [hbm:s3], $0xF7A  }
0x26: {  	[smem:$0x3F93] =	sst s1;
	(tag) =	ssettag s2;
	_ =	strace s9  }
0x27: {  	s1 =	sld [smem:$0x3FA3]  }
0x28: {  	s2 =	sld [smem:$0x3FA4]  }
0x29: {  	s4 =	sld [smem:$0x3FA6]  }
0x2a: {  	p0 =	seq.s32 s5, $0x0;
	s5 =	sld [smem:$0x3FA7]  }
0x2b: {  	s6 =	sld [smem:$0x3FA8]  }
0x2c: {  	s7 =	sld [smem:$0x3FA9]  }
0x2d: {  	s3 =	simm.s32 $0x108;
	s8 =	sld [smem:$0x3FAA]  }
0x2e: {  	s3 =	simm.s32 @!p0 $0x1082;
	s9 =	sld [smem:$0x3FAB]  }
0x2f: {  	lr =	sadd.s32 s0, s3;
	s0 =	sld [smem:$0x3FA2]  }
0x30: {  	s3 =	sld [smem:$0x3FA5]  }
0x31: {  	[smem:$0x3FAE] =	sst s10  }
0x32: {  	s10 =	sld [smem:$0x3FAC];
	_ =	sdelay $0x3  }
0x33: {  	p0 =	seq.s32 s10, $0x1;
	s10 =	sld [smem:$0x3FAE];
	_ =	sdelay $0x3  }
0x34: {  	[smem:$0x3FAE] =	sst s10  }
0x35: {  	s10 =	sld [smem:$0x3FAD];
	_ =	sdelay $0x3  }
0x36: {  	p1 =	seq.s32 s10, $0x1;
	s10 =	sld [smem:$0x3FAE];
	_ =	sdelay $0x3  }
0x37: {  	[smem:$0x3FAE] =	sst s10  }
0x38: {  	s10 =	sld [smem:$0x3FAF]  }
0x39: {  	_ = 	snop;
	(pc) =	sbr.ind lr, $3  }
0x3a: {  	_ = 	snop  }
0x3b: {  	_ = 	snop  }
0x3c: {  	p2 =	seq.s32 s10, $0x1;
	s10 =	sld [smem:$0x3FAE]  }
0x3d: {  	_ =	shalt  }
0x3e: {  	_ =	shalt  }
0x3f: {  	_ =	shalt  }
0x40: {  	_ =	shalt  }
0x41: {  	_ =	shalt  }
0x42: {  	_ =	shalt  }
0x43: {  	_ =	shalt  }
0x44: {  	_ =	shalt  }
0x45: {  	_ =	shalt  }
0x46: {  	_ =	shalt  }
0x47: {  	_ =	shalt  }
0x48: {  	_ =	shalt  }
0x49: {  	_ =	shalt  }
0x4a: {  	_ =	shalt  }
0x4b: {  	_ =	shalt  }
0x4c: {  	_ =	shalt  }
0x4d: {  	_ =	shalt  }
0x4e: {  	_ =	shalt  }
0x4f: {  	_ =	shalt  }
0x50: {  	_ =	shalt  }
0x51: {  	_ =	shalt  }
0x52: {  	_ =	shalt  }
0x53: {  	_ =	shalt  }
0x54: {  	_ =	shalt  }
0x55: {  	_ =	shalt  }
0x56: {  	_ =	shalt  }
0x57: {  	_ =	shalt  }
0x58: {  	_ =	shalt  }
0x59: {  	_ =	shalt  }
0x5a: {  	_ =	shalt  }
0x5b: {  	_ =	shalt  }
0x5c: {  	_ =	shalt  }
0x5d: {  	_ =	shalt  }
0x5e: {  	_ =	shalt  }
0x5f: {  	_ =	shalt  }
0x60: {  	_ =	shalt  }
0x61: {  	_ =	shalt  }
0x62: {  	_ =	shalt  }
0x63: {  	_ =	shalt  }
0x64: {  	_ =	shalt  }
0x65: {  	_ =	shalt  }
0x66: {  	_ =	shalt  }
0x67: {  	_ =	shalt  }
0x68: {  	_ =	shalt  }
0x69: {  	_ =	shalt  }
0x6a: {  	_ =	shalt  }
0x6b: {  	_ =	shalt  }
0x6c: {  	_ =	shalt  }
0x6d: {  	_ =	shalt  }
0x6e: {  	_ =	shalt  }
0x6f: {  	_ =	shalt  }
0x70: {  	_ =	shalt  }
0x71: {  	_ =	shalt  }
0x72: {  	_ =	shalt  }
0x73: {  	_ =	shalt  }
0x74: {  	_ =	shalt  }
0x75: {  	_ =	shalt  }
0x76: {  	_ =	shalt  }
0x77: {  	_ =	shalt  }
0x78: {  	_ =	shalt  }
0x79: {  	_ =	shalt  }
0x7a: {  	_ =	shalt  }
0x7b: {  	_ =	shalt  }
0x7c: {  	_ =	shalt  }
0x7d: {  	_ =	shalt  }
0x7e: {  	_ =	shalt  }
0x7f: {  	_ =	shalt  }
0x80: {  	_ =	shalt  }
0x81: {  	_ =	shalt  }
0x82: {  	_ =	shalt  }
0x83: {  	_ =	shalt  }
0x84: {  	_ =	shalt  }
0x85: {  	_ =	shalt  }
0x86: {  	_ =	shalt  }
0x87: {  	_ =	shalt  }
.Lfunc_end0:
.L_simem_size_0:
called_computation.1_lowered:
.L_overlay_start_0:
0x88: {  	s2 =	sld [smem:$0x3FD9]  }
0x89: {  	s3 =	sld [smem:$0x3FFE];
	_ =	sdelay $0x1  }
0x8a: {  	s1 =	srdreg.scid  }
0x8b: {  	s0 =	sand.u32 $0x1, s1  }
0x8c: {  	s16 =	sshll.u32 s0, $0xA;
	s2 =	sadd.s32 s3, s2  }
0x8d: {  	s2 =	sadd.s32 s2, s16  }
0x8e: {  	[smem:$0x3FBA] =	sst s2  }
0x8f: {  	_ = 	snop  }
0x90: {  	(tm) =	ssettm $0x1  }
0x91: {  	s17 =	sld [smem:$0x3FFB];
	_ =	sdelay $0x3  }
0x92: {  	_ =	strace s17  }
0x93: {  	s2 =	sld [smem:$0x3FFC];
	_ =	sdelay $0x3  }
0x94: {  	_ =	strace s2  }
0x95: {  	s2 =	sld [smem:$0x3FFD];
	_ =	sdelay $0x3  }
0x96: {  	_ =	strace s2  }
0x97: {  	_ =	strace $0x8FFFFFFF  }
0x98: {  	s18 =	sld [smem:$0x3FDB];
	_ =	sdelay $0x1  }
0x99: {  	s19 =	simm.s32 $_scs_section_size  }
0x9a: {  	s4 =	simm.s32 $_size__tile_overlayer_lowered;
	s5 =	simm.s32 $_tile_overlayer_lowered  }
0x9b: {  	s22 =	simm.s32 $0x1BFF;
	s21 =	sshll.u32 s5, $0x1;
	s2 =	sadd.s32 s19, s18  }
0x9c: {  	s6 =	simm.s32 $0x0;
	s20 =	sshll.u32 s4, $0x1;
	s4 =	sadd.s32 s21, s2  }
0x9d: {  	[timem:s6], [sflag:s22] =	dma.local [hbm:s4], s20  }
0x9e: {  	_ =	swait.ge [sflag:s22], s20  }
0x9f: {  	s3 =	ssub.s32 $0x0, s20;
	[sflag:s22] =	ssyncset.done $0x0  }
0xa0: {  	[sflag:s22] =	ssyncadd.s32 s3;
	_ =	sdelay $0x1  }
0xa1: {  	s23 =	simm.s32 $0x1B8B  }
0xa2: {  	_ =	swait.ge [sflag:s23], $0x1  }
0xa3: {  	[sflag:s23] =	ssyncset.done $0x0  }
0xa4: {  	s25 =	simm.s32 $0x1B8E;
	s24 =	sld [smem:$0x3FFE];
	[sflag:s23] =	ssyncadd.s32 $0xFFFFFFFF  }
0xa5: {  	s26 =	simm.s32 $execute0_lowered;
	[smem:$0x3FD2] =	sst s25  }
0xa6: {  	s4 =	sshll.u32 s26, $0x1;
	_ =	strace $0x80000046;
	[dreg:$0x1] =	wrdreg $0xFFFFFFFF  }
0xa7: {  	s28 =	simm.s32 $_size_execute0_lowered;
	s2 =	sadd.s32 s2, s4;
	[dreg:$0x0] =	wrdreg $0x0  }
0xa8: {  	s4 =	sshll.u32 s28, $0x1;
	[dreg:$0x2] =	wrdreg s2  }
0xa9: {  	[dreg:$0x3] =	wrdreg s4  }
0xaa: {  	[dreg:$0x4] =	wrdreg $0xC0  }
0xab: {  	_ =	task [dreg:s6], $0x5FFFF  }
0xac: {  	[dreg:$0x1] =	wrdreg $0xFFFFFFFF  }
0xad: {  	[dreg:$0x0] =	wrdreg $0x60  }
0xae: {  	[dreg:$0x2] =	wrdreg s24  }
0xaf: {  	[dreg:$0x3] =	wrdreg $0x8E000  }
0xb0: {  	[dreg:$0x4] =	wrdreg $0xA  }
0xb1: {  	_ =	task.clear_ibuf [dreg:s6], $0x5FFFF;
	_ =	strace $0x90000046  }
0xb2: {  	s29 =	simm.s32 $0xA;
	_ =	strace $0x80000048  }
0xb3: {  	_ =	swait.ge [sflag:s29], $0x1  }
0xb4: {  	[sflag:s29] =	ssyncadd.s32 $0xFFFFFFFF  }
0xb5: {  	_ =	strace $0x90000048  }
0xb6: {  	_ =	sfence  }
0xb7: {  	s30 =	sld [smem:$0x0];
	_ =	sdelay $0x2  }
0xb8: {  	s31 =	sshll.u32 s1, $0xD;
	s1 =	sshrl.u32 s1, $0x2  }
0xb9: {  	s3 =	sand.u32 $0x4000, s31;
	s1 =	sadd.s32 s1, s30  }
0xba: {  	s0 =	sor.u32 s3, s0;
	s1 =	sshll.u32 s1, $0x11  }
0xbb: {  	s0 =	sor.u32 s1, s0  }
0xbc: {  	s0 =	sadd.s32 $0x8F2B, s0  }
0xbd: {  	[sflag:s0] =	ssyncadd.remote.s32 $0x1  }
0xbe: {  	_ =	sfence.sel $0xFFFF  }
0xbf: {  	[dreg:$0x0] =	wrdreg $0xFFFFFFFF;
	(pc) =	sbr.abs _section_cstart, $3  }
0xc0: {  	[dreg:$0x1] =	wrdreg $0xFFFFFFFF  }
0xc1: {  	_ =	task.clear_ibuf [dreg:s6], $0x2FFFF;
	_ =	strace $0x9FFFFFFF  }
0xc2: {  	(tm) =	ssettm $0x7FFFFFFF  }
0xc3: {  	_ =	shalt  }
tec
execute0_lowered:
.L_overlay_start_1:
0x0: {  	(tag) =	ssettag $0x1  }
0x1: {  	s0 =	rddreg [dreg:$0x0]  }
0x2: {  	s1 =	srdreg.scid;
	s14 =	stileid.u32  }
0x3: {  	s2 =	rddreg [dreg:$0x1];
	s5 =	smul.u32 $0x2710, s14  }
0x4: {  	s3 =	simm.s32 $0x0;
	s30 =	simm.s32 $0x6600;
	s7 =	smul.u32 $0x2800, s14  }
0x5: {  	s1 =	sand.u32 $0x1, s1;
	[smem:$0x7FF] =	sst s3;
	s12 =	smul.u32 $0x50000, s14  }
0x6: {  	s10 =	sadd.s32 $0x3FA00, s0;
	s4 =	smul.u32 $0x27100, s1;
	_ =	strace $0x80000047  }
0x7: {  	s9 =	smul.u32 $0x28000, s1;
	s13 =	ssub.s32 $0x2, s1;
	p0 =	seq.s32 s1, $0x1  }
0x8: {  	s31 =	sshrl.u32 s13, $0x1;
	s12 =	sshrl.u32 s12, $0x2;
	s6 =	sadd.s32 s5, s4  }
0x9: {  	s4 =	sadd.s32 $0x17A00, s0;
	s5 =	sadd.s32 $0xDC00, s0;
	s9 =	sadd.s32 s7, s9  }
0xa: {  	s15 =	sadd.s32 s12, s2;
	s8 =	sshrl.u32 s6, $0x3;
	s12 =	sadd.s32 s4, s7  }
0xb: {  	s17 =	sadd.s32 $0x28, s6;
	s19 =	sadd.s32 $0x78, s6;
	s22 =	sadd.s32 $0xF0, s6  }
0xc: {  	s24 =	sadd.s32 $0xC8, s6;
	s25 =	sadd.s32 $0x118, s6;
	s26 =	sadd.s32 $0x140, s6  }
0xd: {  	s6 =	sadd.s32 $0xA0, s6;
	[dreg:$0x3] =	wrdreg s5;
	s11 =	sadd.s32 s8, s0  }
0xe: {  	s0 =	sadd.s32 s9, s0;
	s9 =	ssub.s32 s13, s31;
	s18 =	sadd.s32 s5, s8  }
0xf: {  	s7 =	sshrl.u32 s17, $0x3;
	s21 =	sshrl.u32 s19, $0x3;
	[dreg:$0xc] =	wrdreg s24  }
0x10: {  	s29 =	sshrl.u32 s6, $0x3;
	s12 =	smov.u32 @p0 s10;
	s31 =	sshll.u32 s14, $0x6  }
0x11: {  	s19 =	sshrl.u32 s15, $0x3;
	s24 =	simm.s32 $0x28;
	[dreg:$0x6] =	wrdreg s18  }
0x12: {  	s10 =	simm.s32 $0x2980;
	s8 =	simm.s32 $0x2;
	[dreg:$0x4] =	wrdreg s12  }
0x13: {  	s13 =	simm.s32 $0x6;
	s6 =	simm.s32 $0x4;
	[dreg:$0x11] =	wrdreg s31  }
0x14: {  	s14 =	simm.s32 $0xE;
	s16 =	sadd.s32 $0x3E00, s11;
	[dreg:$0x13] =	wrdreg s19  }
0x15: {  	s15 =	simm.s32 $0x8;
	s7 =	sadd.s32 s5, s7;
	[dreg:$0x5] =	wrdreg s16  }
0x16: {  	s17 =	simm.s32 $0xF;
	s20 =	sadd.s32 $0xA, s18;
	[dreg:$0x7] =	wrdreg s7  }
0x17: {  	s0 =	sadd.s32 $0x42200, s0;
	s23 =	smax.u32 s9, $0x1;
	[dreg:$0x8] =	wrdreg s20  }
0x18: {  	s9 =	simm.s32 $0xB;
	s11 =	simm.s32 $0x7A00;
	[dreg:$0xa] =	wrdreg s0  }
0x19: {  	s7 =	sadd.s32 s5, s21;
	[dreg:$0xb] =	wrdreg s23;
	s0 =	sshrl.u32 s22, $0x3  }
0x1a: {  	s12 =	simm.s32 $0xC;
	[dreg:$0x9] =	wrdreg s7;
	s0 =	sadd.s32 s0, s5  }
0x1b: {  	s18 =	simm.s32 $0x9;
	s7 =	sshrl.u32 s26, $0x3;
	[dreg:$0xd] =	wrdreg s0  }
.Ltmp0:
0x1c: {  	s0 =	sshrl.u32 s25, $0x3;
	s28 =	sadd.s32 s7, s5;
	(pc) =	sbr.rel .LBB2_1-.Ltmp0, $4  }
0x1d: {  	s20 =	simm.s32 $0x11;
	s0 =	sadd.s32 s0, s5;
	[dreg:$0xf] =	wrdreg s28  }
0x1e: {  	s16 =	simm.s32 $0x5;
	[dreg:$0xe] =	wrdreg s0;
	s0 =	sadd.s32 s29, s5  }
0x1f: {  	s7 =	simm.s32 $0x1;
	[dreg:$0x10] =	wrdreg s0;
	s0 =	sor.u32 $0x1C10, s31  }
0x20: {  	s5 =	simm.s32 $0x0;
	[dreg:$0x12] =	wrdreg s0;
	s0 =	simm.s32 $0x2900  }
.LBB2_4:
0x21: {  	_ =	swait.ge [sflag:s16], $0x1400  }
0x22: {  	[sflag:s16] =	ssyncset.done $0x0  }
0x23: {  	[sflag:s16] =	ssyncadd.s32 $0xFFFFEC00  }
0x24: {  	_ =	swait.ge [sflag:s17], $0x28  }
0x25: {  	[sflag:s17] =	ssyncset.done $0x0  }
0x26: {  	[sflag:s17] =	ssyncadd.s32 $0xFFFFFFD8  }
0x27: {  	[spmem:s2] =	stream.indirect.scatter.add.f32 [tilespmem:s11], [sflag:$0xA], $0x80, s10, s24, $0xb8;
	[tilespmem:$0x1CE00] =	vst v63  }
0x28: {  	_ =	swait.ge [sflag:s18], $0x1400  }
0x29: {  	[sflag:s18] =	ssyncset.done $0x0  }
0x2a: {  	s1 =	simm.s32 $0xA;
	[sflag:s18] =	ssyncadd.s32 $0xFFFFEC00  }
0x2b: {  	_ =	swait.ge [sflag:s1], $0x1400  }
0x2c: {  	[sflag:s1] =	ssyncset.done $0x0  }
0x2d: {  	[sflag:s1] =	ssyncadd.s32 $0xFFFFEC00  }
0x2e: {  	[bflag:$0x0] =	sbarrier.arrive $0xFFFF  }
0x2f: {  	s28 =	rddreg [dreg:$0x11]  }
0x30: {  	s5 =	rddreg [dreg:$0xa]  }
0x31: {  	s20 =	simm.s32 $0x11;
	s19 =	rddreg [dreg:$0x13];
	s1 =	sor.u32 $0x1C11, s28  }
0x32: {  	[hbm:s5], [sflag:s1] =	dma.local [spmem:s19], $0x2800  }
0x33: {  	_ =	swait.ge [sflag:s20], $0x2800  }
0x34: {  	s29 =	rddreg [dreg:$0x14]  }
0x35: {  	s31 =	rddreg [dreg:$0xb];
	s5 =	sadd.s32 $0x1, s29  }
0x36: {  	p0 =	sne.s32 s5, s31  }
.Ltmp1:
0x37: {  	_ = 	snop;
	(pc) =	sbr.rel @!p0 .LBB2_5-.Ltmp1, $3  }
0x38: {  	_ =	sdelay $0x1  }
0x39: {  	[sflag:s20] =	ssyncset.done $0x0  }
0x3a: {  	[sflag:s20] =	ssyncadd.s32 $0xFFFFD800  }
.LBB2_1:
0x3b: {  	[dreg:$0x14] =	wrdreg s5  }
0x3c: {  	s1 =	rddreg [dreg:$0x4]  }
0x3d: {  	s25 =	rddreg [dreg:$0x12]  }
0x3e: {  	[spmem:s19], [sflag:s25] =	dma.local [hbm:s1], $0x2800  }
0x3f: {  	s1 =	rddreg [dreg:$0x5]  }
0x40: {  	[tilespmem:s3], [sflag:$0x11] =	stream.linear.gather [hbm4b:s1+s3], $0x2710, $0x38;
	[tilespmem:$0x1CE00] =	vst v63  }
0x41: {  	_ =	swait.ge [sflag:s20], $0x2710  }
0x42: {  	[sflag:s20] =	ssyncset.done $0x0  }
0x43: {  	s28 =	simm.s32 $0x2780;
	s26 =	rddreg [dreg:$0x6];
	[sflag:s20] =	ssyncadd.s32 $0xFFFFD8F0  }
0x44: {  	[tilespmem:s28], [sflag:$0xB] =	stream.linear.gather [hbm4b:s26+s3], $0x28, $0x38;
	[tilespmem:$0x1CE00] =	vst v63  }
0x45: {  	s31 =	simm.s32 $0x2A00  }
0x46: {  	[tilespmem:s31], [sflag:$0x1] =	stream.indirect.gather [hbm4b:s4+s24], $0x80, s3, s24, $0xb8;
	[tilespmem:$0x1CE00] =	vst v63  }
0x47: {  	s19 =	simm.s32 $0x2800;
	s5 =	rddreg [dreg:$0x7]  }
0x48: {  	[tilespmem:s19], [sflag:$0xC] =	stream.linear.gather [hbm4b:s5+s3], $0x28, $0x38;
	[tilespmem:$0x1CE00] =	vst v63  }
0x49: {  	s20 =	simm.s32 $0x3E00  }
0x4a: {  	[tilespmem:s20], [sflag:$0x2] =	stream.indirect.gather [hbm4b:s4+s24], $0x80, s24, s24, $0xb8;
	[tilespmem:$0x1CE00] =	vst v63  }
0x4b: {  	s22 =	simm.s32 $0x2880;
	s21 =	rddreg [dreg:$0x8]  }
0x4c: {  	[tilespmem:s22], [sflag:$0xD] =	stream.linear.gather [hbm4b:s21+s3], $0x28, $0x38;
	[tilespmem:$0x1CE00] =	vst v63  }
0x4d: {  	s23 =	simm.s32 $0x50;
	s25 =	simm.s32 $0x5200  }
0x4e: {  	[tilespmem:s25], [sflag:$0x3] =	stream.indirect.gather [hbm4b:s4+s24], $0x80, s23, s24, $0xb8;
	[tilespmem:$0x1CE00] =	vst v63  }
0x4f: {  	s26 =	rddreg [dreg:$0x9]  }
0x50: {  	[tilespmem:s0], [sflag:$0xE] =	stream.linear.gather [hbm4b:s26+s3], $0x28, $0x38;
	[tilespmem:$0x1CE00] =	vst v63  }
0x51: {  	s28 =	simm.s32 $0x78;
	s31 =	simm.s32 $0x10  }
0x52: {  	[tilespmem:s30], [sflag:$0x4] =	stream.indirect.gather [hbm4b:s4+s24], $0x80, s28, s24, $0xb8;
	[tilespmem:$0x1CE00] =	vst v63  }
0x53: {  	_ =	swait.ge [sflag:s31], $0x2800  }
0x54: {  	[sflag:s31] =	ssyncset.done $0x0  }
0x55: {  	[sflag:s31] =	ssyncadd.s32 $0xFFFFD800  }
0x56: {  	[bflag:$0x0] =	sbarrier.arrive $0xFFFF  }
0x57: {  	s1 =	rddreg [dreg:$0x10]  }
0x58: {  	s20 =	rddreg [dreg:$0xf]  }
0x59: {  	s21 =	rddreg [dreg:$0xe]  }
0x5a: {  	s22 =	rddreg [dreg:$0xd]  }
0x5b: {  	s29 =	simm.s32 $0x0;
	s19 =	rddreg [dreg:$0xc]  }
.LBB2_2:
0x5c: {  	_ =	swait.ge [sflag:s7], $0x1400  }
0x5d: {  	[sflag:s7] =	ssyncset.done $0x0  }
0x5e: {  	[sflag:s7] =	ssyncadd.s32 $0xFFFFEC00  }
0x5f: {  	_ =	swait.ge [sflag:s9], $0x28  }
0x60: {  	s5 =	simm.s32 $0x2780;
	[sflag:s9] =	ssyncset.done $0x0  }
0x61: {  	s23 =	simm.s32 $0x2A00;
	p0 =	seq.s32 s29, $0x0;
	[sflag:s9] =	ssyncadd.s32 $0xFFFFFFD8  }
0x62: {  	[spmem:s2] =	stream.indirect.scatter.add.f32 [tilespmem:s23], [sflag:$0x6], $0x80, s5, s24, $0xb8;
	[tilespmem:$0x1CE00] =	vst v63  }
0x63: {  	s23 =	simm.s32 @!p0 $0xA  }
0x64: {  	_ =	swait.ge @!p0 [sflag:s23], $0x1400  }
0x65: {  	[sflag:s23] =	ssyncset.done @!p0 $0x0  }
0x66: {  	[sflag:s23] =	ssyncadd.s32 @!p0 $0xFFFFEC00;
	s23 =	sshra.s32 s29, $0x2  }
0x67: {  	[tilespmem:s10], [sflag:$0xF] =	stream.linear.gather [hbm4b:s1+s3], $0x28, $0x38;
	[tilespmem:$0x1CE00] =	vst v63  }
0x68: {  	s31 =	sadd.s32 $0xA0, s23  }
0x69: {  	[tilespmem:s11], [sflag:$0x5] =	stream.indirect.gather [hbm4b:s4+s24], $0x80, s31, s24, $0xb8;
	[tilespmem:$0x1CE00] =	vst v63  }
0x6a: {  	_ =	swait.ge [sflag:s8], $0x1400  }
0x6b: {  	[sflag:s8] =	ssyncset.done $0x0  }
0x6c: {  	[sflag:s8] =	ssyncadd.s32 $0xFFFFEC00  }
0x6d: {  	_ =	swait.ge [sflag:s12], $0x28  }
0x6e: {  	[sflag:s12] =	ssyncset.done $0x0  }
0x6f: {  	s25 =	simm.s32 $0x3E00;
	s31 =	simm.s32 $0x2800;
	[sflag:s12] =	ssyncadd.s32 $0xFFFFFFD8  }
0x70: {  	[spmem:s2] =	stream.indirect.scatter.add.f32 [tilespmem:s25], [sflag:$0x7], $0x80, s31, s24, $0xb8;
	[tilespmem:$0x1CE00] =	vst v63  }
0x71: {  	_ =	swait.ge [sflag:s13], $0x1400  }
0x72: {  	p0 =	seq.s32 s29, $0x9920;
	[sflag:s13] =	ssyncset.done $0x0  }
0x73: {  	s31 =	simm.s32 @p0 $0x3;
	[sflag:s13] =	ssyncadd.s32 $0xFFFFEC00  }
0x74: {  	_ =	swait.ge @p0 [sflag:s31], $0x1400  }
0x75: {  	[sflag:s31] =	ssyncset.done @p0 $0x0  }
0x76: {  	[sflag:s31] =	ssyncadd.s32 @p0 $0xFFFFEC00;
	s31 =	simm.s32 @p0 $0xD  }
0x77: {  	_ =	swait.ge @p0 [sflag:s31], $0x28  }
0x78: {  	s26 =	simm.s32 @p0 $0x5200;
	[sflag:s31] =	ssyncset.done @p0 $0x0  }
0x79: {  	s25 =	simm.s32 @p0 $0x2880;
	[sflag:s31] =	ssyncadd.s32 @p0 $0xFFFFFFD8;
	s31 =	simm.s32 @p0 $0x28  }
0x7a: {  	[spmem:s2] =	stream.indirect.scatter.add.f32 @p0 [tilespmem:s26], [sflag:$0x8], $0x80, s25, s31, $0xb8;
	[tilespmem:$0x1CE00] =	vst v63  }
0x7b: {  	s25 =	simm.s32 @p0 $0x7  }
0x7c: {  	_ =	swait.ge @p0 [sflag:s25], $0x1400  }
0x7d: {  	[sflag:s25] =	ssyncset.done @p0 $0x0  }
0x7e: {  	s5 =	rddreg [dreg:$0x3];
	[sflag:s25] =	ssyncadd.s32 @p0 $0xFFFFEC00;
	s25 =	sshrl.u32 @!p0 s19, $0x3  }
0x7f: {  	s26 =	simm.s32 @!p0 $0x0;
	s31 =	simm.s32 @!p0 $0x2780;
	s25 =	sadd.s32 @!p0 s5, s25  }
0x80: {  	[tilespmem:s31], [sflag:$0xB] =	stream.linear.gather @!p0 [hbm4b:s25+s26], $0x28, $0x38;
	[tilespmem:$0x1CE00] =	vst v63  }
0x81: {  	s25 =	sshra.s32 @!p0 s29, $0x2  }
0x82: {  	s28 =	simm.s32 @!p0 $0x28;
	s5 =	simm.s32 @!p0 $0x2A00;
	s31 =	sadd.s32 @!p0 $0xC8, s25  }
0x83: {  	[tilespmem:s5], [sflag:$0x1] =	stream.indirect.gather @!p0 [hbm4b:s4+s28], $0x80, s31, s28, $0xb8;
	[tilespmem:$0x1CE00] =	vst v63  }
0x84: {  	s5 =	simm.s32 @!p0 $0x3  }
0x85: {  	_ =	swait.ge @!p0 [sflag:s5], $0x1400  }
0x86: {  	[sflag:s5] =	ssyncset.done @!p0 $0x0  }
0x87: {  	[sflag:s5] =	ssyncadd.s32 @!p0 $0xFFFFEC00;
	s5 =	simm.s32 @!p0 $0xD  }
0x88: {  	_ =	swait.ge @!p0 [sflag:s5], $0x28  }
0x89: {  	[sflag:s5] =	ssyncset.done @!p0 $0x0  }
0x8a: {  	s31 =	simm.s32 @!p0 $0x5200;
	[sflag:s5] =	ssyncadd.s32 @!p0 $0xFFFFFFD8;
	s5 =	simm.s32 @!p0 $0x2880  }
0x8b: {  	[spmem:s2] =	stream.indirect.scatter.add.f32 @!p0 [tilespmem:s31], [sflag:$0x8], $0x80, s5, s28, $0xb8;
	[tilespmem:$0x1CE00] =	vst v63  }
0x8c: {  	s5 =	simm.s32 @!p0 $0x7  }
0x8d: {  	_ =	swait.ge @!p0 [sflag:s5], $0x1400  }
0x8e: {  	[sflag:s5] =	ssyncset.done @!p0 $0x0  }
0x8f: {  	[sflag:s5] =	ssyncadd.s32 @!p0 $0xFFFFEC00;
	s5 =	simm.s32 @!p0 $0x2800  }
0x90: {  	[tilespmem:s5], [sflag:$0xC] =	stream.linear.gather @!p0 [hbm4b:s22+s26], $0x28, $0x38;
	[tilespmem:$0x1CE00] =	vst v63  }
0x91: {  	s5 =	sadd.s32 @!p0 $0xF0, s25;
	s25 =	simm.s32 @!p0 $0x3E00  }
0x92: {  	[tilespmem:s25], [sflag:$0x2] =	stream.indirect.gather @!p0 [hbm4b:s4+s28], $0x80, s5, s28, $0xb8;
	[tilespmem:$0x1CE00] =	vst v63  }
0x93: {  	_ =	swait.ge [sflag:s6], $0x1400  }
0x94: {  	[sflag:s6] =	ssyncset.done $0x0  }
0x95: {  	[sflag:s6] =	ssyncadd.s32 $0xFFFFEC00  }
0x96: {  	_ =	swait.ge [sflag:s14], $0x28  }
0x97: {  	[sflag:s14] =	ssyncset.done $0x0  }
.Ltmp2:
0x98: {  	[sflag:s14] =	ssyncadd.s32 $0xFFFFFFD8;
	(pc) =	sbr.rel @p0 .LBB2_4-.Ltmp2, $4  }
0x99: {  	[spmem:s2] =	stream.indirect.scatter.add.f32 [tilespmem:s30], [sflag:$0x9], $0x80, s0, s24, $0xb8;
	[tilespmem:$0x1CE00] =	vst v63  }
0x9a: {  	_ =	swait.ge [sflag:s15], $0x1400  }
0x9b: {  	[sflag:s15] =	ssyncset.done $0x0  }
0x9c: {  	[sflag:s15] =	ssyncadd.s32 $0xFFFFEC00  }
0x9d: {  	s5 =	simm.s32 $0x2880  }
0x9e: {  	[tilespmem:s5], [sflag:$0xD] =	stream.linear.gather [hbm4b:s21+s3], $0x28, $0x38;
	[tilespmem:$0x1CE00] =	vst v63  }
0x9f: {  	s28 =	sadd.s32 $0x118, s23;
	s25 =	simm.s32 $0x5200  }
0xa0: {  	[tilespmem:s25], [sflag:$0x3] =	stream.indirect.gather [hbm4b:s4+s24], $0x80, s28, s24, $0xb8;
	[tilespmem:$0x1CE00] =	vst v63  }
0xa1: {  	_ =	swait.ge [sflag:s16], $0x1400  }
0xa2: {  	[sflag:s16] =	ssyncset.done $0x0  }
0xa3: {  	[sflag:s16] =	ssyncadd.s32 $0xFFFFEC00  }
0xa4: {  	_ =	swait.ge [sflag:s17], $0x28  }
0xa5: {  	[sflag:s17] =	ssyncset.done $0x0  }
0xa6: {  	[sflag:s17] =	ssyncadd.s32 $0xFFFFFFD8  }
0xa7: {  	[spmem:s2] =	stream.indirect.scatter.add.f32 [tilespmem:s11], [sflag:$0xA], $0x80, s10, s24, $0xb8;
	[tilespmem:$0x1CE00] =	vst v63  }
0xa8: {  	s31 =	sadd.s32 $0x140, s23;
	_ =	swait.ge [sflag:s18], $0x1400  }
.Ltmp3:
0xa9: {  	s29 =	sadd.s32 $0x320, s29;
	[sflag:s18] =	ssyncset.done $0x0;
	(pc) =	sbr.rel .LBB2_2-.Ltmp3, $4  }
0xaa: {  	s19 =	sadd.s32 $0xC8, s19;
	s22 =	sadd.s32 $0x19, s22;
	[sflag:s18] =	ssyncadd.s32 $0xFFFFEC00  }
0xab: {  	[tilespmem:s0], [sflag:$0xE] =	stream.linear.gather [hbm4b:s20+s3], $0x28, $0x38;
	[tilespmem:$0x1CE00] =	vst v63  }
0xac: {  	s1 =	sadd.s32 $0x19, s1;
	s21 =	sadd.s32 $0x19, s21;
	s20 =	sadd.s32 $0x19, s20  }
0xad: {  	[tilespmem:s30], [sflag:$0x4] =	stream.indirect.gather [hbm4b:s4+s24], $0x80, s31, s24, $0xb8;
	[tilespmem:$0x1CE00] =	vst v63  }
.LBB2_5:
0xae: {  	_ =	sfence.sel $0x180000  }
0xaf: {  	[bflag:$0x0] =	sbarrier.arrive $0xFFFF  }
0xb0: {  	_ =	strace $0x90000047  }
0xb1: {  	s0 =	stileid.u32;
	[bflag:$0x2] =	sbarrier.arrive $0xFFFF  }
0xb2: {  	p0 =	sne.s32 s0, $0x0;
	s0 =	rddreg [dreg:$0x2]  }
0xb3: {  	s0 =	sadd.s32 @!p0 $0x100000, s0  }
0xb4: {  	[sflag:s0] =	ssyncadd.tile.s32 @!p0 $0x1;
	_ =	shalt  }
.Lfunc_end2:
_tile_overlayer_lowered:
.L_overlay_start_2:
0xb5: {  	(tag) =	ssettag $0x2  }
0xb6: {  	s0 =	rddreg [dreg:$0x0];
	s2 =	stileid.u32  }
0xb7: {  	s1 =	rddreg [dreg:$0x1];
	p0 =	sne.s32 s2, $0x0  }
0xb8: {  	s3 =	rddreg [dreg:$0x2];
	[bflag:$0x3] =	sbarrier.arrive $0xFFFF;
	s2 =	simm.s32 @!p0 $0x1C11  }
0xb9: {  	[timem:s3], [sflag:s2] =	dma.local @!p0 [hbm:s0], s1  }
0xba: {  	s0 =	simm.s32 @!p0 $0x11  }
0xbb: {  	_ =	swait.ge @!p0 [sflag:s0], s1  }
0xbc: {  	s1 =	ssub.s32 @!p0 $0x0, s1;
	[sflag:s0] =	ssyncset.done @!p0 $0x0  }
0xbd: {  	[sflag:s0] =	ssyncadd.s32 @!p0 s1  }
0xbe: {  	[bflag:$0x3] =	sbarrier.arrive $0xFFFF  }
0xbf: {  	_ =	shalt  }

// kernel: kernel.21.cloned.1.call-start
scs
__scs_entry_jumppad:
0x0: {  	(pc) =	sbr.rel $0x88, $3  }
0x1: {  	(tag) =	ssettag $0x0;
	lr =	simm.s32 $0x1  }
0x2: {  	[smem:$0x3F93] =	sst lr;
	_ =	strace $0xD0000000  }
0x3: {  	_ = 	snop  }
0x4: {  	_ = 	snop  }
0x5: {  	_ = 	snop  }
0x6: {  	_ = 	snop  }
0x7: {  	_ = 	snop  }
__scs_overlays_trampoline_lowered:
0x8: {  	[smem:$0x3FA2] =	sst s0  }
0x9: {  	[smem:$0x3FA3] =	sst s1  }
0xa: {  	[smem:$0x3FA4] =	sst s2  }
0xb: {  	[smem:$0x3FA5] =	sst s3  }
0xc: {  	[smem:$0x3FA6] =	sst s4  }
0xd: {  	[smem:$0x3FA7] =	sst s5  }
0xe: {  	[smem:$0x3FA8] =	sst s6  }
0xf: {  	[smem:$0x3FA9] =	sst s7  }
0x10: {  	[smem:$0x3FAA] =	sst s8  }
0x11: {  	[smem:$0x3FAB] =	sst s9;
	s0 =	simm.s32 @!p0 $0x0  }
0x12: {  	s1 =	sld [smem:$0x3F91];
	s0 =	simm.s32 @p0 $0x1  }
0x13: {  	[smem:$0x3FAC] =	sst s0;
	s0 =	simm.s32 @!p1 $0x0  }
0x14: {  	s2 =	sld [smem:$0x3F90];
	s0 =	simm.s32 @p1 $0x1  }
0x15: {  	[smem:$0x3FAD] =	sst s0;
	s0 =	simm.s32 @!p2 $0x0  }
0x16: {  	s3 =	sld [smem:$0x3FDB];
	s0 =	simm.s32 @p2 $0x1  }
0x17: {  	s4 =	simm.s32 $0x1BF5;
	[smem:$0x3FAF] =	sst s0  }
0x18: {  	s0 =	sld [smem:$0x3F92];
	_ =	swait.ge [sflag:s4], $0x0  }
0x19: {  	s7 =	sld [smem:$0x3F93]  }
0x1a: {  	s8 =	sadd.s32 $0xFFFFE003, lr  }
0x1b: {  	s9 =	sadd.s32 $0xFFFFFEF7, lr;
	s5 =	simm.s32 $0xFFFFFFFF;
	p2 =	slt.u32 s8, $0xFFFFF086  }
0x1c: {  	p1 =	slt.u32 s9, $0xF7A;
	s5 =	simm.s32 @!p2 $0x0  }
0x1d: {  	s5 =	simm.s32 @p1 $0x1;
	p0 =	seq.s32 s7, s2  }
0x1e: {  	s7 =	smul.u32 @!p0 $0xF7A, s2;
	p2 =	seq.s32 @!p0 s5, $0x0  }
0x1f: {  	s9 =	smul.u32 $0xF7A, s1;
	s8 =	simm.s32 @!p0 $0x1BF5;
	p2 =	por !p2, p0  }
0x20: {  	[sflag:s8] =	ssyncset.s32 @!p0 $0xFFFFF086;
	s6 =	sadd.s32 @!p0 s3, s7;
	s7 =	simm.s32 @!p0 $0x108  }
0x21: {  	s3 =	sadd.s32 s3, s9;
	s6 =	sadd.s32 @!p0 $0x88, s6;
	s7 =	simm.s32 @p2 $0x1082  }
0x22: {  	[simem:s7], [sflag:s8] =	dma.local @!p0 [hbm:s6], $0xF7A  }
0x23: {  	s9 =	sor.u32 $0xD0000000, s2;
	s6 =	simm.s32 $0x108;
	_ =	swait.ge @!p0 [sflag:s8], $0x0  }
0x24: {  	s3 =	sadd.s32 $0x88, s3;
	s6 =	simm.s32 @!p1 $0x1082;
	[sflag:s4] =	ssyncset.s32 $0xFFFFF086  }
0x25: {  	[simem:s6], [sflag:s4] =	dma.local [hbm:s3], $0xF7A  }
0x26: {  	[smem:$0x3F93] =	sst s1;
	(tag) =	ssettag s2;
	_ =	strace s9  }
0x27: {  	s1 =	sld [smem:$0x3FA3]  }
0x28: {  	s2 =	sld [smem:$0x3FA4]  }
0x29: {  	s4 =	sld [smem:$0x3FA6]  }
0x2a: {  	p0 =	seq.s32 s5, $0x0;
	s5 =	sld [smem:$0x3FA7]  }
0x2b: {  	s6 =	sld [smem:$0x3FA8]  }
0x2c: {  	s7 =	sld [smem:$0x3FA9]  }
0x2d: {  	s3 =	simm.s32 $0x108;
	s8 =	sld [smem:$0x3FAA]  }
0x2e: {  	s3 =	simm.s32 @!p0 $0x1082;
	s9 =	sld [smem:$0x3FAB]  }
0x2f: {  	lr =	sadd.s32 s0, s3;
	s0 =	sld [smem:$0x3FA2]  }
0x30: {  	s3 =	sld [smem:$0x3FA5]  }
0x31: {  	[smem:$0x3FAE] =	sst s10  }
0x32: {  	s10 =	sld [smem:$0x3FAC];
	_ =	sdelay $0x3  }
0x33: {  	p0 =	seq.s32 s10, $0x1;
	s10 =	sld [smem:$0x3FAE];
	_ =	sdelay $0x3  }
0x34: {  	[smem:$0x3FAE] =	sst s10  }
0x35: {  	s10 =	sld [smem:$0x3FAD];
	_ =	sdelay $0x3  }
0x36: {  	p1 =	seq.s32 s10, $0x1;
	s10 =	sld [smem:$0x3FAE];
	_ =	sdelay $0x3  }
0x37: {  	[smem:$0x3FAE] =	sst s10  }
0x38: {  	s10 =	sld [smem:$0x3FAF]  }
0x39: {  	_ = 	snop;
	(pc) =	sbr.ind lr, $3  }
0x3a: {  	_ = 	snop  }
0x3b: {  	_ = 	snop  }
0x3c: {  	p2 =	seq.s32 s10, $0x1;
	s10 =	sld [smem:$0x3FAE]  }
0x3d: {  	_ =	shalt  }
0x3e: {  	_ =	shalt  }
0x3f: {  	_ =	shalt  }
0x40: {  	_ =	shalt  }
0x41: {  	_ =	shalt  }
0x42: {  	_ =	shalt  }
0x43: {  	_ =	shalt  }
0x44: {  	_ =	shalt  }
0x45: {  	_ =	shalt  }
0x46: {  	_ =	shalt  }
0x47: {  	_ =	shalt  }
0x48: {  	_ =	shalt  }
0x49: {  	_ =	shalt  }
0x4a: {  	_ =	shalt  }
0x4b: {  	_ =	shalt  }
0x4c: {  	_ =	shalt  }
0x4d: {  	_ =	shalt  }
0x4e: {  	_ =	shalt  }
0x4f: {  	_ =	shalt  }
0x50: {  	_ =	shalt  }
0x51: {  	_ =	shalt  }
0x52: {  	_ =	shalt  }
0x53: {  	_ =	shalt  }
0x54: {  	_ =	shalt  }
0x55: {  	_ =	shalt  }
0x56: {  	_ =	shalt  }
0x57: {  	_ =	shalt  }
0x58: {  	_ =	shalt  }
0x59: {  	_ =	shalt  }
0x5a: {  	_ =	shalt  }
0x5b: {  	_ =	shalt  }
0x5c: {  	_ =	shalt  }
0x5d: {  	_ =	shalt  }
0x5e: {  	_ =	shalt  }
0x5f: {  	_ =	shalt  }
0x60: {  	_ =	shalt  }
0x61: {  	_ =	shalt  }
0x62: {  	_ =	shalt  }
0x63: {  	_ =	shalt  }
0x64: {  	_ =	shalt  }
0x65: {  	_ =	shalt  }
0x66: {  	_ =	shalt  }
0x67: {  	_ =	shalt  }
0x68: {  	_ =	shalt  }
0x69: {  	_ =	shalt  }
0x6a: {  	_ =	shalt  }
0x6b: {  	_ =	shalt  }
0x6c: {  	_ =	shalt  }
0x6d: {  	_ =	shalt  }
0x6e: {  	_ =	shalt  }
0x6f: {  	_ =	shalt  }
0x70: {  	_ =	shalt  }
0x71: {  	_ =	shalt  }
0x72: {  	_ =	shalt  }
0x73: {  	_ =	shalt  }
0x74: {  	_ =	shalt  }
0x75: {  	_ =	shalt  }
0x76: {  	_ =	shalt  }
0x77: {  	_ =	shalt  }
0x78: {  	_ =	shalt  }
0x79: {  	_ =	shalt  }
0x7a: {  	_ =	shalt  }
0x7b: {  	_ =	shalt  }
0x7c: {  	_ =	shalt  }
0x7d: {  	_ =	shalt  }
0x7e: {  	_ =	shalt  }
0x7f: {  	_ =	shalt  }
0x80: {  	_ =	shalt  }
0x81: {  	_ =	shalt  }
0x82: {  	_ =	shalt  }
0x83: {  	_ =	shalt  }
0x84: {  	_ =	shalt  }
0x85: {  	_ =	shalt  }
0x86: {  	_ =	shalt  }
0x87: {  	_ =	shalt  }
.Lfunc_end0:
.L_simem_size_0:
called_computation.2_lowered:
.L_overlay_start_0:
0x88: {  	s2 =	sld [smem:$0x3FD9]  }
0x89: {  	s3 =	sld [smem:$0x3FFE];
	_ =	sdelay $0x1  }
0x8a: {  	s1 =	srdreg.scid  }
0x8b: {  	s0 =	sand.u32 $0x1, s1  }
0x8c: {  	s17 =	sshll.u32 s0, $0xA;
	s2 =	sadd.s32 s3, s2  }
0x8d: {  	s2 =	sadd.s32 s2, s17  }
0x8e: {  	[smem:$0x3FBA] =	sst s2  }
0x8f: {  	_ = 	snop  }
0x90: {  	(tm) =	ssettm $0x1  }
0x91: {  	s18 =	sld [smem:$0x3FFB];
	_ =	sdelay $0x3  }
0x92: {  	_ =	strace s18  }
0x93: {  	s2 =	sld [smem:$0x3FFC];
	_ =	sdelay $0x3  }
0x94: {  	_ =	strace s2  }
0x95: {  	s2 =	sld [smem:$0x3FFD];
	_ =	sdelay $0x3  }
0x96: {  	_ =	strace s2  }
0x97: {  	_ =	strace $0x8FFFFFFF  }
0x98: {  	s19 =	sld [smem:$0x3FDB];
	_ =	sdelay $0x1  }
0x99: {  	s20 =	simm.s32 $_scs_section_size  }
0x9a: {  	s4 =	simm.s32 $_size__tile_overlayer_lowered;
	s5 =	simm.s32 $_tile_overlayer_lowered  }
0x9b: {  	s6 =	simm.s32 $0x1BFF;
	s21 =	sshll.u32 s5, $0x1;
	s3 =	sadd.s32 s20, s19  }
0x9c: {  	s22 =	simm.s32 $0x0;
	s4 =	sshll.u32 s4, $0x1;
	s5 =	sadd.s32 s21, s3  }
0x9d: {  	[timem:s22], [sflag:s6] =	dma.local [hbm:s5], s4  }
0x9e: {  	_ =	swait.ge [sflag:s6], s4  }
0x9f: {  	s4 =	ssub.s32 $0x0, s4;
	[sflag:s6] =	ssyncset.done $0x0  }
0xa0: {  	[sflag:s6] =	ssyncadd.s32 s4;
	_ =	sdelay $0x1  }
0xa1: {  	s23 =	simm.s32 $0x1B8B  }
0xa2: {  	_ =	swait.ge [sflag:s23], $0x1  }
0xa3: {  	[sflag:s23] =	ssyncset.done $0x0  }
0xa4: {  	[sflag:s23] =	ssyncadd.s32 $0xFFFFFFFF  }
0xa5: {  	s4 =	sld [smem:$0x0]  }
0xa6: {  	s5 =	sand.u32 $0xFFFFFFFE, s1  }
0xa7: {  	p0 =	sne.s32 s1, s5  }
0xa8: {  	s5 =	sshll.u32 @p0 s5, $0xE  }
0xa9: {  	s5 =	sadd.s32 @p0 $0x11B8D, s5;
	s6 =	sshll.u32 @p0 s4, $0x11  }
0xaa: {  	s5 =	sor.u32 @p0 s6, s5  }
0xab: {  	[sflag:s5] =	ssyncadd.remote.s32 @p0 $0x1;
	_ =	sdelay $0x1  }
0xac: {  	s5 =	simm.s32 @p0 $0x1B8D  }
0xad: {  	_ =	swait.eq @p0 [sflag:s5], $0x1  }
0xae: {  	[sflag:s5] =	ssyncadd.s32 @p0 $0xFFFFFFFF  }
0xaf: {  	s6 =	sshll.u32 @!p0 s1, $0xE  }
0xb0: {  	s6 =	sor.u32 @!p0 $0x4000, s6;
	s5 =	simm.s32 @!p0 $0x1B8D  }
0xb1: {  	s4 =	sshll.u32 @!p0 s4, $0x11;
	s6 =	sadd.s32 @!p0 $0x11B8D, s6;
	_ =	swait.eq @!p0 [sflag:s5], $0x1  }
0xb2: {  	s4 =	sor.u32 @!p0 s4, s6;
	[sflag:s5] =	ssyncadd.s32 @!p0 $0xFFFFFFFF  }
0xb3: {  	s25 =	simm.s32 $0x1B8E;
	s24 =	sld [smem:$0x3FFE];
	[sflag:s4] =	ssyncadd.remote.s32 @!p0 $0x1  }
0xb4: {  	s26 =	simm.s32 $execute0_lowered;
	[smem:$0x3FD2] =	sst s25  }
0xb5: {  	s5 =	sshll.u32 s26, $0x1;
	_ =	strace $0x8000004F;
	[dreg:$0x1] =	wrdreg $0xFFFFFFFF  }
0xb6: {  	s28 =	simm.s32 $_size_execute0_lowered;
	s3 =	sadd.s32 s3, s5;
	[dreg:$0x0] =	wrdreg $0x0  }
0xb7: {  	s5 =	sshll.u32 s28, $0x1;
	[dreg:$0x2] =	wrdreg s3  }
0xb8: {  	[dreg:$0x3] =	wrdreg s5  }
0xb9: {  	[dreg:$0x4] =	wrdreg $0xC0  }
0xba: {  	_ =	task [dreg:s22], $0x5FFFF  }
0xbb: {  	[dreg:$0x1] =	wrdreg $0xFFFFFFFF  }
0xbc: {  	[dreg:$0x0] =	wrdreg $0x60  }
0xbd: {  	[dreg:$0x2] =	wrdreg s24  }
0xbe: {  	[dreg:$0x3] =	wrdreg $0xB5000  }
0xbf: {  	[dreg:$0x4] =	wrdreg $0x9  }
0xc0: {  	_ =	task.clear_ibuf [dreg:s22], $0x5FFFF;
	_ =	strace $0x9000004F  }
0xc1: {  	s29 =	simm.s32 $0x9;
	_ =	strace $0x80000051  }
0xc2: {  	_ =	swait.ge [sflag:s29], $0x1  }
0xc3: {  	[sflag:s29] =	ssyncadd.s32 $0xFFFFFFFF  }
0xc4: {  	_ =	strace $0x90000051  }
0xc5: {  	_ =	sfence  }
0xc6: {  	s30 =	sld [smem:$0x0];
	_ =	sdelay $0x2  }
0xc7: {  	s31 =	sshll.u32 s1, $0xD;
	s1 =	sshrl.u32 s1, $0x2  }
0xc8: {  	s4 =	sand.u32 $0x4000, s31;
	s1 =	sadd.s32 s1, s30  }
0xc9: {  	s0 =	sor.u32 s4, s0;
	s1 =	sshll.u32 s1, $0x11  }
0xca: {  	s0 =	sor.u32 s1, s0  }
0xcb: {  	s0 =	sadd.s32 $0x8F2B, s0  }
0xcc: {  	[sflag:s0] =	ssyncadd.remote.s32 $0x1  }
0xcd: {  	_ =	sfence.sel $0xFFFF  }
0xce: {  	[dreg:$0x0] =	wrdreg $0xFFFFFFFF;
	(pc) =	sbr.abs _section_cstart, $3  }
0xcf: {  	[dreg:$0x1] =	wrdreg $0xFFFFFFFF  }
0xd0: {  	_ =	task.clear_ibuf [dreg:s22], $0x2FFFF;
	_ =	strace $0x9FFFFFFF  }
0xd1: {  	(tm) =	ssettm $0x7FFFFFFF  }
tec
execute0_lowered:
.L_overlay_start_1:
0x0: {  	(tag) =	ssettag $0x1  }
0x1: {  	s0 =	srdreg.scid;
	s1 =	rddreg [dreg:$0x0]  }
0x2: {  	s11 =	stileid.u32;
	s2 =	rddreg [dreg:$0x1];
	s3 =	simm.s32 $0x0  }
0x3: {  	s17 =	simm.s32 $0x11;
	s19 =	simm.s32 $0x28;
	s20 =	simm.s32 $0x5100  }
0x4: {  	s29 =	simm.s32 $0x8D00;
	s31 =	simm.s32 $0x1;
	s5 =	smul.u32 $0x4E20, s11  }
0x5: {  	s28 =	simm.s32 $0x2;
	s12 =	simm.s32 $0xF;
	s8 =	smul.u32 $0x280, s11  }
0x6: {  	s14 =	simm.s32 $0x0;
	s0 =	sand.u32 $0x1, s0;
	s21 =	smul.u32 $0x50000, s11  }
0x7: {  	[smem:$0x7FF] =	sst s3;
	s9 =	sadd.s32 $0xC4000, s1;
	s30 =	smul.u32 $0x9C4, s11  }
0x8: {  	s22 =	sshll.u32 s11, $0x6;
	s11 =	simm.s32 $0x5;
	s4 =	smul.u32 $0x4E200, s0  }
0x9: {  	s6 =	smul.u32 $0x2800, s0;
	_ =	strace $0x80000050;
	s0 =	ssub.s32 $0x2, s0  }
0xa: {  	[dreg:$0x3] =	wrdreg s22;
	s23 =	sor.u32 $0x1C10, s22;
	s22 =	simm.s32 $0x6500  }
0xb: {  	s10 =	sshrl.u32 s0, $0x1;
	[dreg:$0x5] =	wrdreg s23;
	s24 =	sadd.s32 $0x28, s5  }
0xc: {  	s25 =	sshrl.u32 s5, $0x3;
	s15 =	sadd.s32 s30, s9;
	s7 =	sadd.s32 s5, s4  }
0xd: {  	s4 =	sadd.s32 $0xCDE00, s1;
	s6 =	sadd.s32 s8, s6;
	s8 =	sshrl.u32 s21, $0x2  }
0xe: {  	s0 =	ssub.s32 s0, s10;
	s5 =	sadd.s32 $0x78, s5;
	s21 =	simm.s32 $0x4F00  }
0xf: {  	s10 =	simm.s32 $0x8;
	s7 =	sshrl.u32 s7, $0x3;
	s6 =	sshll.u32 s6, $0x4  }
0x10: {  	s8 =	sadd.s32 s8, s2;
	s5 =	sshrl.u32 s5, $0x3;
	s0 =	smax.u32 s0, $0x1  }
0x11: {  	s7 =	sadd.s32 s7, s1;
	s1 =	sadd.s32 s6, s1;
	s6 =	sadd.s32 s4, s6  }
0x12: {  	s5 =	sadd.s32 s9, s5;
	[dreg:$0xc] =	wrdreg s0;
	s16 =	sshrl.u32 s8, $0x3  }
0x13: {  	s0 =	simm.s32 $0x5080;
	s8 =	simm.s32 $0x4;
	[dreg:$0x4] =	wrdreg s6  }
0x14: {  	s7 =	sadd.s32 $0x17A00, s7;
	s6 =	sshrl.u32 s24, $0x3;
	[dreg:$0xa] =	wrdreg s5  }
0x15: {  	s1 =	sadd.s32 $0x181800, s1;
	s24 =	simm.s32 $0xA100;
	[dreg:$0xd] =	wrdreg s16  }
.Ltmp0:
0x16: {  	s5 =	simm.s32 $0xE;
	[dreg:$0x6] =	wrdreg s7;
	(pc) =	sbr.rel .LBB2_1-.Ltmp0, $4  }
0x17: {  	s7 =	sadd.s32 s9, s25;
	s6 =	sadd.s32 s9, s6;
	[dreg:$0xb] =	wrdreg s1  }
0x18: {  	s1 =	simm.s32 $0xB;
	s9 =	simm.s32 $0x9;
	[dreg:$0x8] =	wrdreg s6  }
0x19: {  	[dreg:$0x7] =	wrdreg s7;
	s26 =	sadd.s32 $0xA, s7;
	s6 =	simm.s32 $0xC  }
0x1a: {  	s7 =	simm.s32 $0x6;
	[dreg:$0x9] =	wrdreg s26;
	s26 =	simm.s32 $0x5000  }
.LBB2_4:
0x1b: {  	_ =	swait.ge [sflag:s11], $0x1400  }
0x1c: {  	[sflag:s11] =	ssyncset.done $0x0  }
0x1d: {  	[sflag:s11] =	ssyncadd.s32 $0xFFFFEC00  }
0x1e: {  	_ =	swait.ge [sflag:s12], $0x28  }
0x1f: {  	[sflag:s12] =	ssyncset.done $0x0  }
0x20: {  	[sflag:s12] =	ssyncadd.s32 $0xFFFFFFD8  }
0x21: {  	[spmem:s2] =	stream.indirect.scatter.add.f32 [tilespmem:s24], [sflag:$0xA], $0x80, s0, s19, $0xb8;
	[tilespmem:$0x1F500] =	vst v63  }
0x22: {  	_ =	swait.ge [sflag:s9], $0x1400  }
0x23: {  	[sflag:s9] =	ssyncset.done $0x0  }
0x24: {  	s13 =	simm.s32 $0xA;
	[sflag:s9] =	ssyncadd.s32 $0xFFFFEC00  }
0x25: {  	_ =	swait.ge [sflag:s13], $0x1400  }
0x26: {  	[sflag:s13] =	ssyncset.done $0x0  }
0x27: {  	[sflag:s13] =	ssyncadd.s32 $0xFFFFEC00  }
0x28: {  	[bflag:$0x0] =	sbarrier.arrive $0xFFFF  }
0x29: {  	s23 =	rddreg [dreg:$0x3]  }
0x2a: {  	s14 =	rddreg [dreg:$0xb]  }
0x2b: {  	s17 =	simm.s32 $0x11;
	s16 =	rddreg [dreg:$0xd];
	s13 =	sor.u32 $0x1C11, s23  }
0x2c: {  	[hbm:s14], [sflag:s13] =	dma.local [spmem:s16], $0x2800  }
0x2d: {  	_ =	swait.ge [sflag:s17], $0x2800  }
0x2e: {  	s25 =	rddreg [dreg:$0xe]  }
0x2f: {  	s30 =	rddreg [dreg:$0xc];
	s14 =	sadd.s32 $0x1, s25  }
0x30: {  	p0 =	sne.s32 s14, s30  }
.Ltmp1:
0x31: {  	_ = 	snop;
	(pc) =	sbr.rel @!p0 .LBB2_5-.Ltmp1, $3  }
0x32: {  	_ =	sdelay $0x1  }
0x33: {  	[sflag:s17] =	ssyncset.done $0x0  }
0x34: {  	[sflag:s17] =	ssyncadd.s32 $0xFFFFD800  }
.LBB2_1:
0x35: {  	[dreg:$0xe] =	wrdreg s14  }
0x36: {  	s13 =	rddreg [dreg:$0x4]  }
0x37: {  	s25 =	rddreg [dreg:$0x5]  }
0x38: {  	[spmem:s16], [sflag:s25] =	dma.local [hbm:s13], $0x2800  }
0x39: {  	s13 =	rddreg [dreg:$0x6]  }
0x3a: {  	[tilespmem:s3], [sflag:$0x11] =	stream.linear.gather [hbm4b:s13+s3], $0x4E20, $0x38;
	[tilespmem:$0x1F500] =	vst v63  }
0x3b: {  	_ =	swait.ge [sflag:s17], $0x4E20  }
0x3c: {  	[sflag:s17] =	ssyncset.done $0x0  }
0x3d: {  	s16 =	rddreg [dreg:$0x7];
	[sflag:s17] =	ssyncadd.s32 $0xFFFFB1E0;
	s17 =	simm.s32 $0x4E80  }
0x3e: {  	[tilespmem:s17], [sflag:$0xB] =	stream.linear.gather [hbm4b:s16+s3], $0x28, $0x38;
	[tilespmem:$0x1F500] =	vst v63  }
0x3f: {  	_ = 	snop  }
0x40: {  	[tilespmem:s20], [sflag:$0x1] =	stream.indirect.gather [hbm4b:s4+s19], $0x80, s3, s19, $0xb8;
	[tilespmem:$0x1F500] =	vst v63  }
0x41: {  	s18 =	rddreg [dreg:$0x8]  }
0x42: {  	[tilespmem:s21], [sflag:$0xC] =	stream.linear.gather [hbm4b:s18+s3], $0x28, $0x38;
	[tilespmem:$0x1F500] =	vst v63  }
0x43: {  	_ = 	snop  }
0x44: {  	[tilespmem:s22], [sflag:$0x2] =	stream.indirect.gather [hbm4b:s4+s19], $0x80, s19, s19, $0xb8;
	[tilespmem:$0x1F500] =	vst v63  }
0x45: {  	s25 =	simm.s32 $0x4F80;
	s23 =	rddreg [dreg:$0x9]  }
0x46: {  	[tilespmem:s25], [sflag:$0xD] =	stream.linear.gather [hbm4b:s23+s3], $0x28, $0x38;
	[tilespmem:$0x1F500] =	vst v63  }
0x47: {  	s16 =	simm.s32 $0x50;
	s17 =	simm.s32 $0x7900  }
0x48: {  	[tilespmem:s17], [sflag:$0x3] =	stream.indirect.gather [hbm4b:s4+s19], $0x80, s16, s19, $0xb8;
	[tilespmem:$0x1F500] =	vst v63  }
0x49: {  	s18 =	rddreg [dreg:$0xa]  }
0x4a: {  	[tilespmem:s26], [sflag:$0xE] =	stream.linear.gather [hbm4b:s18+s3], $0x28, $0x38;
	[tilespmem:$0x1F500] =	vst v63  }
0x4b: {  	s23 =	simm.s32 $0x78;
	s25 =	simm.s32 $0x10  }
0x4c: {  	[tilespmem:s29], [sflag:$0x4] =	stream.indirect.gather [hbm4b:s4+s19], $0x80, s23, s19, $0xb8;
	[tilespmem:$0x1F500] =	vst v63  }
0x4d: {  	_ =	swait.ge [sflag:s25], $0x2800  }
0x4e: {  	[sflag:s25] =	ssyncset.done $0x0  }
0x4f: {  	[sflag:s25] =	ssyncadd.s32 $0xFFFFD800  }
0x50: {  	s30 =	simm.s32 $0x140;
	s13 =	simm.s32 $0x0;
	[bflag:$0x0] =	sbarrier.arrive $0xFFFF  }
.LBB2_2:
0x51: {  	_ =	swait.ge [sflag:s31], $0x1400  }
0x52: {  	[sflag:s31] =	ssyncset.done $0x0  }
0x53: {  	[sflag:s31] =	ssyncadd.s32 $0xFFFFEC00  }
0x54: {  	_ =	swait.ge [sflag:s1], $0x28  }
0x55: {  	p0 =	seq.s32 s13, $0x0;
	[sflag:s1] =	ssyncset.done $0x0  }
0x56: {  	s14 =	simm.s32 $0x4E80;
	s17 =	simm.s32 @!p0 $0xA;
	[sflag:s1] =	ssyncadd.s32 $0xFFFFFFD8  }
0x57: {  	[spmem:s2] =	stream.indirect.scatter.add.f32 [tilespmem:s20], [sflag:$0x6], $0x80, s14, s19, $0xb8;
	[tilespmem:$0x1F500] =	vst v63  }
0x58: {  	_ =	swait.ge @!p0 [sflag:s17], $0x1400  }
0x59: {  	s16 =	sadd.s32 s13, s15;
	[sflag:s17] =	ssyncset.done @!p0 $0x0  }
0x5a: {  	s23 =	sadd.s32 $0x14, s16;
	[sflag:s17] =	ssyncadd.s32 @!p0 $0xFFFFEC00  }
0x5b: {  	[tilespmem:s0], [sflag:$0xF] =	stream.linear.gather [hbm4b:s23+s3], $0x28, $0x38;
	[tilespmem:$0x1F500] =	vst v63  }
0x5c: {  	s25 =	sadd.s32 $0xFFFFFF60, s30  }
0x5d: {  	[tilespmem:s24], [sflag:$0x5] =	stream.indirect.gather [hbm4b:s4+s19], $0x80, s25, s19, $0xb8;
	[tilespmem:$0x1F500] =	vst v63  }
0x5e: {  	_ =	swait.ge [sflag:s28], $0x1400  }
0x5f: {  	[sflag:s28] =	ssyncset.done $0x0  }
0x60: {  	[sflag:s28] =	ssyncadd.s32 $0xFFFFEC00  }
0x61: {  	_ =	swait.ge [sflag:s6], $0x28  }
0x62: {  	[sflag:s6] =	ssyncset.done $0x0  }
0x63: {  	[sflag:s6] =	ssyncadd.s32 $0xFFFFFFD8  }
0x64: {  	[spmem:s2] =	stream.indirect.scatter.add.f32 [tilespmem:s22], [sflag:$0x7], $0x80, s21, s19, $0xb8;
	[tilespmem:$0x1F500] =	vst v63  }
0x65: {  	_ =	swait.ge [sflag:s7], $0x1400  }
0x66: {  	p0 =	seq.s32 s13, $0x9AB;
	[sflag:s7] =	ssyncset.done $0x0  }
0x67: {  	s17 =	simm.s32 @p0 $0x3;
	[sflag:s7] =	ssyncadd.s32 $0xFFFFEC00  }
0x68: {  	_ =	swait.ge @p0 [sflag:s17], $0x1400  }
0x69: {  	[sflag:s17] =	ssyncset.done @p0 $0x0  }
0x6a: {  	[sflag:s17] =	ssyncadd.s32 @p0 $0xFFFFEC00;
	s17 =	simm.s32 @p0 $0xD  }
0x6b: {  	_ =	swait.ge @p0 [sflag:s17], $0x28  }
0x6c: {  	s14 =	simm.s32 @p0 $0x4F80;
	[sflag:s17] =	ssyncset.done @p0 $0x0  }
0x6d: {  	s23 =	simm.s32 @p0 $0x7900;
	[sflag:s17] =	ssyncadd.s32 @p0 $0xFFFFFFD8;
	s17 =	simm.s32 @p0 $0x28  }
0x6e: {  	[spmem:s2] =	stream.indirect.scatter.add.f32 @p0 [tilespmem:s23], [sflag:$0x8], $0x80, s14, s17, $0xb8;
	[tilespmem:$0x1F500] =	vst v63  }
0x6f: {  	s14 =	simm.s32 @p0 $0x7  }
0x70: {  	_ =	swait.ge @p0 [sflag:s14], $0x1400  }
0x71: {  	[sflag:s14] =	ssyncset.done @p0 $0x0  }
0x72: {  	[sflag:s14] =	ssyncadd.s32 @p0 $0xFFFFEC00;
	s14 =	sadd.s32 @!p0 s13, s15  }
0x73: {  	s18 =	simm.s32 @!p0 $0x4E80;
	s23 =	simm.s32 @!p0 $0x0;
	s17 =	sadd.s32 @!p0 $0x19, s14  }
0x74: {  	[tilespmem:s18], [sflag:$0xB] =	stream.linear.gather @!p0 [hbm4b:s17+s23], $0x28, $0x38;
	[tilespmem:$0x1F500] =	vst v63  }
0x75: {  	s25 =	simm.s32 @!p0 $0x5100;
	s17 =	sadd.s32 @!p0 $0xFFFFFF88, s30;
	s18 =	simm.s32 @!p0 $0x28  }
0x76: {  	[tilespmem:s25], [sflag:$0x1] =	stream.indirect.gather @!p0 [hbm4b:s4+s18], $0x80, s17, s18, $0xb8;
	[tilespmem:$0x1F500] =	vst v63  }
0x77: {  	s17 =	simm.s32 @!p0 $0x3  }
0x78: {  	_ =	swait.ge @!p0 [sflag:s17], $0x1400  }
0x79: {  	[sflag:s17] =	ssyncset.done @!p0 $0x0  }
0x7a: {  	[sflag:s17] =	ssyncadd.s32 @!p0 $0xFFFFEC00;
	s17 =	simm.s32 @!p0 $0xD  }
0x7b: {  	_ =	swait.ge @!p0 [sflag:s17], $0x28  }
0x7c: {  	[sflag:s17] =	ssyncset.done @!p0 $0x0  }
0x7d: {  	s25 =	simm.s32 @!p0 $0x7900;
	[sflag:s17] =	ssyncadd.s32 @!p0 $0xFFFFFFD8;
	s17 =	simm.s32 @!p0 $0x4F80  }
0x7e: {  	[spmem:s2] =	stream.indirect.scatter.add.f32 @!p0 [tilespmem:s25], [sflag:$0x8], $0x80, s17, s18, $0xb8;
	[tilespmem:$0x1F500] =	vst v63  }
0x7f: {  	s17 =	simm.s32 @!p0 $0x7  }
0x80: {  	_ =	swait.ge @!p0 [sflag:s17], $0x1400  }
0x81: {  	[sflag:s17] =	ssyncset.done @!p0 $0x0  }
0x82: {  	s14 =	sadd.s32 @!p0 $0x1E, s14;
	[sflag:s17] =	ssyncadd.s32 @!p0 $0xFFFFEC00;
	s17 =	simm.s32 @!p0 $0x4F00  }
0x83: {  	[tilespmem:s17], [sflag:$0xC] =	stream.linear.gather @!p0 [hbm4b:s14+s23], $0x28, $0x38;
	[tilespmem:$0x1F500] =	vst v63  }
0x84: {  	s14 =	sadd.s32 @!p0 $0xFFFFFFB0, s30;
	s17 =	simm.s32 @!p0 $0x6500  }
0x85: {  	[tilespmem:s17], [sflag:$0x2] =	stream.indirect.gather @!p0 [hbm4b:s4+s18], $0x80, s14, s18, $0xb8;
	[tilespmem:$0x1F500] =	vst v63  }
0x86: {  	_ =	swait.ge [sflag:s8], $0x1400  }
0x87: {  	[sflag:s8] =	ssyncset.done $0x0  }
0x88: {  	[sflag:s8] =	ssyncadd.s32 $0xFFFFEC00  }
0x89: {  	_ =	swait.ge [sflag:s5], $0x28  }
0x8a: {  	[sflag:s5] =	ssyncset.done $0x0  }
.Ltmp2:
0x8b: {  	[sflag:s5] =	ssyncadd.s32 $0xFFFFFFD8;
	(pc) =	sbr.rel @p0 .LBB2_4-.Ltmp2, $4  }
0x8c: {  	[spmem:s2] =	stream.indirect.scatter.add.f32 [tilespmem:s29], [sflag:$0x9], $0x80, s26, s19, $0xb8;
	[tilespmem:$0x1F500] =	vst v63  }
0x8d: {  	_ =	swait.ge [sflag:s10], $0x1400  }
0x8e: {  	[sflag:s10] =	ssyncset.done $0x0  }
0x8f: {  	[sflag:s10] =	ssyncadd.s32 $0xFFFFEC00  }
0x90: {  	s14 =	sadd.s32 $0x23, s16;
	s17 =	simm.s32 $0x4F80  }
0x91: {  	[tilespmem:s17], [sflag:$0xD] =	stream.linear.gather [hbm4b:s14+s3], $0x28, $0x38;
	[tilespmem:$0x1F500] =	vst v63  }
0x92: {  	s18 =	sadd.s32 $0xFFFFFFD8, s30;
	s23 =	simm.s32 $0x7900  }
0x93: {  	[tilespmem:s23], [sflag:$0x3] =	stream.indirect.gather [hbm4b:s4+s19], $0x80, s18, s19, $0xb8;
	[tilespmem:$0x1F500] =	vst v63  }
0x94: {  	_ =	swait.ge [sflag:s11], $0x1400  }
0x95: {  	[sflag:s11] =	ssyncset.done $0x0  }
0x96: {  	[sflag:s11] =	ssyncadd.s32 $0xFFFFEC00  }
0x97: {  	_ =	swait.ge [sflag:s12], $0x28  }
0x98: {  	[sflag:s12] =	ssyncset.done $0x0  }
0x99: {  	[sflag:s12] =	ssyncadd.s32 $0xFFFFFFD8  }
0x9a: {  	[spmem:s2] =	stream.indirect.scatter.add.f32 [tilespmem:s24], [sflag:$0xA], $0x80, s0, s19, $0xb8;
	[tilespmem:$0x1F500] =	vst v63  }
0x9b: {  	_ =	swait.ge [sflag:s9], $0x1400  }
0x9c: {  	[sflag:s9] =	ssyncset.done $0x0  }
.Ltmp3:
0x9d: {  	s25 =	sadd.s32 $0x28, s16;
	[sflag:s9] =	ssyncadd.s32 $0xFFFFEC00;
	(pc) =	sbr.rel .LBB2_2-.Ltmp3, $4  }
0x9e: {  	[tilespmem:s26], [sflag:$0xE] =	stream.linear.gather [hbm4b:s25+s3], $0x28, $0x38;
	[tilespmem:$0x1F500] =	vst v63  }
0x9f: {  	_ = 	snop  }
0xa0: {  	[tilespmem:s29], [sflag:$0x4] =	stream.indirect.gather [hbm4b:s4+s19], $0x80, s30, s19, $0xb8;
	[tilespmem:$0x1F500] =	vst v63  }
0xa1: {  	s13 =	sadd.s32 $0x19, s13;
	s30 =	sadd.s32 $0xC8, s30  }
.LBB2_5:
0xa2: {  	_ =	sfence.sel $0x180000  }
0xa3: {  	[bflag:$0x0] =	sbarrier.arrive $0xFFFF  }
0xa4: {  	_ =	strace $0x90000050  }
0xa5: {  	s0 =	stileid.u32;
	[bflag:$0x2] =	sbarrier.arrive $0xFFFF  }
0xa6: {  	p0 =	sne.s32 s0, $0x0;
	s0 =	rddreg [dreg:$0x2]  }
0xa7: {  	s0 =	sadd.s32 @!p0 $0x100000, s0  }
0xa8: {  	[sflag:s0] =	ssyncadd.tile.s32 @!p0 $0x1;
	_ =	shalt  }
.Lfunc_end2:
_tile_overlayer_lowered:
.L_overlay_start_2:
0xa9: {  	(tag) =	ssettag $0x2  }
0xaa: {  	s0 =	rddreg [dreg:$0x0];
	s2 =	stileid.u32  }
0xab: {  	s1 =	rddreg [dreg:$0x1];
	p0 =	sne.s32 s2, $0x0  }
0xac: {  	s3 =	rddreg [dreg:$0x2];
	[bflag:$0x3] =	sbarrier.arrive $0xFFFF;
	s2 =	simm.s32 @!p0 $0x1C11  }
0xad: {  	[timem:s3], [sflag:s2] =	dma.local @!p0 [hbm:s0], s1  }
0xae: {  	s0 =	simm.s32 @!p0 $0x11  }
0xaf: {  	_ =	swait.ge @!p0 [sflag:s0], s1  }
0xb0: {  	s1 =	ssub.s32 @!p0 $0x0, s1;
	[sflag:s0] =	ssyncset.done @!p0 $0x0  }
0xb1: {  	[sflag:s0] =	ssyncadd.s32 @!p0 s1  }
0xb2: {  	[bflag:$0x3] =	sbarrier.arrive $0xFFFF  }
0xb3: {  	_ =	shalt  }

// kernel: kernel.24.cloned.1.call-start
scs
__scs_entry_jumppad:
0x0: {  	(pc) =	sbr.rel $0x88, $3  }
0x1: {  	(tag) =	ssettag $0x0;
	lr =	simm.s32 $0x1  }
0x2: {  	[smem:$0x3F93] =	sst lr;
	_ =	strace $0xD0000000  }
0x3: {  	_ = 	snop  }
0x4: {  	_ = 	snop  }
0x5: {  	_ = 	snop  }
0x6: {  	_ = 	snop  }
0x7: {  	_ = 	snop  }
__scs_overlays_trampoline_lowered:
0x8: {  	[smem:$0x3FA2] =	sst s0  }
0x9: {  	[smem:$0x3FA3] =	sst s1  }
0xa: {  	[smem:$0x3FA4] =	sst s2  }
0xb: {  	[smem:$0x3FA5] =	sst s3  }
0xc: {  	[smem:$0x3FA6] =	sst s4  }
0xd: {  	[smem:$0x3FA7] =	sst s5  }
0xe: {  	[smem:$0x3FA8] =	sst s6  }
0xf: {  	[smem:$0x3FA9] =	sst s7  }
0x10: {  	[smem:$0x3FAA] =	sst s8  }
0x11: {  	[smem:$0x3FAB] =	sst s9;
	s0 =	simm.s32 @!p0 $0x0  }
0x12: {  	s1 =	sld [smem:$0x3F91];
	s0 =	simm.s32 @p0 $0x1  }
0x13: {  	[smem:$0x3FAC] =	sst s0;
	s0 =	simm.s32 @!p1 $0x0  }
0x14: {  	s2 =	sld [smem:$0x3F90];
	s0 =	simm.s32 @p1 $0x1  }
0x15: {  	[smem:$0x3FAD] =	sst s0;
	s0 =	simm.s32 @!p2 $0x0  }
0x16: {  	s3 =	sld [smem:$0x3FDB];
	s0 =	simm.s32 @p2 $0x1  }
0x17: {  	s4 =	simm.s32 $0x1BF5;
	[smem:$0x3FAF] =	sst s0  }
0x18: {  	s0 =	sld [smem:$0x3F92];
	_ =	swait.ge [sflag:s4], $0x0  }
0x19: {  	s7 =	sld [smem:$0x3F93]  }
0x1a: {  	s8 =	sadd.s32 $0xFFFFE003, lr  }
0x1b: {  	s9 =	sadd.s32 $0xFFFFFEF7, lr;
	s5 =	simm.s32 $0xFFFFFFFF;
	p2 =	slt.u32 s8, $0xFFFFF086  }
0x1c: {  	p1 =	slt.u32 s9, $0xF7A;
	s5 =	simm.s32 @!p2 $0x0  }
0x1d: {  	s5 =	simm.s32 @p1 $0x1;
	p0 =	seq.s32 s7, s2  }
0x1e: {  	s7 =	smul.u32 @!p0 $0xF7A, s2;
	p2 =	seq.s32 @!p0 s5, $0x0  }
0x1f: {  	s9 =	smul.u32 $0xF7A, s1;
	s8 =	simm.s32 @!p0 $0x1BF5;
	p2 =	por !p2, p0  }
0x20: {  	[sflag:s8] =	ssyncset.s32 @!p0 $0xFFFFF086;
	s6 =	sadd.s32 @!p0 s3, s7;
	s7 =	simm.s32 @!p0 $0x108  }
0x21: {  	s3 =	sadd.s32 s3, s9;
	s6 =	sadd.s32 @!p0 $0x88, s6;
	s7 =	simm.s32 @p2 $0x1082  }
0x22: {  	[simem:s7], [sflag:s8] =	dma.local @!p0 [hbm:s6], $0xF7A  }
0x23: {  	s9 =	sor.u32 $0xD0000000, s2;
	s6 =	simm.s32 $0x108;
	_ =	swait.ge @!p0 [sflag:s8], $0x0  }
0x24: {  	s3 =	sadd.s32 $0x88, s3;
	s6 =	simm.s32 @!p1 $0x1082;
	[sflag:s4] =	ssyncset.s32 $0xFFFFF086  }
0x25: {  	[simem:s6], [sflag:s4] =	dma.local [hbm:s3], $0xF7A  }
0x26: {  	[smem:$0x3F93] =	sst s1;
	(tag) =	ssettag s2;
	_ =	strace s9  }
0x27: {  	s1 =	sld [smem:$0x3FA3]  }
0x28: {  	s2 =	sld [smem:$0x3FA4]  }
0x29: {  	s4 =	sld [smem:$0x3FA6]  }
0x2a: {  	p0 =	seq.s32 s5, $0x0;
	s5 =	sld [smem:$0x3FA7]  }
0x2b: {  	s6 =	sld [smem:$0x3FA8]  }
0x2c: {  	s7 =	sld [smem:$0x3FA9]  }
0x2d: {  	s3 =	simm.s32 $0x108;
	s8 =	sld [smem:$0x3FAA]  }
0x2e: {  	s3 =	simm.s32 @!p0 $0x1082;
	s9 =	sld [smem:$0x3FAB]  }
0x2f: {  	lr =	sadd.s32 s0, s3;
	s0 =	sld [smem:$0x3FA2]  }
0x30: {  	s3 =	sld [smem:$0x3FA5]  }
0x31: {  	[smem:$0x3FAE] =	sst s10  }
0x32: {  	s10 =	sld [smem:$0x3FAC];
	_ =	sdelay $0x3  }
0x33: {  	p0 =	seq.s32 s10, $0x1;
	s10 =	sld [smem:$0x3FAE];
	_ =	sdelay $0x3  }
0x34: {  	[smem:$0x3FAE] =	sst s10  }
0x35: {  	s10 =	sld [smem:$0x3FAD];
	_ =	sdelay $0x3  }
0x36: {  	p1 =	seq.s32 s10, $0x1;
	s10 =	sld [smem:$0x3FAE];
	_ =	sdelay $0x3  }
0x37: {  	[smem:$0x3FAE] =	sst s10  }
0x38: {  	s10 =	sld [smem:$0x3FAF]  }
0x39: {  	_ = 	snop;
	(pc) =	sbr.ind lr, $3  }
0x3a: {  	_ = 	snop  }
0x3b: {  	_ = 	snop  }
0x3c: {  	p2 =	seq.s32 s10, $0x1;
	s10 =	sld [smem:$0x3FAE]  }
0x3d: {  	_ =	shalt  }
0x3e: {  	_ =	shalt  }
0x3f: {  	_ =	shalt  }
0x40: {  	_ =	shalt  }
0x41: {  	_ =	shalt  }
0x42: {  	_ =	shalt  }
0x43: {  	_ =	shalt  }
0x44: {  	_ =	shalt  }
0x45: {  	_ =	shalt  }
0x46: {  	_ =	shalt  }
0x47: {  	_ =	shalt  }
0x48: {  	_ =	shalt  }
0x49: {  	_ =	shalt  }
0x4a: {  	_ =	shalt  }
0x4b: {  	_ =	shalt  }
0x4c: {  	_ =	shalt  }
0x4d: {  	_ =	shalt  }
0x4e: {  	_ =	shalt  }
0x4f: {  	_ =	shalt  }
0x50: {  	_ =	shalt  }
0x51: {  	_ =	shalt  }
0x52: {  	_ =	shalt  }
0x53: {  	_ =	shalt  }
0x54: {  	_ =	shalt  }
0x55: {  	_ =	shalt  }
0x56: {  	_ =	shalt  }
0x57: {  	_ =	shalt  }
0x58: {  	_ =	shalt  }
0x59: {  	_ =	shalt  }
0x5a: {  	_ =	shalt  }
0x5b: {  	_ =	shalt  }
0x5c: {  	_ =	shalt  }
0x5d: {  	_ =	shalt  }
0x5e: {  	_ =	shalt  }
0x5f: {  	_ =	shalt  }
0x60: {  	_ =	shalt  }
0x61: {  	_ =	shalt  }
0x62: {  	_ =	shalt  }
0x63: {  	_ =	shalt  }
0x64: {  	_ =	shalt  }
0x65: {  	_ =	shalt  }
0x66: {  	_ =	shalt  }
0x67: {  	_ =	shalt  }
0x68: {  	_ =	shalt  }
0x69: {  	_ =	shalt  }
0x6a: {  	_ =	shalt  }
0x6b: {  	_ =	shalt  }
0x6c: {  	_ =	shalt  }
0x6d: {  	_ =	shalt  }
0x6e: {  	_ =	shalt  }
0x6f: {  	_ =	shalt  }
0x70: {  	_ =	shalt  }
0x71: {  	_ =	shalt  }
0x72: {  	_ =	shalt  }
0x73: {  	_ =	shalt  }
0x74: {  	_ =	shalt  }
0x75: {  	_ =	shalt  }
0x76: {  	_ =	shalt  }
0x77: {  	_ =	shalt  }
0x78: {  	_ =	shalt  }
0x79: {  	_ =	shalt  }
0x7a: {  	_ =	shalt  }
0x7b: {  	_ =	shalt  }
0x7c: {  	_ =	shalt  }
0x7d: {  	_ =	shalt  }
0x7e: {  	_ =	shalt  }
0x7f: {  	_ =	shalt  }
0x80: {  	_ =	shalt  }
0x81: {  	_ =	shalt  }
0x82: {  	_ =	shalt  }
0x83: {  	_ =	shalt  }
0x84: {  	_ =	shalt  }
0x85: {  	_ =	shalt  }
0x86: {  	_ =	shalt  }
0x87: {  	_ =	shalt  }
.Lfunc_end0:
.L_simem_size_0:
called_computation.3_lowered:
.L_overlay_start_0:
0x88: {  	s2 =	sld [smem:$0x3FD9]  }
0x89: {  	s3 =	sld [smem:$0x3FFE];
	_ =	sdelay $0x1  }
0x8a: {  	s1 =	srdreg.scid  }
0x8b: {  	s0 =	sand.u32 $0x1, s1  }
0x8c: {  	s17 =	sshll.u32 s0, $0xA;
	s2 =	sadd.s32 s3, s2  }
0x8d: {  	s2 =	sadd.s32 s2, s17  }
0x8e: {  	[smem:$0x3FBA] =	sst s2  }
0x8f: {  	_ = 	snop  }
0x90: {  	(tm) =	ssettm $0x1  }
0x91: {  	s18 =	sld [smem:$0x3FFB];
	_ =	sdelay $0x3  }
0x92: {  	_ =	strace s18  }
0x93: {  	s2 =	sld [smem:$0x3FFC];
	_ =	sdelay $0x3  }
0x94: {  	_ =	strace s2  }
0x95: {  	s2 =	sld [smem:$0x3FFD];
	_ =	sdelay $0x3  }
0x96: {  	_ =	strace s2  }
0x97: {  	_ =	strace $0x8FFFFFFF  }
0x98: {  	s19 =	sld [smem:$0x3FDB];
	_ =	sdelay $0x1  }
0x99: {  	s20 =	simm.s32 $_scs_section_size  }
0x9a: {  	s4 =	simm.s32 $_size__tile_overlayer_lowered;
	s5 =	simm.s32 $_tile_overlayer_lowered  }
0x9b: {  	s6 =	simm.s32 $0x1BFF;
	s21 =	sshll.u32 s5, $0x1;
	s3 =	sadd.s32 s20, s19  }
0x9c: {  	s22 =	simm.s32 $0x0;
	s4 =	sshll.u32 s4, $0x1;
	s5 =	sadd.s32 s21, s3  }
0x9d: {  	[timem:s22], [sflag:s6] =	dma.local [hbm:s5], s4  }
0x9e: {  	_ =	swait.ge [sflag:s6], s4  }
0x9f: {  	s4 =	ssub.s32 $0x0, s4;
	[sflag:s6] =	ssyncset.done $0x0  }
0xa0: {  	[sflag:s6] =	ssyncadd.s32 s4;
	_ =	sdelay $0x1  }
0xa1: {  	s23 =	simm.s32 $0x1B8B  }
0xa2: {  	_ =	swait.ge [sflag:s23], $0x1  }
0xa3: {  	[sflag:s23] =	ssyncset.done $0x0  }
0xa4: {  	[sflag:s23] =	ssyncadd.s32 $0xFFFFFFFF  }
0xa5: {  	s4 =	sld [smem:$0x0]  }
0xa6: {  	s5 =	sand.u32 $0xFFFFFFFE, s1  }
0xa7: {  	p0 =	sne.s32 s1, s5  }
0xa8: {  	s5 =	sshll.u32 @p0 s5, $0xE  }
0xa9: {  	s5 =	sadd.s32 @p0 $0x11B8D, s5;
	s6 =	sshll.u32 @p0 s4, $0x11  }
0xaa: {  	s5 =	sor.u32 @p0 s6, s5  }
0xab: {  	[sflag:s5] =	ssyncadd.remote.s32 @p0 $0x1;
	_ =	sdelay $0x1  }
0xac: {  	s5 =	simm.s32 @p0 $0x1B8D  }
0xad: {  	_ =	swait.eq @p0 [sflag:s5], $0x1  }
0xae: {  	[sflag:s5] =	ssyncadd.s32 @p0 $0xFFFFFFFF  }
0xaf: {  	s6 =	sshll.u32 @!p0 s1, $0xE  }
0xb0: {  	s6 =	sor.u32 @!p0 $0x4000, s6;
	s5 =	simm.s32 @!p0 $0x1B8D  }
0xb1: {  	s4 =	sshll.u32 @!p0 s4, $0x11;
	s6 =	sadd.s32 @!p0 $0x11B8D, s6;
	_ =	swait.eq @!p0 [sflag:s5], $0x1  }
0xb2: {  	s4 =	sor.u32 @!p0 s4, s6;
	[sflag:s5] =	ssyncadd.s32 @!p0 $0xFFFFFFFF  }
0xb3: {  	s25 =	simm.s32 $0x1B8E;
	s24 =	sld [smem:$0x3FFE];
	[sflag:s4] =	ssyncadd.remote.s32 @!p0 $0x1  }
0xb4: {  	s26 =	simm.s32 $execute0_lowered;
	[smem:$0x3FD2] =	sst s25  }
0xb5: {  	s5 =	sshll.u32 s26, $0x1;
	_ =	strace $0x8000004C;
	[dreg:$0x1] =	wrdreg $0xFFFFFFFF  }
0xb6: {  	s28 =	simm.s32 $_size_execute0_lowered;
	s3 =	sadd.s32 s3, s5;
	[dreg:$0x0] =	wrdreg $0x0  }
0xb7: {  	s5 =	sshll.u32 s28, $0x1;
	[dreg:$0x2] =	wrdreg s3  }
0xb8: {  	[dreg:$0x3] =	wrdreg s5  }
0xb9: {  	[dreg:$0x4] =	wrdreg $0xC0  }
0xba: {  	_ =	task [dreg:s22], $0x5FFFF  }
0xbb: {  	[dreg:$0x1] =	wrdreg $0xFFFFFFFF  }
0xbc: {  	[dreg:$0x0] =	wrdreg $0x60  }
0xbd: {  	[dreg:$0x2] =	wrdreg s24  }
0xbe: {  	[dreg:$0x3] =	wrdreg $0xB5000  }
0xbf: {  	[dreg:$0x4] =	wrdreg $0xA  }
0xc0: {  	_ =	task.clear_ibuf [dreg:s22], $0x5FFFF;
	_ =	strace $0x9000004C  }
0xc1: {  	s29 =	simm.s32 $0xA;
	_ =	strace $0x8000004E  }
0xc2: {  	_ =	swait.ge [sflag:s29], $0x1  }
0xc3: {  	[sflag:s29] =	ssyncadd.s32 $0xFFFFFFFF  }
0xc4: {  	_ =	strace $0x9000004E  }
0xc5: {  	_ =	sfence  }
0xc6: {  	s30 =	sld [smem:$0x0];
	_ =	sdelay $0x2  }
0xc7: {  	s31 =	sshll.u32 s1, $0xD;
	s1 =	sshrl.u32 s1, $0x2  }
0xc8: {  	s4 =	sand.u32 $0x4000, s31;
	s1 =	sadd.s32 s1, s30  }
0xc9: {  	s0 =	sor.u32 s4, s0;
	s1 =	sshll.u32 s1, $0x11  }
0xca: {  	s0 =	sor.u32 s1, s0  }
0xcb: {  	s0 =	sadd.s32 $0x8F2B, s0  }
0xcc: {  	[sflag:s0] =	ssyncadd.remote.s32 $0x1  }
0xcd: {  	_ =	sfence.sel $0xFFFF  }
0xce: {  	[dreg:$0x0] =	wrdreg $0xFFFFFFFF;
	(pc) =	sbr.abs _section_cstart, $3  }
0xcf: {  	[dreg:$0x1] =	wrdreg $0xFFFFFFFF  }
0xd0: {  	_ =	task.clear_ibuf [dreg:s22], $0x2FFFF;
	_ =	strace $0x9FFFFFFF  }
0xd1: {  	(tm) =	ssettm $0x7FFFFFFF  }
tec
execute0_lowered:
.L_overlay_start_1:
0x0: {  	(tag) =	ssettag $0x1  }
0x1: {  	s0 =	srdreg.scid;
	s1 =	rddreg [dreg:$0x0]  }
0x2: {  	s11 =	stileid.u32;
	s2 =	rddreg [dreg:$0x1];
	s3 =	simm.s32 $0x0  }
0x3: {  	s17 =	simm.s32 $0x11;
	s19 =	simm.s32 $0x28;
	s20 =	simm.s32 $0x5100  }
0x4: {  	s29 =	simm.s32 $0x8D00;
	s31 =	simm.s32 $0x1;
	s5 =	smul.u32 $0x4E20, s11  }
0x5: {  	s28 =	simm.s32 $0x2;
	s12 =	simm.s32 $0xF;
	s8 =	smul.u32 $0x280, s11  }
0x6: {  	s14 =	simm.s32 $0x0;
	s0 =	sand.u32 $0x1, s0;
	s21 =	smul.u32 $0x50000, s11  }
0x7: {  	[smem:$0x7FF] =	sst s3;
	s9 =	sadd.s32 $0xDC00, s1;
	s30 =	smul.u32 $0x9C4, s11  }
0x8: {  	s22 =	sshll.u32 s11, $0x6;
	s11 =	simm.s32 $0x5;
	s4 =	smul.u32 $0x4E200, s0  }
0x9: {  	s6 =	smul.u32 $0x2800, s0;
	_ =	strace $0x8000004D;
	s0 =	ssub.s32 $0x2, s0  }
0xa: {  	[dreg:$0x3] =	wrdreg s22;
	s23 =	sor.u32 $0x1C10, s22;
	s22 =	simm.s32 $0x6500  }
0xb: {  	s10 =	sshrl.u32 s0, $0x1;
	[dreg:$0x5] =	wrdreg s23;
	s24 =	sadd.s32 $0x28, s5  }
0xc: {  	s25 =	sshrl.u32 s5, $0x3;
	s15 =	sadd.s32 s30, s9;
	s7 =	sadd.s32 s5, s4  }
0xd: {  	s4 =	sadd.s32 $0x42200, s1;
	s6 =	sadd.s32 s8, s6;
	s8 =	sshrl.u32 s21, $0x2  }
0xe: {  	s0 =	ssub.s32 s0, s10;
	s5 =	sadd.s32 $0x78, s5;
	s21 =	simm.s32 $0x4F00  }
0xf: {  	s10 =	simm.s32 $0x8;
	s7 =	sshrl.u32 s7, $0x3;
	s6 =	sshll.u32 s6, $0x4  }
0x10: {  	s8 =	sadd.s32 s8, s2;
	s5 =	sshrl.u32 s5, $0x3;
	s0 =	smax.u32 s0, $0x1  }
0x11: {  	s7 =	sadd.s32 s7, s1;
	s1 =	sadd.s32 s6, s1;
	s6 =	sadd.s32 s4, s6  }
0x12: {  	s5 =	sadd.s32 s9, s5;
	[dreg:$0xc] =	wrdreg s0;
	s16 =	sshrl.u32 s8, $0x3  }
0x13: {  	s0 =	simm.s32 $0x5080;
	s8 =	simm.s32 $0x4;
	[dreg:$0x4] =	wrdreg s6  }
0x14: {  	s7 =	sadd.s32 $0x11DE00, s7;
	s6 =	sshrl.u32 s24, $0x3;
	[dreg:$0xa] =	wrdreg s5  }
0x15: {  	s1 =	sadd.s32 $0x131800, s1;
	s24 =	simm.s32 $0xA100;
	[dreg:$0xd] =	wrdreg s16  }
.Ltmp0:
0x16: {  	s5 =	simm.s32 $0xE;
	[dreg:$0x6] =	wrdreg s7;
	(pc) =	sbr.rel .LBB2_1-.Ltmp0, $4  }
0x17: {  	s7 =	sadd.s32 s9, s25;
	s6 =	sadd.s32 s9, s6;
	[dreg:$0xb] =	wrdreg s1  }
0x18: {  	s1 =	simm.s32 $0xB;
	s9 =	simm.s32 $0x9;
	[dreg:$0x8] =	wrdreg s6  }
0x19: {  	[dreg:$0x7] =	wrdreg s7;
	s26 =	sadd.s32 $0xA, s7;
	s6 =	simm.s32 $0xC  }
0x1a: {  	s7 =	simm.s32 $0x6;
	[dreg:$0x9] =	wrdreg s26;
	s26 =	simm.s32 $0x5000  }
.LBB2_4:
0x1b: {  	_ =	swait.ge [sflag:s11], $0x1400  }
0x1c: {  	[sflag:s11] =	ssyncset.done $0x0  }
0x1d: {  	[sflag:s11] =	ssyncadd.s32 $0xFFFFEC00  }
0x1e: {  	_ =	swait.ge [sflag:s12], $0x28  }
0x1f: {  	[sflag:s12] =	ssyncset.done $0x0  }
0x20: {  	[sflag:s12] =	ssyncadd.s32 $0xFFFFFFD8  }
0x21: {  	[spmem:s2] =	stream.indirect.scatter.add.f32 [tilespmem:s24], [sflag:$0xA], $0x80, s0, s19, $0xb8;
	[tilespmem:$0x1F500] =	vst v63  }
0x22: {  	_ =	swait.ge [sflag:s9], $0x1400  }
0x23: {  	[sflag:s9] =	ssyncset.done $0x0  }
0x24: {  	s13 =	simm.s32 $0xA;
	[sflag:s9] =	ssyncadd.s32 $0xFFFFEC00  }
0x25: {  	_ =	swait.ge [sflag:s13], $0x1400  }
0x26: {  	[sflag:s13] =	ssyncset.done $0x0  }
0x27: {  	[sflag:s13] =	ssyncadd.s32 $0xFFFFEC00  }
0x28: {  	[bflag:$0x0] =	sbarrier.arrive $0xFFFF  }
0x29: {  	s23 =	rddreg [dreg:$0x3]  }
0x2a: {  	s14 =	rddreg [dreg:$0xb]  }
0x2b: {  	s17 =	simm.s32 $0x11;
	s16 =	rddreg [dreg:$0xd];
	s13 =	sor.u32 $0x1C11, s23  }
0x2c: {  	[hbm:s14], [sflag:s13] =	dma.local [spmem:s16], $0x2800  }
0x2d: {  	_ =	swait.ge [sflag:s17], $0x2800  }
0x2e: {  	s25 =	rddreg [dreg:$0xe]  }
0x2f: {  	s30 =	rddreg [dreg:$0xc];
	s14 =	sadd.s32 $0x1, s25  }
0x30: {  	p0 =	sne.s32 s14, s30  }
.Ltmp1:
0x31: {  	_ = 	snop;
	(pc) =	sbr.rel @!p0 .LBB2_5-.Ltmp1, $3  }
0x32: {  	_ =	sdelay $0x1  }
0x33: {  	[sflag:s17] =	ssyncset.done $0x0  }
0x34: {  	[sflag:s17] =	ssyncadd.s32 $0xFFFFD800  }
.LBB2_1:
0x35: {  	[dreg:$0xe] =	wrdreg s14  }
0x36: {  	s13 =	rddreg [dreg:$0x4]  }
0x37: {  	s25 =	rddreg [dreg:$0x5]  }
0x38: {  	[spmem:s16], [sflag:s25] =	dma.local [hbm:s13], $0x2800  }
0x39: {  	s13 =	rddreg [dreg:$0x6]  }
0x3a: {  	[tilespmem:s3], [sflag:$0x11] =	stream.linear.gather [hbm4b:s13+s3], $0x4E20, $0x38;
	[tilespmem:$0x1F500] =	vst v63  }
0x3b: {  	_ =	swait.ge [sflag:s17], $0x4E20  }
0x3c: {  	[sflag:s17] =	ssyncset.done $0x0  }
0x3d: {  	s16 =	rddreg [dreg:$0x7];
	[sflag:s17] =	ssyncadd.s32 $0xFFFFB1E0;
	s17 =	simm.s32 $0x4E80  }
0x3e: {  	[tilespmem:s17], [sflag:$0xB] =	stream.linear.gather [hbm4b:s16+s3], $0x28, $0x38;
	[tilespmem:$0x1F500] =	vst v63  }
0x3f: {  	_ = 	snop  }
0x40: {  	[tilespmem:s20], [sflag:$0x1] =	stream.indirect.gather [hbm4b:s4+s19], $0x80, s3, s19, $0xb8;
	[tilespmem:$0x1F500] =	vst v63  }
0x41: {  	s18 =	rddreg [dreg:$0x8]  }
0x42: {  	[tilespmem:s21], [sflag:$0xC] =	stream.linear.gather [hbm4b:s18+s3], $0x28, $0x38;
	[tilespmem:$0x1F500] =	vst v63  }
0x43: {  	_ = 	snop  }
0x44: {  	[tilespmem:s22], [sflag:$0x2] =	stream.indirect.gather [hbm4b:s4+s19], $0x80, s19, s19, $0xb8;
	[tilespmem:$0x1F500] =	vst v63  }
0x45: {  	s25 =	simm.s32 $0x4F80;
	s23 =	rddreg [dreg:$0x9]  }
0x46: {  	[tilespmem:s25], [sflag:$0xD] =	stream.linear.gather [hbm4b:s23+s3], $0x28, $0x38;
	[tilespmem:$0x1F500] =	vst v63  }
0x47: {  	s16 =	simm.s32 $0x50;
	s17 =	simm.s32 $0x7900  }
0x48: {  	[tilespmem:s17], [sflag:$0x3] =	stream.indirect.gather [hbm4b:s4+s19], $0x80, s16, s19, $0xb8;
	[tilespmem:$0x1F500] =	vst v63  }
0x49: {  	s18 =	rddreg [dreg:$0xa]  }
0x4a: {  	[tilespmem:s26], [sflag:$0xE] =	stream.linear.gather [hbm4b:s18+s3], $0x28, $0x38;
	[tilespmem:$0x1F500] =	vst v63  }
0x4b: {  	s23 =	simm.s32 $0x78;
	s25 =	simm.s32 $0x10  }
0x4c: {  	[tilespmem:s29], [sflag:$0x4] =	stream.indirect.gather [hbm4b:s4+s19], $0x80, s23, s19, $0xb8;
	[tilespmem:$0x1F500] =	vst v63  }
0x4d: {  	_ =	swait.ge [sflag:s25], $0x2800  }
0x4e: {  	[sflag:s25] =	ssyncset.done $0x0  }
0x4f: {  	[sflag:s25] =	ssyncadd.s32 $0xFFFFD800  }
0x50: {  	s30 =	simm.s32 $0x140;
	s13 =	simm.s32 $0x0;
	[bflag:$0x0] =	sbarrier.arrive $0xFFFF  }
.LBB2_2:
0x51: {  	_ =	swait.ge [sflag:s31], $0x1400  }
0x52: {  	[sflag:s31] =	ssyncset.done $0x0  }
0x53: {  	[sflag:s31] =	ssyncadd.s32 $0xFFFFEC00  }
0x54: {  	_ =	swait.ge [sflag:s1], $0x28  }
0x55: {  	p0 =	seq.s32 s13, $0x0;
	[sflag:s1] =	ssyncset.done $0x0  }
0x56: {  	s14 =	simm.s32 $0x4E80;
	s17 =	simm.s32 @!p0 $0xA;
	[sflag:s1] =	ssyncadd.s32 $0xFFFFFFD8  }
0x57: {  	[spmem:s2] =	stream.indirect.scatter.add.f32 [tilespmem:s20], [sflag:$0x6], $0x80, s14, s19, $0xb8;
	[tilespmem:$0x1F500] =	vst v63  }
0x58: {  	_ =	swait.ge @!p0 [sflag:s17], $0x1400  }
0x59: {  	s16 =	sadd.s32 s13, s15;
	[sflag:s17] =	ssyncset.done @!p0 $0x0  }
0x5a: {  	s23 =	sadd.s32 $0x14, s16;
	[sflag:s17] =	ssyncadd.s32 @!p0 $0xFFFFEC00  }
0x5b: {  	[tilespmem:s0], [sflag:$0xF] =	stream.linear.gather [hbm4b:s23+s3], $0x28, $0x38;
	[tilespmem:$0x1F500] =	vst v63  }
0x5c: {  	s25 =	sadd.s32 $0xFFFFFF60, s30  }
0x5d: {  	[tilespmem:s24], [sflag:$0x5] =	stream.indirect.gather [hbm4b:s4+s19], $0x80, s25, s19, $0xb8;
	[tilespmem:$0x1F500] =	vst v63  }
0x5e: {  	_ =	swait.ge [sflag:s28], $0x1400  }
0x5f: {  	[sflag:s28] =	ssyncset.done $0x0  }
0x60: {  	[sflag:s28] =	ssyncadd.s32 $0xFFFFEC00  }
0x61: {  	_ =	swait.ge [sflag:s6], $0x28  }
0x62: {  	[sflag:s6] =	ssyncset.done $0x0  }
0x63: {  	[sflag:s6] =	ssyncadd.s32 $0xFFFFFFD8  }
0x64: {  	[spmem:s2] =	stream.indirect.scatter.add.f32 [tilespmem:s22], [sflag:$0x7], $0x80, s21, s19, $0xb8;
	[tilespmem:$0x1F500] =	vst v63  }
0x65: {  	_ =	swait.ge [sflag:s7], $0x1400  }
0x66: {  	p0 =	seq.s32 s13, $0x9AB;
	[sflag:s7] =	ssyncset.done $0x0  }
0x67: {  	s17 =	simm.s32 @p0 $0x3;
	[sflag:s7] =	ssyncadd.s32 $0xFFFFEC00  }
0x68: {  	_ =	swait.ge @p0 [sflag:s17], $0x1400  }
0x69: {  	[sflag:s17] =	ssyncset.done @p0 $0x0  }
0x6a: {  	[sflag:s17] =	ssyncadd.s32 @p0 $0xFFFFEC00;
	s17 =	simm.s32 @p0 $0xD  }
0x6b: {  	_ =	swait.ge @p0 [sflag:s17], $0x28  }
0x6c: {  	s14 =	simm.s32 @p0 $0x4F80;
	[sflag:s17] =	ssyncset.done @p0 $0x0  }
0x6d: {  	s23 =	simm.s32 @p0 $0x7900;
	[sflag:s17] =	ssyncadd.s32 @p0 $0xFFFFFFD8;
	s17 =	simm.s32 @p0 $0x28  }
0x6e: {  	[spmem:s2] =	stream.indirect.scatter.add.f32 @p0 [tilespmem:s23], [sflag:$0x8], $0x80, s14, s17, $0xb8;
	[tilespmem:$0x1F500] =	vst v63  }
0x6f: {  	s14 =	simm.s32 @p0 $0x7  }
0x70: {  	_ =	swait.ge @p0 [sflag:s14], $0x1400  }
0x71: {  	[sflag:s14] =	ssyncset.done @p0 $0x0  }
0x72: {  	[sflag:s14] =	ssyncadd.s32 @p0 $0xFFFFEC00;
	s14 =	sadd.s32 @!p0 s13, s15  }
0x73: {  	s18 =	simm.s32 @!p0 $0x4E80;
	s23 =	simm.s32 @!p0 $0x0;
	s17 =	sadd.s32 @!p0 $0x19, s14  }
0x74: {  	[tilespmem:s18], [sflag:$0xB] =	stream.linear.gather @!p0 [hbm4b:s17+s23], $0x28, $0x38;
	[tilespmem:$0x1F500] =	vst v63  }
0x75: {  	s25 =	simm.s32 @!p0 $0x5100;
	s17 =	sadd.s32 @!p0 $0xFFFFFF88, s30;
	s18 =	simm.s32 @!p0 $0x28  }
0x76: {  	[tilespmem:s25], [sflag:$0x1] =	stream.indirect.gather @!p0 [hbm4b:s4+s18], $0x80, s17, s18, $0xb8;
	[tilespmem:$0x1F500] =	vst v63  }
0x77: {  	s17 =	simm.s32 @!p0 $0x3  }
0x78: {  	_ =	swait.ge @!p0 [sflag:s17], $0x1400  }
0x79: {  	[sflag:s17] =	ssyncset.done @!p0 $0x0  }
0x7a: {  	[sflag:s17] =	ssyncadd.s32 @!p0 $0xFFFFEC00;
	s17 =	simm.s32 @!p0 $0xD  }
0x7b: {  	_ =	swait.ge @!p0 [sflag:s17], $0x28  }
0x7c: {  	[sflag:s17] =	ssyncset.done @!p0 $0x0  }
0x7d: {  	s25 =	simm.s32 @!p0 $0x7900;
	[sflag:s17] =	ssyncadd.s32 @!p0 $0xFFFFFFD8;
	s17 =	simm.s32 @!p0 $0x4F80  }
0x7e: {  	[spmem:s2] =	stream.indirect.scatter.add.f32 @!p0 [tilespmem:s25], [sflag:$0x8], $0x80, s17, s18, $0xb8;
	[tilespmem:$0x1F500] =	vst v63  }
0x7f: {  	s17 =	simm.s32 @!p0 $0x7  }
0x80: {  	_ =	swait.ge @!p0 [sflag:s17], $0x1400  }
0x81: {  	[sflag:s17] =	ssyncset.done @!p0 $0x0  }
0x82: {  	s14 =	sadd.s32 @!p0 $0x1E, s14;
	[sflag:s17] =	ssyncadd.s32 @!p0 $0xFFFFEC00;
	s17 =	simm.s32 @!p0 $0x4F00  }
0x83: {  	[tilespmem:s17], [sflag:$0xC] =	stream.linear.gather @!p0 [hbm4b:s14+s23], $0x28, $0x38;
	[tilespmem:$0x1F500] =	vst v63  }
0x84: {  	s14 =	sadd.s32 @!p0 $0xFFFFFFB0, s30;
	s17 =	simm.s32 @!p0 $0x6500  }
0x85: {  	[tilespmem:s17], [sflag:$0x2] =	stream.indirect.gather @!p0 [hbm4b:s4+s18], $0x80, s14, s18, $0xb8;
	[tilespmem:$0x1F500] =	vst v63  }
0x86: {  	_ =	swait.ge [sflag:s8], $0x1400  }
0x87: {  	[sflag:s8] =	ssyncset.done $0x0  }
0x88: {  	[sflag:s8] =	ssyncadd.s32 $0xFFFFEC00  }
0x89: {  	_ =	swait.ge [sflag:s5], $0x28  }
0x8a: {  	[sflag:s5] =	ssyncset.done $0x0  }
.Ltmp2:
0x8b: {  	[sflag:s5] =	ssyncadd.s32 $0xFFFFFFD8;
	(pc) =	sbr.rel @p0 .LBB2_4-.Ltmp2, $4  }
0x8c: {  	[spmem:s2] =	stream.indirect.scatter.add.f32 [tilespmem:s29], [sflag:$0x9], $0x80, s26, s19, $0xb8;
	[tilespmem:$0x1F500] =	vst v63  }
0x8d: {  	_ =	swait.ge [sflag:s10], $0x1400  }
0x8e: {  	[sflag:s10] =	ssyncset.done $0x0  }
0x8f: {  	[sflag:s10] =	ssyncadd.s32 $0xFFFFEC00  }
0x90: {  	s14 =	sadd.s32 $0x23, s16;
	s17 =	simm.s32 $0x4F80  }
0x91: {  	[tilespmem:s17], [sflag:$0xD] =	stream.linear.gather [hbm4b:s14+s3], $0x28, $0x38;
	[tilespmem:$0x1F500] =	vst v63  }
0x92: {  	s18 =	sadd.s32 $0xFFFFFFD8, s30;
	s23 =	simm.s32 $0x7900  }
0x93: {  	[tilespmem:s23], [sflag:$0x3] =	stream.indirect.gather [hbm4b:s4+s19], $0x80, s18, s19, $0xb8;
	[tilespmem:$0x1F500] =	vst v63  }
0x94: {  	_ =	swait.ge [sflag:s11], $0x1400  }
0x95: {  	[sflag:s11] =	ssyncset.done $0x0  }
0x96: {  	[sflag:s11] =	ssyncadd.s32 $0xFFFFEC00  }
0x97: {  	_ =	swait.ge [sflag:s12], $0x28  }
0x98: {  	[sflag:s12] =	ssyncset.done $0x0  }
0x99: {  	[sflag:s12] =	ssyncadd.s32 $0xFFFFFFD8  }
0x9a: {  	[spmem:s2] =	stream.indirect.scatter.add.f32 [tilespmem:s24], [sflag:$0xA], $0x80, s0, s19, $0xb8;
	[tilespmem:$0x1F500] =	vst v63  }
0x9b: {  	_ =	swait.ge [sflag:s9], $0x1400  }
0x9c: {  	[sflag:s9] =	ssyncset.done $0x0  }
.Ltmp3:
0x9d: {  	s25 =	sadd.s32 $0x28, s16;
	[sflag:s9] =	ssyncadd.s32 $0xFFFFEC00;
	(pc) =	sbr.rel .LBB2_2-.Ltmp3, $4  }
0x9e: {  	[tilespmem:s26], [sflag:$0xE] =	stream.linear.gather [hbm4b:s25+s3], $0x28, $0x38;
	[tilespmem:$0x1F500] =	vst v63  }
0x9f: {  	_ = 	snop  }
0xa0: {  	[tilespmem:s29], [sflag:$0x4] =	stream.indirect.gather [hbm4b:s4+s19], $0x80, s30, s19, $0xb8;
	[tilespmem:$0x1F500] =	vst v63  }
0xa1: {  	s13 =	sadd.s32 $0x19, s13;
	s30 =	sadd.s32 $0xC8, s30  }
.LBB2_5:
0xa2: {  	_ =	sfence.sel $0x180000  }
0xa3: {  	[bflag:$0x0] =	sbarrier.arrive $0xFFFF  }
0xa4: {  	_ =	strace $0x9000004D  }
0xa5: {  	s0 =	stileid.u32;
	[bflag:$0x2] =	sbarrier.arrive $0xFFFF  }
0xa6: {  	p0 =	sne.s32 s0, $0x0;
	s0 =	rddreg [dreg:$0x2]  }
0xa7: {  	s0 =	sadd.s32 @!p0 $0x100000, s0  }
0xa8: {  	[sflag:s0] =	ssyncadd.tile.s32 @!p0 $0x1;
	_ =	shalt  }
.Lfunc_end2:
_tile_overlayer_lowered:
.L_overlay_start_2:
0xa9: {  	(tag) =	ssettag $0x2  }
0xaa: {  	s0 =	rddreg [dreg:$0x0];
	s2 =	stileid.u32  }
0xab: {  	s1 =	rddreg [dreg:$0x1];
	p0 =	sne.s32 s2, $0x0  }
0xac: {  	s3 =	rddreg [dreg:$0x2];
	[bflag:$0x3] =	sbarrier.arrive $0xFFFF;
	s2 =	simm.s32 @!p0 $0x1C11  }
0xad: {  	[timem:s3], [sflag:s2] =	dma.local @!p0 [hbm:s0], s1  }
0xae: {  	s0 =	simm.s32 @!p0 $0x11  }
0xaf: {  	_ =	swait.ge @!p0 [sflag:s0], s1  }
0xb0: {  	s1 =	ssub.s32 @!p0 $0x0, s1;
	[sflag:s0] =	ssyncset.done @!p0 $0x0  }
0xb1: {  	[sflag:s0] =	ssyncadd.s32 @!p0 s1  }
0xb2: {  	[bflag:$0x3] =	sbarrier.arrive $0xFFFF  }
0xb3: {  	_ =	shalt  }

// kernel: kernel.27.cloned.1.call-start
scs
__scs_entry_jumppad:
0x0: {  	(pc) =	sbr.rel $0x88, $3  }
0x1: {  	(tag) =	ssettag $0x0;
	lr =	simm.s32 $0x1  }
0x2: {  	[smem:$0x3F93] =	sst lr;
	_ =	strace $0xD0000000  }
0x3: {  	_ = 	snop  }
0x4: {  	_ = 	snop  }
0x5: {  	_ = 	snop  }
0x6: {  	_ = 	snop  }
0x7: {  	_ = 	snop  }
__scs_overlays_trampoline_lowered:
0x8: {  	[smem:$0x3FA2] =	sst s0  }
0x9: {  	[smem:$0x3FA3] =	sst s1  }
0xa: {  	[smem:$0x3FA4] =	sst s2  }
0xb: {  	[smem:$0x3FA5] =	sst s3  }
0xc: {  	[smem:$0x3FA6] =	sst s4  }
0xd: {  	[smem:$0x3FA7] =	sst s5  }
0xe: {  	[smem:$0x3FA8] =	sst s6  }
0xf: {  	[smem:$0x3FA9] =	sst s7  }
0x10: {  	[smem:$0x3FAA] =	sst s8  }
0x11: {  	[smem:$0x3FAB] =	sst s9;
	s0 =	simm.s32 @!p0 $0x0  }
0x12: {  	s1 =	sld [smem:$0x3F91];
	s0 =	simm.s32 @p0 $0x1  }
0x13: {  	[smem:$0x3FAC] =	sst s0;
	s0 =	simm.s32 @!p1 $0x0  }
0x14: {  	s2 =	sld [smem:$0x3F90];
	s0 =	simm.s32 @p1 $0x1  }
0x15: {  	[smem:$0x3FAD] =	sst s0;
	s0 =	simm.s32 @!p2 $0x0  }
0x16: {  	s3 =	sld [smem:$0x3FDB];
	s0 =	simm.s32 @p2 $0x1  }
0x17: {  	s4 =	simm.s32 $0x1BF5;
	[smem:$0x3FAF] =	sst s0  }
0x18: {  	s0 =	sld [smem:$0x3F92];
	_ =	swait.ge [sflag:s4], $0x0  }
0x19: {  	s7 =	sld [smem:$0x3F93]  }
0x1a: {  	s8 =	sadd.s32 $0xFFFFE003, lr  }
0x1b: {  	s9 =	sadd.s32 $0xFFFFFEF7, lr;
	s5 =	simm.s32 $0xFFFFFFFF;
	p2 =	slt.u32 s8, $0xFFFFF086  }
0x1c: {  	p1 =	slt.u32 s9, $0xF7A;
	s5 =	simm.s32 @!p2 $0x0  }
0x1d: {  	s5 =	simm.s32 @p1 $0x1;
	p0 =	seq.s32 s7, s2  }
0x1e: {  	s7 =	smul.u32 @!p0 $0xF7A, s2;
	p2 =	seq.s32 @!p0 s5, $0x0  }
0x1f: {  	s9 =	smul.u32 $0xF7A, s1;
	s8 =	simm.s32 @!p0 $0x1BF5;
	p2 =	por !p2, p0  }
0x20: {  	[sflag:s8] =	ssyncset.s32 @!p0 $0xFFFFF086;
	s6 =	sadd.s32 @!p0 s3, s7;
	s7 =	simm.s32 @!p0 $0x108  }
0x21: {  	s3 =	sadd.s32 s3, s9;
	s6 =	sadd.s32 @!p0 $0x88, s6;
	s7 =	simm.s32 @p2 $0x1082  }
0x22: {  	[simem:s7], [sflag:s8] =	dma.local @!p0 [hbm:s6], $0xF7A  }
0x23: {  	s9 =	sor.u32 $0xD0000000, s2;
	s6 =	simm.s32 $0x108;
	_ =	swait.ge @!p0 [sflag:s8], $0x0  }
0x24: {  	s3 =	sadd.s32 $0x88, s3;
	s6 =	simm.s32 @!p1 $0x1082;
	[sflag:s4] =	ssyncset.s32 $0xFFFFF086  }
0x25: {  	[simem:s6], [sflag:s4] =	dma.local [hbm:s3], $0xF7A  }
0x26: {  	[smem:$0x3F93] =	sst s1;
	(tag) =	ssettag s2;
	_ =	strace s9  }
0x27: {  	s1 =	sld [smem:$0x3FA3]  }
0x28: {  	s2 =	sld [smem:$0x3FA4]  }
0x29: {  	s4 =	sld [smem:$0x3FA6]  }
0x2a: {  	p0 =	seq.s32 s5, $0x0;
	s5 =	sld [smem:$0x3FA7]  }
0x2b: {  	s6 =	sld [smem:$0x3FA8]  }
0x2c: {  	s7 =	sld [smem:$0x3FA9]  }
0x2d: {  	s3 =	simm.s32 $0x108;
	s8 =	sld [smem:$0x3FAA]  }
0x2e: {  	s3 =	simm.s32 @!p0 $0x1082;
	s9 =	sld [smem:$0x3FAB]  }
0x2f: {  	lr =	sadd.s32 s0, s3;
	s0 =	sld [smem:$0x3FA2]  }
0x30: {  	s3 =	sld [smem:$0x3FA5]  }
0x31: {  	[smem:$0x3FAE] =	sst s10  }
0x32: {  	s10 =	sld [smem:$0x3FAC];
	_ =	sdelay $0x3  }
0x33: {  	p0 =	seq.s32 s10, $0x1;
	s10 =	sld [smem:$0x3FAE];
	_ =	sdelay $0x3  }
0x34: {  	[smem:$0x3FAE] =	sst s10  }
0x35: {  	s10 =	sld [smem:$0x3FAD];
	_ =	sdelay $0x3  }
0x36: {  	p1 =	seq.s32 s10, $0x1;
	s10 =	sld [smem:$0x3FAE];
	_ =	sdelay $0x3  }
0x37: {  	[smem:$0x3FAE] =	sst s10  }
0x38: {  	s10 =	sld [smem:$0x3FAF]  }
0x39: {  	_ = 	snop;
	(pc) =	sbr.ind lr, $3  }
0x3a: {  	_ = 	snop  }
0x3b: {  	_ = 	snop  }
0x3c: {  	p2 =	seq.s32 s10, $0x1;
	s10 =	sld [smem:$0x3FAE]  }
0x3d: {  	_ =	shalt  }
0x3e: {  	_ =	shalt  }
0x3f: {  	_ =	shalt  }
0x40: {  	_ =	shalt  }
0x41: {  	_ =	shalt  }
0x42: {  	_ =	shalt  }
0x43: {  	_ =	shalt  }
0x44: {  	_ =	shalt  }
0x45: {  	_ =	shalt  }
0x46: {  	_ =	shalt  }
0x47: {  	_ =	shalt  }
0x48: {  	_ =	shalt  }
0x49: {  	_ =	shalt  }
0x4a: {  	_ =	shalt  }
0x4b: {  	_ =	shalt  }
0x4c: {  	_ =	shalt  }
0x4d: {  	_ =	shalt  }
0x4e: {  	_ =	shalt  }
0x4f: {  	_ =	shalt  }
0x50: {  	_ =	shalt  }
0x51: {  	_ =	shalt  }
0x52: {  	_ =	shalt  }
0x53: {  	_ =	shalt  }
0x54: {  	_ =	shalt  }
0x55: {  	_ =	shalt  }
0x56: {  	_ =	shalt  }
0x57: {  	_ =	shalt  }
0x58: {  	_ =	shalt  }
0x59: {  	_ =	shalt  }
0x5a: {  	_ =	shalt  }
0x5b: {  	_ =	shalt  }
0x5c: {  	_ =	shalt  }
0x5d: {  	_ =	shalt  }
0x5e: {  	_ =	shalt  }
0x5f: {  	_ =	shalt  }
0x60: {  	_ =	shalt  }
0x61: {  	_ =	shalt  }
0x62: {  	_ =	shalt  }
0x63: {  	_ =	shalt  }
0x64: {  	_ =	shalt  }
0x65: {  	_ =	shalt  }
0x66: {  	_ =	shalt  }
0x67: {  	_ =	shalt  }
0x68: {  	_ =	shalt  }
0x69: {  	_ =	shalt  }
0x6a: {  	_ =	shalt  }
0x6b: {  	_ =	shalt  }
0x6c: {  	_ =	shalt  }
0x6d: {  	_ =	shalt  }
0x6e: {  	_ =	shalt  }
0x6f: {  	_ =	shalt  }
0x70: {  	_ =	shalt  }
0x71: {  	_ =	shalt  }
0x72: {  	_ =	shalt  }
0x73: {  	_ =	shalt  }
0x74: {  	_ =	shalt  }
0x75: {  	_ =	shalt  }
0x76: {  	_ =	shalt  }
0x77: {  	_ =	shalt  }
0x78: {  	_ =	shalt  }
0x79: {  	_ =	shalt  }
0x7a: {  	_ =	shalt  }
0x7b: {  	_ =	shalt  }
0x7c: {  	_ =	shalt  }
0x7d: {  	_ =	shalt  }
0x7e: {  	_ =	shalt  }
0x7f: {  	_ =	shalt  }
0x80: {  	_ =	shalt  }
0x81: {  	_ =	shalt  }
0x82: {  	_ =	shalt  }
0x83: {  	_ =	shalt  }
0x84: {  	_ =	shalt  }
0x85: {  	_ =	shalt  }
0x86: {  	_ =	shalt  }
0x87: {  	_ =	shalt  }
.Lfunc_end0:
.L_simem_size_0:
called_computation.4_lowered:
.L_overlay_start_0:
0x88: {  	s2 =	sld [smem:$0x3FD9]  }
0x89: {  	s3 =	sld [smem:$0x3FFE];
	_ =	sdelay $0x1  }
0x8a: {  	s1 =	srdreg.scid  }
0x8b: {  	s0 =	sand.u32 $0x1, s1  }
0x8c: {  	s17 =	sshll.u32 s0, $0xA;
	s2 =	sadd.s32 s3, s2  }
0x8d: {  	s2 =	sadd.s32 s2, s17  }
0x8e: {  	[smem:$0x3FBA] =	sst s2  }
0x8f: {  	_ = 	snop  }
0x90: {  	(tm) =	ssettm $0x1  }
0x91: {  	s18 =	sld [smem:$0x3FFB];
	_ =	sdelay $0x3  }
0x92: {  	_ =	strace s18  }
0x93: {  	s2 =	sld [smem:$0x3FFC];
	_ =	sdelay $0x3  }
0x94: {  	_ =	strace s2  }
0x95: {  	s2 =	sld [smem:$0x3FFD];
	_ =	sdelay $0x3  }
0x96: {  	_ =	strace s2  }
0x97: {  	_ =	strace $0x8FFFFFFF  }
0x98: {  	s19 =	sld [smem:$0x3FDB];
	_ =	sdelay $0x1  }
0x99: {  	s20 =	simm.s32 $_scs_section_size  }
0x9a: {  	s4 =	simm.s32 $_size__tile_overlayer_lowered;
	s5 =	simm.s32 $_tile_overlayer_lowered  }
0x9b: {  	s6 =	simm.s32 $0x1BFF;
	s21 =	sshll.u32 s5, $0x1;
	s3 =	sadd.s32 s20, s19  }
0x9c: {  	s22 =	simm.s32 $0x0;
	s4 =	sshll.u32 s4, $0x1;
	s5 =	sadd.s32 s21, s3  }
0x9d: {  	[timem:s22], [sflag:s6] =	dma.local [hbm:s5], s4  }
0x9e: {  	_ =	swait.ge [sflag:s6], s4  }
0x9f: {  	s4 =	ssub.s32 $0x0, s4;
	[sflag:s6] =	ssyncset.done $0x0  }
0xa0: {  	[sflag:s6] =	ssyncadd.s32 s4;
	_ =	sdelay $0x1  }
0xa1: {  	s23 =	simm.s32 $0x1B8B  }
0xa2: {  	_ =	swait.ge [sflag:s23], $0x1  }
0xa3: {  	[sflag:s23] =	ssyncset.done $0x0  }
0xa4: {  	[sflag:s23] =	ssyncadd.s32 $0xFFFFFFFF  }
0xa5: {  	s4 =	sld [smem:$0x0]  }
0xa6: {  	s5 =	sand.u32 $0xFFFFFFFE, s1  }
0xa7: {  	p0 =	sne.s32 s1, s5  }
0xa8: {  	s5 =	sshll.u32 @p0 s5, $0xE  }
0xa9: {  	s5 =	sadd.s32 @p0 $0x11B8D, s5;
	s6 =	sshll.u32 @p0 s4, $0x11  }
0xaa: {  	s5 =	sor.u32 @p0 s6, s5  }
0xab: {  	[sflag:s5] =	ssyncadd.remote.s32 @p0 $0x1;
	_ =	sdelay $0x1  }
0xac: {  	s5 =	simm.s32 @p0 $0x1B8D  }
0xad: {  	_ =	swait.eq @p0 [sflag:s5], $0x1  }
0xae: {  	[sflag:s5] =	ssyncadd.s32 @p0 $0xFFFFFFFF  }
0xaf: {  	s6 =	sshll.u32 @!p0 s1, $0xE  }
0xb0: {  	s6 =	sor.u32 @!p0 $0x4000, s6;
	s5 =	simm.s32 @!p0 $0x1B8D  }
0xb1: {  	s4 =	sshll.u32 @!p0 s4, $0x11;
	s6 =	sadd.s32 @!p0 $0x11B8D, s6;
	_ =	swait.eq @!p0 [sflag:s5], $0x1  }
0xb2: {  	s4 =	sor.u32 @!p0 s4, s6;
	[sflag:s5] =	ssyncadd.s32 @!p0 $0xFFFFFFFF  }
0xb3: {  	s25 =	simm.s32 $0x1B8E;
	s24 =	sld [smem:$0x3FFE];
	[sflag:s4] =	ssyncadd.remote.s32 @!p0 $0x1  }
0xb4: {  	s26 =	simm.s32 $execute0_lowered;
	[smem:$0x3FD2] =	sst s25  }
0xb5: {  	s5 =	sshll.u32 s26, $0x1;
	_ =	strace $0x80000055;
	[dreg:$0x1] =	wrdreg $0xFFFFFFFF  }
0xb6: {  	s28 =	simm.s32 $_size_execute0_lowered;
	s3 =	sadd.s32 s3, s5;
	[dreg:$0x0] =	wrdreg $0x0  }
0xb7: {  	s5 =	sshll.u32 s28, $0x1;
	[dreg:$0x2] =	wrdreg s3  }
0xb8: {  	[dreg:$0x3] =	wrdreg s5  }
0xb9: {  	[dreg:$0x4] =	wrdreg $0xC0  }
0xba: {  	_ =	task [dreg:s22], $0x5FFFF  }
0xbb: {  	[dreg:$0x1] =	wrdreg $0xFFFFFFFF  }
0xbc: {  	[dreg:$0x0] =	wrdreg $0x60  }
0xbd: {  	[dreg:$0x2] =	wrdreg s24  }
0xbe: {  	[dreg:$0x3] =	wrdreg $0xB5000  }
0xbf: {  	[dreg:$0x4] =	wrdreg $0x9  }
0xc0: {  	_ =	task.clear_ibuf [dreg:s22], $0x5FFFF;
	_ =	strace $0x90000055  }
0xc1: {  	s29 =	simm.s32 $0x9;
	_ =	strace $0x80000057  }
0xc2: {  	_ =	swait.ge [sflag:s29], $0x1  }
0xc3: {  	[sflag:s29] =	ssyncadd.s32 $0xFFFFFFFF  }
0xc4: {  	_ =	strace $0x90000057  }
0xc5: {  	_ =	sfence  }
0xc6: {  	s30 =	sld [smem:$0x0];
	_ =	sdelay $0x2  }
0xc7: {  	s31 =	sshll.u32 s1, $0xD;
	s1 =	sshrl.u32 s1, $0x2  }
0xc8: {  	s4 =	sand.u32 $0x4000, s31;
	s1 =	sadd.s32 s1, s30  }
0xc9: {  	s0 =	sor.u32 s4, s0;
	s1 =	sshll.u32 s1, $0x11  }
0xca: {  	s0 =	sor.u32 s1, s0  }
0xcb: {  	s0 =	sadd.s32 $0x8F2B, s0  }
0xcc: {  	[sflag:s0] =	ssyncadd.remote.s32 $0x1  }
0xcd: {  	_ =	sfence.sel $0xFFFF  }
0xce: {  	[dreg:$0x0] =	wrdreg $0xFFFFFFFF;
	(pc) =	sbr.abs _section_cstart, $3  }
0xcf: {  	[dreg:$0x1] =	wrdreg $0xFFFFFFFF  }
0xd0: {  	_ =	task.clear_ibuf [dreg:s22], $0x2FFFF;
	_ =	strace $0x9FFFFFFF  }
0xd1: {  	(tm) =	ssettm $0x7FFFFFFF  }
tec
execute0_lowered:
.L_overlay_start_1:
0x0: {  	(tag) =	ssettag $0x1  }
0x1: {  	s0 =	srdreg.scid;
	s1 =	rddreg [dreg:$0x0]  }
0x2: {  	s11 =	stileid.u32;
	s2 =	rddreg [dreg:$0x1];
	s3 =	simm.s32 $0x0  }
0x3: {  	s17 =	simm.s32 $0x11;
	s19 =	simm.s32 $0x28;
	s20 =	simm.s32 $0x5100  }
0x4: {  	s29 =	simm.s32 $0x8D00;
	s31 =	simm.s32 $0x1;
	s5 =	smul.u32 $0x4E20, s11  }
0x5: {  	s28 =	simm.s32 $0x2;
	s12 =	simm.s32 $0xF;
	s8 =	smul.u32 $0x280, s11  }
0x6: {  	s14 =	simm.s32 $0x0;
	s0 =	sand.u32 $0x1, s0;
	s21 =	smul.u32 $0x50000, s11  }
0x7: {  	[smem:$0x7FF] =	sst s3;
	s9 =	sadd.s32 $0xC4000, s1;
	s30 =	smul.u32 $0x9C4, s11  }
0x8: {  	s22 =	sshll.u32 s11, $0x6;
	s11 =	simm.s32 $0x5;
	s4 =	smul.u32 $0x4E200, s0  }
0x9: {  	s6 =	smul.u32 $0x2800, s0;
	_ =	strace $0x80000056;
	s0 =	ssub.s32 $0x2, s0  }
0xa: {  	[dreg:$0x3] =	wrdreg s22;
	s23 =	sor.u32 $0x1C10, s22;
	s22 =	simm.s32 $0x6500  }
0xb: {  	s10 =	sshrl.u32 s0, $0x1;
	[dreg:$0x5] =	wrdreg s23;
	s24 =	sadd.s32 $0x28, s5  }
0xc: {  	s25 =	sshrl.u32 s5, $0x3;
	s15 =	sadd.s32 s30, s9;
	s7 =	sadd.s32 s5, s4  }
0xd: {  	s4 =	sadd.s32 $0xCDE00, s1;
	s6 =	sadd.s32 s8, s6;
	s8 =	sshrl.u32 s21, $0x2  }
0xe: {  	s0 =	ssub.s32 s0, s10;
	s5 =	sadd.s32 $0x78, s5;
	s21 =	simm.s32 $0x4F00  }
0xf: {  	s10 =	simm.s32 $0x8;
	s7 =	sshrl.u32 s7, $0x3;
	s6 =	sshll.u32 s6, $0x4  }
0x10: {  	s8 =	sadd.s32 s8, s2;
	s5 =	sshrl.u32 s5, $0x3;
	s0 =	smax.u32 s0, $0x1  }
0x11: {  	s7 =	sadd.s32 s7, s1;
	s1 =	sadd.s32 s6, s1;
	s6 =	sadd.s32 s4, s6  }
0x12: {  	s5 =	sadd.s32 s9, s5;
	[dreg:$0xc] =	wrdreg s0;
	s16 =	sshrl.u32 s8, $0x3  }
0x13: {  	s0 =	simm.s32 $0x5080;
	s8 =	simm.s32 $0x4;
	[dreg:$0x4] =	wrdreg s6  }
0x14: {  	s7 =	sadd.s32 $0x17A00, s7;
	s6 =	sshrl.u32 s24, $0x3;
	[dreg:$0xa] =	wrdreg s5  }
0x15: {  	s1 =	sadd.s32 $0x181800, s1;
	s24 =	simm.s32 $0xA100;
	[dreg:$0xd] =	wrdreg s16  }
.Ltmp0:
0x16: {  	s5 =	simm.s32 $0xE;
	[dreg:$0x6] =	wrdreg s7;
	(pc) =	sbr.rel .LBB2_1-.Ltmp0, $4  }
0x17: {  	s7 =	sadd.s32 s9, s25;
	s6 =	sadd.s32 s9, s6;
	[dreg:$0xb] =	wrdreg s1  }
0x18: {  	s1 =	simm.s32 $0xB;
	s9 =	simm.s32 $0x9;
	[dreg:$0x8] =	wrdreg s6  }
0x19: {  	[dreg:$0x7] =	wrdreg s7;
	s26 =	sadd.s32 $0xA, s7;
	s6 =	simm.s32 $0xC  }
0x1a: {  	s7 =	simm.s32 $0x6;
	[dreg:$0x9] =	wrdreg s26;
	s26 =	simm.s32 $0x5000  }
.LBB2_4:
0x1b: {  	_ =	swait.ge [sflag:s11], $0x1400  }
0x1c: {  	[sflag:s11] =	ssyncset.done $0x0  }
0x1d: {  	[sflag:s11] =	ssyncadd.s32 $0xFFFFEC00  }
0x1e: {  	_ =	swait.ge [sflag:s12], $0x28  }
0x1f: {  	[sflag:s12] =	ssyncset.done $0x0  }
0x20: {  	[sflag:s12] =	ssyncadd.s32 $0xFFFFFFD8  }
0x21: {  	[spmem:s2] =	stream.indirect.scatter.add.f32 [tilespmem:s24], [sflag:$0xA], $0x80, s0, s19, $0xb8;
	[tilespmem:$0x1F500] =	vst v63  }
0x22: {  	_ =	swait.ge [sflag:s9], $0x1400  }
0x23: {  	[sflag:s9] =	ssyncset.done $0x0  }
0x24: {  	s13 =	simm.s32 $0xA;
	[sflag:s9] =	ssyncadd.s32 $0xFFFFEC00  }
0x25: {  	_ =	swait.ge [sflag:s13], $0x1400  }
0x26: {  	[sflag:s13] =	ssyncset.done $0x0  }
0x27: {  	[sflag:s13] =	ssyncadd.s32 $0xFFFFEC00  }
0x28: {  	[bflag:$0x0] =	sbarrier.arrive $0xFFFF  }
0x29: {  	s23 =	rddreg [dreg:$0x3]  }
0x2a: {  	s14 =	rddreg [dreg:$0xb]  }
0x2b: {  	s17 =	simm.s32 $0x11;
	s16 =	rddreg [dreg:$0xd];
	s13 =	sor.u32 $0x1C11, s23  }
0x2c: {  	[hbm:s14], [sflag:s13] =	dma.local [spmem:s16], $0x2800  }
0x2d: {  	_ =	swait.ge [sflag:s17], $0x2800  }
0x2e: {  	s25 =	rddreg [dreg:$0xe]  }
0x2f: {  	s30 =	rddreg [dreg:$0xc];
	s14 =	sadd.s32 $0x1, s25  }
0x30: {  	p0 =	sne.s32 s14, s30  }
.Ltmp1:
0x31: {  	_ = 	snop;
	(pc) =	sbr.rel @!p0 .LBB2_5-.Ltmp1, $3  }
0x32: {  	_ =	sdelay $0x1  }
0x33: {  	[sflag:s17] =	ssyncset.done $0x0  }
0x34: {  	[sflag:s17] =	ssyncadd.s32 $0xFFFFD800  }
.LBB2_1:
0x35: {  	[dreg:$0xe] =	wrdreg s14  }
0x36: {  	s13 =	rddreg [dreg:$0x4]  }
0x37: {  	s25 =	rddreg [dreg:$0x5]  }
0x38: {  	[spmem:s16], [sflag:s25] =	dma.local [hbm:s13], $0x2800  }
0x39: {  	s13 =	rddreg [dreg:$0x6]  }
0x3a: {  	[tilespmem:s3], [sflag:$0x11] =	stream.linear.gather [hbm4b:s13+s3], $0x4E20, $0x38;
	[tilespmem:$0x1F500] =	vst v63  }
0x3b: {  	_ =	swait.ge [sflag:s17], $0x4E20  }
0x3c: {  	[sflag:s17] =	ssyncset.done $0x0  }
0x3d: {  	s16 =	rddreg [dreg:$0x7];
	[sflag:s17] =	ssyncadd.s32 $0xFFFFB1E0;
	s17 =	simm.s32 $0x4E80  }
0x3e: {  	[tilespmem:s17], [sflag:$0xB] =	stream.linear.gather [hbm4b:s16+s3], $0x28, $0x38;
	[tilespmem:$0x1F500] =	vst v63  }
0x3f: {  	_ = 	snop  }
0x40: {  	[tilespmem:s20], [sflag:$0x1] =	stream.indirect.gather [hbm4b:s4+s19], $0x80, s3, s19, $0xb8;
	[tilespmem:$0x1F500] =	vst v63  }
0x41: {  	s18 =	rddreg [dreg:$0x8]  }
0x42: {  	[tilespmem:s21], [sflag:$0xC] =	stream.linear.gather [hbm4b:s18+s3], $0x28, $0x38;
	[tilespmem:$0x1F500] =	vst v63  }
0x43: {  	_ = 	snop  }
0x44: {  	[tilespmem:s22], [sflag:$0x2] =	stream.indirect.gather [hbm4b:s4+s19], $0x80, s19, s19, $0xb8;
	[tilespmem:$0x1F500] =	vst v63  }
0x45: {  	s25 =	simm.s32 $0x4F80;
	s23 =	rddreg [dreg:$0x9]  }
0x46: {  	[tilespmem:s25], [sflag:$0xD] =	stream.linear.gather [hbm4b:s23+s3], $0x28, $0x38;
	[tilespmem:$0x1F500] =	vst v63  }
0x47: {  	s16 =	simm.s32 $0x50;
	s17 =	simm.s32 $0x7900  }
0x48: {  	[tilespmem:s17], [sflag:$0x3] =	stream.indirect.gather [hbm4b:s4+s19], $0x80, s16, s19, $0xb8;
	[tilespmem:$0x1F500] =	vst v63  }
0x49: {  	s18 =	rddreg [dreg:$0xa]  }
0x4a: {  	[tilespmem:s26], [sflag:$0xE] =	stream.linear.gather [hbm4b:s18+s3], $0x28, $0x38;
	[tilespmem:$0x1F500] =	vst v63  }
0x4b: {  	s23 =	simm.s32 $0x78;
	s25 =	simm.s32 $0x10  }
0x4c: {  	[tilespmem:s29], [sflag:$0x4] =	stream.indirect.gather [hbm4b:s4+s19], $0x80, s23, s19, $0xb8;
	[tilespmem:$0x1F500] =	vst v63  }
0x4d: {  	_ =	swait.ge [sflag:s25], $0x2800  }
0x4e: {  	[sflag:s25] =	ssyncset.done $0x0  }
0x4f: {  	[sflag:s25] =	ssyncadd.s32 $0xFFFFD800  }
0x50: {  	s30 =	simm.s32 $0x140;
	s13 =	simm.s32 $0x0;
	[bflag:$0x0] =	sbarrier.arrive $0xFFFF  }
.LBB2_2:
0x51: {  	_ =	swait.ge [sflag:s31], $0x1400  }
0x52: {  	[sflag:s31] =	ssyncset.done $0x0  }
0x53: {  	[sflag:s31] =	ssyncadd.s32 $0xFFFFEC00  }
0x54: {  	_ =	swait.ge [sflag:s1], $0x28  }
0x55: {  	p0 =	seq.s32 s13, $0x0;
	[sflag:s1] =	ssyncset.done $0x0  }
0x56: {  	s14 =	simm.s32 $0x4E80;
	s17 =	simm.s32 @!p0 $0xA;
	[sflag:s1] =	ssyncadd.s32 $0xFFFFFFD8  }
0x57: {  	[spmem:s2] =	stream.indirect.scatter.add.f32 [tilespmem:s20], [sflag:$0x6], $0x80, s14, s19, $0xb8;
	[tilespmem:$0x1F500] =	vst v63  }
0x58: {  	_ =	swait.ge @!p0 [sflag:s17], $0x1400  }
0x59: {  	s16 =	sadd.s32 s13, s15;
	[sflag:s17] =	ssyncset.done @!p0 $0x0  }
0x5a: {  	s23 =	sadd.s32 $0x14, s16;
	[sflag:s17] =	ssyncadd.s32 @!p0 $0xFFFFEC00  }
0x5b: {  	[tilespmem:s0], [sflag:$0xF] =	stream.linear.gather [hbm4b:s23+s3], $0x28, $0x38;
	[tilespmem:$0x1F500] =	vst v63  }
0x5c: {  	s25 =	sadd.s32 $0xFFFFFF60, s30  }
0x5d: {  	[tilespmem:s24], [sflag:$0x5] =	stream.indirect.gather [hbm4b:s4+s19], $0x80, s25, s19, $0xb8;
	[tilespmem:$0x1F500] =	vst v63  }
0x5e: {  	_ =	swait.ge [sflag:s28], $0x1400  }
0x5f: {  	[sflag:s28] =	ssyncset.done $0x0  }
0x60: {  	[sflag:s28] =	ssyncadd.s32 $0xFFFFEC00  }
0x61: {  	_ =	swait.ge [sflag:s6], $0x28  }
0x62: {  	[sflag:s6] =	ssyncset.done $0x0  }
0x63: {  	[sflag:s6] =	ssyncadd.s32 $0xFFFFFFD8  }
0x64: {  	[spmem:s2] =	stream.indirect.scatter.add.f32 [tilespmem:s22], [sflag:$0x7], $0x80, s21, s19, $0xb8;
	[tilespmem:$0x1F500] =	vst v63  }
0x65: {  	_ =	swait.ge [sflag:s7], $0x1400  }
0x66: {  	p0 =	seq.s32 s13, $0x9AB;
	[sflag:s7] =	ssyncset.done $0x0  }
0x67: {  	s17 =	simm.s32 @p0 $0x3;
	[sflag:s7] =	ssyncadd.s32 $0xFFFFEC00  }
0x68: {  	_ =	swait.ge @p0 [sflag:s17], $0x1400  }
0x69: {  	[sflag:s17] =	ssyncset.done @p0 $0x0  }
0x6a: {  	[sflag:s17] =	ssyncadd.s32 @p0 $0xFFFFEC00;
	s17 =	simm.s32 @p0 $0xD  }
0x6b: {  	_ =	swait.ge @p0 [sflag:s17], $0x28  }
0x6c: {  	s14 =	simm.s32 @p0 $0x4F80;
	[sflag:s17] =	ssyncset.done @p0 $0x0  }
0x6d: {  	s23 =	simm.s32 @p0 $0x7900;
	[sflag:s17] =	ssyncadd.s32 @p0 $0xFFFFFFD8;
	s17 =	simm.s32 @p0 $0x28  }
0x6e: {  	[spmem:s2] =	stream.indirect.scatter.add.f32 @p0 [tilespmem:s23], [sflag:$0x8], $0x80, s14, s17, $0xb8;
	[tilespmem:$0x1F500] =	vst v63  }
0x6f: {  	s14 =	simm.s32 @p0 $0x7  }
0x70: {  	_ =	swait.ge @p0 [sflag:s14], $0x1400  }
0x71: {  	[sflag:s14] =	ssyncset.done @p0 $0x0  }
0x72: {  	[sflag:s14] =	ssyncadd.s32 @p0 $0xFFFFEC00;
	s14 =	sadd.s32 @!p0 s13, s15  }
0x73: {  	s18 =	simm.s32 @!p0 $0x4E80;
	s23 =	simm.s32 @!p0 $0x0;
	s17 =	sadd.s32 @!p0 $0x19, s14  }
0x74: {  	[tilespmem:s18], [sflag:$0xB] =	stream.linear.gather @!p0 [hbm4b:s17+s23], $0x28, $0x38;
	[tilespmem:$0x1F500] =	vst v63  }
0x75: {  	s25 =	simm.s32 @!p0 $0x5100;
	s17 =	sadd.s32 @!p0 $0xFFFFFF88, s30;
	s18 =	simm.s32 @!p0 $0x28  }
0x76: {  	[tilespmem:s25], [sflag:$0x1] =	stream.indirect.gather @!p0 [hbm4b:s4+s18], $0x80, s17, s18, $0xb8;
	[tilespmem:$0x1F500] =	vst v63  }
0x77: {  	s17 =	simm.s32 @!p0 $0x3  }
0x78: {  	_ =	swait.ge @!p0 [sflag:s17], $0x1400  }
0x79: {  	[sflag:s17] =	ssyncset.done @!p0 $0x0  }
0x7a: {  	[sflag:s17] =	ssyncadd.s32 @!p0 $0xFFFFEC00;
	s17 =	simm.s32 @!p0 $0xD  }
0x7b: {  	_ =	swait.ge @!p0 [sflag:s17], $0x28  }
0x7c: {  	[sflag:s17] =	ssyncset.done @!p0 $0x0  }
0x7d: {  	s25 =	simm.s32 @!p0 $0x7900;
	[sflag:s17] =	ssyncadd.s32 @!p0 $0xFFFFFFD8;
	s17 =	simm.s32 @!p0 $0x4F80  }
0x7e: {  	[spmem:s2] =	stream.indirect.scatter.add.f32 @!p0 [tilespmem:s25], [sflag:$0x8], $0x80, s17, s18, $0xb8;
	[tilespmem:$0x1F500] =	vst v63  }
0x7f: {  	s17 =	simm.s32 @!p0 $0x7  }
0x80: {  	_ =	swait.ge @!p0 [sflag:s17], $0x1400  }
0x81: {  	[sflag:s17] =	ssyncset.done @!p0 $0x0  }
0x82: {  	s14 =	sadd.s32 @!p0 $0x1E, s14;
	[sflag:s17] =	ssyncadd.s32 @!p0 $0xFFFFEC00;
	s17 =	simm.s32 @!p0 $0x4F00  }
0x83: {  	[tilespmem:s17], [sflag:$0xC] =	stream.linear.gather @!p0 [hbm4b:s14+s23], $0x28, $0x38;
	[tilespmem:$0x1F500] =	vst v63  }
0x84: {  	s14 =	sadd.s32 @!p0 $0xFFFFFFB0, s30;
	s17 =	simm.s32 @!p0 $0x6500  }
0x85: {  	[tilespmem:s17], [sflag:$0x2] =	stream.indirect.gather @!p0 [hbm4b:s4+s18], $0x80, s14, s18, $0xb8;
	[tilespmem:$0x1F500] =	vst v63  }
0x86: {  	_ =	swait.ge [sflag:s8], $0x1400  }
0x87: {  	[sflag:s8] =	ssyncset.done $0x0  }
0x88: {  	[sflag:s8] =	ssyncadd.s32 $0xFFFFEC00  }
0x89: {  	_ =	swait.ge [sflag:s5], $0x28  }
0x8a: {  	[sflag:s5] =	ssyncset.done $0x0  }
.Ltmp2:
0x8b: {  	[sflag:s5] =	ssyncadd.s32 $0xFFFFFFD8;
	(pc) =	sbr.rel @p0 .LBB2_4-.Ltmp2, $4  }
0x8c: {  	[spmem:s2] =	stream.indirect.scatter.add.f32 [tilespmem:s29], [sflag:$0x9], $0x80, s26, s19, $0xb8;
	[tilespmem:$0x1F500] =	vst v63  }
0x8d: {  	_ =	swait.ge [sflag:s10], $0x1400  }
0x8e: {  	[sflag:s10] =	ssyncset.done $0x0  }
0x8f: {  	[sflag:s10] =	ssyncadd.s32 $0xFFFFEC00  }
0x90: {  	s14 =	sadd.s32 $0x23, s16;
	s17 =	simm.s32 $0x4F80  }
0x91: {  	[tilespmem:s17], [sflag:$0xD] =	stream.linear.gather [hbm4b:s14+s3], $0x28, $0x38;
	[tilespmem:$0x1F500] =	vst v63  }
0x92: {  	s18 =	sadd.s32 $0xFFFFFFD8, s30;
	s23 =	simm.s32 $0x7900  }
0x93: {  	[tilespmem:s23], [sflag:$0x3] =	stream.indirect.gather [hbm4b:s4+s19], $0x80, s18, s19, $0xb8;
	[tilespmem:$0x1F500] =	vst v63  }
0x94: {  	_ =	swait.ge [sflag:s11], $0x1400  }
0x95: {  	[sflag:s11] =	ssyncset.done $0x0  }
0x96: {  	[sflag:s11] =	ssyncadd.s32 $0xFFFFEC00  }
0x97: {  	_ =	swait.ge [sflag:s12], $0x28  }
0x98: {  	[sflag:s12] =	ssyncset.done $0x0  }
0x99: {  	[sflag:s12] =	ssyncadd.s32 $0xFFFFFFD8  }
0x9a: {  	[spmem:s2] =	stream.indirect.scatter.add.f32 [tilespmem:s24], [sflag:$0xA], $0x80, s0, s19, $0xb8;
	[tilespmem:$0x1F500] =	vst v63  }
0x9b: {  	_ =	swait.ge [sflag:s9], $0x1400  }
0x9c: {  	[sflag:s9] =	ssyncset.done $0x0  }
.Ltmp3:
0x9d: {  	s25 =	sadd.s32 $0x28, s16;
	[sflag:s9] =	ssyncadd.s32 $0xFFFFEC00;
	(pc) =	sbr.rel .LBB2_2-.Ltmp3, $4  }
0x9e: {  	[tilespmem:s26], [sflag:$0xE] =	stream.linear.gather [hbm4b:s25+s3], $0x28, $0x38;
	[tilespmem:$0x1F500] =	vst v63  }
0x9f: {  	_ = 	snop  }
0xa0: {  	[tilespmem:s29], [sflag:$0x4] =	stream.indirect.gather [hbm4b:s4+s19], $0x80, s30, s19, $0xb8;
	[tilespmem:$0x1F500] =	vst v63  }
0xa1: {  	s13 =	sadd.s32 $0x19, s13;
	s30 =	sadd.s32 $0xC8, s30  }
.LBB2_5:
0xa2: {  	_ =	sfence.sel $0x180000  }
0xa3: {  	[bflag:$0x0] =	sbarrier.arrive $0xFFFF  }
0xa4: {  	_ =	strace $0x90000056  }
0xa5: {  	s0 =	stileid.u32;
	[bflag:$0x2] =	sbarrier.arrive $0xFFFF  }
0xa6: {  	p0 =	sne.s32 s0, $0x0;
	s0 =	rddreg [dreg:$0x2]  }
0xa7: {  	s0 =	sadd.s32 @!p0 $0x100000, s0  }
0xa8: {  	[sflag:s0] =	ssyncadd.tile.s32 @!p0 $0x1;
	_ =	shalt  }
.Lfunc_end2:
_tile_overlayer_lowered:
.L_overlay_start_2:
0xa9: {  	(tag) =	ssettag $0x2  }
0xaa: {  	s0 =	rddreg [dreg:$0x0];
	s2 =	stileid.u32  }
0xab: {  	s1 =	rddreg [dreg:$0x1];
	p0 =	sne.s32 s2, $0x0  }
0xac: {  	s3 =	rddreg [dreg:$0x2];
	[bflag:$0x3] =	sbarrier.arrive $0xFFFF;
	s2 =	simm.s32 @!p0 $0x1C11  }
0xad: {  	[timem:s3], [sflag:s2] =	dma.local @!p0 [hbm:s0], s1  }
0xae: {  	s0 =	simm.s32 @!p0 $0x11  }
0xaf: {  	_ =	swait.ge @!p0 [sflag:s0], s1  }
0xb0: {  	s1 =	ssub.s32 @!p0 $0x0, s1;
	[sflag:s0] =	ssyncset.done @!p0 $0x0  }
0xb1: {  	[sflag:s0] =	ssyncadd.s32 @!p0 s1  }
0xb2: {  	[bflag:$0x3] =	sbarrier.arrive $0xFFFF  }
0xb3: {  	_ =	shalt  }

// kernel: kernel.30.cloned.1.call-start
scs
__scs_entry_jumppad:
0x0: {  	(pc) =	sbr.rel $0x88, $3  }
0x1: {  	(tag) =	ssettag $0x0;
	lr =	simm.s32 $0x1  }
0x2: {  	[smem:$0x3F93] =	sst lr;
	_ =	strace $0xD0000000  }
0x3: {  	_ = 	snop  }
0x4: {  	_ = 	snop  }
0x5: {  	_ = 	snop  }
0x6: {  	_ = 	snop  }
0x7: {  	_ = 	snop  }
__scs_overlays_trampoline_lowered:
0x8: {  	[smem:$0x3FA2] =	sst s0  }
0x9: {  	[smem:$0x3FA3] =	sst s1  }
0xa: {  	[smem:$0x3FA4] =	sst s2  }
0xb: {  	[smem:$0x3FA5] =	sst s3  }
0xc: {  	[smem:$0x3FA6] =	sst s4  }
0xd: {  	[smem:$0x3FA7] =	sst s5  }
0xe: {  	[smem:$0x3FA8] =	sst s6  }
0xf: {  	[smem:$0x3FA9] =	sst s7  }
0x10: {  	[smem:$0x3FAA] =	sst s8  }
0x11: {  	[smem:$0x3FAB] =	sst s9;
	s0 =	simm.s32 @!p0 $0x0  }
0x12: {  	s1 =	sld [smem:$0x3F91];
	s0 =	simm.s32 @p0 $0x1  }
0x13: {  	[smem:$0x3FAC] =	sst s0;
	s0 =	simm.s32 @!p1 $0x0  }
0x14: {  	s2 =	sld [smem:$0x3F90];
	s0 =	simm.s32 @p1 $0x1  }
0x15: {  	[smem:$0x3FAD] =	sst s0;
	s0 =	simm.s32 @!p2 $0x0  }
0x16: {  	s3 =	sld [smem:$0x3FDB];
	s0 =	simm.s32 @p2 $0x1  }
0x17: {  	s4 =	simm.s32 $0x1BF5;
	[smem:$0x3FAF] =	sst s0  }
0x18: {  	s0 =	sld [smem:$0x3F92];
	_ =	swait.ge [sflag:s4], $0x0  }
0x19: {  	s7 =	sld [smem:$0x3F93]  }
0x1a: {  	s8 =	sadd.s32 $0xFFFFE003, lr  }
0x1b: {  	s9 =	sadd.s32 $0xFFFFFEF7, lr;
	s5 =	simm.s32 $0xFFFFFFFF;
	p2 =	slt.u32 s8, $0xFFFFF086  }
0x1c: {  	p1 =	slt.u32 s9, $0xF7A;
	s5 =	simm.s32 @!p2 $0x0  }
0x1d: {  	s5 =	simm.s32 @p1 $0x1;
	p0 =	seq.s32 s7, s2  }
0x1e: {  	s7 =	smul.u32 @!p0 $0xF7A, s2;
	p2 =	seq.s32 @!p0 s5, $0x0  }
0x1f: {  	s9 =	smul.u32 $0xF7A, s1;
	s8 =	simm.s32 @!p0 $0x1BF5;
	p2 =	por !p2, p0  }
0x20: {  	[sflag:s8] =	ssyncset.s32 @!p0 $0xFFFFF086;
	s6 =	sadd.s32 @!p0 s3, s7;
	s7 =	simm.s32 @!p0 $0x108  }
0x21: {  	s3 =	sadd.s32 s3, s9;
	s6 =	sadd.s32 @!p0 $0x88, s6;
	s7 =	simm.s32 @p2 $0x1082  }
0x22: {  	[simem:s7], [sflag:s8] =	dma.local @!p0 [hbm:s6], $0xF7A  }
0x23: {  	s9 =	sor.u32 $0xD0000000, s2;
	s6 =	simm.s32 $0x108;
	_ =	swait.ge @!p0 [sflag:s8], $0x0  }
0x24: {  	s3 =	sadd.s32 $0x88, s3;
	s6 =	simm.s32 @!p1 $0x1082;
	[sflag:s4] =	ssyncset.s32 $0xFFFFF086  }
0x25: {  	[simem:s6], [sflag:s4] =	dma.local [hbm:s3], $0xF7A  }
0x26: {  	[smem:$0x3F93] =	sst s1;
	(tag) =	ssettag s2;
	_ =	strace s9  }
0x27: {  	s1 =	sld [smem:$0x3FA3]  }
0x28: {  	s2 =	sld [smem:$0x3FA4]  }
0x29: {  	s4 =	sld [smem:$0x3FA6]  }
0x2a: {  	p0 =	seq.s32 s5, $0x0;
	s5 =	sld [smem:$0x3FA7]  }
0x2b: {  	s6 =	sld [smem:$0x3FA8]  }
0x2c: {  	s7 =	sld [smem:$0x3FA9]  }
0x2d: {  	s3 =	simm.s32 $0x108;
	s8 =	sld [smem:$0x3FAA]  }
0x2e: {  	s3 =	simm.s32 @!p0 $0x1082;
	s9 =	sld [smem:$0x3FAB]  }
0x2f: {  	lr =	sadd.s32 s0, s3;
	s0 =	sld [smem:$0x3FA2]  }
0x30: {  	s3 =	sld [smem:$0x3FA5]  }
0x31: {  	[smem:$0x3FAE] =	sst s10  }
0x32: {  	s10 =	sld [smem:$0x3FAC];
	_ =	sdelay $0x3  }
0x33: {  	p0 =	seq.s32 s10, $0x1;
	s10 =	sld [smem:$0x3FAE];
	_ =	sdelay $0x3  }
0x34: {  	[smem:$0x3FAE] =	sst s10  }
0x35: {  	s10 =	sld [smem:$0x3FAD];
	_ =	sdelay $0x3  }
0x36: {  	p1 =	seq.s32 s10, $0x1;
	s10 =	sld [smem:$0x3FAE];
	_ =	sdelay $0x3  }
0x37: {  	[smem:$0x3FAE] =	sst s10  }
0x38: {  	s10 =	sld [smem:$0x3FAF]  }
0x39: {  	_ = 	snop;
	(pc) =	sbr.ind lr, $3  }
0x3a: {  	_ = 	snop  }
0x3b: {  	_ = 	snop  }
0x3c: {  	p2 =	seq.s32 s10, $0x1;
	s10 =	sld [smem:$0x3FAE]  }
0x3d: {  	_ =	shalt  }
0x3e: {  	_ =	shalt  }
0x3f: {  	_ =	shalt  }
0x40: {  	_ =	shalt  }
0x41: {  	_ =	shalt  }
0x42: {  	_ =	shalt  }
0x43: {  	_ =	shalt  }
0x44: {  	_ =	shalt  }
0x45: {  	_ =	shalt  }
0x46: {  	_ =	shalt  }
0x47: {  	_ =	shalt  }
0x48: {  	_ =	shalt  }
0x49: {  	_ =	shalt  }
0x4a: {  	_ =	shalt  }
0x4b: {  	_ =	shalt  }
0x4c: {  	_ =	shalt  }
0x4d: {  	_ =	shalt  }
0x4e: {  	_ =	shalt  }
0x4f: {  	_ =	shalt  }
0x50: {  	_ =	shalt  }
0x51: {  	_ =	shalt  }
0x52: {  	_ =	shalt  }
0x53: {  	_ =	shalt  }
0x54: {  	_ =	shalt  }
0x55: {  	_ =	shalt  }
0x56: {  	_ =	shalt  }
0x57: {  	_ =	shalt  }
0x58: {  	_ =	shalt  }
0x59: {  	_ =	shalt  }
0x5a: {  	_ =	shalt  }
0x5b: {  	_ =	shalt  }
0x5c: {  	_ =	shalt  }
0x5d: {  	_ =	shalt  }
0x5e: {  	_ =	shalt  }
0x5f: {  	_ =	shalt  }
0x60: {  	_ =	shalt  }
0x61: {  	_ =	shalt  }
0x62: {  	_ =	shalt  }
0x63: {  	_ =	shalt  }
0x64: {  	_ =	shalt  }
0x65: {  	_ =	shalt  }
0x66: {  	_ =	shalt  }
0x67: {  	_ =	shalt  }
0x68: {  	_ =	shalt  }
0x69: {  	_ =	shalt  }
0x6a: {  	_ =	shalt  }
0x6b: {  	_ =	shalt  }
0x6c: {  	_ =	shalt  }
0x6d: {  	_ =	shalt  }
0x6e: {  	_ =	shalt  }
0x6f: {  	_ =	shalt  }
0x70: {  	_ =	shalt  }
0x71: {  	_ =	shalt  }
0x72: {  	_ =	shalt  }
0x73: {  	_ =	shalt  }
0x74: {  	_ =	shalt  }
0x75: {  	_ =	shalt  }
0x76: {  	_ =	shalt  }
0x77: {  	_ =	shalt  }
0x78: {  	_ =	shalt  }
0x79: {  	_ =	shalt  }
0x7a: {  	_ =	shalt  }
0x7b: {  	_ =	shalt  }
0x7c: {  	_ =	shalt  }
0x7d: {  	_ =	shalt  }
0x7e: {  	_ =	shalt  }
0x7f: {  	_ =	shalt  }
0x80: {  	_ =	shalt  }
0x81: {  	_ =	shalt  }
0x82: {  	_ =	shalt  }
0x83: {  	_ =	shalt  }
0x84: {  	_ =	shalt  }
0x85: {  	_ =	shalt  }
0x86: {  	_ =	shalt  }
0x87: {  	_ =	shalt  }
.Lfunc_end0:
.L_simem_size_0:
called_computation.5_lowered:
.L_overlay_start_0:
0x88: {  	s2 =	sld [smem:$0x3FD9]  }
0x89: {  	s3 =	sld [smem:$0x3FFE];
	_ =	sdelay $0x1  }
0x8a: {  	s1 =	srdreg.scid  }
0x8b: {  	s0 =	sand.u32 $0x1, s1  }
0x8c: {  	s17 =	sshll.u32 s0, $0xA;
	s2 =	sadd.s32 s3, s2  }
0x8d: {  	s2 =	sadd.s32 s2, s17  }
0x8e: {  	[smem:$0x3FBA] =	sst s2  }
0x8f: {  	_ = 	snop  }
0x90: {  	(tm) =	ssettm $0x1  }
0x91: {  	s18 =	sld [smem:$0x3FFB];
	_ =	sdelay $0x3  }
0x92: {  	_ =	strace s18  }
0x93: {  	s2 =	sld [smem:$0x3FFC];
	_ =	sdelay $0x3  }
0x94: {  	_ =	strace s2  }
0x95: {  	s2 =	sld [smem:$0x3FFD];
	_ =	sdelay $0x3  }
0x96: {  	_ =	strace s2  }
0x97: {  	_ =	strace $0x8FFFFFFF  }
0x98: {  	s19 =	sld [smem:$0x3FDB];
	_ =	sdelay $0x1  }
0x99: {  	s20 =	simm.s32 $_scs_section_size  }
0x9a: {  	s4 =	simm.s32 $_size__tile_overlayer_lowered;
	s5 =	simm.s32 $_tile_overlayer_lowered  }
0x9b: {  	s6 =	simm.s32 $0x1BFF;
	s21 =	sshll.u32 s5, $0x1;
	s3 =	sadd.s32 s20, s19  }
0x9c: {  	s22 =	simm.s32 $0x0;
	s4 =	sshll.u32 s4, $0x1;
	s5 =	sadd.s32 s21, s3  }
0x9d: {  	[timem:s22], [sflag:s6] =	dma.local [hbm:s5], s4  }
0x9e: {  	_ =	swait.ge [sflag:s6], s4  }
0x9f: {  	s4 =	ssub.s32 $0x0, s4;
	[sflag:s6] =	ssyncset.done $0x0  }
0xa0: {  	[sflag:s6] =	ssyncadd.s32 s4;
	_ =	sdelay $0x1  }
0xa1: {  	s23 =	simm.s32 $0x1B8B  }
0xa2: {  	_ =	swait.ge [sflag:s23], $0x1  }
0xa3: {  	[sflag:s23] =	ssyncset.done $0x0  }
0xa4: {  	[sflag:s23] =	ssyncadd.s32 $0xFFFFFFFF  }
0xa5: {  	s4 =	sld [smem:$0x0]  }
0xa6: {  	s5 =	sand.u32 $0xFFFFFFFE, s1  }
0xa7: {  	p0 =	sne.s32 s1, s5  }
0xa8: {  	s5 =	sshll.u32 @p0 s5, $0xE  }
0xa9: {  	s5 =	sadd.s32 @p0 $0x11B8D, s5;
	s6 =	sshll.u32 @p0 s4, $0x11  }
0xaa: {  	s5 =	sor.u32 @p0 s6, s5  }
0xab: {  	[sflag:s5] =	ssyncadd.remote.s32 @p0 $0x1;
	_ =	sdelay $0x1  }
0xac: {  	s5 =	simm.s32 @p0 $0x1B8D  }
0xad: {  	_ =	swait.eq @p0 [sflag:s5], $0x1  }
0xae: {  	[sflag:s5] =	ssyncadd.s32 @p0 $0xFFFFFFFF  }
0xaf: {  	s6 =	sshll.u32 @!p0 s1, $0xE  }
0xb0: {  	s6 =	sor.u32 @!p0 $0x4000, s6;
	s5 =	simm.s32 @!p0 $0x1B8D  }
0xb1: {  	s4 =	sshll.u32 @!p0 s4, $0x11;
	s6 =	sadd.s32 @!p0 $0x11B8D, s6;
	_ =	swait.eq @!p0 [sflag:s5], $0x1  }
0xb2: {  	s4 =	sor.u32 @!p0 s4, s6;
	[sflag:s5] =	ssyncadd.s32 @!p0 $0xFFFFFFFF  }
0xb3: {  	s25 =	simm.s32 $0x1B8E;
	s24 =	sld [smem:$0x3FFE];
	[sflag:s4] =	ssyncadd.remote.s32 @!p0 $0x1  }
0xb4: {  	s26 =	simm.s32 $execute0_lowered;
	[smem:$0x3FD2] =	sst s25  }
0xb5: {  	s5 =	sshll.u32 s26, $0x1;
	_ =	strace $0x80000052;
	[dreg:$0x1] =	wrdreg $0xFFFFFFFF  }
0xb6: {  	s28 =	simm.s32 $_size_execute0_lowered;
	s3 =	sadd.s32 s3, s5;
	[dreg:$0x0] =	wrdreg $0x0  }
0xb7: {  	s5 =	sshll.u32 s28, $0x1;
	[dreg:$0x2] =	wrdreg s3  }
0xb8: {  	[dreg:$0x3] =	wrdreg s5  }
0xb9: {  	[dreg:$0x4] =	wrdreg $0xC0  }
0xba: {  	_ =	task [dreg:s22], $0x5FFFF  }
0xbb: {  	[dreg:$0x1] =	wrdreg $0xFFFFFFFF  }
0xbc: {  	[dreg:$0x0] =	wrdreg $0x60  }
0xbd: {  	[dreg:$0x2] =	wrdreg s24  }
0xbe: {  	[dreg:$0x3] =	wrdreg $0xB5000  }
0xbf: {  	[dreg:$0x4] =	wrdreg $0xA  }
0xc0: {  	_ =	task.clear_ibuf [dreg:s22], $0x5FFFF;
	_ =	strace $0x90000052  }
0xc1: {  	s29 =	simm.s32 $0xA;
	_ =	strace $0x80000054  }
0xc2: {  	_ =	swait.ge [sflag:s29], $0x1  }
0xc3: {  	[sflag:s29] =	ssyncadd.s32 $0xFFFFFFFF  }
0xc4: {  	_ =	strace $0x90000054  }
0xc5: {  	_ =	sfence  }
0xc6: {  	s30 =	sld [smem:$0x0];
	_ =	sdelay $0x2  }
0xc7: {  	s31 =	sshll.u32 s1, $0xD;
	s1 =	sshrl.u32 s1, $0x2  }
0xc8: {  	s4 =	sand.u32 $0x4000, s31;
	s1 =	sadd.s32 s1, s30  }
0xc9: {  	s0 =	sor.u32 s4, s0;
	s1 =	sshll.u32 s1, $0x11  }
0xca: {  	s0 =	sor.u32 s1, s0  }
0xcb: {  	s0 =	sadd.s32 $0x8F2B, s0  }
0xcc: {  	[sflag:s0] =	ssyncadd.remote.s32 $0x1  }
0xcd: {  	_ =	sfence.sel $0xFFFF  }
0xce: {  	[dreg:$0x0] =	wrdreg $0xFFFFFFFF;
	(pc) =	sbr.abs _section_cstart, $3  }
0xcf: {  	[dreg:$0x1] =	wrdreg $0xFFFFFFFF  }
0xd0: {  	_ =	task.clear_ibuf [dreg:s22], $0x2FFFF;
	_ =	strace $0x9FFFFFFF  }
0xd1: {  	(tm) =	ssettm $0x7FFFFFFF  }
tec
execute0_lowered:
.L_overlay_start_1:
0x0: {  	(tag) =	ssettag $0x1  }
0x1: {  	s0 =	srdreg.scid;
	s1 =	rddreg [dreg:$0x0]  }
0x2: {  	s11 =	stileid.u32;
	s2 =	rddreg [dreg:$0x1];
	s3 =	simm.s32 $0x0  }
0x3: {  	s17 =	simm.s32 $0x11;
	s19 =	simm.s32 $0x28;
	s20 =	simm.s32 $0x5100  }
0x4: {  	s29 =	simm.s32 $0x8D00;
	s31 =	simm.s32 $0x1;
	s5 =	smul.u32 $0x4E20, s11  }
0x5: {  	s28 =	simm.s32 $0x2;
	s12 =	simm.s32 $0xF;
	s8 =	smul.u32 $0x280, s11  }
0x6: {  	s14 =	simm.s32 $0x0;
	s0 =	sand.u32 $0x1, s0;
	s21 =	smul.u32 $0x50000, s11  }
0x7: {  	[smem:$0x7FF] =	sst s3;
	s9 =	sadd.s32 $0xDC00, s1;
	s30 =	smul.u32 $0x9C4, s11  }
0x8: {  	s22 =	sshll.u32 s11, $0x6;
	s11 =	simm.s32 $0x5;
	s4 =	smul.u32 $0x4E200, s0  }
0x9: {  	s6 =	smul.u32 $0x2800, s0;
	_ =	strace $0x80000053;
	s0 =	ssub.s32 $0x2, s0  }
0xa: {  	[dreg:$0x3] =	wrdreg s22;
	s23 =	sor.u32 $0x1C10, s22;
	s22 =	simm.s32 $0x6500  }
0xb: {  	s10 =	sshrl.u32 s0, $0x1;
	[dreg:$0x5] =	wrdreg s23;
	s24 =	sadd.s32 $0x28, s5  }
0xc: {  	s25 =	sshrl.u32 s5, $0x3;
	s15 =	sadd.s32 s30, s9;
	s7 =	sadd.s32 s5, s4  }
0xd: {  	s4 =	sadd.s32 $0x131800, s1;
	s6 =	sadd.s32 s8, s6;
	s8 =	sshrl.u32 s21, $0x2  }
0xe: {  	s0 =	ssub.s32 s0, s10;
	s5 =	sadd.s32 $0x78, s5;
	s21 =	simm.s32 $0x4F00  }
0xf: {  	s10 =	simm.s32 $0x8;
	s7 =	sshrl.u32 s7, $0x3;
	s6 =	sshll.u32 s6, $0x4  }
0x10: {  	s8 =	sadd.s32 s8, s2;
	s5 =	sshrl.u32 s5, $0x3;
	s0 =	smax.u32 s0, $0x1  }
0x11: {  	s7 =	sadd.s32 s7, s1;
	s1 =	sadd.s32 s6, s1;
	s6 =	sadd.s32 s4, s6  }
0x12: {  	s5 =	sadd.s32 s9, s5;
	[dreg:$0xc] =	wrdreg s0;
	s16 =	sshrl.u32 s8, $0x3  }
0x13: {  	s0 =	simm.s32 $0x5080;
	s8 =	simm.s32 $0x4;
	[dreg:$0x4] =	wrdreg s6  }
0x14: {  	s7 =	sadd.s32 $0x11DE00, s7;
	s6 =	sshrl.u32 s24, $0x3;
	[dreg:$0xa] =	wrdreg s5  }
0x15: {  	s1 =	sadd.s32 $0x2B400, s1;
	s24 =	simm.s32 $0xA100;
	[dreg:$0xd] =	wrdreg s16  }
.Ltmp0:
0x16: {  	s5 =	simm.s32 $0xE;
	[dreg:$0x6] =	wrdreg s7;
	(pc) =	sbr.rel .LBB2_1-.Ltmp0, $4  }
0x17: {  	s7 =	sadd.s32 s9, s25;
	s6 =	sadd.s32 s9, s6;
	[dreg:$0xb] =	wrdreg s1  }
0x18: {  	s1 =	simm.s32 $0xB;
	s9 =	simm.s32 $0x9;
	[dreg:$0x8] =	wrdreg s6  }
0x19: {  	[dreg:$0x7] =	wrdreg s7;
	s26 =	sadd.s32 $0xA, s7;
	s6 =	simm.s32 $0xC  }
0x1a: {  	s7 =	simm.s32 $0x6;
	[dreg:$0x9] =	wrdreg s26;
	s26 =	simm.s32 $0x5000  }
.LBB2_4:
0x1b: {  	_ =	swait.ge [sflag:s11], $0x1400  }
0x1c: {  	[sflag:s11] =	ssyncset.done $0x0  }
0x1d: {  	[sflag:s11] =	ssyncadd.s32 $0xFFFFEC00  }
0x1e: {  	_ =	swait.ge [sflag:s12], $0x28  }
0x1f: {  	[sflag:s12] =	ssyncset.done $0x0  }
0x20: {  	[sflag:s12] =	ssyncadd.s32 $0xFFFFFFD8  }
0x21: {  	[spmem:s2] =	stream.indirect.scatter.add.f32 [tilespmem:s24], [sflag:$0xA], $0x80, s0, s19, $0xb8;
	[tilespmem:$0x1F500] =	vst v63  }
0x22: {  	_ =	swait.ge [sflag:s9], $0x1400  }
0x23: {  	[sflag:s9] =	ssyncset.done $0x0  }
0x24: {  	s13 =	simm.s32 $0xA;
	[sflag:s9] =	ssyncadd.s32 $0xFFFFEC00  }
0x25: {  	_ =	swait.ge [sflag:s13], $0x1400  }
0x26: {  	[sflag:s13] =	ssyncset.done $0x0  }
0x27: {  	[sflag:s13] =	ssyncadd.s32 $0xFFFFEC00  }
0x28: {  	[bflag:$0x0] =	sbarrier.arrive $0xFFFF  }
0x29: {  	s23 =	rddreg [dreg:$0x3]  }
0x2a: {  	s14 =	rddreg [dreg:$0xb]  }
0x2b: {  	s17 =	simm.s32 $0x11;
	s16 =	rddreg [dreg:$0xd];
	s13 =	sor.u32 $0x1C11, s23  }
0x2c: {  	[hbm:s14], [sflag:s13] =	dma.local [spmem:s16], $0x2800  }
0x2d: {  	_ =	swait.ge [sflag:s17], $0x2800  }
0x2e: {  	s25 =	rddreg [dreg:$0xe]  }
0x2f: {  	s30 =	rddreg [dreg:$0xc];
	s14 =	sadd.s32 $0x1, s25  }
0x30: {  	p0 =	sne.s32 s14, s30  }
.Ltmp1:
0x31: {  	_ = 	snop;
	(pc) =	sbr.rel @!p0 .LBB2_5-.Ltmp1, $3  }
0x32: {  	_ =	sdelay $0x1  }
0x33: {  	[sflag:s17] =	ssyncset.done $0x0  }
0x34: {  	[sflag:s17] =	ssyncadd.s32 $0xFFFFD800  }
.LBB2_1:
0x35: {  	[dreg:$0xe] =	wrdreg s14  }
0x36: {  	s13 =	rddreg [dreg:$0x4]  }
0x37: {  	s25 =	rddreg [dreg:$0x5]  }
0x38: {  	[spmem:s16], [sflag:s25] =	dma.local [hbm:s13], $0x2800  }
0x39: {  	s13 =	rddreg [dreg:$0x6]  }
0x3a: {  	[tilespmem:s3], [sflag:$0x11] =	stream.linear.gather [hbm4b:s13+s3], $0x4E20, $0x38;
	[tilespmem:$0x1F500] =	vst v63  }
0x3b: {  	_ =	swait.ge [sflag:s17], $0x4E20  }
0x3c: {  	[sflag:s17] =	ssyncset.done $0x0  }
0x3d: {  	s16 =	rddreg [dreg:$0x7];
	[sflag:s17] =	ssyncadd.s32 $0xFFFFB1E0;
	s17 =	simm.s32 $0x4E80  }
0x3e: {  	[tilespmem:s17], [sflag:$0xB] =	stream.linear.gather [hbm4b:s16+s3], $0x28, $0x38;
	[tilespmem:$0x1F500] =	vst v63  }
0x3f: {  	_ = 	snop  }
0x40: {  	[tilespmem:s20], [sflag:$0x1] =	stream.indirect.gather [hbm4b:s4+s19], $0x80, s3, s19, $0xb8;
	[tilespmem:$0x1F500] =	vst v63  }
0x41: {  	s18 =	rddreg [dreg:$0x8]  }
0x42: {  	[tilespmem:s21], [sflag:$0xC] =	stream.linear.gather [hbm4b:s18+s3], $0x28, $0x38;
	[tilespmem:$0x1F500] =	vst v63  }
0x43: {  	_ = 	snop  }
0x44: {  	[tilespmem:s22], [sflag:$0x2] =	stream.indirect.gather [hbm4b:s4+s19], $0x80, s19, s19, $0xb8;
	[tilespmem:$0x1F500] =	vst v63  }
0x45: {  	s25 =	simm.s32 $0x4F80;
	s23 =	rddreg [dreg:$0x9]  }
0x46: {  	[tilespmem:s25], [sflag:$0xD] =	stream.linear.gather [hbm4b:s23+s3], $0x28, $0x38;
	[tilespmem:$0x1F500] =	vst v63  }
0x47: {  	s16 =	simm.s32 $0x50;
	s17 =	simm.s32 $0x7900  }
0x48: {  	[tilespmem:s17], [sflag:$0x3] =	stream.indirect.gather [hbm4b:s4+s19], $0x80, s16, s19, $0xb8;
	[tilespmem:$0x1F500] =	vst v63  }
0x49: {  	s18 =	rddreg [dreg:$0xa]  }
0x4a: {  	[tilespmem:s26], [sflag:$0xE] =	stream.linear.gather [hbm4b:s18+s3], $0x28, $0x38;
	[tilespmem:$0x1F500] =	vst v63  }
0x4b: {  	s23 =	simm.s32 $0x78;
	s25 =	simm.s32 $0x10  }
0x4c: {  	[tilespmem:s29], [sflag:$0x4] =	stream.indirect.gather [hbm4b:s4+s19], $0x80, s23, s19, $0xb8;
	[tilespmem:$0x1F500] =	vst v63  }
0x4d: {  	_ =	swait.ge [sflag:s25], $0x2800  }
0x4e: {  	[sflag:s25] =	ssyncset.done $0x0  }
0x4f: {  	[sflag:s25] =	ssyncadd.s32 $0xFFFFD800  }
0x50: {  	s30 =	simm.s32 $0x140;
	s13 =	simm.s32 $0x0;
	[bflag:$0x0] =	sbarrier.arrive $0xFFFF  }
.LBB2_2:
0x51: {  	_ =	swait.ge [sflag:s31], $0x1400  }
0x52: {  	[sflag:s31] =	ssyncset.done $0x0  }
0x53: {  	[sflag:s31] =	ssyncadd.s32 $0xFFFFEC00  }
0x54: {  	_ =	swait.ge [sflag:s1], $0x28  }
0x55: {  	p0 =	seq.s32 s13, $0x0;
	[sflag:s1] =	ssyncset.done $0x0  }
0x56: {  	s14 =	simm.s32 $0x4E80;
	s17 =	simm.s32 @!p0 $0xA;
	[sflag:s1] =	ssyncadd.s32 $0xFFFFFFD8  }
0x57: {  	[spmem:s2] =	stream.indirect.scatter.add.f32 [tilespmem:s20], [sflag:$0x6], $0x80, s14, s19, $0xb8;
	[tilespmem:$0x1F500] =	vst v63  }
0x58: {  	_ =	swait.ge @!p0 [sflag:s17], $0x1400  }
0x59: {  	s16 =	sadd.s32 s13, s15;
	[sflag:s17] =	ssyncset.done @!p0 $0x0  }
0x5a: {  	s23 =	sadd.s32 $0x14, s16;
	[sflag:s17] =	ssyncadd.s32 @!p0 $0xFFFFEC00  }
0x5b: {  	[tilespmem:s0], [sflag:$0xF] =	stream.linear.gather [hbm4b:s23+s3], $0x28, $0x38;
	[tilespmem:$0x1F500] =	vst v63  }
0x5c: {  	s25 =	sadd.s32 $0xFFFFFF60, s30  }
0x5d: {  	[tilespmem:s24], [sflag:$0x5] =	stream.indirect.gather [hbm4b:s4+s19], $0x80, s25, s19, $0xb8;
	[tilespmem:$0x1F500] =	vst v63  }
0x5e: {  	_ =	swait.ge [sflag:s28], $0x1400  }
0x5f: {  	[sflag:s28] =	ssyncset.done $0x0  }
0x60: {  	[sflag:s28] =	ssyncadd.s32 $0xFFFFEC00  }
0x61: {  	_ =	swait.ge [sflag:s6], $0x28  }
0x62: {  	[sflag:s6] =	ssyncset.done $0x0  }
0x63: {  	[sflag:s6] =	ssyncadd.s32 $0xFFFFFFD8  }
0x64: {  	[spmem:s2] =	stream.indirect.scatter.add.f32 [tilespmem:s22], [sflag:$0x7], $0x80, s21, s19, $0xb8;
	[tilespmem:$0x1F500] =	vst v63  }
0x65: {  	_ =	swait.ge [sflag:s7], $0x1400  }
0x66: {  	p0 =	seq.s32 s13, $0x9AB;
	[sflag:s7] =	ssyncset.done $0x0  }
0x67: {  	s17 =	simm.s32 @p0 $0x3;
	[sflag:s7] =	ssyncadd.s32 $0xFFFFEC00  }
0x68: {  	_ =	swait.ge @p0 [sflag:s17], $0x1400  }
0x69: {  	[sflag:s17] =	ssyncset.done @p0 $0x0  }
0x6a: {  	[sflag:s17] =	ssyncadd.s32 @p0 $0xFFFFEC00;
	s17 =	simm.s32 @p0 $0xD  }
0x6b: {  	_ =	swait.ge @p0 [sflag:s17], $0x28  }
0x6c: {  	s14 =	simm.s32 @p0 $0x4F80;
	[sflag:s17] =	ssyncset.done @p0 $0x0  }
0x6d: {  	s23 =	simm.s32 @p0 $0x7900;
	[sflag:s17] =	ssyncadd.s32 @p0 $0xFFFFFFD8;
	s17 =	simm.s32 @p0 $0x28  }
0x6e: {  	[spmem:s2] =	stream.indirect.scatter.add.f32 @p0 [tilespmem:s23], [sflag:$0x8], $0x80, s14, s17, $0xb8;
	[tilespmem:$0x1F500] =	vst v63  }
0x6f: {  	s14 =	simm.s32 @p0 $0x7  }
0x70: {  	_ =	swait.ge @p0 [sflag:s14], $0x1400  }
0x71: {  	[sflag:s14] =	ssyncset.done @p0 $0x0  }
0x72: {  	[sflag:s14] =	ssyncadd.s32 @p0 $0xFFFFEC00;
	s14 =	sadd.s32 @!p0 s13, s15  }
0x73: {  	s18 =	simm.s32 @!p0 $0x4E80;
	s23 =	simm.s32 @!p0 $0x0;
	s17 =	sadd.s32 @!p0 $0x19, s14  }
0x74: {  	[tilespmem:s18], [sflag:$0xB] =	stream.linear.gather @!p0 [hbm4b:s17+s23], $0x28, $0x38;
	[tilespmem:$0x1F500] =	vst v63  }
0x75: {  	s25 =	simm.s32 @!p0 $0x5100;
	s17 =	sadd.s32 @!p0 $0xFFFFFF88, s30;
	s18 =	simm.s32 @!p0 $0x28  }
0x76: {  	[tilespmem:s25], [sflag:$0x1] =	stream.indirect.gather @!p0 [hbm4b:s4+s18], $0x80, s17, s18, $0xb8;
	[tilespmem:$0x1F500] =	vst v63  }
0x77: {  	s17 =	simm.s32 @!p0 $0x3  }
0x78: {  	_ =	swait.ge @!p0 [sflag:s17], $0x1400  }
0x79: {  	[sflag:s17] =	ssyncset.done @!p0 $0x0  }
0x7a: {  	[sflag:s17] =	ssyncadd.s32 @!p0 $0xFFFFEC00;
	s17 =	simm.s32 @!p0 $0xD  }
0x7b: {  	_ =	swait.ge @!p0 [sflag:s17], $0x28  }
0x7c: {  	[sflag:s17] =	ssyncset.done @!p0 $0x0  }
0x7d: {  	s25 =	simm.s32 @!p0 $0x7900;
	[sflag:s17] =	ssyncadd.s32 @!p0 $0xFFFFFFD8;
	s17 =	simm.s32 @!p0 $0x4F80  }
0x7e: {  	[spmem:s2] =	stream.indirect.scatter.add.f32 @!p0 [tilespmem:s25], [sflag:$0x8], $0x80, s17, s18, $0xb8;
	[tilespmem:$0x1F500] =	vst v63  }
0x7f: {  	s17 =	simm.s32 @!p0 $0x7  }
0x80: {  	_ =	swait.ge @!p0 [sflag:s17], $0x1400  }
0x81: {  	[sflag:s17] =	ssyncset.done @!p0 $0x0  }
0x82: {  	s14 =	sadd.s32 @!p0 $0x1E, s14;
	[sflag:s17] =	ssyncadd.s32 @!p0 $0xFFFFEC00;
	s17 =	simm.s32 @!p0 $0x4F00  }
0x83: {  	[tilespmem:s17], [sflag:$0xC] =	stream.linear.gather @!p0 [hbm4b:s14+s23], $0x28, $0x38;
	[tilespmem:$0x1F500] =	vst v63  }
0x84: {  	s14 =	sadd.s32 @!p0 $0xFFFFFFB0, s30;
	s17 =	simm.s32 @!p0 $0x6500  }
0x85: {  	[tilespmem:s17], [sflag:$0x2] =	stream.indirect.gather @!p0 [hbm4b:s4+s18], $0x80, s14, s18, $0xb8;
	[tilespmem:$0x1F500] =	vst v63  }
0x86: {  	_ =	swait.ge [sflag:s8], $0x1400  }
0x87: {  	[sflag:s8] =	ssyncset.done $0x0  }
0x88: {  	[sflag:s8] =	ssyncadd.s32 $0xFFFFEC00  }
0x89: {  	_ =	swait.ge [sflag:s5], $0x28  }
0x8a: {  	[sflag:s5] =	ssyncset.done $0x0  }
.Ltmp2:
0x8b: {  	[sflag:s5] =	ssyncadd.s32 $0xFFFFFFD8;
	(pc) =	sbr.rel @p0 .LBB2_4-.Ltmp2, $4  }
0x8c: {  	[spmem:s2] =	stream.indirect.scatter.add.f32 [tilespmem:s29], [sflag:$0x9], $0x80, s26, s19, $0xb8;
	[tilespmem:$0x1F500] =	vst v63  }
0x8d: {  	_ =	swait.ge [sflag:s10], $0x1400  }
0x8e: {  	[sflag:s10] =	ssyncset.done $0x0  }
0x8f: {  	[sflag:s10] =	ssyncadd.s32 $0xFFFFEC00  }
0x90: {  	s14 =	sadd.s32 $0x23, s16;
	s17 =	simm.s32 $0x4F80  }
0x91: {  	[tilespmem:s17], [sflag:$0xD] =	stream.linear.gather [hbm4b:s14+s3], $0x28, $0x38;
	[tilespmem:$0x1F500] =	vst v63  }
0x92: {  	s18 =	sadd.s32 $0xFFFFFFD8, s30;
	s23 =	simm.s32 $0x7900  }
0x93: {  	[tilespmem:s23], [sflag:$0x3] =	stream.indirect.gather [hbm4b:s4+s19], $0x80, s18, s19, $0xb8;
	[tilespmem:$0x1F500] =	vst v63  }
0x94: {  	_ =	swait.ge [sflag:s11], $0x1400  }
0x95: {  	[sflag:s11] =	ssyncset.done $0x0  }
0x96: {  	[sflag:s11] =	ssyncadd.s32 $0xFFFFEC00  }
0x97: {  	_ =	swait.ge [sflag:s12], $0x28  }
0x98: {  	[sflag:s12] =	ssyncset.done $0x0  }
0x99: {  	[sflag:s12] =	ssyncadd.s32 $0xFFFFFFD8  }
0x9a: {  	[spmem:s2] =	stream.indirect.scatter.add.f32 [tilespmem:s24], [sflag:$0xA], $0x80, s0, s19, $0xb8;
	[tilespmem:$0x1F500] =	vst v63  }
0x9b: {  	_ =	swait.ge [sflag:s9], $0x1400  }
0x9c: {  	[sflag:s9] =	ssyncset.done $0x0  }
.Ltmp3:
0x9d: {  	s25 =	sadd.s32 $0x28, s16;
	[sflag:s9] =	ssyncadd.s32 $0xFFFFEC00;
	(pc) =	sbr.rel .LBB2_2-.Ltmp3, $4  }
0x9e: {  	[tilespmem:s26], [sflag:$0xE] =	stream.linear.gather [hbm4b:s25+s3], $0x28, $0x38;
	[tilespmem:$0x1F500] =	vst v63  }
0x9f: {  	_ = 	snop  }
0xa0: {  	[tilespmem:s29], [sflag:$0x4] =	stream.indirect.gather [hbm4b:s4+s19], $0x80, s30, s19, $0xb8;
	[tilespmem:$0x1F500] =	vst v63  }
0xa1: {  	s13 =	sadd.s32 $0x19, s13;
	s30 =	sadd.s32 $0xC8, s30  }
.LBB2_5:
0xa2: {  	_ =	sfence.sel $0x180000  }
0xa3: {  	[bflag:$0x0] =	sbarrier.arrive $0xFFFF  }
0xa4: {  	_ =	strace $0x90000053  }
0xa5: {  	s0 =	stileid.u32;
	[bflag:$0x2] =	sbarrier.arrive $0xFFFF  }
0xa6: {  	p0 =	sne.s32 s0, $0x0;
	s0 =	rddreg [dreg:$0x2]  }
0xa7: {  	s0 =	sadd.s32 @!p0 $0x100000, s0  }
0xa8: {  	[sflag:s0] =	ssyncadd.tile.s32 @!p0 $0x1;
	_ =	shalt  }
.Lfunc_end2:
_tile_overlayer_lowered:
.L_overlay_start_2:
0xa9: {  	(tag) =	ssettag $0x2  }
0xaa: {  	s0 =	rddreg [dreg:$0x0];
	s2 =	stileid.u32  }
0xab: {  	s1 =	rddreg [dreg:$0x1];
	p0 =	sne.s32 s2, $0x0  }
0xac: {  	s3 =	rddreg [dreg:$0x2];
	[bflag:$0x3] =	sbarrier.arrive $0xFFFF;
	s2 =	simm.s32 @!p0 $0x1C11  }
0xad: {  	[timem:s3], [sflag:s2] =	dma.local @!p0 [hbm:s0], s1  }
0xae: {  	s0 =	simm.s32 @!p0 $0x11  }
0xaf: {  	_ =	swait.ge @!p0 [sflag:s0], s1  }
0xb0: {  	s1 =	ssub.s32 @!p0 $0x0, s1;
	[sflag:s0] =	ssyncset.done @!p0 $0x0  }
0xb1: {  	[sflag:s0] =	ssyncadd.s32 @!p0 s1  }
0xb2: {  	[bflag:$0x3] =	sbarrier.arrive $0xFFFF  }
0xb3: {  	_ =	shalt  }

</sc_bundles>
